<compile_context>
chip_gen: v7x
topology: tpu7x:2x2x1
jax: 0.10.2.dev20260603
libtpu: 0.0.44.dev20260713+nightly
codegen_flags: <defaults>
</compile_context>

<pallas_src>
import functools

import jax
import jax.numpy as jnp
from jax import lax
from jax.experimental import pallas as pl
from jax.experimental.pallas import tpu as pltpu
from jax.experimental.pallas import tpu_sc as plsc

N_WORKERS = 32
GROUP = 16
D = 64
DO = 65
DP = 128
EPS = 1e-8


def _rsqrt_newton(s):
    i = plsc.bitcast(s, jnp.int32)
    i = jnp.int32(0x5F3759DF) - (i >> 1)
    y = plsc.bitcast(i, jnp.float32)
    for _ in range(3):
        y = y * (1.5 - 0.5 * s * y * y)
    return y


def _sc_kernel(b, h):
    bpw = b // N_WORKERS
    chunk = h
    half = chunk // 2
    n_full = chunk // GROUP
    tail = chunk - n_full * GROUP
    mesh = plsc.VectorSubcoreMesh(core_axis_name="c", subcore_axis_name="s")

    @functools.partial(
        pl.kernel,
        mesh=mesh,
        out_type=jax.ShapeDtypeStruct((b, h, DP), jnp.float32),
        scratch_types=[
            pltpu.VMEM((bpw, 2, half), jnp.int32),
            pltpu.VMEM((3, chunk, DP), jnp.float32),
            pltpu.SemaphoreType.DMA,
            pltpu.SemaphoreType.DMA,
            pltpu.SemaphoreType.DMA,
            pltpu.SemaphoreType.DMA,
        ],
        compiler_params=pltpu.CompilerParams(needs_layout_passes=False,
                                             use_tc_tiling_on_sc=False,
                                             skip_device_barrier=True),
    )
    def k(idx_hbm, table_hbm, out_hbm, idx_v, buf_v, gsem0, gsem1, gsem2,
          osem):
        wid = lax.axis_index("s") * 2 + lax.axis_index("c")
        wbase = wid * bpw
        pltpu.sync_copy(idx_hbm.at[wid], idx_v)

        lane = lax.iota(jnp.int32, GROUP)

        def gather_copies(c, p, sem):
            return [
                pltpu.make_async_copy(
                    table_hbm.at[idx_v.at[c, 0]],
                    buf_v.at[p, pl.ds(0, half)], sem),
                pltpu.make_async_copy(
                    table_hbm.at[idx_v.at[c, 1]],
                    buf_v.at[p, pl.ds(half, half)], sem),
            ]

        def out_copy(c, p):
            return pltpu.make_async_copy(
                buf_v.at[p], out_hbm.at[wbase + c], osem)

        for g in gather_copies(0, 0, gsem0):
            g.start()

        def do_group(buf, base, nrows):
            parts = []
            for r in range(nrows):
                t0 = buf[base + r, pl.ds(0, 16)]
                t1 = buf[base + r, pl.ds(16, 16)]
                t2 = buf[base + r, pl.ds(32, 16)]
                t3 = buf[base + r, pl.ds(48, 16)]
                t = (t0 * t0 + t1 * t1) + (t2 * t2 + t3 * t3)
                parts.append(jnp.where(lane == r,
                                       lax.broadcast(jnp.sum(t), (GROUP,)),
                                       0.0))
            while len(parts) > 1:
                parts = [a + b for a, b in zip(parts[::2], parts[1::2])] + (
                    [parts[-1]] if len(parts) % 2 else [])
            s = parts[0]
            s = jnp.maximum(s, EPS)
            y = _rsqrt_newton(s)
            n = s * y
            en = jnp.exp(n)
            ien = 1.0 / en
            cosh = 0.5 * (en + ien)
            sf = 0.5 * (en - ien) * y
            for r in range(nrows):
                sfr = lax.broadcast(sf[r], (GROUP,))
                rr = jnp.full((GROUP,), base + r, jnp.int32)
                vs = [buf[base + r, pl.ds(16 * q, 16)] for q in range(4)]
                for q in range(4):
                    plsc.store_scatter(buf, [rr, 1 + 16 * q + lane],
                                       sfr * vs[q])
            plsc.store_scatter(buf, [base + lane,
                                     jnp.zeros((GROUP,), jnp.int32)], cosh,
                               mask=lane < nrows)

        def chunk_body(c, _):
            p = c % 3

            @pl.when(p == 0)
            def _w0():
                for g in gather_copies(c, 0, gsem0):
                    g.wait()

            @pl.when(p == 1)
            def _w1():
                for g in gather_copies(c, 1, gsem1):
                    g.wait()

            @pl.when(p == 2)
            def _w2():
                for g in gather_copies(c, 2, gsem2):
                    g.wait()

            @pl.when(c >= 2)
            def _wo():
                out_copy(c - 2, (c - 2) % 3).wait()

            @pl.when(c + 1 < bpw)
            def _g():
                @pl.when((c + 1) % 3 == 0)
                def _g0():
                    for g in gather_copies(c + 1, 0, gsem0):
                        g.start()

                @pl.when((c + 1) % 3 == 1)
                def _g1():
                    for g in gather_copies(c + 1, 1, gsem1):
                        g.start()

                @pl.when((c + 1) % 3 == 2)
                def _g2():
                    for g in gather_copies(c + 1, 2, gsem2):
                        g.start()

            buf = buf_v.at[p]

            @plsc.parallel_loop(0, n_full, step=1, unroll=4)
            def _groups(g):
                do_group(buf, g * GROUP, GROUP)
            if tail:
                do_group(buf, n_full * GROUP, tail)
            out_copy(c, p).start()
            return _

        lax.fori_loop(0, bpw, chunk_body, 0)
        out_copy(bpw - 2, (bpw - 2) % 3).wait()
        out_copy(bpw - 1, (bpw - 1) % 3).wait()

    return k


def kernel(x, embed_weight):
    b, h = x.shape
    idx = x.reshape(N_WORKERS, b // N_WORKERS, 2, h // 2).astype(jnp.int32)
    tbl = jnp.pad(embed_weight, ((0, 0), (0, DP - D)))
    out = _sc_kernel(b, h)(idx, tbl)
    return lax.slice(out, (0, 0, 0), (b, h, DO))

# --- scband reference (transcript-rebuilt; emitter-appended) ---
"""Pipeline reference for scband-model-22170621182261 (READ-ONLY COPY).

The authoritative reference and input builder live on the scoring server;
editing this copy changes nothing except your own understanding.
"""

import jax, jax.numpy as jnp
import numpy as np

N_WORDS = 1000000
LATENT_DIM = 64
SIGMA = 0.02
BATCH = 4096
HIST = 200
EPS = 1e-8


def setup_inputs(seed: int = 0) -> dict:
    key = jax.random.key(seed)
    k1, k2 = jax.random.split(key)
    x = jax.random.randint(k1, (BATCH, HIST), 0, N_WORDS)
    embed_weight = (jax.random.normal(k2, (N_WORDS, LATENT_DIM), dtype=jnp.float32) * SIGMA)
    return {"x": x, "embed_weight": embed_weight}


def _lorentz_expmap0(u):
    # geoopt Lorentz (k=1) expmap0 of a tangent vector at the origin.
    # Minkowski inner product <u,u> = -u_0^2 + sum_i u_i^2  (u_0 == 0 here due to pad)
    inner = -u[..., :1] ** 2 + jnp.sum(u[..., 1:] ** 2, axis=-1, keepdims=True)
    nomin = jnp.sqrt(jnp.clip(inner, EPS, None))
    l_v = jnp.cosh(nomin)
    r_v = jnp.sinh(nomin) * u / nomin
    return jnp.concatenate([l_v, r_v[..., 1:]], axis=-1)


def reference(x, embed_weight):
    # embedding lookup (gather)
    emb = jnp.take(embed_weight, x, axis=0)            # [B, L, d]
    # F.pad(x, (1, 0)) -> prepend a zero time-component
    u = jnp.pad(emb, ((0, 0), (0, 0), (1, 0)))          # [B, L, d+1]
    return _lorentz_expmap0(u)                          # [B, L, d+1]

if __name__ == "__main__":
    import jax
    _d = setup_inputs()
    print(jax.jit(kernel)(*tuple(_d.values())))

</pallas_src>

<mosaic_0001>
#map = affine_map<(d0, d1) -> (0, 0, 0, 0)>
#map1 = affine_map<(d0, d1) -> (0, 0)>
#map2 = affine_map<(d0, d1) -> (0, 0, 0)>
module attributes {stable_mosaic.version = 14 : i64} {
  func.func @k(%arg0: i32, %arg1: i32, %arg2: memref<32x128x2x100xi32, #tpu.memory_space<hbm>>, %arg3: memref<1000000x128xf32, #tpu.memory_space<hbm>>, %arg4: memref<4096x200x128xf32, #tpu.memory_space<hbm>>, %arg5: memref<128x2x100xi32, #tpu.memory_space<vmem>>, %arg6: memref<3x200x128xf32, #tpu.memory_space<vmem>>, %arg7: memref<!tpu.dma_semaphore, #tpu.memory_space<semaphore_mem>>, %arg8: memref<!tpu.dma_semaphore, #tpu.memory_space<semaphore_mem>>, %arg9: memref<!tpu.dma_semaphore, #tpu.memory_space<semaphore_mem>>, %arg10: memref<!tpu.dma_semaphore, #tpu.memory_space<semaphore_mem>>) attributes {dimension_semantics = [#tpu.dimension_semantics<core_parallel>, #tpu.dimension_semantics<subcore_parallel>], iteration_bounds = array<i64: 2, 16>, scalar_prefetch = 0 : i64, scratch_operands = 6 : i64, tpu.core_type = #tpu.core_type<sc_vector_subcore>, window_params = [{transform_indices = #map}, {transform_indices = #map1}, {transform_indices = #map2}]} {
    %mul3A = arith.constant 2 : i32
    %mul3A_0 = arith.muli %arg1, %mul3A : i32
    %add3A = arith.addi %mul3A_0, %arg0 : i32
    %mul3A_1 = arith.constant 128 : i32
    %mul3A_2 = arith.muli %add3A, %mul3A_1 : i32
    "tpu.region"() ({
      %run_scoped3A = tpu.sem_alloc : memref<!tpu.dma_semaphore, #tpu.memory_space<semaphore_mem>>
      %dma_start3A_70 = arith.constant 0 : i32
      %dma_start3A_71 = arith.constant 0 : i32
      %dma_start3A_72 = arith.constant 0 : i32
      %dma_start3A_73 = tpu.memref_slice %arg2[%add3A, %dma_start3A_70, %dma_start3A_71, %dma_start3A_72] : memref<32x128x2x100xi32, #tpu.memory_space<hbm>> -> memref<1x128x2x100xi32, #tpu.memory_space<hbm>>
      %dma_start3A_74 = tpu.memref_squeeze %dma_start3A_73 : memref<1x128x2x100xi32, #tpu.memory_space<hbm>> -> memref<128x2x100xi32, #tpu.memory_space<hbm>>
      %dma_start3A_75 = arith.constant 0 : i32
      %dma_start3A_76 = arith.constant 0 : i32
      %dma_start3A_77 = arith.constant 0 : i32
      %dma_start3A_78 = tpu.memref_slice %arg2[%add3A, %dma_start3A_75, %dma_start3A_76, %dma_start3A_77] : memref<32x128x2x100xi32, #tpu.memory_space<hbm>> -> memref<1x128x2x100xi32, #tpu.memory_space<hbm>>
      %dma_start3A_79 = tpu.memref_squeeze %dma_start3A_78 : memref<1x128x2x100xi32, #tpu.memory_space<hbm>> -> memref<128x2x100xi32, #tpu.memory_space<hbm>>
      tpu.enqueue_dma source(%dma_start3A_79 : memref<128x2x100xi32, #tpu.memory_space<hbm>>) target(%arg5 : memref<128x2x100xi32, #tpu.memory_space<vmem>>) target_semaphore(%run_scoped3A : memref<!tpu.dma_semaphore, #tpu.memory_space<semaphore_mem>>)
      %dma_wait3A_80 = arith.constant 0 : i32
      %dma_wait3A_81 = arith.constant 0 : i32
      %dma_wait3A_82 = arith.constant 0 : i32
      %dma_wait3A_83 = tpu.memref_slice %arg2[%add3A, %dma_wait3A_80, %dma_wait3A_81, %dma_wait3A_82] : memref<32x128x2x100xi32, #tpu.memory_space<hbm>> -> memref<1x128x2x100xi32, #tpu.memory_space<hbm>>
      %dma_wait3A_84 = tpu.memref_squeeze %dma_wait3A_83 : memref<1x128x2x100xi32, #tpu.memory_space<hbm>> -> memref<128x2x100xi32, #tpu.memory_space<hbm>>
      %dma_wait3A_85 = arith.constant 0 : i32
      %dma_wait3A_86 = arith.constant 0 : i32
      %dma_wait3A_87 = arith.constant 0 : i32
      %dma_wait3A_88 = tpu.memref_slice %arg2[%add3A, %dma_wait3A_85, %dma_wait3A_86, %dma_wait3A_87] : memref<32x128x2x100xi32, #tpu.memory_space<hbm>> -> memref<1x128x2x100xi32, #tpu.memory_space<hbm>>
      %dma_wait3A_89 = tpu.memref_squeeze %dma_wait3A_88 : memref<1x128x2x100xi32, #tpu.memory_space<hbm>> -> memref<128x2x100xi32, #tpu.memory_space<hbm>>
      tpu.wait_dma2 semaphore(%run_scoped3A : memref<!tpu.dma_semaphore, #tpu.memory_space<semaphore_mem>>) src(%dma_wait3A_89 : memref<128x2x100xi32, #tpu.memory_space<hbm>>) dst(%arg5 : memref<128x2x100xi32, #tpu.memory_space<vmem>>)
      tpu.yield
    }) : () -> ()
    %iota3A = tpu.iota {dimensions = array<i32: 0>} : vector<16xi32>
    %dma_start3A = arith.constant 0 : i32
    %dma_start3A_3 = arith.constant 0 : i32
    %dma_start3A_4 = arith.constant 0 : i32
    %dma_start3A_5 = arith.constant 0 : i32
    %dma_start3A_6 = arith.constant 0 : i32
    %dma_start3A_7 = tpu.memref_slice %arg6[%dma_start3A_4, %dma_start3A_5, %dma_start3A_6] : memref<3x200x128xf32, #tpu.memory_space<vmem>> -> memref<1x100x128xf32, #tpu.memory_space<vmem>>
    %dma_start3A_8 = tpu.memref_squeeze %dma_start3A_7 : memref<1x100x128xf32, #tpu.memory_space<vmem>> -> memref<100x128xf32, #tpu.memory_space<vmem>>
    %dma_start3A_9 = arith.constant 0 : i32
    %dma_start3A_10 = tpu.memref_slice %arg5[%dma_start3A, %dma_start3A_3, %dma_start3A_9] : memref<128x2x100xi32, #tpu.memory_space<vmem>> -> memref<1x1x100xi32, #tpu.memory_space<vmem>>
    %dma_start3A_11 = tpu.memref_squeeze %dma_start3A_10 : memref<1x1x100xi32, #tpu.memory_space<vmem>> -> memref<100xi32, #tpu.memory_space<vmem>>
    %dma_start3A_12 = arith.constant 0 : i32
    %dma_start3A_13 = arith.constant 0 : i32
    %dma_start3A_14 = tpu.memref_slice %arg3[%dma_start3A_12, %dma_start3A_13] : memref<1000000x128xf32, #tpu.memory_space<hbm>> -> memref<1000000x128xf32, #tpu.memory_space<hbm>>
    tpu.enqueue_indirect_dma source(%dma_start3A_14 : memref<1000000x128xf32, #tpu.memory_space<hbm>>) target(%dma_start3A_8 : memref<100x128xf32, #tpu.memory_space<vmem>>) offsets(%dma_start3A_11 : memref<100xi32, #tpu.memory_space<vmem>>) semaphore(%arg7 : memref<!tpu.dma_semaphore, #tpu.memory_space<semaphore_mem>>)
    %dma_start3A_15 = arith.constant 0 : i32
    %dma_start3A_16 = arith.constant 1 : i32
    %dma_start3A_17 = arith.constant 0 : i32
    %dma_start3A_18 = arith.constant 100 : i32
    %dma_start3A_19 = arith.constant 0 : i32
    %dma_start3A_20 = tpu.memref_slice %arg6[%dma_start3A_17, %dma_start3A_18, %dma_start3A_19] : memref<3x200x128xf32, #tpu.memory_space<vmem>> -> memref<1x100x128xf32, #tpu.memory_space<vmem>>
    %dma_start3A_21 = tpu.memref_squeeze %dma_start3A_20 : memref<1x100x128xf32, #tpu.memory_space<vmem>> -> memref<100x128xf32, #tpu.memory_space<vmem>>
    %dma_start3A_22 = arith.constant 0 : i32
    %dma_start3A_23 = tpu.memref_slice %arg5[%dma_start3A_15, %dma_start3A_16, %dma_start3A_22] : memref<128x2x100xi32, #tpu.memory_space<vmem>> -> memref<1x1x100xi32, #tpu.memory_space<vmem>>
    %dma_start3A_24 = tpu.memref_squeeze %dma_start3A_23 : memref<1x1x100xi32, #tpu.memory_space<vmem>> -> memref<100xi32, #tpu.memory_space<vmem>>
    %dma_start3A_25 = arith.constant 0 : i32
    %dma_start3A_26 = arith.constant 0 : i32
    %dma_start3A_27 = tpu.memref_slice %arg3[%dma_start3A_25, %dma_start3A_26] : memref<1000000x128xf32, #tpu.memory_space<hbm>> -> memref<1000000x128xf32, #tpu.memory_space<hbm>>
    tpu.enqueue_indirect_dma source(%dma_start3A_27 : memref<1000000x128xf32, #tpu.memory_space<hbm>>) target(%dma_start3A_21 : memref<100x128xf32, #tpu.memory_space<vmem>>) offsets(%dma_start3A_24 : memref<100xi32, #tpu.memory_space<vmem>>) semaphore(%arg7 : memref<!tpu.dma_semaphore, #tpu.memory_space<semaphore_mem>>)
    %scan3A = arith.constant 0 : i32
    %scan3A_28 = arith.constant 0 : i32
    %scan3A_29 = arith.constant 128 : i32
    %scan3A_30 = arith.addi %scan3A_28, %scan3A_29 : i32
    %scan3A_31 = arith.constant 1 : i32
    scf.for %scan3A_70 = %scan3A_28 to %scan3A_30 step %scan3A_31  : i32 {
      %jit3A = arith.constant 3 : i32
      %eq3A = arith.constant 0 : i32
      %eq3A_71 = arith.cmpi eq, %jit3A, %eq3A : i32
      %jit3A_72 = arith.constant 1 : i32
      %select_n3A = arith.select %eq3A_71, %jit3A_72, %jit3A : i32
      %rem3A = arith.remsi %scan3A_70, %select_n3A : i32
      %ne3A = arith.constant 0 : i32
      %ne3A_73 = arith.cmpi ne, %rem3A, %ne3A : i32
      %lt3A = arith.constant 0 : i32
      %lt3A_74 = arith.cmpi slt, %rem3A, %lt3A : i32
      %lt3A_75 = arith.constant 0 : i32
      %lt3A_76 = arith.cmpi slt, %select_n3A, %lt3A_75 : i32
      %ne3A_77 = arith.xori %lt3A_74, %lt3A_76 : i1
      %and3A = arith.andi %ne3A_77, %ne3A_73 : i1
      %add3A_78 = arith.addi %rem3A, %select_n3A : i32
      %select_n3A_79 = arith.select %and3A, %add3A_78, %rem3A : i32
      %eq3A_80 = arith.constant 0 : i32
      %eq3A_81 = arith.cmpi eq, %select_n3A_79, %eq3A_80 : i32
      %convert_element_type3A = arith.extui %eq3A_81 : i1 to i32
      %cond3A = arith.constant 0 : i32
      %cond3A_82 = arith.cmpi ne, %convert_element_type3A, %cond3A : i32
      scf.if %cond3A_82 {
        %dma_wait3A_1134 = arith.constant 0 : i32
        %dma_wait3A_1135 = arith.constant 0 : i32
        %dma_wait3A_1136 = arith.constant 0 : i32
        %dma_wait3A_1137 = arith.constant 0 : i32
        %dma_wait3A_1138 = tpu.memref_slice %arg6[%dma_wait3A_1135, %dma_wait3A_1136, %dma_wait3A_1137] : memref<3x200x128xf32, #tpu.memory_space<vmem>> -> memref<1x100x128xf32, #tpu.memory_space<vmem>>
        %dma_wait3A_1139 = tpu.memref_squeeze %dma_wait3A_1138 : memref<1x100x128xf32, #tpu.memory_space<vmem>> -> memref<100x128xf32, #tpu.memory_space<vmem>>
        %dma_wait3A_1140 = arith.constant 0 : i32
        %dma_wait3A_1141 = tpu.memref_slice %arg5[%scan3A_70, %dma_wait3A_1134, %dma_wait3A_1140] : memref<128x2x100xi32, #tpu.memory_space<vmem>> -> memref<1x1x100xi32, #tpu.memory_space<vmem>>
        %dma_wait3A_1142 = tpu.memref_squeeze %dma_wait3A_1141 : memref<1x1x100xi32, #tpu.memory_space<vmem>> -> memref<100xi32, #tpu.memory_space<vmem>>
        %dma_wait3A_1143 = arith.constant 0 : i32
        %dma_wait3A_1144 = arith.constant 0 : i32
        %dma_wait3A_1145 = tpu.memref_slice %arg3[%dma_wait3A_1143, %dma_wait3A_1144] : memref<1000000x128xf32, #tpu.memory_space<hbm>> -> memref<1000000x128xf32, #tpu.memory_space<hbm>>
        tpu.wait_indirect_dma semaphore(%arg7 : memref<!tpu.dma_semaphore, #tpu.memory_space<semaphore_mem>>) src(%dma_wait3A_1145 : memref<1000000x128xf32, #tpu.memory_space<hbm>>) dst(%dma_wait3A_1139 : memref<100x128xf32, #tpu.memory_space<vmem>>)
        %dma_wait3A_1146 = arith.constant 1 : i32
        %dma_wait3A_1147 = arith.constant 0 : i32
        %dma_wait3A_1148 = arith.constant 100 : i32
        %dma_wait3A_1149 = arith.constant 0 : i32
        %dma_wait3A_1150 = tpu.memref_slice %arg6[%dma_wait3A_1147, %dma_wait3A_1148, %dma_wait3A_1149] : memref<3x200x128xf32, #tpu.memory_space<vmem>> -> memref<1x100x128xf32, #tpu.memory_space<vmem>>
        %dma_wait3A_1151 = tpu.memref_squeeze %dma_wait3A_1150 : memref<1x100x128xf32, #tpu.memory_space<vmem>> -> memref<100x128xf32, #tpu.memory_space<vmem>>
        %dma_wait3A_1152 = arith.constant 0 : i32
        %dma_wait3A_1153 = tpu.memref_slice %arg5[%scan3A_70, %dma_wait3A_1146, %dma_wait3A_1152] : memref<128x2x100xi32, #tpu.memory_space<vmem>> -> memref<1x1x100xi32, #tpu.memory_space<vmem>>
        %dma_wait3A_1154 = tpu.memref_squeeze %dma_wait3A_1153 : memref<1x1x100xi32, #tpu.memory_space<vmem>> -> memref<100xi32, #tpu.memory_space<vmem>>
        %dma_wait3A_1155 = arith.constant 0 : i32
        %dma_wait3A_1156 = arith.constant 0 : i32
        %dma_wait3A_1157 = tpu.memref_slice %arg3[%dma_wait3A_1155, %dma_wait3A_1156] : memref<1000000x128xf32, #tpu.memory_space<hbm>> -> memref<1000000x128xf32, #tpu.memory_space<hbm>>
        tpu.wait_indirect_dma semaphore(%arg7 : memref<!tpu.dma_semaphore, #tpu.memory_space<semaphore_mem>>) src(%dma_wait3A_1157 : memref<1000000x128xf32, #tpu.memory_space<hbm>>) dst(%dma_wait3A_1151 : memref<100x128xf32, #tpu.memory_space<vmem>>)
      } else {
      }
      %eq3A_83 = arith.constant 1 : i32
      %eq3A_84 = arith.cmpi eq, %select_n3A_79, %eq3A_83 : i32
      %convert_element_type3A_85 = arith.extui %eq3A_84 : i1 to i32
      %cond3A_86 = arith.constant 0 : i32
      %cond3A_87 = arith.cmpi ne, %convert_element_type3A_85, %cond3A_86 : i32
      scf.if %cond3A_87 {
        %dma_wait3A_1134 = arith.constant 0 : i32
        %dma_wait3A_1135 = arith.constant 1 : i32
        %dma_wait3A_1136 = arith.constant 0 : i32
        %dma_wait3A_1137 = arith.constant 0 : i32
        %dma_wait3A_1138 = tpu.memref_slice %arg6[%dma_wait3A_1135, %dma_wait3A_1136, %dma_wait3A_1137] : memref<3x200x128xf32, #tpu.memory_space<vmem>> -> memref<1x100x128xf32, #tpu.memory_space<vmem>>
        %dma_wait3A_1139 = tpu.memref_squeeze %dma_wait3A_1138 : memref<1x100x128xf32, #tpu.memory_space<vmem>> -> memref<100x128xf32, #tpu.memory_space<vmem>>
        %dma_wait3A_1140 = arith.constant 0 : i32
        %dma_wait3A_1141 = tpu.memref_slice %arg5[%scan3A_70, %dma_wait3A_1134, %dma_wait3A_1140] : memref<128x2x100xi32, #tpu.memory_space<vmem>> -> memref<1x1x100xi32, #tpu.memory_space<vmem>>
        %dma_wait3A_1142 = tpu.memref_squeeze %dma_wait3A_1141 : memref<1x1x100xi32, #tpu.memory_space<vmem>> -> memref<100xi32, #tpu.memory_space<vmem>>
        %dma_wait3A_1143 = arith.constant 0 : i32
        %dma_wait3A_1144 = arith.constant 0 : i32
        %dma_wait3A_1145 = tpu.memref_slice %arg3[%dma_wait3A_1143, %dma_wait3A_1144] : memref<1000000x128xf32, #tpu.memory_space<hbm>> -> memref<1000000x128xf32, #tpu.memory_space<hbm>>
        tpu.wait_indirect_dma semaphore(%arg8 : memref<!tpu.dma_semaphore, #tpu.memory_space<semaphore_mem>>) src(%dma_wait3A_1145 : memref<1000000x128xf32, #tpu.memory_space<hbm>>) dst(%dma_wait3A_1139 : memref<100x128xf32, #tpu.memory_space<vmem>>)
        %dma_wait3A_1146 = arith.constant 1 : i32
        %dma_wait3A_1147 = arith.constant 1 : i32
        %dma_wait3A_1148 = arith.constant 100 : i32
        %dma_wait3A_1149 = arith.constant 0 : i32
        %dma_wait3A_1150 = tpu.memref_slice %arg6[%dma_wait3A_1147, %dma_wait3A_1148, %dma_wait3A_1149] : memref<3x200x128xf32, #tpu.memory_space<vmem>> -> memref<1x100x128xf32, #tpu.memory_space<vmem>>
        %dma_wait3A_1151 = tpu.memref_squeeze %dma_wait3A_1150 : memref<1x100x128xf32, #tpu.memory_space<vmem>> -> memref<100x128xf32, #tpu.memory_space<vmem>>
        %dma_wait3A_1152 = arith.constant 0 : i32
        %dma_wait3A_1153 = tpu.memref_slice %arg5[%scan3A_70, %dma_wait3A_1146, %dma_wait3A_1152] : memref<128x2x100xi32, #tpu.memory_space<vmem>> -> memref<1x1x100xi32, #tpu.memory_space<vmem>>
        %dma_wait3A_1154 = tpu.memref_squeeze %dma_wait3A_1153 : memref<1x1x100xi32, #tpu.memory_space<vmem>> -> memref<100xi32, #tpu.memory_space<vmem>>
        %dma_wait3A_1155 = arith.constant 0 : i32
        %dma_wait3A_1156 = arith.constant 0 : i32
        %dma_wait3A_1157 = tpu.memref_slice %arg3[%dma_wait3A_1155, %dma_wait3A_1156] : memref<1000000x128xf32, #tpu.memory_space<hbm>> -> memref<1000000x128xf32, #tpu.memory_space<hbm>>
        tpu.wait_indirect_dma semaphore(%arg8 : memref<!tpu.dma_semaphore, #tpu.memory_space<semaphore_mem>>) src(%dma_wait3A_1157 : memref<1000000x128xf32, #tpu.memory_space<hbm>>) dst(%dma_wait3A_1151 : memref<100x128xf32, #tpu.memory_space<vmem>>)
      } else {
      }
      %eq3A_88 = arith.constant 2 : i32
      %eq3A_89 = arith.cmpi eq, %select_n3A_79, %eq3A_88 : i32
      %convert_element_type3A_90 = arith.extui %eq3A_89 : i1 to i32
      %cond3A_91 = arith.constant 0 : i32
      %cond3A_92 = arith.cmpi ne, %convert_element_type3A_90, %cond3A_91 : i32
      scf.if %cond3A_92 {
        %dma_wait3A_1134 = arith.constant 0 : i32
        %dma_wait3A_1135 = arith.constant 2 : i32
        %dma_wait3A_1136 = arith.constant 0 : i32
        %dma_wait3A_1137 = arith.constant 0 : i32
        %dma_wait3A_1138 = tpu.memref_slice %arg6[%dma_wait3A_1135, %dma_wait3A_1136, %dma_wait3A_1137] : memref<3x200x128xf32, #tpu.memory_space<vmem>> -> memref<1x100x128xf32, #tpu.memory_space<vmem>>
        %dma_wait3A_1139 = tpu.memref_squeeze %dma_wait3A_1138 : memref<1x100x128xf32, #tpu.memory_space<vmem>> -> memref<100x128xf32, #tpu.memory_space<vmem>>
        %dma_wait3A_1140 = arith.constant 0 : i32
        %dma_wait3A_1141 = tpu.memref_slice %arg5[%scan3A_70, %dma_wait3A_1134, %dma_wait3A_1140] : memref<128x2x100xi32, #tpu.memory_space<vmem>> -> memref<1x1x100xi32, #tpu.memory_space<vmem>>
        %dma_wait3A_1142 = tpu.memref_squeeze %dma_wait3A_1141 : memref<1x1x100xi32, #tpu.memory_space<vmem>> -> memref<100xi32, #tpu.memory_space<vmem>>
        %dma_wait3A_1143 = arith.constant 0 : i32
        %dma_wait3A_1144 = arith.constant 0 : i32
        %dma_wait3A_1145 = tpu.memref_slice %arg3[%dma_wait3A_1143, %dma_wait3A_1144] : memref<1000000x128xf32, #tpu.memory_space<hbm>> -> memref<1000000x128xf32, #tpu.memory_space<hbm>>
        tpu.wait_indirect_dma semaphore(%arg9 : memref<!tpu.dma_semaphore, #tpu.memory_space<semaphore_mem>>) src(%dma_wait3A_1145 : memref<1000000x128xf32, #tpu.memory_space<hbm>>) dst(%dma_wait3A_1139 : memref<100x128xf32, #tpu.memory_space<vmem>>)
        %dma_wait3A_1146 = arith.constant 1 : i32
        %dma_wait3A_1147 = arith.constant 2 : i32
        %dma_wait3A_1148 = arith.constant 100 : i32
        %dma_wait3A_1149 = arith.constant 0 : i32
        %dma_wait3A_1150 = tpu.memref_slice %arg6[%dma_wait3A_1147, %dma_wait3A_1148, %dma_wait3A_1149] : memref<3x200x128xf32, #tpu.memory_space<vmem>> -> memref<1x100x128xf32, #tpu.memory_space<vmem>>
        %dma_wait3A_1151 = tpu.memref_squeeze %dma_wait3A_1150 : memref<1x100x128xf32, #tpu.memory_space<vmem>> -> memref<100x128xf32, #tpu.memory_space<vmem>>
        %dma_wait3A_1152 = arith.constant 0 : i32
        %dma_wait3A_1153 = tpu.memref_slice %arg5[%scan3A_70, %dma_wait3A_1146, %dma_wait3A_1152] : memref<128x2x100xi32, #tpu.memory_space<vmem>> -> memref<1x1x100xi32, #tpu.memory_space<vmem>>
        %dma_wait3A_1154 = tpu.memref_squeeze %dma_wait3A_1153 : memref<1x1x100xi32, #tpu.memory_space<vmem>> -> memref<100xi32, #tpu.memory_space<vmem>>
        %dma_wait3A_1155 = arith.constant 0 : i32
        %dma_wait3A_1156 = arith.constant 0 : i32
        %dma_wait3A_1157 = tpu.memref_slice %arg3[%dma_wait3A_1155, %dma_wait3A_1156] : memref<1000000x128xf32, #tpu.memory_space<hbm>> -> memref<1000000x128xf32, #tpu.memory_space<hbm>>
        tpu.wait_indirect_dma semaphore(%arg9 : memref<!tpu.dma_semaphore, #tpu.memory_space<semaphore_mem>>) src(%dma_wait3A_1157 : memref<1000000x128xf32, #tpu.memory_space<hbm>>) dst(%dma_wait3A_1151 : memref<100x128xf32, #tpu.memory_space<vmem>>)
      } else {
      }
      %ge3A = arith.constant 2 : i32
      %ge3A_93 = arith.cmpi sge, %scan3A_70, %ge3A : i32
      %convert_element_type3A_94 = arith.extui %ge3A_93 : i1 to i32
      %cond3A_95 = arith.constant 0 : i32
      %cond3A_96 = arith.cmpi ne, %convert_element_type3A_94, %cond3A_95 : i32
      scf.if %cond3A_96 {
        %sub3A_1134 = arith.constant 2 : i32
        %sub3A_1135 = arith.subi %scan3A_70, %sub3A_1134 : i32
        %sub3A_1136 = arith.constant 2 : i32
        %sub3A_1137 = arith.subi %scan3A_70, %sub3A_1136 : i32
        %jit3A_1138 = arith.constant 3 : i32
        %eq3A_1139 = arith.constant 0 : i32
        %eq3A_1140 = arith.cmpi eq, %jit3A_1138, %eq3A_1139 : i32
        %jit3A_1141 = arith.constant 1 : i32
        %select_n3A_1142 = arith.select %eq3A_1140, %jit3A_1141, %jit3A_1138 : i32
        %rem3A_1143 = arith.remsi %sub3A_1137, %select_n3A_1142 : i32
        %ne3A_1144 = arith.constant 0 : i32
        %ne3A_1145 = arith.cmpi ne, %rem3A_1143, %ne3A_1144 : i32
        %lt3A_1146 = arith.constant 0 : i32
        %lt3A_1147 = arith.cmpi slt, %rem3A_1143, %lt3A_1146 : i32
        %lt3A_1148 = arith.constant 0 : i32
        %lt3A_1149 = arith.cmpi slt, %select_n3A_1142, %lt3A_1148 : i32
        %ne3A_1150 = arith.xori %lt3A_1147, %lt3A_1149 : i1
        %and3A_1151 = arith.andi %ne3A_1150, %ne3A_1145 : i1
        %add3A_1152 = arith.addi %rem3A_1143, %select_n3A_1142 : i32
        %select_n3A_1153 = arith.select %and3A_1151, %add3A_1152, %rem3A_1143 : i32
        %add3A_1154 = arith.addi %mul3A_2, %sub3A_1135 : i32
        %dma_wait3A_1155 = arith.constant 0 : i32
        %dma_wait3A_1156 = arith.constant 0 : i32
        %dma_wait3A_1157 = tpu.memref_slice %arg6[%select_n3A_1153, %dma_wait3A_1155, %dma_wait3A_1156] : memref<3x200x128xf32, #tpu.memory_space<vmem>> -> memref<1x200x128xf32, #tpu.memory_space<vmem>>
        %dma_wait3A_1158 = tpu.memref_squeeze %dma_wait3A_1157 : memref<1x200x128xf32, #tpu.memory_space<vmem>> -> memref<200x128xf32, #tpu.memory_space<vmem>>
        %dma_wait3A_1159 = arith.constant 0 : i32
        %dma_wait3A_1160 = arith.constant 0 : i32
        %dma_wait3A_1161 = tpu.memref_slice %arg4[%add3A_1154, %dma_wait3A_1159, %dma_wait3A_1160] : memref<4096x200x128xf32, #tpu.memory_space<hbm>> -> memref<1x200x128xf32, #tpu.memory_space<hbm>>
        %dma_wait3A_1162 = tpu.memref_squeeze %dma_wait3A_1161 : memref<1x200x128xf32, #tpu.memory_space<hbm>> -> memref<200x128xf32, #tpu.memory_space<hbm>>
        %dma_wait3A_1163 = arith.constant 0 : i32
        %dma_wait3A_1164 = arith.constant 0 : i32
        %dma_wait3A_1165 = tpu.memref_slice %arg4[%add3A_1154, %dma_wait3A_1163, %dma_wait3A_1164] : memref<4096x200x128xf32, #tpu.memory_space<hbm>> -> memref<1x200x128xf32, #tpu.memory_space<hbm>>
        %dma_wait3A_1166 = tpu.memref_squeeze %dma_wait3A_1165 : memref<1x200x128xf32, #tpu.memory_space<hbm>> -> memref<200x128xf32, #tpu.memory_space<hbm>>
        %dma_wait3A_1167 = arith.constant 0 : i32
        %dma_wait3A_1168 = arith.constant 0 : i32
        %dma_wait3A_1169 = tpu.memref_slice %arg6[%select_n3A_1153, %dma_wait3A_1167, %dma_wait3A_1168] : memref<3x200x128xf32, #tpu.memory_space<vmem>> -> memref<1x200x128xf32, #tpu.memory_space<vmem>>
        %dma_wait3A_1170 = tpu.memref_squeeze %dma_wait3A_1169 : memref<1x200x128xf32, #tpu.memory_space<vmem>> -> memref<200x128xf32, #tpu.memory_space<vmem>>
        tpu.wait_dma2 semaphore(%arg10 : memref<!tpu.dma_semaphore, #tpu.memory_space<semaphore_mem>>) src(%dma_wait3A_1170 : memref<200x128xf32, #tpu.memory_space<vmem>>) dst(%dma_wait3A_1166 : memref<200x128xf32, #tpu.memory_space<hbm>>)
      } else {
      }
      %add3A_97 = arith.constant 1 : i32
      %add3A_98 = arith.addi %scan3A_70, %add3A_97 : i32
      %lt3A_99 = arith.constant 128 : i32
      %lt3A_100 = arith.cmpi slt, %add3A_98, %lt3A_99 : i32
      %convert_element_type3A_101 = arith.extui %lt3A_100 : i1 to i32
      %cond3A_102 = arith.constant 0 : i32
      %cond3A_103 = arith.cmpi ne, %convert_element_type3A_101, %cond3A_102 : i32
      scf.if %cond3A_103 {
        %add3A_1134 = arith.constant 1 : i32
        %add3A_1135 = arith.addi %scan3A_70, %add3A_1134 : i32
        %jit3A_1136 = arith.constant 3 : i32
        %eq3A_1137 = arith.constant 0 : i32
        %eq3A_1138 = arith.cmpi eq, %jit3A_1136, %eq3A_1137 : i32
        %jit3A_1139 = arith.constant 1 : i32
        %select_n3A_1140 = arith.select %eq3A_1138, %jit3A_1139, %jit3A_1136 : i32
        %rem3A_1141 = arith.remsi %add3A_1135, %select_n3A_1140 : i32
        %ne3A_1142 = arith.constant 0 : i32
        %ne3A_1143 = arith.cmpi ne, %rem3A_1141, %ne3A_1142 : i32
        %lt3A_1144 = arith.constant 0 : i32
        %lt3A_1145 = arith.cmpi slt, %rem3A_1141, %lt3A_1144 : i32
        %lt3A_1146 = arith.constant 0 : i32
        %lt3A_1147 = arith.cmpi slt, %select_n3A_1140, %lt3A_1146 : i32
        %ne3A_1148 = arith.xori %lt3A_1145, %lt3A_1147 : i1
        %and3A_1149 = arith.andi %ne3A_1148, %ne3A_1143 : i1
        %add3A_1150 = arith.addi %rem3A_1141, %select_n3A_1140 : i32
        %select_n3A_1151 = arith.select %and3A_1149, %add3A_1150, %rem3A_1141 : i32
        %eq3A_1152 = arith.constant 0 : i32
        %eq3A_1153 = arith.cmpi eq, %select_n3A_1151, %eq3A_1152 : i32
        %convert_element_type3A_1154 = arith.extui %eq3A_1153 : i1 to i32
        %cond3A_1155 = arith.constant 0 : i32
        %cond3A_1156 = arith.cmpi ne, %convert_element_type3A_1154, %cond3A_1155 : i32
        scf.if %cond3A_1156 {
          %add3A_1203 = arith.constant 1 : i32
          %add3A_1204 = arith.addi %scan3A_70, %add3A_1203 : i32
          %dma_start3A_1205 = arith.constant 0 : i32
          %dma_start3A_1206 = arith.constant 0 : i32
          %dma_start3A_1207 = arith.constant 0 : i32
          %dma_start3A_1208 = arith.constant 0 : i32
          %dma_start3A_1209 = tpu.memref_slice %arg6[%dma_start3A_1206, %dma_start3A_1207, %dma_start3A_1208] : memref<3x200x128xf32, #tpu.memory_space<vmem>> -> memref<1x100x128xf32, #tpu.memory_space<vmem>>
          %dma_start3A_1210 = tpu.memref_squeeze %dma_start3A_1209 : memref<1x100x128xf32, #tpu.memory_space<vmem>> -> memref<100x128xf32, #tpu.memory_space<vmem>>
          %dma_start3A_1211 = arith.constant 0 : i32
          %dma_start3A_1212 = tpu.memref_slice %arg5[%add3A_1204, %dma_start3A_1205, %dma_start3A_1211] : memref<128x2x100xi32, #tpu.memory_space<vmem>> -> memref<1x1x100xi32, #tpu.memory_space<vmem>>
          %dma_start3A_1213 = tpu.memref_squeeze %dma_start3A_1212 : memref<1x1x100xi32, #tpu.memory_space<vmem>> -> memref<100xi32, #tpu.memory_space<vmem>>
          %dma_start3A_1214 = arith.constant 0 : i32
          %dma_start3A_1215 = arith.constant 0 : i32
          %dma_start3A_1216 = tpu.memref_slice %arg3[%dma_start3A_1214, %dma_start3A_1215] : memref<1000000x128xf32, #tpu.memory_space<hbm>> -> memref<1000000x128xf32, #tpu.memory_space<hbm>>
          tpu.enqueue_indirect_dma source(%dma_start3A_1216 : memref<1000000x128xf32, #tpu.memory_space<hbm>>) target(%dma_start3A_1210 : memref<100x128xf32, #tpu.memory_space<vmem>>) offsets(%dma_start3A_1213 : memref<100xi32, #tpu.memory_space<vmem>>) semaphore(%arg7 : memref<!tpu.dma_semaphore, #tpu.memory_space<semaphore_mem>>)
          %dma_start3A_1217 = arith.constant 1 : i32
          %dma_start3A_1218 = arith.constant 0 : i32
          %dma_start3A_1219 = arith.constant 100 : i32
          %dma_start3A_1220 = arith.constant 0 : i32
          %dma_start3A_1221 = tpu.memref_slice %arg6[%dma_start3A_1218, %dma_start3A_1219, %dma_start3A_1220] : memref<3x200x128xf32, #tpu.memory_space<vmem>> -> memref<1x100x128xf32, #tpu.memory_space<vmem>>
          %dma_start3A_1222 = tpu.memref_squeeze %dma_start3A_1221 : memref<1x100x128xf32, #tpu.memory_space<vmem>> -> memref<100x128xf32, #tpu.memory_space<vmem>>
          %dma_start3A_1223 = arith.constant 0 : i32
          %dma_start3A_1224 = tpu.memref_slice %arg5[%add3A_1204, %dma_start3A_1217, %dma_start3A_1223] : memref<128x2x100xi32, #tpu.memory_space<vmem>> -> memref<1x1x100xi32, #tpu.memory_space<vmem>>
          %dma_start3A_1225 = tpu.memref_squeeze %dma_start3A_1224 : memref<1x1x100xi32, #tpu.memory_space<vmem>> -> memref<100xi32, #tpu.memory_space<vmem>>
          %dma_start3A_1226 = arith.constant 0 : i32
          %dma_start3A_1227 = arith.constant 0 : i32
          %dma_start3A_1228 = tpu.memref_slice %arg3[%dma_start3A_1226, %dma_start3A_1227] : memref<1000000x128xf32, #tpu.memory_space<hbm>> -> memref<1000000x128xf32, #tpu.memory_space<hbm>>
          tpu.enqueue_indirect_dma source(%dma_start3A_1228 : memref<1000000x128xf32, #tpu.memory_space<hbm>>) target(%dma_start3A_1222 : memref<100x128xf32, #tpu.memory_space<vmem>>) offsets(%dma_start3A_1225 : memref<100xi32, #tpu.memory_space<vmem>>) semaphore(%arg7 : memref<!tpu.dma_semaphore, #tpu.memory_space<semaphore_mem>>)
        } else {
        }
        %add3A_1157 = arith.constant 1 : i32
        %add3A_1158 = arith.addi %scan3A_70, %add3A_1157 : i32
        %jit3A_1159 = arith.constant 3 : i32
        %eq3A_1160 = arith.constant 0 : i32
        %eq3A_1161 = arith.cmpi eq, %jit3A_1159, %eq3A_1160 : i32
        %jit3A_1162 = arith.constant 1 : i32
        %select_n3A_1163 = arith.select %eq3A_1161, %jit3A_1162, %jit3A_1159 : i32
        %rem3A_1164 = arith.remsi %add3A_1158, %select_n3A_1163 : i32
        %ne3A_1165 = arith.constant 0 : i32
        %ne3A_1166 = arith.cmpi ne, %rem3A_1164, %ne3A_1165 : i32
        %lt3A_1167 = arith.constant 0 : i32
        %lt3A_1168 = arith.cmpi slt, %rem3A_1164, %lt3A_1167 : i32
        %lt3A_1169 = arith.constant 0 : i32
        %lt3A_1170 = arith.cmpi slt, %select_n3A_1163, %lt3A_1169 : i32
        %ne3A_1171 = arith.xori %lt3A_1168, %lt3A_1170 : i1
        %and3A_1172 = arith.andi %ne3A_1171, %ne3A_1166 : i1
        %add3A_1173 = arith.addi %rem3A_1164, %select_n3A_1163 : i32
        %select_n3A_1174 = arith.select %and3A_1172, %add3A_1173, %rem3A_1164 : i32
        %eq3A_1175 = arith.constant 1 : i32
        %eq3A_1176 = arith.cmpi eq, %select_n3A_1174, %eq3A_1175 : i32
        %convert_element_type3A_1177 = arith.extui %eq3A_1176 : i1 to i32
        %cond3A_1178 = arith.constant 0 : i32
        %cond3A_1179 = arith.cmpi ne, %convert_element_type3A_1177, %cond3A_1178 : i32
        scf.if %cond3A_1179 {
          %add3A_1203 = arith.constant 1 : i32
          %add3A_1204 = arith.addi %scan3A_70, %add3A_1203 : i32
          %dma_start3A_1205 = arith.constant 0 : i32
          %dma_start3A_1206 = arith.constant 1 : i32
          %dma_start3A_1207 = arith.constant 0 : i32
          %dma_start3A_1208 = arith.constant 0 : i32
          %dma_start3A_1209 = tpu.memref_slice %arg6[%dma_start3A_1206, %dma_start3A_1207, %dma_start3A_1208] : memref<3x200x128xf32, #tpu.memory_space<vmem>> -> memref<1x100x128xf32, #tpu.memory_space<vmem>>
          %dma_start3A_1210 = tpu.memref_squeeze %dma_start3A_1209 : memref<1x100x128xf32, #tpu.memory_space<vmem>> -> memref<100x128xf32, #tpu.memory_space<vmem>>
          %dma_start3A_1211 = arith.constant 0 : i32
          %dma_start3A_1212 = tpu.memref_slice %arg5[%add3A_1204, %dma_start3A_1205, %dma_start3A_1211] : memref<128x2x100xi32, #tpu.memory_space<vmem>> -> memref<1x1x100xi32, #tpu.memory_space<vmem>>
          %dma_start3A_1213 = tpu.memref_squeeze %dma_start3A_1212 : memref<1x1x100xi32, #tpu.memory_space<vmem>> -> memref<100xi32, #tpu.memory_space<vmem>>
          %dma_start3A_1214 = arith.constant 0 : i32
          %dma_start3A_1215 = arith.constant 0 : i32
          %dma_start3A_1216 = tpu.memref_slice %arg3[%dma_start3A_1214, %dma_start3A_1215] : memref<1000000x128xf32, #tpu.memory_space<hbm>> -> memref<1000000x128xf32, #tpu.memory_space<hbm>>
          tpu.enqueue_indirect_dma source(%dma_start3A_1216 : memref<1000000x128xf32, #tpu.memory_space<hbm>>) target(%dma_start3A_1210 : memref<100x128xf32, #tpu.memory_space<vmem>>) offsets(%dma_start3A_1213 : memref<100xi32, #tpu.memory_space<vmem>>) semaphore(%arg8 : memref<!tpu.dma_semaphore, #tpu.memory_space<semaphore_mem>>)
          %dma_start3A_1217 = arith.constant 1 : i32
          %dma_start3A_1218 = arith.constant 1 : i32
          %dma_start3A_1219 = arith.constant 100 : i32
          %dma_start3A_1220 = arith.constant 0 : i32
          %dma_start3A_1221 = tpu.memref_slice %arg6[%dma_start3A_1218, %dma_start3A_1219, %dma_start3A_1220] : memref<3x200x128xf32, #tpu.memory_space<vmem>> -> memref<1x100x128xf32, #tpu.memory_space<vmem>>
          %dma_start3A_1222 = tpu.memref_squeeze %dma_start3A_1221 : memref<1x100x128xf32, #tpu.memory_space<vmem>> -> memref<100x128xf32, #tpu.memory_space<vmem>>
          %dma_start3A_1223 = arith.constant 0 : i32
          %dma_start3A_1224 = tpu.memref_slice %arg5[%add3A_1204, %dma_start3A_1217, %dma_start3A_1223] : memref<128x2x100xi32, #tpu.memory_space<vmem>> -> memref<1x1x100xi32, #tpu.memory_space<vmem>>
          %dma_start3A_1225 = tpu.memref_squeeze %dma_start3A_1224 : memref<1x1x100xi32, #tpu.memory_space<vmem>> -> memref<100xi32, #tpu.memory_space<vmem>>
          %dma_start3A_1226 = arith.constant 0 : i32
          %dma_start3A_1227 = arith.constant 0 : i32
          %dma_start3A_1228 = tpu.memref_slice %arg3[%dma_start3A_1226, %dma_start3A_1227] : memref<1000000x128xf32, #tpu.memory_space<hbm>> -> memref<1000000x128xf32, #tpu.memory_space<hbm>>
          tpu.enqueue_indirect_dma source(%dma_start3A_1228 : memref<1000000x128xf32, #tpu.memory_space<hbm>>) target(%dma_start3A_1222 : memref<100x128xf32, #tpu.memory_space<vmem>>) offsets(%dma_start3A_1225 : memref<100xi32, #tpu.memory_space<vmem>>) semaphore(%arg8 : memref<!tpu.dma_semaphore, #tpu.memory_space<semaphore_mem>>)
        } else {
        }
        %add3A_1180 = arith.constant 1 : i32
        %add3A_1181 = arith.addi %scan3A_70, %add3A_1180 : i32
        %jit3A_1182 = arith.constant 3 : i32
        %eq3A_1183 = arith.constant 0 : i32
        %eq3A_1184 = arith.cmpi eq, %jit3A_1182, %eq3A_1183 : i32
        %jit3A_1185 = arith.constant 1 : i32
        %select_n3A_1186 = arith.select %eq3A_1184, %jit3A_1185, %jit3A_1182 : i32
        %rem3A_1187 = arith.remsi %add3A_1181, %select_n3A_1186 : i32
        %ne3A_1188 = arith.constant 0 : i32
        %ne3A_1189 = arith.cmpi ne, %rem3A_1187, %ne3A_1188 : i32
        %lt3A_1190 = arith.constant 0 : i32
        %lt3A_1191 = arith.cmpi slt, %rem3A_1187, %lt3A_1190 : i32
        %lt3A_1192 = arith.constant 0 : i32
        %lt3A_1193 = arith.cmpi slt, %select_n3A_1186, %lt3A_1192 : i32
        %ne3A_1194 = arith.xori %lt3A_1191, %lt3A_1193 : i1
        %and3A_1195 = arith.andi %ne3A_1194, %ne3A_1189 : i1
        %add3A_1196 = arith.addi %rem3A_1187, %select_n3A_1186 : i32
        %select_n3A_1197 = arith.select %and3A_1195, %add3A_1196, %rem3A_1187 : i32
        %eq3A_1198 = arith.constant 2 : i32
        %eq3A_1199 = arith.cmpi eq, %select_n3A_1197, %eq3A_1198 : i32
        %convert_element_type3A_1200 = arith.extui %eq3A_1199 : i1 to i32
        %cond3A_1201 = arith.constant 0 : i32
        %cond3A_1202 = arith.cmpi ne, %convert_element_type3A_1200, %cond3A_1201 : i32
        scf.if %cond3A_1202 {
          %add3A_1203 = arith.constant 1 : i32
          %add3A_1204 = arith.addi %scan3A_70, %add3A_1203 : i32
          %dma_start3A_1205 = arith.constant 0 : i32
          %dma_start3A_1206 = arith.constant 2 : i32
          %dma_start3A_1207 = arith.constant 0 : i32
          %dma_start3A_1208 = arith.constant 0 : i32
          %dma_start3A_1209 = tpu.memref_slice %arg6[%dma_start3A_1206, %dma_start3A_1207, %dma_start3A_1208] : memref<3x200x128xf32, #tpu.memory_space<vmem>> -> memref<1x100x128xf32, #tpu.memory_space<vmem>>
          %dma_start3A_1210 = tpu.memref_squeeze %dma_start3A_1209 : memref<1x100x128xf32, #tpu.memory_space<vmem>> -> memref<100x128xf32, #tpu.memory_space<vmem>>
          %dma_start3A_1211 = arith.constant 0 : i32
          %dma_start3A_1212 = tpu.memref_slice %arg5[%add3A_1204, %dma_start3A_1205, %dma_start3A_1211] : memref<128x2x100xi32, #tpu.memory_space<vmem>> -> memref<1x1x100xi32, #tpu.memory_space<vmem>>
          %dma_start3A_1213 = tpu.memref_squeeze %dma_start3A_1212 : memref<1x1x100xi32, #tpu.memory_space<vmem>> -> memref<100xi32, #tpu.memory_space<vmem>>
          %dma_start3A_1214 = arith.constant 0 : i32
          %dma_start3A_1215 = arith.constant 0 : i32
          %dma_start3A_1216 = tpu.memref_slice %arg3[%dma_start3A_1214, %dma_start3A_1215] : memref<1000000x128xf32, #tpu.memory_space<hbm>> -> memref<1000000x128xf32, #tpu.memory_space<hbm>>
          tpu.enqueue_indirect_dma source(%dma_start3A_1216 : memref<1000000x128xf32, #tpu.memory_space<hbm>>) target(%dma_start3A_1210 : memref<100x128xf32, #tpu.memory_space<vmem>>) offsets(%dma_start3A_1213 : memref<100xi32, #tpu.memory_space<vmem>>) semaphore(%arg9 : memref<!tpu.dma_semaphore, #tpu.memory_space<semaphore_mem>>)
          %dma_start3A_1217 = arith.constant 1 : i32
          %dma_start3A_1218 = arith.constant 2 : i32
          %dma_start3A_1219 = arith.constant 100 : i32
          %dma_start3A_1220 = arith.constant 0 : i32
          %dma_start3A_1221 = tpu.memref_slice %arg6[%dma_start3A_1218, %dma_start3A_1219, %dma_start3A_1220] : memref<3x200x128xf32, #tpu.memory_space<vmem>> -> memref<1x100x128xf32, #tpu.memory_space<vmem>>
          %dma_start3A_1222 = tpu.memref_squeeze %dma_start3A_1221 : memref<1x100x128xf32, #tpu.memory_space<vmem>> -> memref<100x128xf32, #tpu.memory_space<vmem>>
          %dma_start3A_1223 = arith.constant 0 : i32
          %dma_start3A_1224 = tpu.memref_slice %arg5[%add3A_1204, %dma_start3A_1217, %dma_start3A_1223] : memref<128x2x100xi32, #tpu.memory_space<vmem>> -> memref<1x1x100xi32, #tpu.memory_space<vmem>>
          %dma_start3A_1225 = tpu.memref_squeeze %dma_start3A_1224 : memref<1x1x100xi32, #tpu.memory_space<vmem>> -> memref<100xi32, #tpu.memory_space<vmem>>
          %dma_start3A_1226 = arith.constant 0 : i32
          %dma_start3A_1227 = arith.constant 0 : i32
          %dma_start3A_1228 = tpu.memref_slice %arg3[%dma_start3A_1226, %dma_start3A_1227] : memref<1000000x128xf32, #tpu.memory_space<hbm>> -> memref<1000000x128xf32, #tpu.memory_space<hbm>>
          tpu.enqueue_indirect_dma source(%dma_start3A_1228 : memref<1000000x128xf32, #tpu.memory_space<hbm>>) target(%dma_start3A_1222 : memref<100x128xf32, #tpu.memory_space<vmem>>) offsets(%dma_start3A_1225 : memref<100xi32, #tpu.memory_space<vmem>>) semaphore(%arg9 : memref<!tpu.dma_semaphore, #tpu.memory_space<semaphore_mem>>)
        } else {
        }
      } else {
      }
      %parallel_loop3A = arith.constant 0 : i32
      %parallel_loop3A_104 = arith.constant 12 : i32
      %parallel_loop3A_105 = arith.constant 1 : i32
      scf.for %parallel_loop3A_1134 = %parallel_loop3A to %parallel_loop3A_104 step %parallel_loop3A_105  : i32 {
        %parallel_loop3A_1135 = arith.constant 16 : i32
        %parallel_loop3A_1136 = arith.muli %parallel_loop3A_1134, %parallel_loop3A_1135 : i32
        %parallel_loop3A_1137 = arith.constant 0 : i32
        %parallel_loop3A_1138 = arith.addi %parallel_loop3A_1136, %parallel_loop3A_1137 : i32
        %parallel_loop3A_1139 = arith.constant 0 : i32
        %parallel_loop3A_1140 = arith.constant 0 : i32
        %parallel_loop3A_1141 = tpu.memref_slice %arg6[%select_n3A_79, %parallel_loop3A_1139, %parallel_loop3A_1140] : memref<3x200x128xf32, #tpu.memory_space<vmem>> -> memref<1x200x128xf32, #tpu.memory_space<vmem>>
        %parallel_loop3A_1142 = tpu.memref_squeeze %parallel_loop3A_1141 : memref<1x200x128xf32, #tpu.memory_space<vmem>> -> memref<200x128xf32, #tpu.memory_space<vmem>>
        %parallel_loop3A_1143 = arith.index_cast %parallel_loop3A_1138 : i32 to index
        %parallel_loop3A_1144 = arith.constant 0 : index
        %parallel_loop3A_1145 = tpu.vector_load %parallel_loop3A_1142[%parallel_loop3A_1143, %parallel_loop3A_1144] {strides = array<i32>} : memref<200x128xf32, #tpu.memory_space<vmem>>, vector<16xf32>,
        %parallel_loop3A_1146 = arith.constant 0 : i32
        %parallel_loop3A_1147 = arith.addi %parallel_loop3A_1136, %parallel_loop3A_1146 : i32
        %parallel_loop3A_1148 = arith.constant 0 : i32
        %parallel_loop3A_1149 = arith.constant 0 : i32
        %parallel_loop3A_1150 = tpu.memref_slice %arg6[%select_n3A_79, %parallel_loop3A_1148, %parallel_loop3A_1149] : memref<3x200x128xf32, #tpu.memory_space<vmem>> -> memref<1x200x128xf32, #tpu.memory_space<vmem>>
        %parallel_loop3A_1151 = tpu.memref_squeeze %parallel_loop3A_1150 : memref<1x200x128xf32, #tpu.memory_space<vmem>> -> memref<200x128xf32, #tpu.memory_space<vmem>>
        %parallel_loop3A_1152 = arith.index_cast %parallel_loop3A_1147 : i32 to index
        %parallel_loop3A_1153 = arith.constant 16 : index
        %parallel_loop3A_1154 = tpu.vector_load %parallel_loop3A_1151[%parallel_loop3A_1152, %parallel_loop3A_1153] {strides = array<i32>} : memref<200x128xf32, #tpu.memory_space<vmem>>, vector<16xf32>,
        %parallel_loop3A_1155 = arith.constant 0 : i32
        %parallel_loop3A_1156 = arith.addi %parallel_loop3A_1136, %parallel_loop3A_1155 : i32
        %parallel_loop3A_1157 = arith.constant 0 : i32
        %parallel_loop3A_1158 = arith.constant 0 : i32
        %parallel_loop3A_1159 = tpu.memref_slice %arg6[%select_n3A_79, %parallel_loop3A_1157, %parallel_loop3A_1158] : memref<3x200x128xf32, #tpu.memory_space<vmem>> -> memref<1x200x128xf32, #tpu.memory_space<vmem>>
        %parallel_loop3A_1160 = tpu.memref_squeeze %parallel_loop3A_1159 : memref<1x200x128xf32, #tpu.memory_space<vmem>> -> memref<200x128xf32, #tpu.memory_space<vmem>>
        %parallel_loop3A_1161 = arith.index_cast %parallel_loop3A_1156 : i32 to index
        %parallel_loop3A_1162 = arith.constant 32 : index
        %parallel_loop3A_1163 = tpu.vector_load %parallel_loop3A_1160[%parallel_loop3A_1161, %parallel_loop3A_1162] {strides = array<i32>} : memref<200x128xf32, #tpu.memory_space<vmem>>, vector<16xf32>,
        %parallel_loop3A_1164 = arith.constant 0 : i32
        %parallel_loop3A_1165 = arith.addi %parallel_loop3A_1136, %parallel_loop3A_1164 : i32
        %parallel_loop3A_1166 = arith.constant 0 : i32
        %parallel_loop3A_1167 = arith.constant 0 : i32
        %parallel_loop3A_1168 = tpu.memref_slice %arg6[%select_n3A_79, %parallel_loop3A_1166, %parallel_loop3A_1167] : memref<3x200x128xf32, #tpu.memory_space<vmem>> -> memref<1x200x128xf32, #tpu.memory_space<vmem>>
        %parallel_loop3A_1169 = tpu.memref_squeeze %parallel_loop3A_1168 : memref<1x200x128xf32, #tpu.memory_space<vmem>> -> memref<200x128xf32, #tpu.memory_space<vmem>>
        %parallel_loop3A_1170 = arith.index_cast %parallel_loop3A_1165 : i32 to index
        %parallel_loop3A_1171 = arith.constant 48 : index
        %parallel_loop3A_1172 = tpu.vector_load %parallel_loop3A_1169[%parallel_loop3A_1170, %parallel_loop3A_1171] {strides = array<i32>} : memref<200x128xf32, #tpu.memory_space<vmem>>, vector<16xf32>,
        %parallel_loop3A_1173 = arith.mulf %parallel_loop3A_1145, %parallel_loop3A_1145 : vector<16xf32>
        %parallel_loop3A_1174 = arith.mulf %parallel_loop3A_1154, %parallel_loop3A_1154 : vector<16xf32>
        %parallel_loop3A_1175 = arith.addf %parallel_loop3A_1173, %parallel_loop3A_1174 : vector<16xf32>
        %parallel_loop3A_1176 = arith.mulf %parallel_loop3A_1163, %parallel_loop3A_1163 : vector<16xf32>
        %parallel_loop3A_1177 = arith.mulf %parallel_loop3A_1172, %parallel_loop3A_1172 : vector<16xf32>
        %parallel_loop3A_1178 = arith.addf %parallel_loop3A_1176, %parallel_loop3A_1177 : vector<16xf32>
        %parallel_loop3A_1179 = arith.addf %parallel_loop3A_1175, %parallel_loop3A_1178 : vector<16xf32>
        %parallel_loop3A_1180 = arith.constant 0 : i32
        %parallel_loop3A_1181 = vector.broadcast %parallel_loop3A_1180 : i32 to vector<16xi32>
        %parallel_loop3A_1182 = arith.cmpi eq, %iota3A, %parallel_loop3A_1181 : vector<16xi32>
        %parallel_loop3A_1183 = arith.constant true
        %parallel_loop3A_1184 = vector.broadcast %parallel_loop3A_1183 : i1 to vector<16xi1>
        %parallel_loop3A_1185 = tpu.scan <sum>, %parallel_loop3A_1179 masked %parallel_loop3A_1184 : vector<16xf32>, vector<16xi1> -> vector<16xf32>
        %parallel_loop3A_1186 = vector.extract %parallel_loop3A_1185[15] : f32 from vector<16xf32>
        %parallel_loop3A_1187 = vector.broadcast %parallel_loop3A_1186 : f32 to vector<16xf32>
        %parallel_loop3A_1188 = arith.constant 0.000000e+00 : f32
        %parallel_loop3A_1189 = vector.broadcast %parallel_loop3A_1188 : f32 to vector<16xf32>
        %parallel_loop3A_1190 = arith.select %parallel_loop3A_1182, %parallel_loop3A_1187, %parallel_loop3A_1189 : vector<16xi1>, vector<16xf32>
        %parallel_loop3A_1191 = arith.constant 1 : i32
        %parallel_loop3A_1192 = arith.addi %parallel_loop3A_1136, %parallel_loop3A_1191 : i32
        %parallel_loop3A_1193 = arith.constant 0 : i32
        %parallel_loop3A_1194 = arith.constant 0 : i32
        %parallel_loop3A_1195 = tpu.memref_slice %arg6[%select_n3A_79, %parallel_loop3A_1193, %parallel_loop3A_1194] : memref<3x200x128xf32, #tpu.memory_space<vmem>> -> memref<1x200x128xf32, #tpu.memory_space<vmem>>
        %parallel_loop3A_1196 = tpu.memref_squeeze %parallel_loop3A_1195 : memref<1x200x128xf32, #tpu.memory_space<vmem>> -> memref<200x128xf32, #tpu.memory_space<vmem>>
        %parallel_loop3A_1197 = arith.index_cast %parallel_loop3A_1192 : i32 to index
        %parallel_loop3A_1198 = arith.constant 0 : index
        %parallel_loop3A_1199 = tpu.vector_load %parallel_loop3A_1196[%parallel_loop3A_1197, %parallel_loop3A_1198] {strides = array<i32>} : memref<200x128xf32, #tpu.memory_space<vmem>>, vector<16xf32>,
        %parallel_loop3A_1200 = arith.constant 1 : i32
        %parallel_loop3A_1201 = arith.addi %parallel_loop3A_1136, %parallel_loop3A_1200 : i32
        %parallel_loop3A_1202 = arith.constant 0 : i32
        %parallel_loop3A_1203 = arith.constant 0 : i32
        %parallel_loop3A_1204 = tpu.memref_slice %arg6[%select_n3A_79, %parallel_loop3A_1202, %parallel_loop3A_1203] : memref<3x200x128xf32, #tpu.memory_space<vmem>> -> memref<1x200x128xf32, #tpu.memory_space<vmem>>
        %parallel_loop3A_1205 = tpu.memref_squeeze %parallel_loop3A_1204 : memref<1x200x128xf32, #tpu.memory_space<vmem>> -> memref<200x128xf32, #tpu.memory_space<vmem>>
        %parallel_loop3A_1206 = arith.index_cast %parallel_loop3A_1201 : i32 to index
        %parallel_loop3A_1207 = arith.constant 16 : index
        %parallel_loop3A_1208 = tpu.vector_load %parallel_loop3A_1205[%parallel_loop3A_1206, %parallel_loop3A_1207] {strides = array<i32>} : memref<200x128xf32, #tpu.memory_space<vmem>>, vector<16xf32>,
        %parallel_loop3A_1209 = arith.constant 1 : i32
        %parallel_loop3A_1210 = arith.addi %parallel_loop3A_1136, %parallel_loop3A_1209 : i32
        %parallel_loop3A_1211 = arith.constant 0 : i32
        %parallel_loop3A_1212 = arith.constant 0 : i32
        %parallel_loop3A_1213 = tpu.memref_slice %arg6[%select_n3A_79, %parallel_loop3A_1211, %parallel_loop3A_1212] : memref<3x200x128xf32, #tpu.memory_space<vmem>> -> memref<1x200x128xf32, #tpu.memory_space<vmem>>
        %parallel_loop3A_1214 = tpu.memref_squeeze %parallel_loop3A_1213 : memref<1x200x128xf32, #tpu.memory_space<vmem>> -> memref<200x128xf32, #tpu.memory_space<vmem>>
        %parallel_loop3A_1215 = arith.index_cast %parallel_loop3A_1210 : i32 to index
        %parallel_loop3A_1216 = arith.constant 32 : index
        %parallel_loop3A_1217 = tpu.vector_load %parallel_loop3A_1214[%parallel_loop3A_1215, %parallel_loop3A_1216] {strides = array<i32>} : memref<200x128xf32, #tpu.memory_space<vmem>>, vector<16xf32>,
        %parallel_loop3A_1218 = arith.constant 1 : i32
        %parallel_loop3A_1219 = arith.addi %parallel_loop3A_1136, %parallel_loop3A_1218 : i32
        %parallel_loop3A_1220 = arith.constant 0 : i32
        %parallel_loop3A_1221 = arith.constant 0 : i32
        %parallel_loop3A_1222 = tpu.memref_slice %arg6[%select_n3A_79, %parallel_loop3A_1220, %parallel_loop3A_1221] : memref<3x200x128xf32, #tpu.memory_space<vmem>> -> memref<1x200x128xf32, #tpu.memory_space<vmem>>
        %parallel_loop3A_1223 = tpu.memref_squeeze %parallel_loop3A_1222 : memref<1x200x128xf32, #tpu.memory_space<vmem>> -> memref<200x128xf32, #tpu.memory_space<vmem>>
        %parallel_loop3A_1224 = arith.index_cast %parallel_loop3A_1219 : i32 to index
        %parallel_loop3A_1225 = arith.constant 48 : index
        %parallel_loop3A_1226 = tpu.vector_load %parallel_loop3A_1223[%parallel_loop3A_1224, %parallel_loop3A_1225] {strides = array<i32>} : memref<200x128xf32, #tpu.memory_space<vmem>>, vector<16xf32>,
        %parallel_loop3A_1227 = arith.mulf %parallel_loop3A_1199, %parallel_loop3A_1199 : vector<16xf32>
        %parallel_loop3A_1228 = arith.mulf %parallel_loop3A_1208, %parallel_loop3A_1208 : vector<16xf32>
        %parallel_loop3A_1229 = arith.addf %parallel_loop3A_1227, %parallel_loop3A_1228 : vector<16xf32>
        %parallel_loop3A_1230 = arith.mulf %parallel_loop3A_1217, %parallel_loop3A_1217 : vector<16xf32>
        %parallel_loop3A_1231 = arith.mulf %parallel_loop3A_1226, %parallel_loop3A_1226 : vector<16xf32>
        %parallel_loop3A_1232 = arith.addf %parallel_loop3A_1230, %parallel_loop3A_1231 : vector<16xf32>
        %parallel_loop3A_1233 = arith.addf %parallel_loop3A_1229, %parallel_loop3A_1232 : vector<16xf32>
        %parallel_loop3A_1234 = arith.constant 1 : i32
        %parallel_loop3A_1235 = vector.broadcast %parallel_loop3A_1234 : i32 to vector<16xi32>
        %parallel_loop3A_1236 = arith.cmpi eq, %iota3A, %parallel_loop3A_1235 : vector<16xi32>
        %parallel_loop3A_1237 = arith.constant true
        %parallel_loop3A_1238 = vector.broadcast %parallel_loop3A_1237 : i1 to vector<16xi1>
        %parallel_loop3A_1239 = tpu.scan <sum>, %parallel_loop3A_1233 masked %parallel_loop3A_1238 : vector<16xf32>, vector<16xi1> -> vector<16xf32>
        %parallel_loop3A_1240 = vector.extract %parallel_loop3A_1239[15] : f32 from vector<16xf32>
        %parallel_loop3A_1241 = vector.broadcast %parallel_loop3A_1240 : f32 to vector<16xf32>
        %parallel_loop3A_1242 = arith.constant 0.000000e+00 : f32
        %parallel_loop3A_1243 = vector.broadcast %parallel_loop3A_1242 : f32 to vector<16xf32>
        %parallel_loop3A_1244 = arith.select %parallel_loop3A_1236, %parallel_loop3A_1241, %parallel_loop3A_1243 : vector<16xi1>, vector<16xf32>
        %parallel_loop3A_1245 = arith.constant 2 : i32
        %parallel_loop3A_1246 = arith.addi %parallel_loop3A_1136, %parallel_loop3A_1245 : i32
        %parallel_loop3A_1247 = arith.constant 0 : i32
        %parallel_loop3A_1248 = arith.constant 0 : i32
        %parallel_loop3A_1249 = tpu.memref_slice %arg6[%select_n3A_79, %parallel_loop3A_1247, %parallel_loop3A_1248] : memref<3x200x128xf32, #tpu.memory_space<vmem>> -> memref<1x200x128xf32, #tpu.memory_space<vmem>>
        %parallel_loop3A_1250 = tpu.memref_squeeze %parallel_loop3A_1249 : memref<1x200x128xf32, #tpu.memory_space<vmem>> -> memref<200x128xf32, #tpu.memory_space<vmem>>
        %parallel_loop3A_1251 = arith.index_cast %parallel_loop3A_1246 : i32 to index
        %parallel_loop3A_1252 = arith.constant 0 : index
        %parallel_loop3A_1253 = tpu.vector_load %parallel_loop3A_1250[%parallel_loop3A_1251, %parallel_loop3A_1252] {strides = array<i32>} : memref<200x128xf32, #tpu.memory_space<vmem>>, vector<16xf32>,
        %parallel_loop3A_1254 = arith.constant 2 : i32
        %parallel_loop3A_1255 = arith.addi %parallel_loop3A_1136, %parallel_loop3A_1254 : i32
        %parallel_loop3A_1256 = arith.constant 0 : i32
        %parallel_loop3A_1257 = arith.constant 0 : i32
        %parallel_loop3A_1258 = tpu.memref_slice %arg6[%select_n3A_79, %parallel_loop3A_1256, %parallel_loop3A_1257] : memref<3x200x128xf32, #tpu.memory_space<vmem>> -> memref<1x200x128xf32, #tpu.memory_space<vmem>>
        %parallel_loop3A_1259 = tpu.memref_squeeze %parallel_loop3A_1258 : memref<1x200x128xf32, #tpu.memory_space<vmem>> -> memref<200x128xf32, #tpu.memory_space<vmem>>
        %parallel_loop3A_1260 = arith.index_cast %parallel_loop3A_1255 : i32 to index
        %parallel_loop3A_1261 = arith.constant 16 : index
        %parallel_loop3A_1262 = tpu.vector_load %parallel_loop3A_1259[%parallel_loop3A_1260, %parallel_loop3A_1261] {strides = array<i32>} : memref<200x128xf32, #tpu.memory_space<vmem>>, vector<16xf32>,
        %parallel_loop3A_1263 = arith.constant 2 : i32
        %parallel_loop3A_1264 = arith.addi %parallel_loop3A_1136, %parallel_loop3A_1263 : i32
        %parallel_loop3A_1265 = arith.constant 0 : i32
        %parallel_loop3A_1266 = arith.constant 0 : i32
        %parallel_loop3A_1267 = tpu.memref_slice %arg6[%select_n3A_79, %parallel_loop3A_1265, %parallel_loop3A_1266] : memref<3x200x128xf32, #tpu.memory_space<vmem>> -> memref<1x200x128xf32, #tpu.memory_space<vmem>>
        %parallel_loop3A_1268 = tpu.memref_squeeze %parallel_loop3A_1267 : memref<1x200x128xf32, #tpu.memory_space<vmem>> -> memref<200x128xf32, #tpu.memory_space<vmem>>
        %parallel_loop3A_1269 = arith.index_cast %parallel_loop3A_1264 : i32 to index
        %parallel_loop3A_1270 = arith.constant 32 : index
        %parallel_loop3A_1271 = tpu.vector_load %parallel_loop3A_1268[%parallel_loop3A_1269, %parallel_loop3A_1270] {strides = array<i32>} : memref<200x128xf32, #tpu.memory_space<vmem>>, vector<16xf32>,
        %parallel_loop3A_1272 = arith.constant 2 : i32
        %parallel_loop3A_1273 = arith.addi %parallel_loop3A_1136, %parallel_loop3A_1272 : i32
        %parallel_loop3A_1274 = arith.constant 0 : i32
        %parallel_loop3A_1275 = arith.constant 0 : i32
        %parallel_loop3A_1276 = tpu.memref_slice %arg6[%select_n3A_79, %parallel_loop3A_1274, %parallel_loop3A_1275] : memref<3x200x128xf32, #tpu.memory_space<vmem>> -> memref<1x200x128xf32, #tpu.memory_space<vmem>>
        %parallel_loop3A_1277 = tpu.memref_squeeze %parallel_loop3A_1276 : memref<1x200x128xf32, #tpu.memory_space<vmem>> -> memref<200x128xf32, #tpu.memory_space<vmem>>
        %parallel_loop3A_1278 = arith.index_cast %parallel_loop3A_1273 : i32 to index
        %parallel_loop3A_1279 = arith.constant 48 : index
        %parallel_loop3A_1280 = tpu.vector_load %parallel_loop3A_1277[%parallel_loop3A_1278, %parallel_loop3A_1279] {strides = array<i32>} : memref<200x128xf32, #tpu.memory_space<vmem>>, vector<16xf32>,
        %parallel_loop3A_1281 = arith.mulf %parallel_loop3A_1253, %parallel_loop3A_1253 : vector<16xf32>
        %parallel_loop3A_1282 = arith.mulf %parallel_loop3A_1262, %parallel_loop3A_1262 : vector<16xf32>
        %parallel_loop3A_1283 = arith.addf %parallel_loop3A_1281, %parallel_loop3A_1282 : vector<16xf32>
        %parallel_loop3A_1284 = arith.mulf %parallel_loop3A_1271, %parallel_loop3A_1271 : vector<16xf32>
        %parallel_loop3A_1285 = arith.mulf %parallel_loop3A_1280, %parallel_loop3A_1280 : vector<16xf32>
        %parallel_loop3A_1286 = arith.addf %parallel_loop3A_1284, %parallel_loop3A_1285 : vector<16xf32>
        %parallel_loop3A_1287 = arith.addf %parallel_loop3A_1283, %parallel_loop3A_1286 : vector<16xf32>
        %parallel_loop3A_1288 = arith.constant 2 : i32
        %parallel_loop3A_1289 = vector.broadcast %parallel_loop3A_1288 : i32 to vector<16xi32>
        %parallel_loop3A_1290 = arith.cmpi eq, %iota3A, %parallel_loop3A_1289 : vector<16xi32>
        %parallel_loop3A_1291 = arith.constant true
        %parallel_loop3A_1292 = vector.broadcast %parallel_loop3A_1291 : i1 to vector<16xi1>
        %parallel_loop3A_1293 = tpu.scan <sum>, %parallel_loop3A_1287 masked %parallel_loop3A_1292 : vector<16xf32>, vector<16xi1> -> vector<16xf32>
        %parallel_loop3A_1294 = vector.extract %parallel_loop3A_1293[15] : f32 from vector<16xf32>
        %parallel_loop3A_1295 = vector.broadcast %parallel_loop3A_1294 : f32 to vector<16xf32>
        %parallel_loop3A_1296 = arith.constant 0.000000e+00 : f32
        %parallel_loop3A_1297 = vector.broadcast %parallel_loop3A_1296 : f32 to vector<16xf32>
        %parallel_loop3A_1298 = arith.select %parallel_loop3A_1290, %parallel_loop3A_1295, %parallel_loop3A_1297 : vector<16xi1>, vector<16xf32>
        %parallel_loop3A_1299 = arith.constant 3 : i32
        %parallel_loop3A_1300 = arith.addi %parallel_loop3A_1136, %parallel_loop3A_1299 : i32
        %parallel_loop3A_1301 = arith.constant 0 : i32
        %parallel_loop3A_1302 = arith.constant 0 : i32
        %parallel_loop3A_1303 = tpu.memref_slice %arg6[%select_n3A_79, %parallel_loop3A_1301, %parallel_loop3A_1302] : memref<3x200x128xf32, #tpu.memory_space<vmem>> -> memref<1x200x128xf32, #tpu.memory_space<vmem>>
        %parallel_loop3A_1304 = tpu.memref_squeeze %parallel_loop3A_1303 : memref<1x200x128xf32, #tpu.memory_space<vmem>> -> memref<200x128xf32, #tpu.memory_space<vmem>>
        %parallel_loop3A_1305 = arith.index_cast %parallel_loop3A_1300 : i32 to index
        %parallel_loop3A_1306 = arith.constant 0 : index
        %parallel_loop3A_1307 = tpu.vector_load %parallel_loop3A_1304[%parallel_loop3A_1305, %parallel_loop3A_1306] {strides = array<i32>} : memref<200x128xf32, #tpu.memory_space<vmem>>, vector<16xf32>,
        %parallel_loop3A_1308 = arith.constant 3 : i32
        %parallel_loop3A_1309 = arith.addi %parallel_loop3A_1136, %parallel_loop3A_1308 : i32
        %parallel_loop3A_1310 = arith.constant 0 : i32
        %parallel_loop3A_1311 = arith.constant 0 : i32
        %parallel_loop3A_1312 = tpu.memref_slice %arg6[%select_n3A_79, %parallel_loop3A_1310, %parallel_loop3A_1311] : memref<3x200x128xf32, #tpu.memory_space<vmem>> -> memref<1x200x128xf32, #tpu.memory_space<vmem>>
        %parallel_loop3A_1313 = tpu.memref_squeeze %parallel_loop3A_1312 : memref<1x200x128xf32, #tpu.memory_space<vmem>> -> memref<200x128xf32, #tpu.memory_space<vmem>>
        %parallel_loop3A_1314 = arith.index_cast %parallel_loop3A_1309 : i32 to index
        %parallel_loop3A_1315 = arith.constant 16 : index
        %parallel_loop3A_1316 = tpu.vector_load %parallel_loop3A_1313[%parallel_loop3A_1314, %parallel_loop3A_1315] {strides = array<i32>} : memref<200x128xf32, #tpu.memory_space<vmem>>, vector<16xf32>,
        %parallel_loop3A_1317 = arith.constant 3 : i32
        %parallel_loop3A_1318 = arith.addi %parallel_loop3A_1136, %parallel_loop3A_1317 : i32
        %parallel_loop3A_1319 = arith.constant 0 : i32
        %parallel_loop3A_1320 = arith.constant 0 : i32
        %parallel_loop3A_1321 = tpu.memref_slice %arg6[%select_n3A_79, %parallel_loop3A_1319, %parallel_loop3A_1320] : memref<3x200x128xf32, #tpu.memory_space<vmem>> -> memref<1x200x128xf32, #tpu.memory_space<vmem>>
        %parallel_loop3A_1322 = tpu.memref_squeeze %parallel_loop3A_1321 : memref<1x200x128xf32, #tpu.memory_space<vmem>> -> memref<200x128xf32, #tpu.memory_space<vmem>>
        %parallel_loop3A_1323 = arith.index_cast %parallel_loop3A_1318 : i32 to index
        %parallel_loop3A_1324 = arith.constant 32 : index
        %parallel_loop3A_1325 = tpu.vector_load %parallel_loop3A_1322[%parallel_loop3A_1323, %parallel_loop3A_1324] {strides = array<i32>} : memref<200x128xf32, #tpu.memory_space<vmem>>, vector<16xf32>,
        %parallel_loop3A_1326 = arith.constant 3 : i32
        %parallel_loop3A_1327 = arith.addi %parallel_loop3A_1136, %parallel_loop3A_1326 : i32
        %parallel_loop3A_1328 = arith.constant 0 : i32
        %parallel_loop3A_1329 = arith.constant 0 : i32
        %parallel_loop3A_1330 = tpu.memref_slice %arg6[%select_n3A_79, %parallel_loop3A_1328, %parallel_loop3A_1329] : memref<3x200x128xf32, #tpu.memory_space<vmem>> -> memref<1x200x128xf32, #tpu.memory_space<vmem>>
        %parallel_loop3A_1331 = tpu.memref_squeeze %parallel_loop3A_1330 : memref<1x200x128xf32, #tpu.memory_space<vmem>> -> memref<200x128xf32, #tpu.memory_space<vmem>>
        %parallel_loop3A_1332 = arith.index_cast %parallel_loop3A_1327 : i32 to index
        %parallel_loop3A_1333 = arith.constant 48 : index
        %parallel_loop3A_1334 = tpu.vector_load %parallel_loop3A_1331[%parallel_loop3A_1332, %parallel_loop3A_1333] {strides = array<i32>} : memref<200x128xf32, #tpu.memory_space<vmem>>, vector<16xf32>,
        %parallel_loop3A_1335 = arith.mulf %parallel_loop3A_1307, %parallel_loop3A_1307 : vector<16xf32>
        %parallel_loop3A_1336 = arith.mulf %parallel_loop3A_1316, %parallel_loop3A_1316 : vector<16xf32>
        %parallel_loop3A_1337 = arith.addf %parallel_loop3A_1335, %parallel_loop3A_1336 : vector<16xf32>
        %parallel_loop3A_1338 = arith.mulf %parallel_loop3A_1325, %parallel_loop3A_1325 : vector<16xf32>
        %parallel_loop3A_1339 = arith.mulf %parallel_loop3A_1334, %parallel_loop3A_1334 : vector<16xf32>
        %parallel_loop3A_1340 = arith.addf %parallel_loop3A_1338, %parallel_loop3A_1339 : vector<16xf32>
        %parallel_loop3A_1341 = arith.addf %parallel_loop3A_1337, %parallel_loop3A_1340 : vector<16xf32>
        %parallel_loop3A_1342 = arith.constant 3 : i32
        %parallel_loop3A_1343 = vector.broadcast %parallel_loop3A_1342 : i32 to vector<16xi32>
        %parallel_loop3A_1344 = arith.cmpi eq, %iota3A, %parallel_loop3A_1343 : vector<16xi32>
        %parallel_loop3A_1345 = arith.constant true
        %parallel_loop3A_1346 = vector.broadcast %parallel_loop3A_1345 : i1 to vector<16xi1>
        %parallel_loop3A_1347 = tpu.scan <sum>, %parallel_loop3A_1341 masked %parallel_loop3A_1346 : vector<16xf32>, vector<16xi1> -> vector<16xf32>
        %parallel_loop3A_1348 = vector.extract %parallel_loop3A_1347[15] : f32 from vector<16xf32>
        %parallel_loop3A_1349 = vector.broadcast %parallel_loop3A_1348 : f32 to vector<16xf32>
        %parallel_loop3A_1350 = arith.constant 0.000000e+00 : f32
        %parallel_loop3A_1351 = vector.broadcast %parallel_loop3A_1350 : f32 to vector<16xf32>
        %parallel_loop3A_1352 = arith.select %parallel_loop3A_1344, %parallel_loop3A_1349, %parallel_loop3A_1351 : vector<16xi1>, vector<16xf32>
        %parallel_loop3A_1353 = arith.constant 4 : i32
        %parallel_loop3A_1354 = arith.addi %parallel_loop3A_1136, %parallel_loop3A_1353 : i32
        %parallel_loop3A_1355 = arith.constant 0 : i32
        %parallel_loop3A_1356 = arith.constant 0 : i32
        %parallel_loop3A_1357 = tpu.memref_slice %arg6[%select_n3A_79, %parallel_loop3A_1355, %parallel_loop3A_1356] : memref<3x200x128xf32, #tpu.memory_space<vmem>> -> memref<1x200x128xf32, #tpu.memory_space<vmem>>
        %parallel_loop3A_1358 = tpu.memref_squeeze %parallel_loop3A_1357 : memref<1x200x128xf32, #tpu.memory_space<vmem>> -> memref<200x128xf32, #tpu.memory_space<vmem>>
        %parallel_loop3A_1359 = arith.index_cast %parallel_loop3A_1354 : i32 to index
        %parallel_loop3A_1360 = arith.constant 0 : index
        %parallel_loop3A_1361 = tpu.vector_load %parallel_loop3A_1358[%parallel_loop3A_1359, %parallel_loop3A_1360] {strides = array<i32>} : memref<200x128xf32, #tpu.memory_space<vmem>>, vector<16xf32>,
        %parallel_loop3A_1362 = arith.constant 4 : i32
        %parallel_loop3A_1363 = arith.addi %parallel_loop3A_1136, %parallel_loop3A_1362 : i32
        %parallel_loop3A_1364 = arith.constant 0 : i32
        %parallel_loop3A_1365 = arith.constant 0 : i32
        %parallel_loop3A_1366 = tpu.memref_slice %arg6[%select_n3A_79, %parallel_loop3A_1364, %parallel_loop3A_1365] : memref<3x200x128xf32, #tpu.memory_space<vmem>> -> memref<1x200x128xf32, #tpu.memory_space<vmem>>
        %parallel_loop3A_1367 = tpu.memref_squeeze %parallel_loop3A_1366 : memref<1x200x128xf32, #tpu.memory_space<vmem>> -> memref<200x128xf32, #tpu.memory_space<vmem>>
        %parallel_loop3A_1368 = arith.index_cast %parallel_loop3A_1363 : i32 to index
        %parallel_loop3A_1369 = arith.constant 16 : index
        %parallel_loop3A_1370 = tpu.vector_load %parallel_loop3A_1367[%parallel_loop3A_1368, %parallel_loop3A_1369] {strides = array<i32>} : memref<200x128xf32, #tpu.memory_space<vmem>>, vector<16xf32>,
        %parallel_loop3A_1371 = arith.constant 4 : i32
        %parallel_loop3A_1372 = arith.addi %parallel_loop3A_1136, %parallel_loop3A_1371 : i32
        %parallel_loop3A_1373 = arith.constant 0 : i32
        %parallel_loop3A_1374 = arith.constant 0 : i32
        %parallel_loop3A_1375 = tpu.memref_slice %arg6[%select_n3A_79, %parallel_loop3A_1373, %parallel_loop3A_1374] : memref<3x200x128xf32, #tpu.memory_space<vmem>> -> memref<1x200x128xf32, #tpu.memory_space<vmem>>
        %parallel_loop3A_1376 = tpu.memref_squeeze %parallel_loop3A_1375 : memref<1x200x128xf32, #tpu.memory_space<vmem>> -> memref<200x128xf32, #tpu.memory_space<vmem>>
        %parallel_loop3A_1377 = arith.index_cast %parallel_loop3A_1372 : i32 to index
        %parallel_loop3A_1378 = arith.constant 32 : index
        %parallel_loop3A_1379 = tpu.vector_load %parallel_loop3A_1376[%parallel_loop3A_1377, %parallel_loop3A_1378] {strides = array<i32>} : memref<200x128xf32, #tpu.memory_space<vmem>>, vector<16xf32>,
        %parallel_loop3A_1380 = arith.constant 4 : i32
        %parallel_loop3A_1381 = arith.addi %parallel_loop3A_1136, %parallel_loop3A_1380 : i32
        %parallel_loop3A_1382 = arith.constant 0 : i32
        %parallel_loop3A_1383 = arith.constant 0 : i32
        %parallel_loop3A_1384 = tpu.memref_slice %arg6[%select_n3A_79, %parallel_loop3A_1382, %parallel_loop3A_1383] : memref<3x200x128xf32, #tpu.memory_space<vmem>> -> memref<1x200x128xf32, #tpu.memory_space<vmem>>
        %parallel_loop3A_1385 = tpu.memref_squeeze %parallel_loop3A_1384 : memref<1x200x128xf32, #tpu.memory_space<vmem>> -> memref<200x128xf32, #tpu.memory_space<vmem>>
        %parallel_loop3A_1386 = arith.index_cast %parallel_loop3A_1381 : i32 to index
        %parallel_loop3A_1387 = arith.constant 48 : index
        %parallel_loop3A_1388 = tpu.vector_load %parallel_loop3A_1385[%parallel_loop3A_1386, %parallel_loop3A_1387] {strides = array<i32>} : memref<200x128xf32, #tpu.memory_space<vmem>>, vector<16xf32>,
        %parallel_loop3A_1389 = arith.mulf %parallel_loop3A_1361, %parallel_loop3A_1361 : vector<16xf32>
        %parallel_loop3A_1390 = arith.mulf %parallel_loop3A_1370, %parallel_loop3A_1370 : vector<16xf32>
        %parallel_loop3A_1391 = arith.addf %parallel_loop3A_1389, %parallel_loop3A_1390 : vector<16xf32>
        %parallel_loop3A_1392 = arith.mulf %parallel_loop3A_1379, %parallel_loop3A_1379 : vector<16xf32>
        %parallel_loop3A_1393 = arith.mulf %parallel_loop3A_1388, %parallel_loop3A_1388 : vector<16xf32>
        %parallel_loop3A_1394 = arith.addf %parallel_loop3A_1392, %parallel_loop3A_1393 : vector<16xf32>
        %parallel_loop3A_1395 = arith.addf %parallel_loop3A_1391, %parallel_loop3A_1394 : vector<16xf32>
        %parallel_loop3A_1396 = arith.constant 4 : i32
        %parallel_loop3A_1397 = vector.broadcast %parallel_loop3A_1396 : i32 to vector<16xi32>
        %parallel_loop3A_1398 = arith.cmpi eq, %iota3A, %parallel_loop3A_1397 : vector<16xi32>
        %parallel_loop3A_1399 = arith.constant true
        %parallel_loop3A_1400 = vector.broadcast %parallel_loop3A_1399 : i1 to vector<16xi1>
        %parallel_loop3A_1401 = tpu.scan <sum>, %parallel_loop3A_1395 masked %parallel_loop3A_1400 : vector<16xf32>, vector<16xi1> -> vector<16xf32>
        %parallel_loop3A_1402 = vector.extract %parallel_loop3A_1401[15] : f32 from vector<16xf32>
        %parallel_loop3A_1403 = vector.broadcast %parallel_loop3A_1402 : f32 to vector<16xf32>
        %parallel_loop3A_1404 = arith.constant 0.000000e+00 : f32
        %parallel_loop3A_1405 = vector.broadcast %parallel_loop3A_1404 : f32 to vector<16xf32>
        %parallel_loop3A_1406 = arith.select %parallel_loop3A_1398, %parallel_loop3A_1403, %parallel_loop3A_1405 : vector<16xi1>, vector<16xf32>
        %parallel_loop3A_1407 = arith.constant 5 : i32
        %parallel_loop3A_1408 = arith.addi %parallel_loop3A_1136, %parallel_loop3A_1407 : i32
        %parallel_loop3A_1409 = arith.constant 0 : i32
        %parallel_loop3A_1410 = arith.constant 0 : i32
        %parallel_loop3A_1411 = tpu.memref_slice %arg6[%select_n3A_79, %parallel_loop3A_1409, %parallel_loop3A_1410] : memref<3x200x128xf32, #tpu.memory_space<vmem>> -> memref<1x200x128xf32, #tpu.memory_space<vmem>>
        %parallel_loop3A_1412 = tpu.memref_squeeze %parallel_loop3A_1411 : memref<1x200x128xf32, #tpu.memory_space<vmem>> -> memref<200x128xf32, #tpu.memory_space<vmem>>
        %parallel_loop3A_1413 = arith.index_cast %parallel_loop3A_1408 : i32 to index
        %parallel_loop3A_1414 = arith.constant 0 : index
        %parallel_loop3A_1415 = tpu.vector_load %parallel_loop3A_1412[%parallel_loop3A_1413, %parallel_loop3A_1414] {strides = array<i32>} : memref<200x128xf32, #tpu.memory_space<vmem>>, vector<16xf32>,
        %parallel_loop3A_1416 = arith.constant 5 : i32
        %parallel_loop3A_1417 = arith.addi %parallel_loop3A_1136, %parallel_loop3A_1416 : i32
        %parallel_loop3A_1418 = arith.constant 0 : i32
        %parallel_loop3A_1419 = arith.constant 0 : i32
        %parallel_loop3A_1420 = tpu.memref_slice %arg6[%select_n3A_79, %parallel_loop3A_1418, %parallel_loop3A_1419] : memref<3x200x128xf32, #tpu.memory_space<vmem>> -> memref<1x200x128xf32, #tpu.memory_space<vmem>>
        %parallel_loop3A_1421 = tpu.memref_squeeze %parallel_loop3A_1420 : memref<1x200x128xf32, #tpu.memory_space<vmem>> -> memref<200x128xf32, #tpu.memory_space<vmem>>
        %parallel_loop3A_1422 = arith.index_cast %parallel_loop3A_1417 : i32 to index
        %parallel_loop3A_1423 = arith.constant 16 : index
        %parallel_loop3A_1424 = tpu.vector_load %parallel_loop3A_1421[%parallel_loop3A_1422, %parallel_loop3A_1423] {strides = array<i32>} : memref<200x128xf32, #tpu.memory_space<vmem>>, vector<16xf32>,
        %parallel_loop3A_1425 = arith.constant 5 : i32
        %parallel_loop3A_1426 = arith.addi %parallel_loop3A_1136, %parallel_loop3A_1425 : i32
        %parallel_loop3A_1427 = arith.constant 0 : i32
        %parallel_loop3A_1428 = arith.constant 0 : i32
        %parallel_loop3A_1429 = tpu.memref_slice %arg6[%select_n3A_79, %parallel_loop3A_1427, %parallel_loop3A_1428] : memref<3x200x128xf32, #tpu.memory_space<vmem>> -> memref<1x200x128xf32, #tpu.memory_space<vmem>>
        %parallel_loop3A_1430 = tpu.memref_squeeze %parallel_loop3A_1429 : memref<1x200x128xf32, #tpu.memory_space<vmem>> -> memref<200x128xf32, #tpu.memory_space<vmem>>
        %parallel_loop3A_1431 = arith.index_cast %parallel_loop3A_1426 : i32 to index
        %parallel_loop3A_1432 = arith.constant 32 : index
        %parallel_loop3A_1433 = tpu.vector_load %parallel_loop3A_1430[%parallel_loop3A_1431, %parallel_loop3A_1432] {strides = array<i32>} : memref<200x128xf32, #tpu.memory_space<vmem>>, vector<16xf32>,
        %parallel_loop3A_1434 = arith.constant 5 : i32
        %parallel_loop3A_1435 = arith.addi %parallel_loop3A_1136, %parallel_loop3A_1434 : i32
        %parallel_loop3A_1436 = arith.constant 0 : i32
        %parallel_loop3A_1437 = arith.constant 0 : i32
        %parallel_loop3A_1438 = tpu.memref_slice %arg6[%select_n3A_79, %parallel_loop3A_1436, %parallel_loop3A_1437] : memref<3x200x128xf32, #tpu.memory_space<vmem>> -> memref<1x200x128xf32, #tpu.memory_space<vmem>>
        %parallel_loop3A_1439 = tpu.memref_squeeze %parallel_loop3A_1438 : memref<1x200x128xf32, #tpu.memory_space<vmem>> -> memref<200x128xf32, #tpu.memory_space<vmem>>
        %parallel_loop3A_1440 = arith.index_cast %parallel_loop3A_1435 : i32 to index
        %parallel_loop3A_1441 = arith.constant 48 : index
        %parallel_loop3A_1442 = tpu.vector_load %parallel_loop3A_1439[%parallel_loop3A_1440, %parallel_loop3A_1441] {strides = array<i32>} : memref<200x128xf32, #tpu.memory_space<vmem>>, vector<16xf32>,
        %parallel_loop3A_1443 = arith.mulf %parallel_loop3A_1415, %parallel_loop3A_1415 : vector<16xf32>
        %parallel_loop3A_1444 = arith.mulf %parallel_loop3A_1424, %parallel_loop3A_1424 : vector<16xf32>
        %parallel_loop3A_1445 = arith.addf %parallel_loop3A_1443, %parallel_loop3A_1444 : vector<16xf32>
        %parallel_loop3A_1446 = arith.mulf %parallel_loop3A_1433, %parallel_loop3A_1433 : vector<16xf32>
        %parallel_loop3A_1447 = arith.mulf %parallel_loop3A_1442, %parallel_loop3A_1442 : vector<16xf32>
        %parallel_loop3A_1448 = arith.addf %parallel_loop3A_1446, %parallel_loop3A_1447 : vector<16xf32>
        %parallel_loop3A_1449 = arith.addf %parallel_loop3A_1445, %parallel_loop3A_1448 : vector<16xf32>
        %parallel_loop3A_1450 = arith.constant 5 : i32
        %parallel_loop3A_1451 = vector.broadcast %parallel_loop3A_1450 : i32 to vector<16xi32>
        %parallel_loop3A_1452 = arith.cmpi eq, %iota3A, %parallel_loop3A_1451 : vector<16xi32>
        %parallel_loop3A_1453 = arith.constant true
        %parallel_loop3A_1454 = vector.broadcast %parallel_loop3A_1453 : i1 to vector<16xi1>
        %parallel_loop3A_1455 = tpu.scan <sum>, %parallel_loop3A_1449 masked %parallel_loop3A_1454 : vector<16xf32>, vector<16xi1> -> vector<16xf32>
        %parallel_loop3A_1456 = vector.extract %parallel_loop3A_1455[15] : f32 from vector<16xf32>
        %parallel_loop3A_1457 = vector.broadcast %parallel_loop3A_1456 : f32 to vector<16xf32>
        %parallel_loop3A_1458 = arith.constant 0.000000e+00 : f32
        %parallel_loop3A_1459 = vector.broadcast %parallel_loop3A_1458 : f32 to vector<16xf32>
        %parallel_loop3A_1460 = arith.select %parallel_loop3A_1452, %parallel_loop3A_1457, %parallel_loop3A_1459 : vector<16xi1>, vector<16xf32>
        %parallel_loop3A_1461 = arith.constant 6 : i32
        %parallel_loop3A_1462 = arith.addi %parallel_loop3A_1136, %parallel_loop3A_1461 : i32
        %parallel_loop3A_1463 = arith.constant 0 : i32
        %parallel_loop3A_1464 = arith.constant 0 : i32
        %parallel_loop3A_1465 = tpu.memref_slice %arg6[%select_n3A_79, %parallel_loop3A_1463, %parallel_loop3A_1464] : memref<3x200x128xf32, #tpu.memory_space<vmem>> -> memref<1x200x128xf32, #tpu.memory_space<vmem>>
        %parallel_loop3A_1466 = tpu.memref_squeeze %parallel_loop3A_1465 : memref<1x200x128xf32, #tpu.memory_space<vmem>> -> memref<200x128xf32, #tpu.memory_space<vmem>>
        %parallel_loop3A_1467 = arith.index_cast %parallel_loop3A_1462 : i32 to index
        %parallel_loop3A_1468 = arith.constant 0 : index
        %parallel_loop3A_1469 = tpu.vector_load %parallel_loop3A_1466[%parallel_loop3A_1467, %parallel_loop3A_1468] {strides = array<i32>} : memref<200x128xf32, #tpu.memory_space<vmem>>, vector<16xf32>,
        %parallel_loop3A_1470 = arith.constant 6 : i32
        %parallel_loop3A_1471 = arith.addi %parallel_loop3A_1136, %parallel_loop3A_1470 : i32
        %parallel_loop3A_1472 = arith.constant 0 : i32
        %parallel_loop3A_1473 = arith.constant 0 : i32
        %parallel_loop3A_1474 = tpu.memref_slice %arg6[%select_n3A_79, %parallel_loop3A_1472, %parallel_loop3A_1473] : memref<3x200x128xf32, #tpu.memory_space<vmem>> -> memref<1x200x128xf32, #tpu.memory_space<vmem>>
        %parallel_loop3A_1475 = tpu.memref_squeeze %parallel_loop3A_1474 : memref<1x200x128xf32, #tpu.memory_space<vmem>> -> memref<200x128xf32, #tpu.memory_space<vmem>>
        %parallel_loop3A_1476 = arith.index_cast %parallel_loop3A_1471 : i32 to index
        %parallel_loop3A_1477 = arith.constant 16 : index
        %parallel_loop3A_1478 = tpu.vector_load %parallel_loop3A_1475[%parallel_loop3A_1476, %parallel_loop3A_1477] {strides = array<i32>} : memref<200x128xf32, #tpu.memory_space<vmem>>, vector<16xf32>,
        %parallel_loop3A_1479 = arith.constant 6 : i32
        %parallel_loop3A_1480 = arith.addi %parallel_loop3A_1136, %parallel_loop3A_1479 : i32
        %parallel_loop3A_1481 = arith.constant 0 : i32
        %parallel_loop3A_1482 = arith.constant 0 : i32
        %parallel_loop3A_1483 = tpu.memref_slice %arg6[%select_n3A_79, %parallel_loop3A_1481, %parallel_loop3A_1482] : memref<3x200x128xf32, #tpu.memory_space<vmem>> -> memref<1x200x128xf32, #tpu.memory_space<vmem>>
        %parallel_loop3A_1484 = tpu.memref_squeeze %parallel_loop3A_1483 : memref<1x200x128xf32, #tpu.memory_space<vmem>> -> memref<200x128xf32, #tpu.memory_space<vmem>>
        %parallel_loop3A_1485 = arith.index_cast %parallel_loop3A_1480 : i32 to index
        %parallel_loop3A_1486 = arith.constant 32 : index
        %parallel_loop3A_1487 = tpu.vector_load %parallel_loop3A_1484[%parallel_loop3A_1485, %parallel_loop3A_1486] {strides = array<i32>} : memref<200x128xf32, #tpu.memory_space<vmem>>, vector<16xf32>,
        %parallel_loop3A_1488 = arith.constant 6 : i32
        %parallel_loop3A_1489 = arith.addi %parallel_loop3A_1136, %parallel_loop3A_1488 : i32
        %parallel_loop3A_1490 = arith.constant 0 : i32
        %parallel_loop3A_1491 = arith.constant 0 : i32
        %parallel_loop3A_1492 = tpu.memref_slice %arg6[%select_n3A_79, %parallel_loop3A_1490, %parallel_loop3A_1491] : memref<3x200x128xf32, #tpu.memory_space<vmem>> -> memref<1x200x128xf32, #tpu.memory_space<vmem>>
        %parallel_loop3A_1493 = tpu.memref_squeeze %parallel_loop3A_1492 : memref<1x200x128xf32, #tpu.memory_space<vmem>> -> memref<200x128xf32, #tpu.memory_space<vmem>>
        %parallel_loop3A_1494 = arith.index_cast %parallel_loop3A_1489 : i32 to index
        %parallel_loop3A_1495 = arith.constant 48 : index
        %parallel_loop3A_1496 = tpu.vector_load %parallel_loop3A_1493[%parallel_loop3A_1494, %parallel_loop3A_1495] {strides = array<i32>} : memref<200x128xf32, #tpu.memory_space<vmem>>, vector<16xf32>,
        %parallel_loop3A_1497 = arith.mulf %parallel_loop3A_1469, %parallel_loop3A_1469 : vector<16xf32>
        %parallel_loop3A_1498 = arith.mulf %parallel_loop3A_1478, %parallel_loop3A_1478 : vector<16xf32>
        %parallel_loop3A_1499 = arith.addf %parallel_loop3A_1497, %parallel_loop3A_1498 : vector<16xf32>
        %parallel_loop3A_1500 = arith.mulf %parallel_loop3A_1487, %parallel_loop3A_1487 : vector<16xf32>
        %parallel_loop3A_1501 = arith.mulf %parallel_loop3A_1496, %parallel_loop3A_1496 : vector<16xf32>
        %parallel_loop3A_1502 = arith.addf %parallel_loop3A_1500, %parallel_loop3A_1501 : vector<16xf32>
        %parallel_loop3A_1503 = arith.addf %parallel_loop3A_1499, %parallel_loop3A_1502 : vector<16xf32>
        %parallel_loop3A_1504 = arith.constant 6 : i32
        %parallel_loop3A_1505 = vector.broadcast %parallel_loop3A_1504 : i32 to vector<16xi32>
        %parallel_loop3A_1506 = arith.cmpi eq, %iota3A, %parallel_loop3A_1505 : vector<16xi32>
        %parallel_loop3A_1507 = arith.constant true
        %parallel_loop3A_1508 = vector.broadcast %parallel_loop3A_1507 : i1 to vector<16xi1>
        %parallel_loop3A_1509 = tpu.scan <sum>, %parallel_loop3A_1503 masked %parallel_loop3A_1508 : vector<16xf32>, vector<16xi1> -> vector<16xf32>
        %parallel_loop3A_1510 = vector.extract %parallel_loop3A_1509[15] : f32 from vector<16xf32>
        %parallel_loop3A_1511 = vector.broadcast %parallel_loop3A_1510 : f32 to vector<16xf32>
        %parallel_loop3A_1512 = arith.constant 0.000000e+00 : f32
        %parallel_loop3A_1513 = vector.broadcast %parallel_loop3A_1512 : f32 to vector<16xf32>
        %parallel_loop3A_1514 = arith.select %parallel_loop3A_1506, %parallel_loop3A_1511, %parallel_loop3A_1513 : vector<16xi1>, vector<16xf32>
        %parallel_loop3A_1515 = arith.constant 7 : i32
        %parallel_loop3A_1516 = arith.addi %parallel_loop3A_1136, %parallel_loop3A_1515 : i32
        %parallel_loop3A_1517 = arith.constant 0 : i32
        %parallel_loop3A_1518 = arith.constant 0 : i32
        %parallel_loop3A_1519 = tpu.memref_slice %arg6[%select_n3A_79, %parallel_loop3A_1517, %parallel_loop3A_1518] : memref<3x200x128xf32, #tpu.memory_space<vmem>> -> memref<1x200x128xf32, #tpu.memory_space<vmem>>
        %parallel_loop3A_1520 = tpu.memref_squeeze %parallel_loop3A_1519 : memref<1x200x128xf32, #tpu.memory_space<vmem>> -> memref<200x128xf32, #tpu.memory_space<vmem>>
        %parallel_loop3A_1521 = arith.index_cast %parallel_loop3A_1516 : i32 to index
        %parallel_loop3A_1522 = arith.constant 0 : index
        %parallel_loop3A_1523 = tpu.vector_load %parallel_loop3A_1520[%parallel_loop3A_1521, %parallel_loop3A_1522] {strides = array<i32>} : memref<200x128xf32, #tpu.memory_space<vmem>>, vector<16xf32>,
        %parallel_loop3A_1524 = arith.constant 7 : i32
        %parallel_loop3A_1525 = arith.addi %parallel_loop3A_1136, %parallel_loop3A_1524 : i32
        %parallel_loop3A_1526 = arith.constant 0 : i32
        %parallel_loop3A_1527 = arith.constant 0 : i32
        %parallel_loop3A_1528 = tpu.memref_slice %arg6[%select_n3A_79, %parallel_loop3A_1526, %parallel_loop3A_1527] : memref<3x200x128xf32, #tpu.memory_space<vmem>> -> memref<1x200x128xf32, #tpu.memory_space<vmem>>
        %parallel_loop3A_1529 = tpu.memref_squeeze %parallel_loop3A_1528 : memref<1x200x128xf32, #tpu.memory_space<vmem>> -> memref<200x128xf32, #tpu.memory_space<vmem>>
        %parallel_loop3A_1530 = arith.index_cast %parallel_loop3A_1525 : i32 to index
        %parallel_loop3A_1531 = arith.constant 16 : index
        %parallel_loop3A_1532 = tpu.vector_load %parallel_loop3A_1529[%parallel_loop3A_1530, %parallel_loop3A_1531] {strides = array<i32>} : memref<200x128xf32, #tpu.memory_space<vmem>>, vector<16xf32>,
        %parallel_loop3A_1533 = arith.constant 7 : i32
        %parallel_loop3A_1534 = arith.addi %parallel_loop3A_1136, %parallel_loop3A_1533 : i32
        %parallel_loop3A_1535 = arith.constant 0 : i32
        %parallel_loop3A_1536 = arith.constant 0 : i32
        %parallel_loop3A_1537 = tpu.memref_slice %arg6[%select_n3A_79, %parallel_loop3A_1535, %parallel_loop3A_1536] : memref<3x200x128xf32, #tpu.memory_space<vmem>> -> memref<1x200x128xf32, #tpu.memory_space<vmem>>
        %parallel_loop3A_1538 = tpu.memref_squeeze %parallel_loop3A_1537 : memref<1x200x128xf32, #tpu.memory_space<vmem>> -> memref<200x128xf32, #tpu.memory_space<vmem>>
        %parallel_loop3A_1539 = arith.index_cast %parallel_loop3A_1534 : i32 to index
        %parallel_loop3A_1540 = arith.constant 32 : index
        %parallel_loop3A_1541 = tpu.vector_load %parallel_loop3A_1538[%parallel_loop3A_1539, %parallel_loop3A_1540] {strides = array<i32>} : memref<200x128xf32, #tpu.memory_space<vmem>>, vector<16xf32>,
        %parallel_loop3A_1542 = arith.constant 7 : i32
        %parallel_loop3A_1543 = arith.addi %parallel_loop3A_1136, %parallel_loop3A_1542 : i32
        %parallel_loop3A_1544 = arith.constant 0 : i32
        %parallel_loop3A_1545 = arith.constant 0 : i32
        %parallel_loop3A_1546 = tpu.memref_slice %arg6[%select_n3A_79, %parallel_loop3A_1544, %parallel_loop3A_1545] : memref<3x200x128xf32, #tpu.memory_space<vmem>> -> memref<1x200x128xf32, #tpu.memory_space<vmem>>
        %parallel_loop3A_1547 = tpu.memref_squeeze %parallel_loop3A_1546 : memref<1x200x128xf32, #tpu.memory_space<vmem>> -> memref<200x128xf32, #tpu.memory_space<vmem>>
        %parallel_loop3A_1548 = arith.index_cast %parallel_loop3A_1543 : i32 to index
        %parallel_loop3A_1549 = arith.constant 48 : index
        %parallel_loop3A_1550 = tpu.vector_load %parallel_loop3A_1547[%parallel_loop3A_1548, %parallel_loop3A_1549] {strides = array<i32>} : memref<200x128xf32, #tpu.memory_space<vmem>>, vector<16xf32>,
        %parallel_loop3A_1551 = arith.mulf %parallel_loop3A_1523, %parallel_loop3A_1523 : vector<16xf32>
        %parallel_loop3A_1552 = arith.mulf %parallel_loop3A_1532, %parallel_loop3A_1532 : vector<16xf32>
        %parallel_loop3A_1553 = arith.addf %parallel_loop3A_1551, %parallel_loop3A_1552 : vector<16xf32>
        %parallel_loop3A_1554 = arith.mulf %parallel_loop3A_1541, %parallel_loop3A_1541 : vector<16xf32>
        %parallel_loop3A_1555 = arith.mulf %parallel_loop3A_1550, %parallel_loop3A_1550 : vector<16xf32>
        %parallel_loop3A_1556 = arith.addf %parallel_loop3A_1554, %parallel_loop3A_1555 : vector<16xf32>
        %parallel_loop3A_1557 = arith.addf %parallel_loop3A_1553, %parallel_loop3A_1556 : vector<16xf32>
        %parallel_loop3A_1558 = arith.constant 7 : i32
        %parallel_loop3A_1559 = vector.broadcast %parallel_loop3A_1558 : i32 to vector<16xi32>
        %parallel_loop3A_1560 = arith.cmpi eq, %iota3A, %parallel_loop3A_1559 : vector<16xi32>
        %parallel_loop3A_1561 = arith.constant true
        %parallel_loop3A_1562 = vector.broadcast %parallel_loop3A_1561 : i1 to vector<16xi1>
        %parallel_loop3A_1563 = tpu.scan <sum>, %parallel_loop3A_1557 masked %parallel_loop3A_1562 : vector<16xf32>, vector<16xi1> -> vector<16xf32>
        %parallel_loop3A_1564 = vector.extract %parallel_loop3A_1563[15] : f32 from vector<16xf32>
        %parallel_loop3A_1565 = vector.broadcast %parallel_loop3A_1564 : f32 to vector<16xf32>
        %parallel_loop3A_1566 = arith.constant 0.000000e+00 : f32
        %parallel_loop3A_1567 = vector.broadcast %parallel_loop3A_1566 : f32 to vector<16xf32>
        %parallel_loop3A_1568 = arith.select %parallel_loop3A_1560, %parallel_loop3A_1565, %parallel_loop3A_1567 : vector<16xi1>, vector<16xf32>
        %parallel_loop3A_1569 = arith.constant 8 : i32
        %parallel_loop3A_1570 = arith.addi %parallel_loop3A_1136, %parallel_loop3A_1569 : i32
        %parallel_loop3A_1571 = arith.constant 0 : i32
        %parallel_loop3A_1572 = arith.constant 0 : i32
        %parallel_loop3A_1573 = tpu.memref_slice %arg6[%select_n3A_79, %parallel_loop3A_1571, %parallel_loop3A_1572] : memref<3x200x128xf32, #tpu.memory_space<vmem>> -> memref<1x200x128xf32, #tpu.memory_space<vmem>>
        %parallel_loop3A_1574 = tpu.memref_squeeze %parallel_loop3A_1573 : memref<1x200x128xf32, #tpu.memory_space<vmem>> -> memref<200x128xf32, #tpu.memory_space<vmem>>
        %parallel_loop3A_1575 = arith.index_cast %parallel_loop3A_1570 : i32 to index
        %parallel_loop3A_1576 = arith.constant 0 : index
        %parallel_loop3A_1577 = tpu.vector_load %parallel_loop3A_1574[%parallel_loop3A_1575, %parallel_loop3A_1576] {strides = array<i32>} : memref<200x128xf32, #tpu.memory_space<vmem>>, vector<16xf32>,
        %parallel_loop3A_1578 = arith.constant 8 : i32
        %parallel_loop3A_1579 = arith.addi %parallel_loop3A_1136, %parallel_loop3A_1578 : i32
        %parallel_loop3A_1580 = arith.constant 0 : i32
        %parallel_loop3A_1581 = arith.constant 0 : i32
        %parallel_loop3A_1582 = tpu.memref_slice %arg6[%select_n3A_79, %parallel_loop3A_1580, %parallel_loop3A_1581] : memref<3x200x128xf32, #tpu.memory_space<vmem>> -> memref<1x200x128xf32, #tpu.memory_space<vmem>>
        %parallel_loop3A_1583 = tpu.memref_squeeze %parallel_loop3A_1582 : memref<1x200x128xf32, #tpu.memory_space<vmem>> -> memref<200x128xf32, #tpu.memory_space<vmem>>
        %parallel_loop3A_1584 = arith.index_cast %parallel_loop3A_1579 : i32 to index
        %parallel_loop3A_1585 = arith.constant 16 : index
        %parallel_loop3A_1586 = tpu.vector_load %parallel_loop3A_1583[%parallel_loop3A_1584, %parallel_loop3A_1585] {strides = array<i32>} : memref<200x128xf32, #tpu.memory_space<vmem>>, vector<16xf32>,
        %parallel_loop3A_1587 = arith.constant 8 : i32
        %parallel_loop3A_1588 = arith.addi %parallel_loop3A_1136, %parallel_loop3A_1587 : i32
        %parallel_loop3A_1589 = arith.constant 0 : i32
        %parallel_loop3A_1590 = arith.constant 0 : i32
        %parallel_loop3A_1591 = tpu.memref_slice %arg6[%select_n3A_79, %parallel_loop3A_1589, %parallel_loop3A_1590] : memref<3x200x128xf32, #tpu.memory_space<vmem>> -> memref<1x200x128xf32, #tpu.memory_space<vmem>>
        %parallel_loop3A_1592 = tpu.memref_squeeze %parallel_loop3A_1591 : memref<1x200x128xf32, #tpu.memory_space<vmem>> -> memref<200x128xf32, #tpu.memory_space<vmem>>
        %parallel_loop3A_1593 = arith.index_cast %parallel_loop3A_1588 : i32 to index
        %parallel_loop3A_1594 = arith.constant 32 : index
        %parallel_loop3A_1595 = tpu.vector_load %parallel_loop3A_1592[%parallel_loop3A_1593, %parallel_loop3A_1594] {strides = array<i32>} : memref<200x128xf32, #tpu.memory_space<vmem>>, vector<16xf32>,
        %parallel_loop3A_1596 = arith.constant 8 : i32
        %parallel_loop3A_1597 = arith.addi %parallel_loop3A_1136, %parallel_loop3A_1596 : i32
        %parallel_loop3A_1598 = arith.constant 0 : i32
        %parallel_loop3A_1599 = arith.constant 0 : i32
        %parallel_loop3A_1600 = tpu.memref_slice %arg6[%select_n3A_79, %parallel_loop3A_1598, %parallel_loop3A_1599] : memref<3x200x128xf32, #tpu.memory_space<vmem>> -> memref<1x200x128xf32, #tpu.memory_space<vmem>>
        %parallel_loop3A_1601 = tpu.memref_squeeze %parallel_loop3A_1600 : memref<1x200x128xf32, #tpu.memory_space<vmem>> -> memref<200x128xf32, #tpu.memory_space<vmem>>
        %parallel_loop3A_1602 = arith.index_cast %parallel_loop3A_1597 : i32 to index
        %parallel_loop3A_1603 = arith.constant 48 : index
        %parallel_loop3A_1604 = tpu.vector_load %parallel_loop3A_1601[%parallel_loop3A_1602, %parallel_loop3A_1603] {strides = array<i32>} : memref<200x128xf32, #tpu.memory_space<vmem>>, vector<16xf32>,
        %parallel_loop3A_1605 = arith.mulf %parallel_loop3A_1577, %parallel_loop3A_1577 : vector<16xf32>
        %parallel_loop3A_1606 = arith.mulf %parallel_loop3A_1586, %parallel_loop3A_1586 : vector<16xf32>
        %parallel_loop3A_1607 = arith.addf %parallel_loop3A_1605, %parallel_loop3A_1606 : vector<16xf32>
        %parallel_loop3A_1608 = arith.mulf %parallel_loop3A_1595, %parallel_loop3A_1595 : vector<16xf32>
        %parallel_loop3A_1609 = arith.mulf %parallel_loop3A_1604, %parallel_loop3A_1604 : vector<16xf32>
        %parallel_loop3A_1610 = arith.addf %parallel_loop3A_1608, %parallel_loop3A_1609 : vector<16xf32>
        %parallel_loop3A_1611 = arith.addf %parallel_loop3A_1607, %parallel_loop3A_1610 : vector<16xf32>
        %parallel_loop3A_1612 = arith.constant 8 : i32
        %parallel_loop3A_1613 = vector.broadcast %parallel_loop3A_1612 : i32 to vector<16xi32>
        %parallel_loop3A_1614 = arith.cmpi eq, %iota3A, %parallel_loop3A_1613 : vector<16xi32>
        %parallel_loop3A_1615 = arith.constant true
        %parallel_loop3A_1616 = vector.broadcast %parallel_loop3A_1615 : i1 to vector<16xi1>
        %parallel_loop3A_1617 = tpu.scan <sum>, %parallel_loop3A_1611 masked %parallel_loop3A_1616 : vector<16xf32>, vector<16xi1> -> vector<16xf32>
        %parallel_loop3A_1618 = vector.extract %parallel_loop3A_1617[15] : f32 from vector<16xf32>
        %parallel_loop3A_1619 = vector.broadcast %parallel_loop3A_1618 : f32 to vector<16xf32>
        %parallel_loop3A_1620 = arith.constant 0.000000e+00 : f32
        %parallel_loop3A_1621 = vector.broadcast %parallel_loop3A_1620 : f32 to vector<16xf32>
        %parallel_loop3A_1622 = arith.select %parallel_loop3A_1614, %parallel_loop3A_1619, %parallel_loop3A_1621 : vector<16xi1>, vector<16xf32>
        %parallel_loop3A_1623 = arith.constant 9 : i32
        %parallel_loop3A_1624 = arith.addi %parallel_loop3A_1136, %parallel_loop3A_1623 : i32
        %parallel_loop3A_1625 = arith.constant 0 : i32
        %parallel_loop3A_1626 = arith.constant 0 : i32
        %parallel_loop3A_1627 = tpu.memref_slice %arg6[%select_n3A_79, %parallel_loop3A_1625, %parallel_loop3A_1626] : memref<3x200x128xf32, #tpu.memory_space<vmem>> -> memref<1x200x128xf32, #tpu.memory_space<vmem>>
        %parallel_loop3A_1628 = tpu.memref_squeeze %parallel_loop3A_1627 : memref<1x200x128xf32, #tpu.memory_space<vmem>> -> memref<200x128xf32, #tpu.memory_space<vmem>>
        %parallel_loop3A_1629 = arith.index_cast %parallel_loop3A_1624 : i32 to index
        %parallel_loop3A_1630 = arith.constant 0 : index
        %parallel_loop3A_1631 = tpu.vector_load %parallel_loop3A_1628[%parallel_loop3A_1629, %parallel_loop3A_1630] {strides = array<i32>} : memref<200x128xf32, #tpu.memory_space<vmem>>, vector<16xf32>,
        %parallel_loop3A_1632 = arith.constant 9 : i32
        %parallel_loop3A_1633 = arith.addi %parallel_loop3A_1136, %parallel_loop3A_1632 : i32
        %parallel_loop3A_1634 = arith.constant 0 : i32
        %parallel_loop3A_1635 = arith.constant 0 : i32
        %parallel_loop3A_1636 = tpu.memref_slice %arg6[%select_n3A_79, %parallel_loop3A_1634, %parallel_loop3A_1635] : memref<3x200x128xf32, #tpu.memory_space<vmem>> -> memref<1x200x128xf32, #tpu.memory_space<vmem>>
        %parallel_loop3A_1637 = tpu.memref_squeeze %parallel_loop3A_1636 : memref<1x200x128xf32, #tpu.memory_space<vmem>> -> memref<200x128xf32, #tpu.memory_space<vmem>>
        %parallel_loop3A_1638 = arith.index_cast %parallel_loop3A_1633 : i32 to index
        %parallel_loop3A_1639 = arith.constant 16 : index
        %parallel_loop3A_1640 = tpu.vector_load %parallel_loop3A_1637[%parallel_loop3A_1638, %parallel_loop3A_1639] {strides = array<i32>} : memref<200x128xf32, #tpu.memory_space<vmem>>, vector<16xf32>,
        %parallel_loop3A_1641 = arith.constant 9 : i32
        %parallel_loop3A_1642 = arith.addi %parallel_loop3A_1136, %parallel_loop3A_1641 : i32
        %parallel_loop3A_1643 = arith.constant 0 : i32
        %parallel_loop3A_1644 = arith.constant 0 : i32
        %parallel_loop3A_1645 = tpu.memref_slice %arg6[%select_n3A_79, %parallel_loop3A_1643, %parallel_loop3A_1644] : memref<3x200x128xf32, #tpu.memory_space<vmem>> -> memref<1x200x128xf32, #tpu.memory_space<vmem>>
        %parallel_loop3A_1646 = tpu.memref_squeeze %parallel_loop3A_1645 : memref<1x200x128xf32, #tpu.memory_space<vmem>> -> memref<200x128xf32, #tpu.memory_space<vmem>>
        %parallel_loop3A_1647 = arith.index_cast %parallel_loop3A_1642 : i32 to index
        %parallel_loop3A_1648 = arith.constant 32 : index
        %parallel_loop3A_1649 = tpu.vector_load %parallel_loop3A_1646[%parallel_loop3A_1647, %parallel_loop3A_1648] {strides = array<i32>} : memref<200x128xf32, #tpu.memory_space<vmem>>, vector<16xf32>,
        %parallel_loop3A_1650 = arith.constant 9 : i32
        %parallel_loop3A_1651 = arith.addi %parallel_loop3A_1136, %parallel_loop3A_1650 : i32
        %parallel_loop3A_1652 = arith.constant 0 : i32
        %parallel_loop3A_1653 = arith.constant 0 : i32
        %parallel_loop3A_1654 = tpu.memref_slice %arg6[%select_n3A_79, %parallel_loop3A_1652, %parallel_loop3A_1653] : memref<3x200x128xf32, #tpu.memory_space<vmem>> -> memref<1x200x128xf32, #tpu.memory_space<vmem>>
        %parallel_loop3A_1655 = tpu.memref_squeeze %parallel_loop3A_1654 : memref<1x200x128xf32, #tpu.memory_space<vmem>> -> memref<200x128xf32, #tpu.memory_space<vmem>>
        %parallel_loop3A_1656 = arith.index_cast %parallel_loop3A_1651 : i32 to index
        %parallel_loop3A_1657 = arith.constant 48 : index
        %parallel_loop3A_1658 = tpu.vector_load %parallel_loop3A_1655[%parallel_loop3A_1656, %parallel_loop3A_1657] {strides = array<i32>} : memref<200x128xf32, #tpu.memory_space<vmem>>, vector<16xf32>,
        %parallel_loop3A_1659 = arith.mulf %parallel_loop3A_1631, %parallel_loop3A_1631 : vector<16xf32>
        %parallel_loop3A_1660 = arith.mulf %parallel_loop3A_1640, %parallel_loop3A_1640 : vector<16xf32>
        %parallel_loop3A_1661 = arith.addf %parallel_loop3A_1659, %parallel_loop3A_1660 : vector<16xf32>
        %parallel_loop3A_1662 = arith.mulf %parallel_loop3A_1649, %parallel_loop3A_1649 : vector<16xf32>
        %parallel_loop3A_1663 = arith.mulf %parallel_loop3A_1658, %parallel_loop3A_1658 : vector<16xf32>
        %parallel_loop3A_1664 = arith.addf %parallel_loop3A_1662, %parallel_loop3A_1663 : vector<16xf32>
        %parallel_loop3A_1665 = arith.addf %parallel_loop3A_1661, %parallel_loop3A_1664 : vector<16xf32>
        %parallel_loop3A_1666 = arith.constant 9 : i32
        %parallel_loop3A_1667 = vector.broadcast %parallel_loop3A_1666 : i32 to vector<16xi32>
        %parallel_loop3A_1668 = arith.cmpi eq, %iota3A, %parallel_loop3A_1667 : vector<16xi32>
        %parallel_loop3A_1669 = arith.constant true
        %parallel_loop3A_1670 = vector.broadcast %parallel_loop3A_1669 : i1 to vector<16xi1>
        %parallel_loop3A_1671 = tpu.scan <sum>, %parallel_loop3A_1665 masked %parallel_loop3A_1670 : vector<16xf32>, vector<16xi1> -> vector<16xf32>
        %parallel_loop3A_1672 = vector.extract %parallel_loop3A_1671[15] : f32 from vector<16xf32>
        %parallel_loop3A_1673 = vector.broadcast %parallel_loop3A_1672 : f32 to vector<16xf32>
        %parallel_loop3A_1674 = arith.constant 0.000000e+00 : f32
        %parallel_loop3A_1675 = vector.broadcast %parallel_loop3A_1674 : f32 to vector<16xf32>
        %parallel_loop3A_1676 = arith.select %parallel_loop3A_1668, %parallel_loop3A_1673, %parallel_loop3A_1675 : vector<16xi1>, vector<16xf32>
        %parallel_loop3A_1677 = arith.constant 10 : i32
        %parallel_loop3A_1678 = arith.addi %parallel_loop3A_1136, %parallel_loop3A_1677 : i32
        %parallel_loop3A_1679 = arith.constant 0 : i32
        %parallel_loop3A_1680 = arith.constant 0 : i32
        %parallel_loop3A_1681 = tpu.memref_slice %arg6[%select_n3A_79, %parallel_loop3A_1679, %parallel_loop3A_1680] : memref<3x200x128xf32, #tpu.memory_space<vmem>> -> memref<1x200x128xf32, #tpu.memory_space<vmem>>
        %parallel_loop3A_1682 = tpu.memref_squeeze %parallel_loop3A_1681 : memref<1x200x128xf32, #tpu.memory_space<vmem>> -> memref<200x128xf32, #tpu.memory_space<vmem>>
        %parallel_loop3A_1683 = arith.index_cast %parallel_loop3A_1678 : i32 to index
        %parallel_loop3A_1684 = arith.constant 0 : index
        %parallel_loop3A_1685 = tpu.vector_load %parallel_loop3A_1682[%parallel_loop3A_1683, %parallel_loop3A_1684] {strides = array<i32>} : memref<200x128xf32, #tpu.memory_space<vmem>>, vector<16xf32>,
        %parallel_loop3A_1686 = arith.constant 10 : i32
        %parallel_loop3A_1687 = arith.addi %parallel_loop3A_1136, %parallel_loop3A_1686 : i32
        %parallel_loop3A_1688 = arith.constant 0 : i32
        %parallel_loop3A_1689 = arith.constant 0 : i32
        %parallel_loop3A_1690 = tpu.memref_slice %arg6[%select_n3A_79, %parallel_loop3A_1688, %parallel_loop3A_1689] : memref<3x200x128xf32, #tpu.memory_space<vmem>> -> memref<1x200x128xf32, #tpu.memory_space<vmem>>
        %parallel_loop3A_1691 = tpu.memref_squeeze %parallel_loop3A_1690 : memref<1x200x128xf32, #tpu.memory_space<vmem>> -> memref<200x128xf32, #tpu.memory_space<vmem>>
        %parallel_loop3A_1692 = arith.index_cast %parallel_loop3A_1687 : i32 to index
        %parallel_loop3A_1693 = arith.constant 16 : index
        %parallel_loop3A_1694 = tpu.vector_load %parallel_loop3A_1691[%parallel_loop3A_1692, %parallel_loop3A_1693] {strides = array<i32>} : memref<200x128xf32, #tpu.memory_space<vmem>>, vector<16xf32>,
        %parallel_loop3A_1695 = arith.constant 10 : i32
        %parallel_loop3A_1696 = arith.addi %parallel_loop3A_1136, %parallel_loop3A_1695 : i32
        %parallel_loop3A_1697 = arith.constant 0 : i32
        %parallel_loop3A_1698 = arith.constant 0 : i32
        %parallel_loop3A_1699 = tpu.memref_slice %arg6[%select_n3A_79, %parallel_loop3A_1697, %parallel_loop3A_1698] : memref<3x200x128xf32, #tpu.memory_space<vmem>> -> memref<1x200x128xf32, #tpu.memory_space<vmem>>
        %parallel_loop3A_1700 = tpu.memref_squeeze %parallel_loop3A_1699 : memref<1x200x128xf32, #tpu.memory_space<vmem>> -> memref<200x128xf32, #tpu.memory_space<vmem>>
        %parallel_loop3A_1701 = arith.index_cast %parallel_loop3A_1696 : i32 to index
        %parallel_loop3A_1702 = arith.constant 32 : index
        %parallel_loop3A_1703 = tpu.vector_load %parallel_loop3A_1700[%parallel_loop3A_1701, %parallel_loop3A_1702] {strides = array<i32>} : memref<200x128xf32, #tpu.memory_space<vmem>>, vector<16xf32>,
        %parallel_loop3A_1704 = arith.constant 10 : i32
        %parallel_loop3A_1705 = arith.addi %parallel_loop3A_1136, %parallel_loop3A_1704 : i32
        %parallel_loop3A_1706 = arith.constant 0 : i32
        %parallel_loop3A_1707 = arith.constant 0 : i32
        %parallel_loop3A_1708 = tpu.memref_slice %arg6[%select_n3A_79, %parallel_loop3A_1706, %parallel_loop3A_1707] : memref<3x200x128xf32, #tpu.memory_space<vmem>> -> memref<1x200x128xf32, #tpu.memory_space<vmem>>
        %parallel_loop3A_1709 = tpu.memref_squeeze %parallel_loop3A_1708 : memref<1x200x128xf32, #tpu.memory_space<vmem>> -> memref<200x128xf32, #tpu.memory_space<vmem>>
        %parallel_loop3A_1710 = arith.index_cast %parallel_loop3A_1705 : i32 to index
        %parallel_loop3A_1711 = arith.constant 48 : index
        %parallel_loop3A_1712 = tpu.vector_load %parallel_loop3A_1709[%parallel_loop3A_1710, %parallel_loop3A_1711] {strides = array<i32>} : memref<200x128xf32, #tpu.memory_space<vmem>>, vector<16xf32>,
        %parallel_loop3A_1713 = arith.mulf %parallel_loop3A_1685, %parallel_loop3A_1685 : vector<16xf32>
        %parallel_loop3A_1714 = arith.mulf %parallel_loop3A_1694, %parallel_loop3A_1694 : vector<16xf32>
        %parallel_loop3A_1715 = arith.addf %parallel_loop3A_1713, %parallel_loop3A_1714 : vector<16xf32>
        %parallel_loop3A_1716 = arith.mulf %parallel_loop3A_1703, %parallel_loop3A_1703 : vector<16xf32>
        %parallel_loop3A_1717 = arith.mulf %parallel_loop3A_1712, %parallel_loop3A_1712 : vector<16xf32>
        %parallel_loop3A_1718 = arith.addf %parallel_loop3A_1716, %parallel_loop3A_1717 : vector<16xf32>
        %parallel_loop3A_1719 = arith.addf %parallel_loop3A_1715, %parallel_loop3A_1718 : vector<16xf32>
        %parallel_loop3A_1720 = arith.constant 10 : i32
        %parallel_loop3A_1721 = vector.broadcast %parallel_loop3A_1720 : i32 to vector<16xi32>
        %parallel_loop3A_1722 = arith.cmpi eq, %iota3A, %parallel_loop3A_1721 : vector<16xi32>
        %parallel_loop3A_1723 = arith.constant true
        %parallel_loop3A_1724 = vector.broadcast %parallel_loop3A_1723 : i1 to vector<16xi1>
        %parallel_loop3A_1725 = tpu.scan <sum>, %parallel_loop3A_1719 masked %parallel_loop3A_1724 : vector<16xf32>, vector<16xi1> -> vector<16xf32>
        %parallel_loop3A_1726 = vector.extract %parallel_loop3A_1725[15] : f32 from vector<16xf32>
        %parallel_loop3A_1727 = vector.broadcast %parallel_loop3A_1726 : f32 to vector<16xf32>
        %parallel_loop3A_1728 = arith.constant 0.000000e+00 : f32
        %parallel_loop3A_1729 = vector.broadcast %parallel_loop3A_1728 : f32 to vector<16xf32>
        %parallel_loop3A_1730 = arith.select %parallel_loop3A_1722, %parallel_loop3A_1727, %parallel_loop3A_1729 : vector<16xi1>, vector<16xf32>
        %parallel_loop3A_1731 = arith.constant 11 : i32
        %parallel_loop3A_1732 = arith.addi %parallel_loop3A_1136, %parallel_loop3A_1731 : i32
        %parallel_loop3A_1733 = arith.constant 0 : i32
        %parallel_loop3A_1734 = arith.constant 0 : i32
        %parallel_loop3A_1735 = tpu.memref_slice %arg6[%select_n3A_79, %parallel_loop3A_1733, %parallel_loop3A_1734] : memref<3x200x128xf32, #tpu.memory_space<vmem>> -> memref<1x200x128xf32, #tpu.memory_space<vmem>>
        %parallel_loop3A_1736 = tpu.memref_squeeze %parallel_loop3A_1735 : memref<1x200x128xf32, #tpu.memory_space<vmem>> -> memref<200x128xf32, #tpu.memory_space<vmem>>
        %parallel_loop3A_1737 = arith.index_cast %parallel_loop3A_1732 : i32 to index
        %parallel_loop3A_1738 = arith.constant 0 : index
        %parallel_loop3A_1739 = tpu.vector_load %parallel_loop3A_1736[%parallel_loop3A_1737, %parallel_loop3A_1738] {strides = array<i32>} : memref<200x128xf32, #tpu.memory_space<vmem>>, vector<16xf32>,
        %parallel_loop3A_1740 = arith.constant 11 : i32
        %parallel_loop3A_1741 = arith.addi %parallel_loop3A_1136, %parallel_loop3A_1740 : i32
        %parallel_loop3A_1742 = arith.constant 0 : i32
        %parallel_loop3A_1743 = arith.constant 0 : i32
        %parallel_loop3A_1744 = tpu.memref_slice %arg6[%select_n3A_79, %parallel_loop3A_1742, %parallel_loop3A_1743] : memref<3x200x128xf32, #tpu.memory_space<vmem>> -> memref<1x200x128xf32, #tpu.memory_space<vmem>>
        %parallel_loop3A_1745 = tpu.memref_squeeze %parallel_loop3A_1744 : memref<1x200x128xf32, #tpu.memory_space<vmem>> -> memref<200x128xf32, #tpu.memory_space<vmem>>
        %parallel_loop3A_1746 = arith.index_cast %parallel_loop3A_1741 : i32 to index
        %parallel_loop3A_1747 = arith.constant 16 : index
        %parallel_loop3A_1748 = tpu.vector_load %parallel_loop3A_1745[%parallel_loop3A_1746, %parallel_loop3A_1747] {strides = array<i32>} : memref<200x128xf32, #tpu.memory_space<vmem>>, vector<16xf32>,
        %parallel_loop3A_1749 = arith.constant 11 : i32
        %parallel_loop3A_1750 = arith.addi %parallel_loop3A_1136, %parallel_loop3A_1749 : i32
        %parallel_loop3A_1751 = arith.constant 0 : i32
        %parallel_loop3A_1752 = arith.constant 0 : i32
        %parallel_loop3A_1753 = tpu.memref_slice %arg6[%select_n3A_79, %parallel_loop3A_1751, %parallel_loop3A_1752] : memref<3x200x128xf32, #tpu.memory_space<vmem>> -> memref<1x200x128xf32, #tpu.memory_space<vmem>>
        %parallel_loop3A_1754 = tpu.memref_squeeze %parallel_loop3A_1753 : memref<1x200x128xf32, #tpu.memory_space<vmem>> -> memref<200x128xf32, #tpu.memory_space<vmem>>
        %parallel_loop3A_1755 = arith.index_cast %parallel_loop3A_1750 : i32 to index
        %parallel_loop3A_1756 = arith.constant 32 : index
        %parallel_loop3A_1757 = tpu.vector_load %parallel_loop3A_1754[%parallel_loop3A_1755, %parallel_loop3A_1756] {strides = array<i32>} : memref<200x128xf32, #tpu.memory_space<vmem>>, vector<16xf32>,
        %parallel_loop3A_1758 = arith.constant 11 : i32
        %parallel_loop3A_1759 = arith.addi %parallel_loop3A_1136, %parallel_loop3A_1758 : i32
        %parallel_loop3A_1760 = arith.constant 0 : i32
        %parallel_loop3A_1761 = arith.constant 0 : i32
        %parallel_loop3A_1762 = tpu.memref_slice %arg6[%select_n3A_79, %parallel_loop3A_1760, %parallel_loop3A_1761] : memref<3x200x128xf32, #tpu.memory_space<vmem>> -> memref<1x200x128xf32, #tpu.memory_space<vmem>>
        %parallel_loop3A_1763 = tpu.memref_squeeze %parallel_loop3A_1762 : memref<1x200x128xf32, #tpu.memory_space<vmem>> -> memref<200x128xf32, #tpu.memory_space<vmem>>
        %parallel_loop3A_1764 = arith.index_cast %parallel_loop3A_1759 : i32 to index
        %parallel_loop3A_1765 = arith.constant 48 : index
        %parallel_loop3A_1766 = tpu.vector_load %parallel_loop3A_1763[%parallel_loop3A_1764, %parallel_loop3A_1765] {strides = array<i32>} : memref<200x128xf32, #tpu.memory_space<vmem>>, vector<16xf32>,
        %parallel_loop3A_1767 = arith.mulf %parallel_loop3A_1739, %parallel_loop3A_1739 : vector<16xf32>
        %parallel_loop3A_1768 = arith.mulf %parallel_loop3A_1748, %parallel_loop3A_1748 : vector<16xf32>
        %parallel_loop3A_1769 = arith.addf %parallel_loop3A_1767, %parallel_loop3A_1768 : vector<16xf32>
        %parallel_loop3A_1770 = arith.mulf %parallel_loop3A_1757, %parallel_loop3A_1757 : vector<16xf32>
        %parallel_loop3A_1771 = arith.mulf %parallel_loop3A_1766, %parallel_loop3A_1766 : vector<16xf32>
        %parallel_loop3A_1772 = arith.addf %parallel_loop3A_1770, %parallel_loop3A_1771 : vector<16xf32>
        %parallel_loop3A_1773 = arith.addf %parallel_loop3A_1769, %parallel_loop3A_1772 : vector<16xf32>
        %parallel_loop3A_1774 = arith.constant 11 : i32
        %parallel_loop3A_1775 = vector.broadcast %parallel_loop3A_1774 : i32 to vector<16xi32>
        %parallel_loop3A_1776 = arith.cmpi eq, %iota3A, %parallel_loop3A_1775 : vector<16xi32>
        %parallel_loop3A_1777 = arith.constant true
        %parallel_loop3A_1778 = vector.broadcast %parallel_loop3A_1777 : i1 to vector<16xi1>
        %parallel_loop3A_1779 = tpu.scan <sum>, %parallel_loop3A_1773 masked %parallel_loop3A_1778 : vector<16xf32>, vector<16xi1> -> vector<16xf32>
        %parallel_loop3A_1780 = vector.extract %parallel_loop3A_1779[15] : f32 from vector<16xf32>
        %parallel_loop3A_1781 = vector.broadcast %parallel_loop3A_1780 : f32 to vector<16xf32>
        %parallel_loop3A_1782 = arith.constant 0.000000e+00 : f32
        %parallel_loop3A_1783 = vector.broadcast %parallel_loop3A_1782 : f32 to vector<16xf32>
        %parallel_loop3A_1784 = arith.select %parallel_loop3A_1776, %parallel_loop3A_1781, %parallel_loop3A_1783 : vector<16xi1>, vector<16xf32>
        %parallel_loop3A_1785 = arith.constant 12 : i32
        %parallel_loop3A_1786 = arith.addi %parallel_loop3A_1136, %parallel_loop3A_1785 : i32
        %parallel_loop3A_1787 = arith.constant 0 : i32
        %parallel_loop3A_1788 = arith.constant 0 : i32
        %parallel_loop3A_1789 = tpu.memref_slice %arg6[%select_n3A_79, %parallel_loop3A_1787, %parallel_loop3A_1788] : memref<3x200x128xf32, #tpu.memory_space<vmem>> -> memref<1x200x128xf32, #tpu.memory_space<vmem>>
        %parallel_loop3A_1790 = tpu.memref_squeeze %parallel_loop3A_1789 : memref<1x200x128xf32, #tpu.memory_space<vmem>> -> memref<200x128xf32, #tpu.memory_space<vmem>>
        %parallel_loop3A_1791 = arith.index_cast %parallel_loop3A_1786 : i32 to index
        %parallel_loop3A_1792 = arith.constant 0 : index
        %parallel_loop3A_1793 = tpu.vector_load %parallel_loop3A_1790[%parallel_loop3A_1791, %parallel_loop3A_1792] {strides = array<i32>} : memref<200x128xf32, #tpu.memory_space<vmem>>, vector<16xf32>,
        %parallel_loop3A_1794 = arith.constant 12 : i32
        %parallel_loop3A_1795 = arith.addi %parallel_loop3A_1136, %parallel_loop3A_1794 : i32
        %parallel_loop3A_1796 = arith.constant 0 : i32
        %parallel_loop3A_1797 = arith.constant 0 : i32
        %parallel_loop3A_1798 = tpu.memref_slice %arg6[%select_n3A_79, %parallel_loop3A_1796, %parallel_loop3A_1797] : memref<3x200x128xf32, #tpu.memory_space<vmem>> -> memref<1x200x128xf32, #tpu.memory_space<vmem>>
        %parallel_loop3A_1799 = tpu.memref_squeeze %parallel_loop3A_1798 : memref<1x200x128xf32, #tpu.memory_space<vmem>> -> memref<200x128xf32, #tpu.memory_space<vmem>>
        %parallel_loop3A_1800 = arith.index_cast %parallel_loop3A_1795 : i32 to index
        %parallel_loop3A_1801 = arith.constant 16 : index
        %parallel_loop3A_1802 = tpu.vector_load %parallel_loop3A_1799[%parallel_loop3A_1800, %parallel_loop3A_1801] {strides = array<i32>} : memref<200x128xf32, #tpu.memory_space<vmem>>, vector<16xf32>,
        %parallel_loop3A_1803 = arith.constant 12 : i32
        %parallel_loop3A_1804 = arith.addi %parallel_loop3A_1136, %parallel_loop3A_1803 : i32
        %parallel_loop3A_1805 = arith.constant 0 : i32
        %parallel_loop3A_1806 = arith.constant 0 : i32
        %parallel_loop3A_1807 = tpu.memref_slice %arg6[%select_n3A_79, %parallel_loop3A_1805, %parallel_loop3A_1806] : memref<3x200x128xf32, #tpu.memory_space<vmem>> -> memref<1x200x128xf32, #tpu.memory_space<vmem>>
        %parallel_loop3A_1808 = tpu.memref_squeeze %parallel_loop3A_1807 : memref<1x200x128xf32, #tpu.memory_space<vmem>> -> memref<200x128xf32, #tpu.memory_space<vmem>>
        %parallel_loop3A_1809 = arith.index_cast %parallel_loop3A_1804 : i32 to index
        %parallel_loop3A_1810 = arith.constant 32 : index
        %parallel_loop3A_1811 = tpu.vector_load %parallel_loop3A_1808[%parallel_loop3A_1809, %parallel_loop3A_1810] {strides = array<i32>} : memref<200x128xf32, #tpu.memory_space<vmem>>, vector<16xf32>,
        %parallel_loop3A_1812 = arith.constant 12 : i32
        %parallel_loop3A_1813 = arith.addi %parallel_loop3A_1136, %parallel_loop3A_1812 : i32
        %parallel_loop3A_1814 = arith.constant 0 : i32
        %parallel_loop3A_1815 = arith.constant 0 : i32
        %parallel_loop3A_1816 = tpu.memref_slice %arg6[%select_n3A_79, %parallel_loop3A_1814, %parallel_loop3A_1815] : memref<3x200x128xf32, #tpu.memory_space<vmem>> -> memref<1x200x128xf32, #tpu.memory_space<vmem>>
        %parallel_loop3A_1817 = tpu.memref_squeeze %parallel_loop3A_1816 : memref<1x200x128xf32, #tpu.memory_space<vmem>> -> memref<200x128xf32, #tpu.memory_space<vmem>>
        %parallel_loop3A_1818 = arith.index_cast %parallel_loop3A_1813 : i32 to index
        %parallel_loop3A_1819 = arith.constant 48 : index
        %parallel_loop3A_1820 = tpu.vector_load %parallel_loop3A_1817[%parallel_loop3A_1818, %parallel_loop3A_1819] {strides = array<i32>} : memref<200x128xf32, #tpu.memory_space<vmem>>, vector<16xf32>,
        %parallel_loop3A_1821 = arith.mulf %parallel_loop3A_1793, %parallel_loop3A_1793 : vector<16xf32>
        %parallel_loop3A_1822 = arith.mulf %parallel_loop3A_1802, %parallel_loop3A_1802 : vector<16xf32>
        %parallel_loop3A_1823 = arith.addf %parallel_loop3A_1821, %parallel_loop3A_1822 : vector<16xf32>
        %parallel_loop3A_1824 = arith.mulf %parallel_loop3A_1811, %parallel_loop3A_1811 : vector<16xf32>
        %parallel_loop3A_1825 = arith.mulf %parallel_loop3A_1820, %parallel_loop3A_1820 : vector<16xf32>
        %parallel_loop3A_1826 = arith.addf %parallel_loop3A_1824, %parallel_loop3A_1825 : vector<16xf32>
        %parallel_loop3A_1827 = arith.addf %parallel_loop3A_1823, %parallel_loop3A_1826 : vector<16xf32>
        %parallel_loop3A_1828 = arith.constant 12 : i32
        %parallel_loop3A_1829 = vector.broadcast %parallel_loop3A_1828 : i32 to vector<16xi32>
        %parallel_loop3A_1830 = arith.cmpi eq, %iota3A, %parallel_loop3A_1829 : vector<16xi32>
        %parallel_loop3A_1831 = arith.constant true
        %parallel_loop3A_1832 = vector.broadcast %parallel_loop3A_1831 : i1 to vector<16xi1>
        %parallel_loop3A_1833 = tpu.scan <sum>, %parallel_loop3A_1827 masked %parallel_loop3A_1832 : vector<16xf32>, vector<16xi1> -> vector<16xf32>
        %parallel_loop3A_1834 = vector.extract %parallel_loop3A_1833[15] : f32 from vector<16xf32>
        %parallel_loop3A_1835 = vector.broadcast %parallel_loop3A_1834 : f32 to vector<16xf32>
        %parallel_loop3A_1836 = arith.constant 0.000000e+00 : f32
        %parallel_loop3A_1837 = vector.broadcast %parallel_loop3A_1836 : f32 to vector<16xf32>
        %parallel_loop3A_1838 = arith.select %parallel_loop3A_1830, %parallel_loop3A_1835, %parallel_loop3A_1837 : vector<16xi1>, vector<16xf32>
        %parallel_loop3A_1839 = arith.constant 13 : i32
        %parallel_loop3A_1840 = arith.addi %parallel_loop3A_1136, %parallel_loop3A_1839 : i32
        %parallel_loop3A_1841 = arith.constant 0 : i32
        %parallel_loop3A_1842 = arith.constant 0 : i32
        %parallel_loop3A_1843 = tpu.memref_slice %arg6[%select_n3A_79, %parallel_loop3A_1841, %parallel_loop3A_1842] : memref<3x200x128xf32, #tpu.memory_space<vmem>> -> memref<1x200x128xf32, #tpu.memory_space<vmem>>
        %parallel_loop3A_1844 = tpu.memref_squeeze %parallel_loop3A_1843 : memref<1x200x128xf32, #tpu.memory_space<vmem>> -> memref<200x128xf32, #tpu.memory_space<vmem>>
        %parallel_loop3A_1845 = arith.index_cast %parallel_loop3A_1840 : i32 to index
        %parallel_loop3A_1846 = arith.constant 0 : index
        %parallel_loop3A_1847 = tpu.vector_load %parallel_loop3A_1844[%parallel_loop3A_1845, %parallel_loop3A_1846] {strides = array<i32>} : memref<200x128xf32, #tpu.memory_space<vmem>>, vector<16xf32>,
        %parallel_loop3A_1848 = arith.constant 13 : i32
        %parallel_loop3A_1849 = arith.addi %parallel_loop3A_1136, %parallel_loop3A_1848 : i32
        %parallel_loop3A_1850 = arith.constant 0 : i32
        %parallel_loop3A_1851 = arith.constant 0 : i32
        %parallel_loop3A_1852 = tpu.memref_slice %arg6[%select_n3A_79, %parallel_loop3A_1850, %parallel_loop3A_1851] : memref<3x200x128xf32, #tpu.memory_space<vmem>> -> memref<1x200x128xf32, #tpu.memory_space<vmem>>
        %parallel_loop3A_1853 = tpu.memref_squeeze %parallel_loop3A_1852 : memref<1x200x128xf32, #tpu.memory_space<vmem>> -> memref<200x128xf32, #tpu.memory_space<vmem>>
        %parallel_loop3A_1854 = arith.index_cast %parallel_loop3A_1849 : i32 to index
        %parallel_loop3A_1855 = arith.constant 16 : index
        %parallel_loop3A_1856 = tpu.vector_load %parallel_loop3A_1853[%parallel_loop3A_1854, %parallel_loop3A_1855] {strides = array<i32>} : memref<200x128xf32, #tpu.memory_space<vmem>>, vector<16xf32>,
        %parallel_loop3A_1857 = arith.constant 13 : i32
        %parallel_loop3A_1858 = arith.addi %parallel_loop3A_1136, %parallel_loop3A_1857 : i32
        %parallel_loop3A_1859 = arith.constant 0 : i32
        %parallel_loop3A_1860 = arith.constant 0 : i32
        %parallel_loop3A_1861 = tpu.memref_slice %arg6[%select_n3A_79, %parallel_loop3A_1859, %parallel_loop3A_1860] : memref<3x200x128xf32, #tpu.memory_space<vmem>> -> memref<1x200x128xf32, #tpu.memory_space<vmem>>
        %parallel_loop3A_1862 = tpu.memref_squeeze %parallel_loop3A_1861 : memref<1x200x128xf32, #tpu.memory_space<vmem>> -> memref<200x128xf32, #tpu.memory_space<vmem>>
        %parallel_loop3A_1863 = arith.index_cast %parallel_loop3A_1858 : i32 to index
        %parallel_loop3A_1864 = arith.constant 32 : index
        %parallel_loop3A_1865 = tpu.vector_load %parallel_loop3A_1862[%parallel_loop3A_1863, %parallel_loop3A_1864] {strides = array<i32>} : memref<200x128xf32, #tpu.memory_space<vmem>>, vector<16xf32>,
        %parallel_loop3A_1866 = arith.constant 13 : i32
        %parallel_loop3A_1867 = arith.addi %parallel_loop3A_1136, %parallel_loop3A_1866 : i32
        %parallel_loop3A_1868 = arith.constant 0 : i32
        %parallel_loop3A_1869 = arith.constant 0 : i32
        %parallel_loop3A_1870 = tpu.memref_slice %arg6[%select_n3A_79, %parallel_loop3A_1868, %parallel_loop3A_1869] : memref<3x200x128xf32, #tpu.memory_space<vmem>> -> memref<1x200x128xf32, #tpu.memory_space<vmem>>
        %parallel_loop3A_1871 = tpu.memref_squeeze %parallel_loop3A_1870 : memref<1x200x128xf32, #tpu.memory_space<vmem>> -> memref<200x128xf32, #tpu.memory_space<vmem>>
        %parallel_loop3A_1872 = arith.index_cast %parallel_loop3A_1867 : i32 to index
        %parallel_loop3A_1873 = arith.constant 48 : index
        %parallel_loop3A_1874 = tpu.vector_load %parallel_loop3A_1871[%parallel_loop3A_1872, %parallel_loop3A_1873] {strides = array<i32>} : memref<200x128xf32, #tpu.memory_space<vmem>>, vector<16xf32>,
        %parallel_loop3A_1875 = arith.mulf %parallel_loop3A_1847, %parallel_loop3A_1847 : vector<16xf32>
        %parallel_loop3A_1876 = arith.mulf %parallel_loop3A_1856, %parallel_loop3A_1856 : vector<16xf32>
        %parallel_loop3A_1877 = arith.addf %parallel_loop3A_1875, %parallel_loop3A_1876 : vector<16xf32>
        %parallel_loop3A_1878 = arith.mulf %parallel_loop3A_1865, %parallel_loop3A_1865 : vector<16xf32>
        %parallel_loop3A_1879 = arith.mulf %parallel_loop3A_1874, %parallel_loop3A_1874 : vector<16xf32>
        %parallel_loop3A_1880 = arith.addf %parallel_loop3A_1878, %parallel_loop3A_1879 : vector<16xf32>
        %parallel_loop3A_1881 = arith.addf %parallel_loop3A_1877, %parallel_loop3A_1880 : vector<16xf32>
        %parallel_loop3A_1882 = arith.constant 13 : i32
        %parallel_loop3A_1883 = vector.broadcast %parallel_loop3A_1882 : i32 to vector<16xi32>
        %parallel_loop3A_1884 = arith.cmpi eq, %iota3A, %parallel_loop3A_1883 : vector<16xi32>
        %parallel_loop3A_1885 = arith.constant true
        %parallel_loop3A_1886 = vector.broadcast %parallel_loop3A_1885 : i1 to vector<16xi1>
        %parallel_loop3A_1887 = tpu.scan <sum>, %parallel_loop3A_1881 masked %parallel_loop3A_1886 : vector<16xf32>, vector<16xi1> -> vector<16xf32>
        %parallel_loop3A_1888 = vector.extract %parallel_loop3A_1887[15] : f32 from vector<16xf32>
        %parallel_loop3A_1889 = vector.broadcast %parallel_loop3A_1888 : f32 to vector<16xf32>
        %parallel_loop3A_1890 = arith.constant 0.000000e+00 : f32
        %parallel_loop3A_1891 = vector.broadcast %parallel_loop3A_1890 : f32 to vector<16xf32>
        %parallel_loop3A_1892 = arith.select %parallel_loop3A_1884, %parallel_loop3A_1889, %parallel_loop3A_1891 : vector<16xi1>, vector<16xf32>
        %parallel_loop3A_1893 = arith.constant 14 : i32
        %parallel_loop3A_1894 = arith.addi %parallel_loop3A_1136, %parallel_loop3A_1893 : i32
        %parallel_loop3A_1895 = arith.constant 0 : i32
        %parallel_loop3A_1896 = arith.constant 0 : i32
        %parallel_loop3A_1897 = tpu.memref_slice %arg6[%select_n3A_79, %parallel_loop3A_1895, %parallel_loop3A_1896] : memref<3x200x128xf32, #tpu.memory_space<vmem>> -> memref<1x200x128xf32, #tpu.memory_space<vmem>>
        %parallel_loop3A_1898 = tpu.memref_squeeze %parallel_loop3A_1897 : memref<1x200x128xf32, #tpu.memory_space<vmem>> -> memref<200x128xf32, #tpu.memory_space<vmem>>
        %parallel_loop3A_1899 = arith.index_cast %parallel_loop3A_1894 : i32 to index
        %parallel_loop3A_1900 = arith.constant 0 : index
        %parallel_loop3A_1901 = tpu.vector_load %parallel_loop3A_1898[%parallel_loop3A_1899, %parallel_loop3A_1900] {strides = array<i32>} : memref<200x128xf32, #tpu.memory_space<vmem>>, vector<16xf32>,
        %parallel_loop3A_1902 = arith.constant 14 : i32
        %parallel_loop3A_1903 = arith.addi %parallel_loop3A_1136, %parallel_loop3A_1902 : i32
        %parallel_loop3A_1904 = arith.constant 0 : i32
        %parallel_loop3A_1905 = arith.constant 0 : i32
        %parallel_loop3A_1906 = tpu.memref_slice %arg6[%select_n3A_79, %parallel_loop3A_1904, %parallel_loop3A_1905] : memref<3x200x128xf32, #tpu.memory_space<vmem>> -> memref<1x200x128xf32, #tpu.memory_space<vmem>>
        %parallel_loop3A_1907 = tpu.memref_squeeze %parallel_loop3A_1906 : memref<1x200x128xf32, #tpu.memory_space<vmem>> -> memref<200x128xf32, #tpu.memory_space<vmem>>
        %parallel_loop3A_1908 = arith.index_cast %parallel_loop3A_1903 : i32 to index
        %parallel_loop3A_1909 = arith.constant 16 : index
        %parallel_loop3A_1910 = tpu.vector_load %parallel_loop3A_1907[%parallel_loop3A_1908, %parallel_loop3A_1909] {strides = array<i32>} : memref<200x128xf32, #tpu.memory_space<vmem>>, vector<16xf32>,
        %parallel_loop3A_1911 = arith.constant 14 : i32
        %parallel_loop3A_1912 = arith.addi %parallel_loop3A_1136, %parallel_loop3A_1911 : i32
        %parallel_loop3A_1913 = arith.constant 0 : i32
        %parallel_loop3A_1914 = arith.constant 0 : i32
        %parallel_loop3A_1915 = tpu.memref_slice %arg6[%select_n3A_79, %parallel_loop3A_1913, %parallel_loop3A_1914] : memref<3x200x128xf32, #tpu.memory_space<vmem>> -> memref<1x200x128xf32, #tpu.memory_space<vmem>>
        %parallel_loop3A_1916 = tpu.memref_squeeze %parallel_loop3A_1915 : memref<1x200x128xf32, #tpu.memory_space<vmem>> -> memref<200x128xf32, #tpu.memory_space<vmem>>
        %parallel_loop3A_1917 = arith.index_cast %parallel_loop3A_1912 : i32 to index
        %parallel_loop3A_1918 = arith.constant 32 : index
        %parallel_loop3A_1919 = tpu.vector_load %parallel_loop3A_1916[%parallel_loop3A_1917, %parallel_loop3A_1918] {strides = array<i32>} : memref<200x128xf32, #tpu.memory_space<vmem>>, vector<16xf32>,
        %parallel_loop3A_1920 = arith.constant 14 : i32
        %parallel_loop3A_1921 = arith.addi %parallel_loop3A_1136, %parallel_loop3A_1920 : i32
        %parallel_loop3A_1922 = arith.constant 0 : i32
        %parallel_loop3A_1923 = arith.constant 0 : i32
        %parallel_loop3A_1924 = tpu.memref_slice %arg6[%select_n3A_79, %parallel_loop3A_1922, %parallel_loop3A_1923] : memref<3x200x128xf32, #tpu.memory_space<vmem>> -> memref<1x200x128xf32, #tpu.memory_space<vmem>>
        %parallel_loop3A_1925 = tpu.memref_squeeze %parallel_loop3A_1924 : memref<1x200x128xf32, #tpu.memory_space<vmem>> -> memref<200x128xf32, #tpu.memory_space<vmem>>
        %parallel_loop3A_1926 = arith.index_cast %parallel_loop3A_1921 : i32 to index
        %parallel_loop3A_1927 = arith.constant 48 : index
        %parallel_loop3A_1928 = tpu.vector_load %parallel_loop3A_1925[%parallel_loop3A_1926, %parallel_loop3A_1927] {strides = array<i32>} : memref<200x128xf32, #tpu.memory_space<vmem>>, vector<16xf32>,
        %parallel_loop3A_1929 = arith.mulf %parallel_loop3A_1901, %parallel_loop3A_1901 : vector<16xf32>
        %parallel_loop3A_1930 = arith.mulf %parallel_loop3A_1910, %parallel_loop3A_1910 : vector<16xf32>
        %parallel_loop3A_1931 = arith.addf %parallel_loop3A_1929, %parallel_loop3A_1930 : vector<16xf32>
        %parallel_loop3A_1932 = arith.mulf %parallel_loop3A_1919, %parallel_loop3A_1919 : vector<16xf32>
        %parallel_loop3A_1933 = arith.mulf %parallel_loop3A_1928, %parallel_loop3A_1928 : vector<16xf32>
        %parallel_loop3A_1934 = arith.addf %parallel_loop3A_1932, %parallel_loop3A_1933 : vector<16xf32>
        %parallel_loop3A_1935 = arith.addf %parallel_loop3A_1931, %parallel_loop3A_1934 : vector<16xf32>
        %parallel_loop3A_1936 = arith.constant 14 : i32
        %parallel_loop3A_1937 = vector.broadcast %parallel_loop3A_1936 : i32 to vector<16xi32>
        %parallel_loop3A_1938 = arith.cmpi eq, %iota3A, %parallel_loop3A_1937 : vector<16xi32>
        %parallel_loop3A_1939 = arith.constant true
        %parallel_loop3A_1940 = vector.broadcast %parallel_loop3A_1939 : i1 to vector<16xi1>
        %parallel_loop3A_1941 = tpu.scan <sum>, %parallel_loop3A_1935 masked %parallel_loop3A_1940 : vector<16xf32>, vector<16xi1> -> vector<16xf32>
        %parallel_loop3A_1942 = vector.extract %parallel_loop3A_1941[15] : f32 from vector<16xf32>
        %parallel_loop3A_1943 = vector.broadcast %parallel_loop3A_1942 : f32 to vector<16xf32>
        %parallel_loop3A_1944 = arith.constant 0.000000e+00 : f32
        %parallel_loop3A_1945 = vector.broadcast %parallel_loop3A_1944 : f32 to vector<16xf32>
        %parallel_loop3A_1946 = arith.select %parallel_loop3A_1938, %parallel_loop3A_1943, %parallel_loop3A_1945 : vector<16xi1>, vector<16xf32>
        %parallel_loop3A_1947 = arith.constant 15 : i32
        %parallel_loop3A_1948 = arith.addi %parallel_loop3A_1136, %parallel_loop3A_1947 : i32
        %parallel_loop3A_1949 = arith.constant 0 : i32
        %parallel_loop3A_1950 = arith.constant 0 : i32
        %parallel_loop3A_1951 = tpu.memref_slice %arg6[%select_n3A_79, %parallel_loop3A_1949, %parallel_loop3A_1950] : memref<3x200x128xf32, #tpu.memory_space<vmem>> -> memref<1x200x128xf32, #tpu.memory_space<vmem>>
        %parallel_loop3A_1952 = tpu.memref_squeeze %parallel_loop3A_1951 : memref<1x200x128xf32, #tpu.memory_space<vmem>> -> memref<200x128xf32, #tpu.memory_space<vmem>>
        %parallel_loop3A_1953 = arith.index_cast %parallel_loop3A_1948 : i32 to index
        %parallel_loop3A_1954 = arith.constant 0 : index
        %parallel_loop3A_1955 = tpu.vector_load %parallel_loop3A_1952[%parallel_loop3A_1953, %parallel_loop3A_1954] {strides = array<i32>} : memref<200x128xf32, #tpu.memory_space<vmem>>, vector<16xf32>,
        %parallel_loop3A_1956 = arith.constant 15 : i32
        %parallel_loop3A_1957 = arith.addi %parallel_loop3A_1136, %parallel_loop3A_1956 : i32
        %parallel_loop3A_1958 = arith.constant 0 : i32
        %parallel_loop3A_1959 = arith.constant 0 : i32
        %parallel_loop3A_1960 = tpu.memref_slice %arg6[%select_n3A_79, %parallel_loop3A_1958, %parallel_loop3A_1959] : memref<3x200x128xf32, #tpu.memory_space<vmem>> -> memref<1x200x128xf32, #tpu.memory_space<vmem>>
        %parallel_loop3A_1961 = tpu.memref_squeeze %parallel_loop3A_1960 : memref<1x200x128xf32, #tpu.memory_space<vmem>> -> memref<200x128xf32, #tpu.memory_space<vmem>>
        %parallel_loop3A_1962 = arith.index_cast %parallel_loop3A_1957 : i32 to index
        %parallel_loop3A_1963 = arith.constant 16 : index
        %parallel_loop3A_1964 = tpu.vector_load %parallel_loop3A_1961[%parallel_loop3A_1962, %parallel_loop3A_1963] {strides = array<i32>} : memref<200x128xf32, #tpu.memory_space<vmem>>, vector<16xf32>,
        %parallel_loop3A_1965 = arith.constant 15 : i32
        %parallel_loop3A_1966 = arith.addi %parallel_loop3A_1136, %parallel_loop3A_1965 : i32
        %parallel_loop3A_1967 = arith.constant 0 : i32
        %parallel_loop3A_1968 = arith.constant 0 : i32
        %parallel_loop3A_1969 = tpu.memref_slice %arg6[%select_n3A_79, %parallel_loop3A_1967, %parallel_loop3A_1968] : memref<3x200x128xf32, #tpu.memory_space<vmem>> -> memref<1x200x128xf32, #tpu.memory_space<vmem>>
        %parallel_loop3A_1970 = tpu.memref_squeeze %parallel_loop3A_1969 : memref<1x200x128xf32, #tpu.memory_space<vmem>> -> memref<200x128xf32, #tpu.memory_space<vmem>>
        %parallel_loop3A_1971 = arith.index_cast %parallel_loop3A_1966 : i32 to index
        %parallel_loop3A_1972 = arith.constant 32 : index
        %parallel_loop3A_1973 = tpu.vector_load %parallel_loop3A_1970[%parallel_loop3A_1971, %parallel_loop3A_1972] {strides = array<i32>} : memref<200x128xf32, #tpu.memory_space<vmem>>, vector<16xf32>,
        %parallel_loop3A_1974 = arith.constant 15 : i32
        %parallel_loop3A_1975 = arith.addi %parallel_loop3A_1136, %parallel_loop3A_1974 : i32
        %parallel_loop3A_1976 = arith.constant 0 : i32
        %parallel_loop3A_1977 = arith.constant 0 : i32
        %parallel_loop3A_1978 = tpu.memref_slice %arg6[%select_n3A_79, %parallel_loop3A_1976, %parallel_loop3A_1977] : memref<3x200x128xf32, #tpu.memory_space<vmem>> -> memref<1x200x128xf32, #tpu.memory_space<vmem>>
        %parallel_loop3A_1979 = tpu.memref_squeeze %parallel_loop3A_1978 : memref<1x200x128xf32, #tpu.memory_space<vmem>> -> memref<200x128xf32, #tpu.memory_space<vmem>>
        %parallel_loop3A_1980 = arith.index_cast %parallel_loop3A_1975 : i32 to index
        %parallel_loop3A_1981 = arith.constant 48 : index
        %parallel_loop3A_1982 = tpu.vector_load %parallel_loop3A_1979[%parallel_loop3A_1980, %parallel_loop3A_1981] {strides = array<i32>} : memref<200x128xf32, #tpu.memory_space<vmem>>, vector<16xf32>,
        %parallel_loop3A_1983 = arith.mulf %parallel_loop3A_1955, %parallel_loop3A_1955 : vector<16xf32>
        %parallel_loop3A_1984 = arith.mulf %parallel_loop3A_1964, %parallel_loop3A_1964 : vector<16xf32>
        %parallel_loop3A_1985 = arith.addf %parallel_loop3A_1983, %parallel_loop3A_1984 : vector<16xf32>
        %parallel_loop3A_1986 = arith.mulf %parallel_loop3A_1973, %parallel_loop3A_1973 : vector<16xf32>
        %parallel_loop3A_1987 = arith.mulf %parallel_loop3A_1982, %parallel_loop3A_1982 : vector<16xf32>
        %parallel_loop3A_1988 = arith.addf %parallel_loop3A_1986, %parallel_loop3A_1987 : vector<16xf32>
        %parallel_loop3A_1989 = arith.addf %parallel_loop3A_1985, %parallel_loop3A_1988 : vector<16xf32>
        %parallel_loop3A_1990 = arith.constant 15 : i32
        %parallel_loop3A_1991 = vector.broadcast %parallel_loop3A_1990 : i32 to vector<16xi32>
        %parallel_loop3A_1992 = arith.cmpi eq, %iota3A, %parallel_loop3A_1991 : vector<16xi32>
        %parallel_loop3A_1993 = arith.constant true
        %parallel_loop3A_1994 = vector.broadcast %parallel_loop3A_1993 : i1 to vector<16xi1>
        %parallel_loop3A_1995 = tpu.scan <sum>, %parallel_loop3A_1989 masked %parallel_loop3A_1994 : vector<16xf32>, vector<16xi1> -> vector<16xf32>
        %parallel_loop3A_1996 = vector.extract %parallel_loop3A_1995[15] : f32 from vector<16xf32>
        %parallel_loop3A_1997 = vector.broadcast %parallel_loop3A_1996 : f32 to vector<16xf32>
        %parallel_loop3A_1998 = arith.constant 0.000000e+00 : f32
        %parallel_loop3A_1999 = vector.broadcast %parallel_loop3A_1998 : f32 to vector<16xf32>
        %parallel_loop3A_2000 = arith.select %parallel_loop3A_1992, %parallel_loop3A_1997, %parallel_loop3A_1999 : vector<16xi1>, vector<16xf32>
        %parallel_loop3A_2001 = arith.addf %parallel_loop3A_1190, %parallel_loop3A_1244 : vector<16xf32>
        %parallel_loop3A_2002 = arith.addf %parallel_loop3A_1298, %parallel_loop3A_1352 : vector<16xf32>
        %parallel_loop3A_2003 = arith.addf %parallel_loop3A_1406, %parallel_loop3A_1460 : vector<16xf32>
        %parallel_loop3A_2004 = arith.addf %parallel_loop3A_1514, %parallel_loop3A_1568 : vector<16xf32>
        %parallel_loop3A_2005 = arith.addf %parallel_loop3A_1622, %parallel_loop3A_1676 : vector<16xf32>
        %parallel_loop3A_2006 = arith.addf %parallel_loop3A_1730, %parallel_loop3A_1784 : vector<16xf32>
        %parallel_loop3A_2007 = arith.addf %parallel_loop3A_1838, %parallel_loop3A_1892 : vector<16xf32>
        %parallel_loop3A_2008 = arith.addf %parallel_loop3A_1946, %parallel_loop3A_2000 : vector<16xf32>
        %parallel_loop3A_2009 = arith.addf %parallel_loop3A_2001, %parallel_loop3A_2002 : vector<16xf32>
        %parallel_loop3A_2010 = arith.addf %parallel_loop3A_2003, %parallel_loop3A_2004 : vector<16xf32>
        %parallel_loop3A_2011 = arith.addf %parallel_loop3A_2005, %parallel_loop3A_2006 : vector<16xf32>
        %parallel_loop3A_2012 = arith.addf %parallel_loop3A_2007, %parallel_loop3A_2008 : vector<16xf32>
        %parallel_loop3A_2013 = arith.addf %parallel_loop3A_2009, %parallel_loop3A_2010 : vector<16xf32>
        %parallel_loop3A_2014 = arith.addf %parallel_loop3A_2011, %parallel_loop3A_2012 : vector<16xf32>
        %parallel_loop3A_2015 = arith.addf %parallel_loop3A_2013, %parallel_loop3A_2014 : vector<16xf32>
        %parallel_loop3A_2016 = arith.constant 9.99999993E-9 : f32
        %parallel_loop3A_2017 = vector.broadcast %parallel_loop3A_2016 : f32 to vector<16xf32>
        %parallel_loop3A_2018 = arith.maximumf %parallel_loop3A_2015, %parallel_loop3A_2017 : vector<16xf32>
        %parallel_loop3A_2019 = vector.bitcast %parallel_loop3A_2018 : vector<16xf32> to vector<16xi32>
        %parallel_loop3A_2020 = arith.constant 1 : i32
        %parallel_loop3A_2021 = vector.broadcast %parallel_loop3A_2020 : i32 to vector<16xi32>
        %parallel_loop3A_2022 = arith.shrsi %parallel_loop3A_2019, %parallel_loop3A_2021 : vector<16xi32>
        %parallel_loop3A_2023 = arith.constant 1597463007 : i32
        %parallel_loop3A_2024 = vector.broadcast %parallel_loop3A_2023 : i32 to vector<16xi32>
        %parallel_loop3A_2025 = arith.subi %parallel_loop3A_2024, %parallel_loop3A_2022 : vector<16xi32>
        %parallel_loop3A_2026 = vector.bitcast %parallel_loop3A_2025 : vector<16xi32> to vector<16xf32>
        %parallel_loop3A_2027 = arith.constant 5.000000e-01 : f32
        %parallel_loop3A_2028 = vector.broadcast %parallel_loop3A_2027 : f32 to vector<16xf32>
        %parallel_loop3A_2029 = arith.mulf %parallel_loop3A_2028, %parallel_loop3A_2018 : vector<16xf32>
        %parallel_loop3A_2030 = arith.mulf %parallel_loop3A_2029, %parallel_loop3A_2026 : vector<16xf32>
        %parallel_loop3A_2031 = arith.mulf %parallel_loop3A_2030, %parallel_loop3A_2026 : vector<16xf32>
        %parallel_loop3A_2032 = arith.constant 1.500000e+00 : f32
        %parallel_loop3A_2033 = vector.broadcast %parallel_loop3A_2032 : f32 to vector<16xf32>
        %parallel_loop3A_2034 = arith.subf %parallel_loop3A_2033, %parallel_loop3A_2031 : vector<16xf32>
        %parallel_loop3A_2035 = arith.mulf %parallel_loop3A_2026, %parallel_loop3A_2034 : vector<16xf32>
        %parallel_loop3A_2036 = arith.constant 5.000000e-01 : f32
        %parallel_loop3A_2037 = vector.broadcast %parallel_loop3A_2036 : f32 to vector<16xf32>
        %parallel_loop3A_2038 = arith.mulf %parallel_loop3A_2037, %parallel_loop3A_2018 : vector<16xf32>
        %parallel_loop3A_2039 = arith.mulf %parallel_loop3A_2038, %parallel_loop3A_2035 : vector<16xf32>
        %parallel_loop3A_2040 = arith.mulf %parallel_loop3A_2039, %parallel_loop3A_2035 : vector<16xf32>
        %parallel_loop3A_2041 = arith.constant 1.500000e+00 : f32
        %parallel_loop3A_2042 = vector.broadcast %parallel_loop3A_2041 : f32 to vector<16xf32>
        %parallel_loop3A_2043 = arith.subf %parallel_loop3A_2042, %parallel_loop3A_2040 : vector<16xf32>
        %parallel_loop3A_2044 = arith.mulf %parallel_loop3A_2035, %parallel_loop3A_2043 : vector<16xf32>
        %parallel_loop3A_2045 = arith.constant 5.000000e-01 : f32
        %parallel_loop3A_2046 = vector.broadcast %parallel_loop3A_2045 : f32 to vector<16xf32>
        %parallel_loop3A_2047 = arith.mulf %parallel_loop3A_2046, %parallel_loop3A_2018 : vector<16xf32>
        %parallel_loop3A_2048 = arith.mulf %parallel_loop3A_2047, %parallel_loop3A_2044 : vector<16xf32>
        %parallel_loop3A_2049 = arith.mulf %parallel_loop3A_2048, %parallel_loop3A_2044 : vector<16xf32>
        %parallel_loop3A_2050 = arith.constant 1.500000e+00 : f32
        %parallel_loop3A_2051 = vector.broadcast %parallel_loop3A_2050 : f32 to vector<16xf32>
        %parallel_loop3A_2052 = arith.subf %parallel_loop3A_2051, %parallel_loop3A_2049 : vector<16xf32>
        %parallel_loop3A_2053 = arith.mulf %parallel_loop3A_2044, %parallel_loop3A_2052 : vector<16xf32>
        %parallel_loop3A_2054 = arith.mulf %parallel_loop3A_2018, %parallel_loop3A_2053 : vector<16xf32>
        %parallel_loop3A_2055 = math.exp %parallel_loop3A_2054 : vector<16xf32>
        %parallel_loop3A_2056 = arith.constant 1.000000e+00 : f32
        %parallel_loop3A_2057 = vector.broadcast %parallel_loop3A_2056 : f32 to vector<16xf32>
        %parallel_loop3A_2058 = arith.divf %parallel_loop3A_2057, %parallel_loop3A_2055 : vector<16xf32>
        %parallel_loop3A_2059 = arith.addf %parallel_loop3A_2055, %parallel_loop3A_2058 : vector<16xf32>
        %parallel_loop3A_2060 = arith.constant 5.000000e-01 : f32
        %parallel_loop3A_2061 = vector.broadcast %parallel_loop3A_2060 : f32 to vector<16xf32>
        %parallel_loop3A_2062 = arith.mulf %parallel_loop3A_2061, %parallel_loop3A_2059 : vector<16xf32>
        %parallel_loop3A_2063 = arith.subf %parallel_loop3A_2055, %parallel_loop3A_2058 : vector<16xf32>
        %parallel_loop3A_2064 = arith.constant 5.000000e-01 : f32
        %parallel_loop3A_2065 = vector.broadcast %parallel_loop3A_2064 : f32 to vector<16xf32>
        %parallel_loop3A_2066 = arith.mulf %parallel_loop3A_2065, %parallel_loop3A_2063 : vector<16xf32>
        %parallel_loop3A_2067 = arith.mulf %parallel_loop3A_2066, %parallel_loop3A_2053 : vector<16xf32>
        %parallel_loop3A_2068 = vector.extract_strided_slice %parallel_loop3A_2067 {offsets = [0], sizes = [1], strides = [1]} : vector<16xf32> to vector<1xf32>
        %parallel_loop3A_2069 = vector.extract %parallel_loop3A_2068[0] : f32 from vector<1xf32>
        %parallel_loop3A_2070 = vector.broadcast %parallel_loop3A_2069 : f32 to vector<16xf32>
        %parallel_loop3A_2071 = arith.constant 0 : i32
        %parallel_loop3A_2072 = arith.addi %parallel_loop3A_1136, %parallel_loop3A_2071 : i32
        %parallel_loop3A_2073 = vector.broadcast %parallel_loop3A_2072 : i32 to vector<16xi32>
        %parallel_loop3A_2074 = arith.constant 0 : i32
        %parallel_loop3A_2075 = arith.addi %parallel_loop3A_1136, %parallel_loop3A_2074 : i32
        %parallel_loop3A_2076 = arith.constant 0 : i32
        %parallel_loop3A_2077 = arith.constant 0 : i32
        %parallel_loop3A_2078 = tpu.memref_slice %arg6[%select_n3A_79, %parallel_loop3A_2076, %parallel_loop3A_2077] : memref<3x200x128xf32, #tpu.memory_space<vmem>> -> memref<1x200x128xf32, #tpu.memory_space<vmem>>
        %parallel_loop3A_2079 = tpu.memref_squeeze %parallel_loop3A_2078 : memref<1x200x128xf32, #tpu.memory_space<vmem>> -> memref<200x128xf32, #tpu.memory_space<vmem>>
        %parallel_loop3A_2080 = arith.index_cast %parallel_loop3A_2075 : i32 to index
        %parallel_loop3A_2081 = arith.constant 0 : index
        %parallel_loop3A_2082 = tpu.vector_load %parallel_loop3A_2079[%parallel_loop3A_2080, %parallel_loop3A_2081] {strides = array<i32>} : memref<200x128xf32, #tpu.memory_space<vmem>>, vector<16xf32>,
        %parallel_loop3A_2083 = arith.constant 0 : i32
        %parallel_loop3A_2084 = arith.addi %parallel_loop3A_1136, %parallel_loop3A_2083 : i32
        %parallel_loop3A_2085 = arith.constant 0 : i32
        %parallel_loop3A_2086 = arith.constant 0 : i32
        %parallel_loop3A_2087 = tpu.memref_slice %arg6[%select_n3A_79, %parallel_loop3A_2085, %parallel_loop3A_2086] : memref<3x200x128xf32, #tpu.memory_space<vmem>> -> memref<1x200x128xf32, #tpu.memory_space<vmem>>
        %parallel_loop3A_2088 = tpu.memref_squeeze %parallel_loop3A_2087 : memref<1x200x128xf32, #tpu.memory_space<vmem>> -> memref<200x128xf32, #tpu.memory_space<vmem>>
        %parallel_loop3A_2089 = arith.index_cast %parallel_loop3A_2084 : i32 to index
        %parallel_loop3A_2090 = arith.constant 16 : index
        %parallel_loop3A_2091 = tpu.vector_load %parallel_loop3A_2088[%parallel_loop3A_2089, %parallel_loop3A_2090] {strides = array<i32>} : memref<200x128xf32, #tpu.memory_space<vmem>>, vector<16xf32>,
        %parallel_loop3A_2092 = arith.constant 0 : i32
        %parallel_loop3A_2093 = arith.addi %parallel_loop3A_1136, %parallel_loop3A_2092 : i32
        %parallel_loop3A_2094 = arith.constant 0 : i32
        %parallel_loop3A_2095 = arith.constant 0 : i32
        %parallel_loop3A_2096 = tpu.memref_slice %arg6[%select_n3A_79, %parallel_loop3A_2094, %parallel_loop3A_2095] : memref<3x200x128xf32, #tpu.memory_space<vmem>> -> memref<1x200x128xf32, #tpu.memory_space<vmem>>
        %parallel_loop3A_2097 = tpu.memref_squeeze %parallel_loop3A_2096 : memref<1x200x128xf32, #tpu.memory_space<vmem>> -> memref<200x128xf32, #tpu.memory_space<vmem>>
        %parallel_loop3A_2098 = arith.index_cast %parallel_loop3A_2093 : i32 to index
        %parallel_loop3A_2099 = arith.constant 32 : index
        %parallel_loop3A_2100 = tpu.vector_load %parallel_loop3A_2097[%parallel_loop3A_2098, %parallel_loop3A_2099] {strides = array<i32>} : memref<200x128xf32, #tpu.memory_space<vmem>>, vector<16xf32>,
        %parallel_loop3A_2101 = arith.constant 0 : i32
        %parallel_loop3A_2102 = arith.addi %parallel_loop3A_1136, %parallel_loop3A_2101 : i32
        %parallel_loop3A_2103 = arith.constant 0 : i32
        %parallel_loop3A_2104 = arith.constant 0 : i32
        %parallel_loop3A_2105 = tpu.memref_slice %arg6[%select_n3A_79, %parallel_loop3A_2103, %parallel_loop3A_2104] : memref<3x200x128xf32, #tpu.memory_space<vmem>> -> memref<1x200x128xf32, #tpu.memory_space<vmem>>
        %parallel_loop3A_2106 = tpu.memref_squeeze %parallel_loop3A_2105 : memref<1x200x128xf32, #tpu.memory_space<vmem>> -> memref<200x128xf32, #tpu.memory_space<vmem>>
        %parallel_loop3A_2107 = arith.index_cast %parallel_loop3A_2102 : i32 to index
        %parallel_loop3A_2108 = arith.constant 48 : index
        %parallel_loop3A_2109 = tpu.vector_load %parallel_loop3A_2106[%parallel_loop3A_2107, %parallel_loop3A_2108] {strides = array<i32>} : memref<200x128xf32, #tpu.memory_space<vmem>>, vector<16xf32>,
        %parallel_loop3A_2110 = arith.constant 1 : i32
        %parallel_loop3A_2111 = vector.broadcast %parallel_loop3A_2110 : i32 to vector<16xi32>
        %parallel_loop3A_2112 = arith.addi %parallel_loop3A_2111, %iota3A : vector<16xi32>
        %parallel_loop3A_2113 = arith.mulf %parallel_loop3A_2070, %parallel_loop3A_2082 : vector<16xf32>
        %parallel_loop3A_2114 = arith.constant 0 : i32
        %parallel_loop3A_2115 = arith.constant 0 : i32
        %parallel_loop3A_2116 = tpu.memref_slice %arg6[%select_n3A_79, %parallel_loop3A_2114, %parallel_loop3A_2115] : memref<3x200x128xf32, #tpu.memory_space<vmem>> -> memref<1x200x128xf32, #tpu.memory_space<vmem>>
        %parallel_loop3A_2117 = tpu.memref_squeeze %parallel_loop3A_2116 : memref<1x200x128xf32, #tpu.memory_space<vmem>> -> memref<200x128xf32, #tpu.memory_space<vmem>>
        tpu.vector_store_idx %parallel_loop3A_2117[%parallel_loop3A_2073, %parallel_loop3A_2112], %parallel_loop3A_2113 : memref<200x128xf32, #tpu.memory_space<vmem>>[vector<16xi32>, vector<16xi32>], vector<16xf32>,
        %parallel_loop3A_2118 = arith.constant 17 : i32
        %parallel_loop3A_2119 = vector.broadcast %parallel_loop3A_2118 : i32 to vector<16xi32>
        %parallel_loop3A_2120 = arith.addi %parallel_loop3A_2119, %iota3A : vector<16xi32>
        %parallel_loop3A_2121 = arith.mulf %parallel_loop3A_2070, %parallel_loop3A_2091 : vector<16xf32>
        %parallel_loop3A_2122 = arith.constant 0 : i32
        %parallel_loop3A_2123 = arith.constant 0 : i32
        %parallel_loop3A_2124 = tpu.memref_slice %arg6[%select_n3A_79, %parallel_loop3A_2122, %parallel_loop3A_2123] : memref<3x200x128xf32, #tpu.memory_space<vmem>> -> memref<1x200x128xf32, #tpu.memory_space<vmem>>
        %parallel_loop3A_2125 = tpu.memref_squeeze %parallel_loop3A_2124 : memref<1x200x128xf32, #tpu.memory_space<vmem>> -> memref<200x128xf32, #tpu.memory_space<vmem>>
        tpu.vector_store_idx %parallel_loop3A_2125[%parallel_loop3A_2073, %parallel_loop3A_2120], %parallel_loop3A_2121 : memref<200x128xf32, #tpu.memory_space<vmem>>[vector<16xi32>, vector<16xi32>], vector<16xf32>,
        %parallel_loop3A_2126 = arith.constant 33 : i32
        %parallel_loop3A_2127 = vector.broadcast %parallel_loop3A_2126 : i32 to vector<16xi32>
        %parallel_loop3A_2128 = arith.addi %parallel_loop3A_2127, %iota3A : vector<16xi32>
        %parallel_loop3A_2129 = arith.mulf %parallel_loop3A_2070, %parallel_loop3A_2100 : vector<16xf32>
        %parallel_loop3A_2130 = arith.constant 0 : i32
        %parallel_loop3A_2131 = arith.constant 0 : i32
        %parallel_loop3A_2132 = tpu.memref_slice %arg6[%select_n3A_79, %parallel_loop3A_2130, %parallel_loop3A_2131] : memref<3x200x128xf32, #tpu.memory_space<vmem>> -> memref<1x200x128xf32, #tpu.memory_space<vmem>>
        %parallel_loop3A_2133 = tpu.memref_squeeze %parallel_loop3A_2132 : memref<1x200x128xf32, #tpu.memory_space<vmem>> -> memref<200x128xf32, #tpu.memory_space<vmem>>
        tpu.vector_store_idx %parallel_loop3A_2133[%parallel_loop3A_2073, %parallel_loop3A_2128], %parallel_loop3A_2129 : memref<200x128xf32, #tpu.memory_space<vmem>>[vector<16xi32>, vector<16xi32>], vector<16xf32>,
        %parallel_loop3A_2134 = arith.constant 49 : i32
        %parallel_loop3A_2135 = vector.broadcast %parallel_loop3A_2134 : i32 to vector<16xi32>
        %parallel_loop3A_2136 = arith.addi %parallel_loop3A_2135, %iota3A : vector<16xi32>
        %parallel_loop3A_2137 = arith.mulf %parallel_loop3A_2070, %parallel_loop3A_2109 : vector<16xf32>
        %parallel_loop3A_2138 = arith.constant 0 : i32
        %parallel_loop3A_2139 = arith.constant 0 : i32
        %parallel_loop3A_2140 = tpu.memref_slice %arg6[%select_n3A_79, %parallel_loop3A_2138, %parallel_loop3A_2139] : memref<3x200x128xf32, #tpu.memory_space<vmem>> -> memref<1x200x128xf32, #tpu.memory_space<vmem>>
        %parallel_loop3A_2141 = tpu.memref_squeeze %parallel_loop3A_2140 : memref<1x200x128xf32, #tpu.memory_space<vmem>> -> memref<200x128xf32, #tpu.memory_space<vmem>>
        tpu.vector_store_idx %parallel_loop3A_2141[%parallel_loop3A_2073, %parallel_loop3A_2136], %parallel_loop3A_2137 : memref<200x128xf32, #tpu.memory_space<vmem>>[vector<16xi32>, vector<16xi32>], vector<16xf32>,
        %parallel_loop3A_2142 = vector.extract_strided_slice %parallel_loop3A_2067 {offsets = [1], sizes = [1], strides = [1]} : vector<16xf32> to vector<1xf32>
        %parallel_loop3A_2143 = vector.extract %parallel_loop3A_2142[0] : f32 from vector<1xf32>
        %parallel_loop3A_2144 = vector.broadcast %parallel_loop3A_2143 : f32 to vector<16xf32>
        %parallel_loop3A_2145 = arith.constant 1 : i32
        %parallel_loop3A_2146 = arith.addi %parallel_loop3A_1136, %parallel_loop3A_2145 : i32
        %parallel_loop3A_2147 = vector.broadcast %parallel_loop3A_2146 : i32 to vector<16xi32>
        %parallel_loop3A_2148 = arith.constant 1 : i32
        %parallel_loop3A_2149 = arith.addi %parallel_loop3A_1136, %parallel_loop3A_2148 : i32
        %parallel_loop3A_2150 = arith.constant 0 : i32
        %parallel_loop3A_2151 = arith.constant 0 : i32
        %parallel_loop3A_2152 = tpu.memref_slice %arg6[%select_n3A_79, %parallel_loop3A_2150, %parallel_loop3A_2151] : memref<3x200x128xf32, #tpu.memory_space<vmem>> -> memref<1x200x128xf32, #tpu.memory_space<vmem>>
        %parallel_loop3A_2153 = tpu.memref_squeeze %parallel_loop3A_2152 : memref<1x200x128xf32, #tpu.memory_space<vmem>> -> memref<200x128xf32, #tpu.memory_space<vmem>>
        %parallel_loop3A_2154 = arith.index_cast %parallel_loop3A_2149 : i32 to index
        %parallel_loop3A_2155 = arith.constant 0 : index
        %parallel_loop3A_2156 = tpu.vector_load %parallel_loop3A_2153[%parallel_loop3A_2154, %parallel_loop3A_2155] {strides = array<i32>} : memref<200x128xf32, #tpu.memory_space<vmem>>, vector<16xf32>,
        %parallel_loop3A_2157 = arith.constant 1 : i32
        %parallel_loop3A_2158 = arith.addi %parallel_loop3A_1136, %parallel_loop3A_2157 : i32
        %parallel_loop3A_2159 = arith.constant 0 : i32
        %parallel_loop3A_2160 = arith.constant 0 : i32
        %parallel_loop3A_2161 = tpu.memref_slice %arg6[%select_n3A_79, %parallel_loop3A_2159, %parallel_loop3A_2160] : memref<3x200x128xf32, #tpu.memory_space<vmem>> -> memref<1x200x128xf32, #tpu.memory_space<vmem>>
        %parallel_loop3A_2162 = tpu.memref_squeeze %parallel_loop3A_2161 : memref<1x200x128xf32, #tpu.memory_space<vmem>> -> memref<200x128xf32, #tpu.memory_space<vmem>>
        %parallel_loop3A_2163 = arith.index_cast %parallel_loop3A_2158 : i32 to index
        %parallel_loop3A_2164 = arith.constant 16 : index
        %parallel_loop3A_2165 = tpu.vector_load %parallel_loop3A_2162[%parallel_loop3A_2163, %parallel_loop3A_2164] {strides = array<i32>} : memref<200x128xf32, #tpu.memory_space<vmem>>, vector<16xf32>,
        %parallel_loop3A_2166 = arith.constant 1 : i32
        %parallel_loop3A_2167 = arith.addi %parallel_loop3A_1136, %parallel_loop3A_2166 : i32
        %parallel_loop3A_2168 = arith.constant 0 : i32
        %parallel_loop3A_2169 = arith.constant 0 : i32
        %parallel_loop3A_2170 = tpu.memref_slice %arg6[%select_n3A_79, %parallel_loop3A_2168, %parallel_loop3A_2169] : memref<3x200x128xf32, #tpu.memory_space<vmem>> -> memref<1x200x128xf32, #tpu.memory_space<vmem>>
        %parallel_loop3A_2171 = tpu.memref_squeeze %parallel_loop3A_2170 : memref<1x200x128xf32, #tpu.memory_space<vmem>> -> memref<200x128xf32, #tpu.memory_space<vmem>>
        %parallel_loop3A_2172 = arith.index_cast %parallel_loop3A_2167 : i32 to index
        %parallel_loop3A_2173 = arith.constant 32 : index
        %parallel_loop3A_2174 = tpu.vector_load %parallel_loop3A_2171[%parallel_loop3A_2172, %parallel_loop3A_2173] {strides = array<i32>} : memref<200x128xf32, #tpu.memory_space<vmem>>, vector<16xf32>,
        %parallel_loop3A_2175 = arith.constant 1 : i32
        %parallel_loop3A_2176 = arith.addi %parallel_loop3A_1136, %parallel_loop3A_2175 : i32
        %parallel_loop3A_2177 = arith.constant 0 : i32
        %parallel_loop3A_2178 = arith.constant 0 : i32
        %parallel_loop3A_2179 = tpu.memref_slice %arg6[%select_n3A_79, %parallel_loop3A_2177, %parallel_loop3A_2178] : memref<3x200x128xf32, #tpu.memory_space<vmem>> -> memref<1x200x128xf32, #tpu.memory_space<vmem>>
        %parallel_loop3A_2180 = tpu.memref_squeeze %parallel_loop3A_2179 : memref<1x200x128xf32, #tpu.memory_space<vmem>> -> memref<200x128xf32, #tpu.memory_space<vmem>>
        %parallel_loop3A_2181 = arith.index_cast %parallel_loop3A_2176 : i32 to index
        %parallel_loop3A_2182 = arith.constant 48 : index
        %parallel_loop3A_2183 = tpu.vector_load %parallel_loop3A_2180[%parallel_loop3A_2181, %parallel_loop3A_2182] {strides = array<i32>} : memref<200x128xf32, #tpu.memory_space<vmem>>, vector<16xf32>,
        %parallel_loop3A_2184 = arith.constant 1 : i32
        %parallel_loop3A_2185 = vector.broadcast %parallel_loop3A_2184 : i32 to vector<16xi32>
        %parallel_loop3A_2186 = arith.addi %parallel_loop3A_2185, %iota3A : vector<16xi32>
        %parallel_loop3A_2187 = arith.mulf %parallel_loop3A_2144, %parallel_loop3A_2156 : vector<16xf32>
        %parallel_loop3A_2188 = arith.constant 0 : i32
        %parallel_loop3A_2189 = arith.constant 0 : i32
        %parallel_loop3A_2190 = tpu.memref_slice %arg6[%select_n3A_79, %parallel_loop3A_2188, %parallel_loop3A_2189] : memref<3x200x128xf32, #tpu.memory_space<vmem>> -> memref<1x200x128xf32, #tpu.memory_space<vmem>>
        %parallel_loop3A_2191 = tpu.memref_squeeze %parallel_loop3A_2190 : memref<1x200x128xf32, #tpu.memory_space<vmem>> -> memref<200x128xf32, #tpu.memory_space<vmem>>
        tpu.vector_store_idx %parallel_loop3A_2191[%parallel_loop3A_2147, %parallel_loop3A_2186], %parallel_loop3A_2187 : memref<200x128xf32, #tpu.memory_space<vmem>>[vector<16xi32>, vector<16xi32>], vector<16xf32>,
        %parallel_loop3A_2192 = arith.constant 17 : i32
        %parallel_loop3A_2193 = vector.broadcast %parallel_loop3A_2192 : i32 to vector<16xi32>
        %parallel_loop3A_2194 = arith.addi %parallel_loop3A_2193, %iota3A : vector<16xi32>
        %parallel_loop3A_2195 = arith.mulf %parallel_loop3A_2144, %parallel_loop3A_2165 : vector<16xf32>
        %parallel_loop3A_2196 = arith.constant 0 : i32
        %parallel_loop3A_2197 = arith.constant 0 : i32
        %parallel_loop3A_2198 = tpu.memref_slice %arg6[%select_n3A_79, %parallel_loop3A_2196, %parallel_loop3A_2197] : memref<3x200x128xf32, #tpu.memory_space<vmem>> -> memref<1x200x128xf32, #tpu.memory_space<vmem>>
        %parallel_loop3A_2199 = tpu.memref_squeeze %parallel_loop3A_2198 : memref<1x200x128xf32, #tpu.memory_space<vmem>> -> memref<200x128xf32, #tpu.memory_space<vmem>>
        tpu.vector_store_idx %parallel_loop3A_2199[%parallel_loop3A_2147, %parallel_loop3A_2194], %parallel_loop3A_2195 : memref<200x128xf32, #tpu.memory_space<vmem>>[vector<16xi32>, vector<16xi32>], vector<16xf32>,
        %parallel_loop3A_2200 = arith.constant 33 : i32
        %parallel_loop3A_2201 = vector.broadcast %parallel_loop3A_2200 : i32 to vector<16xi32>
        %parallel_loop3A_2202 = arith.addi %parallel_loop3A_2201, %iota3A : vector<16xi32>
        %parallel_loop3A_2203 = arith.mulf %parallel_loop3A_2144, %parallel_loop3A_2174 : vector<16xf32>
        %parallel_loop3A_2204 = arith.constant 0 : i32
        %parallel_loop3A_2205 = arith.constant 0 : i32
        %parallel_loop3A_2206 = tpu.memref_slice %arg6[%select_n3A_79, %parallel_loop3A_2204, %parallel_loop3A_2205] : memref<3x200x128xf32, #tpu.memory_space<vmem>> -> memref<1x200x128xf32, #tpu.memory_space<vmem>>
        %parallel_loop3A_2207 = tpu.memref_squeeze %parallel_loop3A_2206 : memref<1x200x128xf32, #tpu.memory_space<vmem>> -> memref<200x128xf32, #tpu.memory_space<vmem>>
        tpu.vector_store_idx %parallel_loop3A_2207[%parallel_loop3A_2147, %parallel_loop3A_2202], %parallel_loop3A_2203 : memref<200x128xf32, #tpu.memory_space<vmem>>[vector<16xi32>, vector<16xi32>], vector<16xf32>,
        %parallel_loop3A_2208 = arith.constant 49 : i32
        %parallel_loop3A_2209 = vector.broadcast %parallel_loop3A_2208 : i32 to vector<16xi32>
        %parallel_loop3A_2210 = arith.addi %parallel_loop3A_2209, %iota3A : vector<16xi32>
        %parallel_loop3A_2211 = arith.mulf %parallel_loop3A_2144, %parallel_loop3A_2183 : vector<16xf32>
        %parallel_loop3A_2212 = arith.constant 0 : i32
        %parallel_loop3A_2213 = arith.constant 0 : i32
        %parallel_loop3A_2214 = tpu.memref_slice %arg6[%select_n3A_79, %parallel_loop3A_2212, %parallel_loop3A_2213] : memref<3x200x128xf32, #tpu.memory_space<vmem>> -> memref<1x200x128xf32, #tpu.memory_space<vmem>>
        %parallel_loop3A_2215 = tpu.memref_squeeze %parallel_loop3A_2214 : memref<1x200x128xf32, #tpu.memory_space<vmem>> -> memref<200x128xf32, #tpu.memory_space<vmem>>
        tpu.vector_store_idx %parallel_loop3A_2215[%parallel_loop3A_2147, %parallel_loop3A_2210], %parallel_loop3A_2211 : memref<200x128xf32, #tpu.memory_space<vmem>>[vector<16xi32>, vector<16xi32>], vector<16xf32>,
        %parallel_loop3A_2216 = vector.extract_strided_slice %parallel_loop3A_2067 {offsets = [2], sizes = [1], strides = [1]} : vector<16xf32> to vector<1xf32>
        %parallel_loop3A_2217 = vector.extract %parallel_loop3A_2216[0] : f32 from vector<1xf32>
        %parallel_loop3A_2218 = vector.broadcast %parallel_loop3A_2217 : f32 to vector<16xf32>
        %parallel_loop3A_2219 = arith.constant 2 : i32
        %parallel_loop3A_2220 = arith.addi %parallel_loop3A_1136, %parallel_loop3A_2219 : i32
        %parallel_loop3A_2221 = vector.broadcast %parallel_loop3A_2220 : i32 to vector<16xi32>
        %parallel_loop3A_2222 = arith.constant 2 : i32
        %parallel_loop3A_2223 = arith.addi %parallel_loop3A_1136, %parallel_loop3A_2222 : i32
        %parallel_loop3A_2224 = arith.constant 0 : i32
        %parallel_loop3A_2225 = arith.constant 0 : i32
        %parallel_loop3A_2226 = tpu.memref_slice %arg6[%select_n3A_79, %parallel_loop3A_2224, %parallel_loop3A_2225] : memref<3x200x128xf32, #tpu.memory_space<vmem>> -> memref<1x200x128xf32, #tpu.memory_space<vmem>>
        %parallel_loop3A_2227 = tpu.memref_squeeze %parallel_loop3A_2226 : memref<1x200x128xf32, #tpu.memory_space<vmem>> -> memref<200x128xf32, #tpu.memory_space<vmem>>
        %parallel_loop3A_2228 = arith.index_cast %parallel_loop3A_2223 : i32 to index
        %parallel_loop3A_2229 = arith.constant 0 : index
        %parallel_loop3A_2230 = tpu.vector_load %parallel_loop3A_2227[%parallel_loop3A_2228, %parallel_loop3A_2229] {strides = array<i32>} : memref<200x128xf32, #tpu.memory_space<vmem>>, vector<16xf32>,
        %parallel_loop3A_2231 = arith.constant 2 : i32
        %parallel_loop3A_2232 = arith.addi %parallel_loop3A_1136, %parallel_loop3A_2231 : i32
        %parallel_loop3A_2233 = arith.constant 0 : i32
        %parallel_loop3A_2234 = arith.constant 0 : i32
        %parallel_loop3A_2235 = tpu.memref_slice %arg6[%select_n3A_79, %parallel_loop3A_2233, %parallel_loop3A_2234] : memref<3x200x128xf32, #tpu.memory_space<vmem>> -> memref<1x200x128xf32, #tpu.memory_space<vmem>>
        %parallel_loop3A_2236 = tpu.memref_squeeze %parallel_loop3A_2235 : memref<1x200x128xf32, #tpu.memory_space<vmem>> -> memref<200x128xf32, #tpu.memory_space<vmem>>
        %parallel_loop3A_2237 = arith.index_cast %parallel_loop3A_2232 : i32 to index
        %parallel_loop3A_2238 = arith.constant 16 : index
        %parallel_loop3A_2239 = tpu.vector_load %parallel_loop3A_2236[%parallel_loop3A_2237, %parallel_loop3A_2238] {strides = array<i32>} : memref<200x128xf32, #tpu.memory_space<vmem>>, vector<16xf32>,
        %parallel_loop3A_2240 = arith.constant 2 : i32
        %parallel_loop3A_2241 = arith.addi %parallel_loop3A_1136, %parallel_loop3A_2240 : i32
        %parallel_loop3A_2242 = arith.constant 0 : i32
        %parallel_loop3A_2243 = arith.constant 0 : i32
        %parallel_loop3A_2244 = tpu.memref_slice %arg6[%select_n3A_79, %parallel_loop3A_2242, %parallel_loop3A_2243] : memref<3x200x128xf32, #tpu.memory_space<vmem>> -> memref<1x200x128xf32, #tpu.memory_space<vmem>>
        %parallel_loop3A_2245 = tpu.memref_squeeze %parallel_loop3A_2244 : memref<1x200x128xf32, #tpu.memory_space<vmem>> -> memref<200x128xf32, #tpu.memory_space<vmem>>
        %parallel_loop3A_2246 = arith.index_cast %parallel_loop3A_2241 : i32 to index
        %parallel_loop3A_2247 = arith.constant 32 : index
        %parallel_loop3A_2248 = tpu.vector_load %parallel_loop3A_2245[%parallel_loop3A_2246, %parallel_loop3A_2247] {strides = array<i32>} : memref<200x128xf32, #tpu.memory_space<vmem>>, vector<16xf32>,
        %parallel_loop3A_2249 = arith.constant 2 : i32
        %parallel_loop3A_2250 = arith.addi %parallel_loop3A_1136, %parallel_loop3A_2249 : i32
        %parallel_loop3A_2251 = arith.constant 0 : i32
        %parallel_loop3A_2252 = arith.constant 0 : i32
        %parallel_loop3A_2253 = tpu.memref_slice %arg6[%select_n3A_79, %parallel_loop3A_2251, %parallel_loop3A_2252] : memref<3x200x128xf32, #tpu.memory_space<vmem>> -> memref<1x200x128xf32, #tpu.memory_space<vmem>>
        %parallel_loop3A_2254 = tpu.memref_squeeze %parallel_loop3A_2253 : memref<1x200x128xf32, #tpu.memory_space<vmem>> -> memref<200x128xf32, #tpu.memory_space<vmem>>
        %parallel_loop3A_2255 = arith.index_cast %parallel_loop3A_2250 : i32 to index
        %parallel_loop3A_2256 = arith.constant 48 : index
        %parallel_loop3A_2257 = tpu.vector_load %parallel_loop3A_2254[%parallel_loop3A_2255, %parallel_loop3A_2256] {strides = array<i32>} : memref<200x128xf32, #tpu.memory_space<vmem>>, vector<16xf32>,
        %parallel_loop3A_2258 = arith.constant 1 : i32
        %parallel_loop3A_2259 = vector.broadcast %parallel_loop3A_2258 : i32 to vector<16xi32>
        %parallel_loop3A_2260 = arith.addi %parallel_loop3A_2259, %iota3A : vector<16xi32>
        %parallel_loop3A_2261 = arith.mulf %parallel_loop3A_2218, %parallel_loop3A_2230 : vector<16xf32>
        %parallel_loop3A_2262 = arith.constant 0 : i32
        %parallel_loop3A_2263 = arith.constant 0 : i32
        %parallel_loop3A_2264 = tpu.memref_slice %arg6[%select_n3A_79, %parallel_loop3A_2262, %parallel_loop3A_2263] : memref<3x200x128xf32, #tpu.memory_space<vmem>> -> memref<1x200x128xf32, #tpu.memory_space<vmem>>
        %parallel_loop3A_2265 = tpu.memref_squeeze %parallel_loop3A_2264 : memref<1x200x128xf32, #tpu.memory_space<vmem>> -> memref<200x128xf32, #tpu.memory_space<vmem>>
        tpu.vector_store_idx %parallel_loop3A_2265[%parallel_loop3A_2221, %parallel_loop3A_2260], %parallel_loop3A_2261 : memref<200x128xf32, #tpu.memory_space<vmem>>[vector<16xi32>, vector<16xi32>], vector<16xf32>,
        %parallel_loop3A_2266 = arith.constant 17 : i32
        %parallel_loop3A_2267 = vector.broadcast %parallel_loop3A_2266 : i32 to vector<16xi32>
        %parallel_loop3A_2268 = arith.addi %parallel_loop3A_2267, %iota3A : vector<16xi32>
        %parallel_loop3A_2269 = arith.mulf %parallel_loop3A_2218, %parallel_loop3A_2239 : vector<16xf32>
        %parallel_loop3A_2270 = arith.constant 0 : i32
        %parallel_loop3A_2271 = arith.constant 0 : i32
        %parallel_loop3A_2272 = tpu.memref_slice %arg6[%select_n3A_79, %parallel_loop3A_2270, %parallel_loop3A_2271] : memref<3x200x128xf32, #tpu.memory_space<vmem>> -> memref<1x200x128xf32, #tpu.memory_space<vmem>>
        %parallel_loop3A_2273 = tpu.memref_squeeze %parallel_loop3A_2272 : memref<1x200x128xf32, #tpu.memory_space<vmem>> -> memref<200x128xf32, #tpu.memory_space<vmem>>
        tpu.vector_store_idx %parallel_loop3A_2273[%parallel_loop3A_2221, %parallel_loop3A_2268], %parallel_loop3A_2269 : memref<200x128xf32, #tpu.memory_space<vmem>>[vector<16xi32>, vector<16xi32>], vector<16xf32>,
        %parallel_loop3A_2274 = arith.constant 33 : i32
        %parallel_loop3A_2275 = vector.broadcast %parallel_loop3A_2274 : i32 to vector<16xi32>
        %parallel_loop3A_2276 = arith.addi %parallel_loop3A_2275, %iota3A : vector<16xi32>
        %parallel_loop3A_2277 = arith.mulf %parallel_loop3A_2218, %parallel_loop3A_2248 : vector<16xf32>
        %parallel_loop3A_2278 = arith.constant 0 : i32
        %parallel_loop3A_2279 = arith.constant 0 : i32
        %parallel_loop3A_2280 = tpu.memref_slice %arg6[%select_n3A_79, %parallel_loop3A_2278, %parallel_loop3A_2279] : memref<3x200x128xf32, #tpu.memory_space<vmem>> -> memref<1x200x128xf32, #tpu.memory_space<vmem>>
        %parallel_loop3A_2281 = tpu.memref_squeeze %parallel_loop3A_2280 : memref<1x200x128xf32, #tpu.memory_space<vmem>> -> memref<200x128xf32, #tpu.memory_space<vmem>>
        tpu.vector_store_idx %parallel_loop3A_2281[%parallel_loop3A_2221, %parallel_loop3A_2276], %parallel_loop3A_2277 : memref<200x128xf32, #tpu.memory_space<vmem>>[vector<16xi32>, vector<16xi32>], vector<16xf32>,
        %parallel_loop3A_2282 = arith.constant 49 : i32
        %parallel_loop3A_2283 = vector.broadcast %parallel_loop3A_2282 : i32 to vector<16xi32>
        %parallel_loop3A_2284 = arith.addi %parallel_loop3A_2283, %iota3A : vector<16xi32>
        %parallel_loop3A_2285 = arith.mulf %parallel_loop3A_2218, %parallel_loop3A_2257 : vector<16xf32>
        %parallel_loop3A_2286 = arith.constant 0 : i32
        %parallel_loop3A_2287 = arith.constant 0 : i32
        %parallel_loop3A_2288 = tpu.memref_slice %arg6[%select_n3A_79, %parallel_loop3A_2286, %parallel_loop3A_2287] : memref<3x200x128xf32, #tpu.memory_space<vmem>> -> memref<1x200x128xf32, #tpu.memory_space<vmem>>
        %parallel_loop3A_2289 = tpu.memref_squeeze %parallel_loop3A_2288 : memref<1x200x128xf32, #tpu.memory_space<vmem>> -> memref<200x128xf32, #tpu.memory_space<vmem>>
        tpu.vector_store_idx %parallel_loop3A_2289[%parallel_loop3A_2221, %parallel_loop3A_2284], %parallel_loop3A_2285 : memref<200x128xf32, #tpu.memory_space<vmem>>[vector<16xi32>, vector<16xi32>], vector<16xf32>,
        %parallel_loop3A_2290 = vector.extract_strided_slice %parallel_loop3A_2067 {offsets = [3], sizes = [1], strides = [1]} : vector<16xf32> to vector<1xf32>
        %parallel_loop3A_2291 = vector.extract %parallel_loop3A_2290[0] : f32 from vector<1xf32>
        %parallel_loop3A_2292 = vector.broadcast %parallel_loop3A_2291 : f32 to vector<16xf32>
        %parallel_loop3A_2293 = arith.constant 3 : i32
        %parallel_loop3A_2294 = arith.addi %parallel_loop3A_1136, %parallel_loop3A_2293 : i32
        %parallel_loop3A_2295 = vector.broadcast %parallel_loop3A_2294 : i32 to vector<16xi32>
        %parallel_loop3A_2296 = arith.constant 3 : i32
        %parallel_loop3A_2297 = arith.addi %parallel_loop3A_1136, %parallel_loop3A_2296 : i32
        %parallel_loop3A_2298 = arith.constant 0 : i32
        %parallel_loop3A_2299 = arith.constant 0 : i32
        %parallel_loop3A_2300 = tpu.memref_slice %arg6[%select_n3A_79, %parallel_loop3A_2298, %parallel_loop3A_2299] : memref<3x200x128xf32, #tpu.memory_space<vmem>> -> memref<1x200x128xf32, #tpu.memory_space<vmem>>
        %parallel_loop3A_2301 = tpu.memref_squeeze %parallel_loop3A_2300 : memref<1x200x128xf32, #tpu.memory_space<vmem>> -> memref<200x128xf32, #tpu.memory_space<vmem>>
        %parallel_loop3A_2302 = arith.index_cast %parallel_loop3A_2297 : i32 to index
        %parallel_loop3A_2303 = arith.constant 0 : index
        %parallel_loop3A_2304 = tpu.vector_load %parallel_loop3A_2301[%parallel_loop3A_2302, %parallel_loop3A_2303] {strides = array<i32>} : memref<200x128xf32, #tpu.memory_space<vmem>>, vector<16xf32>,
        %parallel_loop3A_2305 = arith.constant 3 : i32
        %parallel_loop3A_2306 = arith.addi %parallel_loop3A_1136, %parallel_loop3A_2305 : i32
        %parallel_loop3A_2307 = arith.constant 0 : i32
        %parallel_loop3A_2308 = arith.constant 0 : i32
        %parallel_loop3A_2309 = tpu.memref_slice %arg6[%select_n3A_79, %parallel_loop3A_2307, %parallel_loop3A_2308] : memref<3x200x128xf32, #tpu.memory_space<vmem>> -> memref<1x200x128xf32, #tpu.memory_space<vmem>>
        %parallel_loop3A_2310 = tpu.memref_squeeze %parallel_loop3A_2309 : memref<1x200x128xf32, #tpu.memory_space<vmem>> -> memref<200x128xf32, #tpu.memory_space<vmem>>
        %parallel_loop3A_2311 = arith.index_cast %parallel_loop3A_2306 : i32 to index
        %parallel_loop3A_2312 = arith.constant 16 : index
        %parallel_loop3A_2313 = tpu.vector_load %parallel_loop3A_2310[%parallel_loop3A_2311, %parallel_loop3A_2312] {strides = array<i32>} : memref<200x128xf32, #tpu.memory_space<vmem>>, vector<16xf32>,
        %parallel_loop3A_2314 = arith.constant 3 : i32
        %parallel_loop3A_2315 = arith.addi %parallel_loop3A_1136, %parallel_loop3A_2314 : i32
        %parallel_loop3A_2316 = arith.constant 0 : i32
        %parallel_loop3A_2317 = arith.constant 0 : i32
        %parallel_loop3A_2318 = tpu.memref_slice %arg6[%select_n3A_79, %parallel_loop3A_2316, %parallel_loop3A_2317] : memref<3x200x128xf32, #tpu.memory_space<vmem>> -> memref<1x200x128xf32, #tpu.memory_space<vmem>>
        %parallel_loop3A_2319 = tpu.memref_squeeze %parallel_loop3A_2318 : memref<1x200x128xf32, #tpu.memory_space<vmem>> -> memref<200x128xf32, #tpu.memory_space<vmem>>
        %parallel_loop3A_2320 = arith.index_cast %parallel_loop3A_2315 : i32 to index
        %parallel_loop3A_2321 = arith.constant 32 : index
        %parallel_loop3A_2322 = tpu.vector_load %parallel_loop3A_2319[%parallel_loop3A_2320, %parallel_loop3A_2321] {strides = array<i32>} : memref<200x128xf32, #tpu.memory_space<vmem>>, vector<16xf32>,
        %parallel_loop3A_2323 = arith.constant 3 : i32
        %parallel_loop3A_2324 = arith.addi %parallel_loop3A_1136, %parallel_loop3A_2323 : i32
        %parallel_loop3A_2325 = arith.constant 0 : i32
        %parallel_loop3A_2326 = arith.constant 0 : i32
        %parallel_loop3A_2327 = tpu.memref_slice %arg6[%select_n3A_79, %parallel_loop3A_2325, %parallel_loop3A_2326] : memref<3x200x128xf32, #tpu.memory_space<vmem>> -> memref<1x200x128xf32, #tpu.memory_space<vmem>>
        %parallel_loop3A_2328 = tpu.memref_squeeze %parallel_loop3A_2327 : memref<1x200x128xf32, #tpu.memory_space<vmem>> -> memref<200x128xf32, #tpu.memory_space<vmem>>
        %parallel_loop3A_2329 = arith.index_cast %parallel_loop3A_2324 : i32 to index
        %parallel_loop3A_2330 = arith.constant 48 : index
        %parallel_loop3A_2331 = tpu.vector_load %parallel_loop3A_2328[%parallel_loop3A_2329, %parallel_loop3A_2330] {strides = array<i32>} : memref<200x128xf32, #tpu.memory_space<vmem>>, vector<16xf32>,
        %parallel_loop3A_2332 = arith.constant 1 : i32
        %parallel_loop3A_2333 = vector.broadcast %parallel_loop3A_2332 : i32 to vector<16xi32>
        %parallel_loop3A_2334 = arith.addi %parallel_loop3A_2333, %iota3A : vector<16xi32>
        %parallel_loop3A_2335 = arith.mulf %parallel_loop3A_2292, %parallel_loop3A_2304 : vector<16xf32>
        %parallel_loop3A_2336 = arith.constant 0 : i32
        %parallel_loop3A_2337 = arith.constant 0 : i32
        %parallel_loop3A_2338 = tpu.memref_slice %arg6[%select_n3A_79, %parallel_loop3A_2336, %parallel_loop3A_2337] : memref<3x200x128xf32, #tpu.memory_space<vmem>> -> memref<1x200x128xf32, #tpu.memory_space<vmem>>
        %parallel_loop3A_2339 = tpu.memref_squeeze %parallel_loop3A_2338 : memref<1x200x128xf32, #tpu.memory_space<vmem>> -> memref<200x128xf32, #tpu.memory_space<vmem>>
        tpu.vector_store_idx %parallel_loop3A_2339[%parallel_loop3A_2295, %parallel_loop3A_2334], %parallel_loop3A_2335 : memref<200x128xf32, #tpu.memory_space<vmem>>[vector<16xi32>, vector<16xi32>], vector<16xf32>,
        %parallel_loop3A_2340 = arith.constant 17 : i32
        %parallel_loop3A_2341 = vector.broadcast %parallel_loop3A_2340 : i32 to vector<16xi32>
        %parallel_loop3A_2342 = arith.addi %parallel_loop3A_2341, %iota3A : vector<16xi32>
        %parallel_loop3A_2343 = arith.mulf %parallel_loop3A_2292, %parallel_loop3A_2313 : vector<16xf32>
        %parallel_loop3A_2344 = arith.constant 0 : i32
        %parallel_loop3A_2345 = arith.constant 0 : i32
        %parallel_loop3A_2346 = tpu.memref_slice %arg6[%select_n3A_79, %parallel_loop3A_2344, %parallel_loop3A_2345] : memref<3x200x128xf32, #tpu.memory_space<vmem>> -> memref<1x200x128xf32, #tpu.memory_space<vmem>>
        %parallel_loop3A_2347 = tpu.memref_squeeze %parallel_loop3A_2346 : memref<1x200x128xf32, #tpu.memory_space<vmem>> -> memref<200x128xf32, #tpu.memory_space<vmem>>
        tpu.vector_store_idx %parallel_loop3A_2347[%parallel_loop3A_2295, %parallel_loop3A_2342], %parallel_loop3A_2343 : memref<200x128xf32, #tpu.memory_space<vmem>>[vector<16xi32>, vector<16xi32>], vector<16xf32>,
        %parallel_loop3A_2348 = arith.constant 33 : i32
        %parallel_loop3A_2349 = vector.broadcast %parallel_loop3A_2348 : i32 to vector<16xi32>
        %parallel_loop3A_2350 = arith.addi %parallel_loop3A_2349, %iota3A : vector<16xi32>
        %parallel_loop3A_2351 = arith.mulf %parallel_loop3A_2292, %parallel_loop3A_2322 : vector<16xf32>
        %parallel_loop3A_2352 = arith.constant 0 : i32
        %parallel_loop3A_2353 = arith.constant 0 : i32
        %parallel_loop3A_2354 = tpu.memref_slice %arg6[%select_n3A_79, %parallel_loop3A_2352, %parallel_loop3A_2353] : memref<3x200x128xf32, #tpu.memory_space<vmem>> -> memref<1x200x128xf32, #tpu.memory_space<vmem>>
        %parallel_loop3A_2355 = tpu.memref_squeeze %parallel_loop3A_2354 : memref<1x200x128xf32, #tpu.memory_space<vmem>> -> memref<200x128xf32, #tpu.memory_space<vmem>>
        tpu.vector_store_idx %parallel_loop3A_2355[%parallel_loop3A_2295, %parallel_loop3A_2350], %parallel_loop3A_2351 : memref<200x128xf32, #tpu.memory_space<vmem>>[vector<16xi32>, vector<16xi32>], vector<16xf32>,
        %parallel_loop3A_2356 = arith.constant 49 : i32
        %parallel_loop3A_2357 = vector.broadcast %parallel_loop3A_2356 : i32 to vector<16xi32>
        %parallel_loop3A_2358 = arith.addi %parallel_loop3A_2357, %iota3A : vector<16xi32>
        %parallel_loop3A_2359 = arith.mulf %parallel_loop3A_2292, %parallel_loop3A_2331 : vector<16xf32>
        %parallel_loop3A_2360 = arith.constant 0 : i32
        %parallel_loop3A_2361 = arith.constant 0 : i32
        %parallel_loop3A_2362 = tpu.memref_slice %arg6[%select_n3A_79, %parallel_loop3A_2360, %parallel_loop3A_2361] : memref<3x200x128xf32, #tpu.memory_space<vmem>> -> memref<1x200x128xf32, #tpu.memory_space<vmem>>
        %parallel_loop3A_2363 = tpu.memref_squeeze %parallel_loop3A_2362 : memref<1x200x128xf32, #tpu.memory_space<vmem>> -> memref<200x128xf32, #tpu.memory_space<vmem>>
        tpu.vector_store_idx %parallel_loop3A_2363[%parallel_loop3A_2295, %parallel_loop3A_2358], %parallel_loop3A_2359 : memref<200x128xf32, #tpu.memory_space<vmem>>[vector<16xi32>, vector<16xi32>], vector<16xf32>,
        %parallel_loop3A_2364 = vector.extract_strided_slice %parallel_loop3A_2067 {offsets = [4], sizes = [1], strides = [1]} : vector<16xf32> to vector<1xf32>
        %parallel_loop3A_2365 = vector.extract %parallel_loop3A_2364[0] : f32 from vector<1xf32>
        %parallel_loop3A_2366 = vector.broadcast %parallel_loop3A_2365 : f32 to vector<16xf32>
        %parallel_loop3A_2367 = arith.constant 4 : i32
        %parallel_loop3A_2368 = arith.addi %parallel_loop3A_1136, %parallel_loop3A_2367 : i32
        %parallel_loop3A_2369 = vector.broadcast %parallel_loop3A_2368 : i32 to vector<16xi32>
        %parallel_loop3A_2370 = arith.constant 4 : i32
        %parallel_loop3A_2371 = arith.addi %parallel_loop3A_1136, %parallel_loop3A_2370 : i32
        %parallel_loop3A_2372 = arith.constant 0 : i32
        %parallel_loop3A_2373 = arith.constant 0 : i32
        %parallel_loop3A_2374 = tpu.memref_slice %arg6[%select_n3A_79, %parallel_loop3A_2372, %parallel_loop3A_2373] : memref<3x200x128xf32, #tpu.memory_space<vmem>> -> memref<1x200x128xf32, #tpu.memory_space<vmem>>
        %parallel_loop3A_2375 = tpu.memref_squeeze %parallel_loop3A_2374 : memref<1x200x128xf32, #tpu.memory_space<vmem>> -> memref<200x128xf32, #tpu.memory_space<vmem>>
        %parallel_loop3A_2376 = arith.index_cast %parallel_loop3A_2371 : i32 to index
        %parallel_loop3A_2377 = arith.constant 0 : index
        %parallel_loop3A_2378 = tpu.vector_load %parallel_loop3A_2375[%parallel_loop3A_2376, %parallel_loop3A_2377] {strides = array<i32>} : memref<200x128xf32, #tpu.memory_space<vmem>>, vector<16xf32>,
        %parallel_loop3A_2379 = arith.constant 4 : i32
        %parallel_loop3A_2380 = arith.addi %parallel_loop3A_1136, %parallel_loop3A_2379 : i32
        %parallel_loop3A_2381 = arith.constant 0 : i32
        %parallel_loop3A_2382 = arith.constant 0 : i32
        %parallel_loop3A_2383 = tpu.memref_slice %arg6[%select_n3A_79, %parallel_loop3A_2381, %parallel_loop3A_2382] : memref<3x200x128xf32, #tpu.memory_space<vmem>> -> memref<1x200x128xf32, #tpu.memory_space<vmem>>
        %parallel_loop3A_2384 = tpu.memref_squeeze %parallel_loop3A_2383 : memref<1x200x128xf32, #tpu.memory_space<vmem>> -> memref<200x128xf32, #tpu.memory_space<vmem>>
        %parallel_loop3A_2385 = arith.index_cast %parallel_loop3A_2380 : i32 to index
        %parallel_loop3A_2386 = arith.constant 16 : index
        %parallel_loop3A_2387 = tpu.vector_load %parallel_loop3A_2384[%parallel_loop3A_2385, %parallel_loop3A_2386] {strides = array<i32>} : memref<200x128xf32, #tpu.memory_space<vmem>>, vector<16xf32>,
        %parallel_loop3A_2388 = arith.constant 4 : i32
        %parallel_loop3A_2389 = arith.addi %parallel_loop3A_1136, %parallel_loop3A_2388 : i32
        %parallel_loop3A_2390 = arith.constant 0 : i32
        %parallel_loop3A_2391 = arith.constant 0 : i32
        %parallel_loop3A_2392 = tpu.memref_slice %arg6[%select_n3A_79, %parallel_loop3A_2390, %parallel_loop3A_2391] : memref<3x200x128xf32, #tpu.memory_space<vmem>> -> memref<1x200x128xf32, #tpu.memory_space<vmem>>
        %parallel_loop3A_2393 = tpu.memref_squeeze %parallel_loop3A_2392 : memref<1x200x128xf32, #tpu.memory_space<vmem>> -> memref<200x128xf32, #tpu.memory_space<vmem>>
        %parallel_loop3A_2394 = arith.index_cast %parallel_loop3A_2389 : i32 to index
        %parallel_loop3A_2395 = arith.constant 32 : index
        %parallel_loop3A_2396 = tpu.vector_load %parallel_loop3A_2393[%parallel_loop3A_2394, %parallel_loop3A_2395] {strides = array<i32>} : memref<200x128xf32, #tpu.memory_space<vmem>>, vector<16xf32>,
        %parallel_loop3A_2397 = arith.constant 4 : i32
        %parallel_loop3A_2398 = arith.addi %parallel_loop3A_1136, %parallel_loop3A_2397 : i32
        %parallel_loop3A_2399 = arith.constant 0 : i32
        %parallel_loop3A_2400 = arith.constant 0 : i32
        %parallel_loop3A_2401 = tpu.memref_slice %arg6[%select_n3A_79, %parallel_loop3A_2399, %parallel_loop3A_2400] : memref<3x200x128xf32, #tpu.memory_space<vmem>> -> memref<1x200x128xf32, #tpu.memory_space<vmem>>
        %parallel_loop3A_2402 = tpu.memref_squeeze %parallel_loop3A_2401 : memref<1x200x128xf32, #tpu.memory_space<vmem>> -> memref<200x128xf32, #tpu.memory_space<vmem>>
        %parallel_loop3A_2403 = arith.index_cast %parallel_loop3A_2398 : i32 to index
        %parallel_loop3A_2404 = arith.constant 48 : index
        %parallel_loop3A_2405 = tpu.vector_load %parallel_loop3A_2402[%parallel_loop3A_2403, %parallel_loop3A_2404] {strides = array<i32>} : memref<200x128xf32, #tpu.memory_space<vmem>>, vector<16xf32>,
        %parallel_loop3A_2406 = arith.constant 1 : i32
        %parallel_loop3A_2407 = vector.broadcast %parallel_loop3A_2406 : i32 to vector<16xi32>
        %parallel_loop3A_2408 = arith.addi %parallel_loop3A_2407, %iota3A : vector<16xi32>
        %parallel_loop3A_2409 = arith.mulf %parallel_loop3A_2366, %parallel_loop3A_2378 : vector<16xf32>
        %parallel_loop3A_2410 = arith.constant 0 : i32
        %parallel_loop3A_2411 = arith.constant 0 : i32
        %parallel_loop3A_2412 = tpu.memref_slice %arg6[%select_n3A_79, %parallel_loop3A_2410, %parallel_loop3A_2411] : memref<3x200x128xf32, #tpu.memory_space<vmem>> -> memref<1x200x128xf32, #tpu.memory_space<vmem>>
        %parallel_loop3A_2413 = tpu.memref_squeeze %parallel_loop3A_2412 : memref<1x200x128xf32, #tpu.memory_space<vmem>> -> memref<200x128xf32, #tpu.memory_space<vmem>>
        tpu.vector_store_idx %parallel_loop3A_2413[%parallel_loop3A_2369, %parallel_loop3A_2408], %parallel_loop3A_2409 : memref<200x128xf32, #tpu.memory_space<vmem>>[vector<16xi32>, vector<16xi32>], vector<16xf32>,
        %parallel_loop3A_2414 = arith.constant 17 : i32
        %parallel_loop3A_2415 = vector.broadcast %parallel_loop3A_2414 : i32 to vector<16xi32>
        %parallel_loop3A_2416 = arith.addi %parallel_loop3A_2415, %iota3A : vector<16xi32>
        %parallel_loop3A_2417 = arith.mulf %parallel_loop3A_2366, %parallel_loop3A_2387 : vector<16xf32>
        %parallel_loop3A_2418 = arith.constant 0 : i32
        %parallel_loop3A_2419 = arith.constant 0 : i32
        %parallel_loop3A_2420 = tpu.memref_slice %arg6[%select_n3A_79, %parallel_loop3A_2418, %parallel_loop3A_2419] : memref<3x200x128xf32, #tpu.memory_space<vmem>> -> memref<1x200x128xf32, #tpu.memory_space<vmem>>
        %parallel_loop3A_2421 = tpu.memref_squeeze %parallel_loop3A_2420 : memref<1x200x128xf32, #tpu.memory_space<vmem>> -> memref<200x128xf32, #tpu.memory_space<vmem>>
        tpu.vector_store_idx %parallel_loop3A_2421[%parallel_loop3A_2369, %parallel_loop3A_2416], %parallel_loop3A_2417 : memref<200x128xf32, #tpu.memory_space<vmem>>[vector<16xi32>, vector<16xi32>], vector<16xf32>,
        %parallel_loop3A_2422 = arith.constant 33 : i32
        %parallel_loop3A_2423 = vector.broadcast %parallel_loop3A_2422 : i32 to vector<16xi32>
        %parallel_loop3A_2424 = arith.addi %parallel_loop3A_2423, %iota3A : vector<16xi32>
        %parallel_loop3A_2425 = arith.mulf %parallel_loop3A_2366, %parallel_loop3A_2396 : vector<16xf32>
        %parallel_loop3A_2426 = arith.constant 0 : i32
        %parallel_loop3A_2427 = arith.constant 0 : i32
        %parallel_loop3A_2428 = tpu.memref_slice %arg6[%select_n3A_79, %parallel_loop3A_2426, %parallel_loop3A_2427] : memref<3x200x128xf32, #tpu.memory_space<vmem>> -> memref<1x200x128xf32, #tpu.memory_space<vmem>>
        %parallel_loop3A_2429 = tpu.memref_squeeze %parallel_loop3A_2428 : memref<1x200x128xf32, #tpu.memory_space<vmem>> -> memref<200x128xf32, #tpu.memory_space<vmem>>
        tpu.vector_store_idx %parallel_loop3A_2429[%parallel_loop3A_2369, %parallel_loop3A_2424], %parallel_loop3A_2425 : memref<200x128xf32, #tpu.memory_space<vmem>>[vector<16xi32>, vector<16xi32>], vector<16xf32>,
        %parallel_loop3A_2430 = arith.constant 49 : i32
        %parallel_loop3A_2431 = vector.broadcast %parallel_loop3A_2430 : i32 to vector<16xi32>
        %parallel_loop3A_2432 = arith.addi %parallel_loop3A_2431, %iota3A : vector<16xi32>
        %parallel_loop3A_2433 = arith.mulf %parallel_loop3A_2366, %parallel_loop3A_2405 : vector<16xf32>
        %parallel_loop3A_2434 = arith.constant 0 : i32
        %parallel_loop3A_2435 = arith.constant 0 : i32
        %parallel_loop3A_2436 = tpu.memref_slice %arg6[%select_n3A_79, %parallel_loop3A_2434, %parallel_loop3A_2435] : memref<3x200x128xf32, #tpu.memory_space<vmem>> -> memref<1x200x128xf32, #tpu.memory_space<vmem>>
        %parallel_loop3A_2437 = tpu.memref_squeeze %parallel_loop3A_2436 : memref<1x200x128xf32, #tpu.memory_space<vmem>> -> memref<200x128xf32, #tpu.memory_space<vmem>>
        tpu.vector_store_idx %parallel_loop3A_2437[%parallel_loop3A_2369, %parallel_loop3A_2432], %parallel_loop3A_2433 : memref<200x128xf32, #tpu.memory_space<vmem>>[vector<16xi32>, vector<16xi32>], vector<16xf32>,
        %parallel_loop3A_2438 = vector.extract_strided_slice %parallel_loop3A_2067 {offsets = [5], sizes = [1], strides = [1]} : vector<16xf32> to vector<1xf32>
        %parallel_loop3A_2439 = vector.extract %parallel_loop3A_2438[0] : f32 from vector<1xf32>
        %parallel_loop3A_2440 = vector.broadcast %parallel_loop3A_2439 : f32 to vector<16xf32>
        %parallel_loop3A_2441 = arith.constant 5 : i32
        %parallel_loop3A_2442 = arith.addi %parallel_loop3A_1136, %parallel_loop3A_2441 : i32
        %parallel_loop3A_2443 = vector.broadcast %parallel_loop3A_2442 : i32 to vector<16xi32>
        %parallel_loop3A_2444 = arith.constant 5 : i32
        %parallel_loop3A_2445 = arith.addi %parallel_loop3A_1136, %parallel_loop3A_2444 : i32
        %parallel_loop3A_2446 = arith.constant 0 : i32
        %parallel_loop3A_2447 = arith.constant 0 : i32
        %parallel_loop3A_2448 = tpu.memref_slice %arg6[%select_n3A_79, %parallel_loop3A_2446, %parallel_loop3A_2447] : memref<3x200x128xf32, #tpu.memory_space<vmem>> -> memref<1x200x128xf32, #tpu.memory_space<vmem>>
        %parallel_loop3A_2449 = tpu.memref_squeeze %parallel_loop3A_2448 : memref<1x200x128xf32, #tpu.memory_space<vmem>> -> memref<200x128xf32, #tpu.memory_space<vmem>>
        %parallel_loop3A_2450 = arith.index_cast %parallel_loop3A_2445 : i32 to index
        %parallel_loop3A_2451 = arith.constant 0 : index
        %parallel_loop3A_2452 = tpu.vector_load %parallel_loop3A_2449[%parallel_loop3A_2450, %parallel_loop3A_2451] {strides = array<i32>} : memref<200x128xf32, #tpu.memory_space<vmem>>, vector<16xf32>,
        %parallel_loop3A_2453 = arith.constant 5 : i32
        %parallel_loop3A_2454 = arith.addi %parallel_loop3A_1136, %parallel_loop3A_2453 : i32
        %parallel_loop3A_2455 = arith.constant 0 : i32
        %parallel_loop3A_2456 = arith.constant 0 : i32
        %parallel_loop3A_2457 = tpu.memref_slice %arg6[%select_n3A_79, %parallel_loop3A_2455, %parallel_loop3A_2456] : memref<3x200x128xf32, #tpu.memory_space<vmem>> -> memref<1x200x128xf32, #tpu.memory_space<vmem>>
        %parallel_loop3A_2458 = tpu.memref_squeeze %parallel_loop3A_2457 : memref<1x200x128xf32, #tpu.memory_space<vmem>> -> memref<200x128xf32, #tpu.memory_space<vmem>>
        %parallel_loop3A_2459 = arith.index_cast %parallel_loop3A_2454 : i32 to index
        %parallel_loop3A_2460 = arith.constant 16 : index
        %parallel_loop3A_2461 = tpu.vector_load %parallel_loop3A_2458[%parallel_loop3A_2459, %parallel_loop3A_2460] {strides = array<i32>} : memref<200x128xf32, #tpu.memory_space<vmem>>, vector<16xf32>,
        %parallel_loop3A_2462 = arith.constant 5 : i32
        %parallel_loop3A_2463 = arith.addi %parallel_loop3A_1136, %parallel_loop3A_2462 : i32
        %parallel_loop3A_2464 = arith.constant 0 : i32
        %parallel_loop3A_2465 = arith.constant 0 : i32
        %parallel_loop3A_2466 = tpu.memref_slice %arg6[%select_n3A_79, %parallel_loop3A_2464, %parallel_loop3A_2465] : memref<3x200x128xf32, #tpu.memory_space<vmem>> -> memref<1x200x128xf32, #tpu.memory_space<vmem>>
        %parallel_loop3A_2467 = tpu.memref_squeeze %parallel_loop3A_2466 : memref<1x200x128xf32, #tpu.memory_space<vmem>> -> memref<200x128xf32, #tpu.memory_space<vmem>>
        %parallel_loop3A_2468 = arith.index_cast %parallel_loop3A_2463 : i32 to index
        %parallel_loop3A_2469 = arith.constant 32 : index
        %parallel_loop3A_2470 = tpu.vector_load %parallel_loop3A_2467[%parallel_loop3A_2468, %parallel_loop3A_2469] {strides = array<i32>} : memref<200x128xf32, #tpu.memory_space<vmem>>, vector<16xf32>,
        %parallel_loop3A_2471 = arith.constant 5 : i32
        %parallel_loop3A_2472 = arith.addi %parallel_loop3A_1136, %parallel_loop3A_2471 : i32
        %parallel_loop3A_2473 = arith.constant 0 : i32
        %parallel_loop3A_2474 = arith.constant 0 : i32
        %parallel_loop3A_2475 = tpu.memref_slice %arg6[%select_n3A_79, %parallel_loop3A_2473, %parallel_loop3A_2474] : memref<3x200x128xf32, #tpu.memory_space<vmem>> -> memref<1x200x128xf32, #tpu.memory_space<vmem>>
        %parallel_loop3A_2476 = tpu.memref_squeeze %parallel_loop3A_2475 : memref<1x200x128xf32, #tpu.memory_space<vmem>> -> memref<200x128xf32, #tpu.memory_space<vmem>>
        %parallel_loop3A_2477 = arith.index_cast %parallel_loop3A_2472 : i32 to index
        %parallel_loop3A_2478 = arith.constant 48 : index
        %parallel_loop3A_2479 = tpu.vector_load %parallel_loop3A_2476[%parallel_loop3A_2477, %parallel_loop3A_2478] {strides = array<i32>} : memref<200x128xf32, #tpu.memory_space<vmem>>, vector<16xf32>,
        %parallel_loop3A_2480 = arith.constant 1 : i32
        %parallel_loop3A_2481 = vector.broadcast %parallel_loop3A_2480 : i32 to vector<16xi32>
        %parallel_loop3A_2482 = arith.addi %parallel_loop3A_2481, %iota3A : vector<16xi32>
        %parallel_loop3A_2483 = arith.mulf %parallel_loop3A_2440, %parallel_loop3A_2452 : vector<16xf32>
        %parallel_loop3A_2484 = arith.constant 0 : i32
        %parallel_loop3A_2485 = arith.constant 0 : i32
        %parallel_loop3A_2486 = tpu.memref_slice %arg6[%select_n3A_79, %parallel_loop3A_2484, %parallel_loop3A_2485] : memref<3x200x128xf32, #tpu.memory_space<vmem>> -> memref<1x200x128xf32, #tpu.memory_space<vmem>>
        %parallel_loop3A_2487 = tpu.memref_squeeze %parallel_loop3A_2486 : memref<1x200x128xf32, #tpu.memory_space<vmem>> -> memref<200x128xf32, #tpu.memory_space<vmem>>
        tpu.vector_store_idx %parallel_loop3A_2487[%parallel_loop3A_2443, %parallel_loop3A_2482], %parallel_loop3A_2483 : memref<200x128xf32, #tpu.memory_space<vmem>>[vector<16xi32>, vector<16xi32>], vector<16xf32>,
        %parallel_loop3A_2488 = arith.constant 17 : i32
        %parallel_loop3A_2489 = vector.broadcast %parallel_loop3A_2488 : i32 to vector<16xi32>
        %parallel_loop3A_2490 = arith.addi %parallel_loop3A_2489, %iota3A : vector<16xi32>
        %parallel_loop3A_2491 = arith.mulf %parallel_loop3A_2440, %parallel_loop3A_2461 : vector<16xf32>
        %parallel_loop3A_2492 = arith.constant 0 : i32
        %parallel_loop3A_2493 = arith.constant 0 : i32
        %parallel_loop3A_2494 = tpu.memref_slice %arg6[%select_n3A_79, %parallel_loop3A_2492, %parallel_loop3A_2493] : memref<3x200x128xf32, #tpu.memory_space<vmem>> -> memref<1x200x128xf32, #tpu.memory_space<vmem>>
        %parallel_loop3A_2495 = tpu.memref_squeeze %parallel_loop3A_2494 : memref<1x200x128xf32, #tpu.memory_space<vmem>> -> memref<200x128xf32, #tpu.memory_space<vmem>>
        tpu.vector_store_idx %parallel_loop3A_2495[%parallel_loop3A_2443, %parallel_loop3A_2490], %parallel_loop3A_2491 : memref<200x128xf32, #tpu.memory_space<vmem>>[vector<16xi32>, vector<16xi32>], vector<16xf32>,
        %parallel_loop3A_2496 = arith.constant 33 : i32
        %parallel_loop3A_2497 = vector.broadcast %parallel_loop3A_2496 : i32 to vector<16xi32>
        %parallel_loop3A_2498 = arith.addi %parallel_loop3A_2497, %iota3A : vector<16xi32>
        %parallel_loop3A_2499 = arith.mulf %parallel_loop3A_2440, %parallel_loop3A_2470 : vector<16xf32>
        %parallel_loop3A_2500 = arith.constant 0 : i32
        %parallel_loop3A_2501 = arith.constant 0 : i32
        %parallel_loop3A_2502 = tpu.memref_slice %arg6[%select_n3A_79, %parallel_loop3A_2500, %parallel_loop3A_2501] : memref<3x200x128xf32, #tpu.memory_space<vmem>> -> memref<1x200x128xf32, #tpu.memory_space<vmem>>
        %parallel_loop3A_2503 = tpu.memref_squeeze %parallel_loop3A_2502 : memref<1x200x128xf32, #tpu.memory_space<vmem>> -> memref<200x128xf32, #tpu.memory_space<vmem>>
        tpu.vector_store_idx %parallel_loop3A_2503[%parallel_loop3A_2443, %parallel_loop3A_2498], %parallel_loop3A_2499 : memref<200x128xf32, #tpu.memory_space<vmem>>[vector<16xi32>, vector<16xi32>], vector<16xf32>,
        %parallel_loop3A_2504 = arith.constant 49 : i32
        %parallel_loop3A_2505 = vector.broadcast %parallel_loop3A_2504 : i32 to vector<16xi32>
        %parallel_loop3A_2506 = arith.addi %parallel_loop3A_2505, %iota3A : vector<16xi32>
        %parallel_loop3A_2507 = arith.mulf %parallel_loop3A_2440, %parallel_loop3A_2479 : vector<16xf32>
        %parallel_loop3A_2508 = arith.constant 0 : i32
        %parallel_loop3A_2509 = arith.constant 0 : i32
        %parallel_loop3A_2510 = tpu.memref_slice %arg6[%select_n3A_79, %parallel_loop3A_2508, %parallel_loop3A_2509] : memref<3x200x128xf32, #tpu.memory_space<vmem>> -> memref<1x200x128xf32, #tpu.memory_space<vmem>>
        %parallel_loop3A_2511 = tpu.memref_squeeze %parallel_loop3A_2510 : memref<1x200x128xf32, #tpu.memory_space<vmem>> -> memref<200x128xf32, #tpu.memory_space<vmem>>
        tpu.vector_store_idx %parallel_loop3A_2511[%parallel_loop3A_2443, %parallel_loop3A_2506], %parallel_loop3A_2507 : memref<200x128xf32, #tpu.memory_space<vmem>>[vector<16xi32>, vector<16xi32>], vector<16xf32>,
        %parallel_loop3A_2512 = vector.extract_strided_slice %parallel_loop3A_2067 {offsets = [6], sizes = [1], strides = [1]} : vector<16xf32> to vector<1xf32>
        %parallel_loop3A_2513 = vector.extract %parallel_loop3A_2512[0] : f32 from vector<1xf32>
        %parallel_loop3A_2514 = vector.broadcast %parallel_loop3A_2513 : f32 to vector<16xf32>
        %parallel_loop3A_2515 = arith.constant 6 : i32
        %parallel_loop3A_2516 = arith.addi %parallel_loop3A_1136, %parallel_loop3A_2515 : i32
        %parallel_loop3A_2517 = vector.broadcast %parallel_loop3A_2516 : i32 to vector<16xi32>
        %parallel_loop3A_2518 = arith.constant 6 : i32
        %parallel_loop3A_2519 = arith.addi %parallel_loop3A_1136, %parallel_loop3A_2518 : i32
        %parallel_loop3A_2520 = arith.constant 0 : i32
        %parallel_loop3A_2521 = arith.constant 0 : i32
        %parallel_loop3A_2522 = tpu.memref_slice %arg6[%select_n3A_79, %parallel_loop3A_2520, %parallel_loop3A_2521] : memref<3x200x128xf32, #tpu.memory_space<vmem>> -> memref<1x200x128xf32, #tpu.memory_space<vmem>>
        %parallel_loop3A_2523 = tpu.memref_squeeze %parallel_loop3A_2522 : memref<1x200x128xf32, #tpu.memory_space<vmem>> -> memref<200x128xf32, #tpu.memory_space<vmem>>
        %parallel_loop3A_2524 = arith.index_cast %parallel_loop3A_2519 : i32 to index
        %parallel_loop3A_2525 = arith.constant 0 : index
        %parallel_loop3A_2526 = tpu.vector_load %parallel_loop3A_2523[%parallel_loop3A_2524, %parallel_loop3A_2525] {strides = array<i32>} : memref<200x128xf32, #tpu.memory_space<vmem>>, vector<16xf32>,
        %parallel_loop3A_2527 = arith.constant 6 : i32
        %parallel_loop3A_2528 = arith.addi %parallel_loop3A_1136, %parallel_loop3A_2527 : i32
        %parallel_loop3A_2529 = arith.constant 0 : i32
        %parallel_loop3A_2530 = arith.constant 0 : i32
        %parallel_loop3A_2531 = tpu.memref_slice %arg6[%select_n3A_79, %parallel_loop3A_2529, %parallel_loop3A_2530] : memref<3x200x128xf32, #tpu.memory_space<vmem>> -> memref<1x200x128xf32, #tpu.memory_space<vmem>>
        %parallel_loop3A_2532 = tpu.memref_squeeze %parallel_loop3A_2531 : memref<1x200x128xf32, #tpu.memory_space<vmem>> -> memref<200x128xf32, #tpu.memory_space<vmem>>
        %parallel_loop3A_2533 = arith.index_cast %parallel_loop3A_2528 : i32 to index
        %parallel_loop3A_2534 = arith.constant 16 : index
        %parallel_loop3A_2535 = tpu.vector_load %parallel_loop3A_2532[%parallel_loop3A_2533, %parallel_loop3A_2534] {strides = array<i32>} : memref<200x128xf32, #tpu.memory_space<vmem>>, vector<16xf32>,
        %parallel_loop3A_2536 = arith.constant 6 : i32
        %parallel_loop3A_2537 = arith.addi %parallel_loop3A_1136, %parallel_loop3A_2536 : i32
        %parallel_loop3A_2538 = arith.constant 0 : i32
        %parallel_loop3A_2539 = arith.constant 0 : i32
        %parallel_loop3A_2540 = tpu.memref_slice %arg6[%select_n3A_79, %parallel_loop3A_2538, %parallel_loop3A_2539] : memref<3x200x128xf32, #tpu.memory_space<vmem>> -> memref<1x200x128xf32, #tpu.memory_space<vmem>>
        %parallel_loop3A_2541 = tpu.memref_squeeze %parallel_loop3A_2540 : memref<1x200x128xf32, #tpu.memory_space<vmem>> -> memref<200x128xf32, #tpu.memory_space<vmem>>
        %parallel_loop3A_2542 = arith.index_cast %parallel_loop3A_2537 : i32 to index
        %parallel_loop3A_2543 = arith.constant 32 : index
        %parallel_loop3A_2544 = tpu.vector_load %parallel_loop3A_2541[%parallel_loop3A_2542, %parallel_loop3A_2543] {strides = array<i32>} : memref<200x128xf32, #tpu.memory_space<vmem>>, vector<16xf32>,
        %parallel_loop3A_2545 = arith.constant 6 : i32
        %parallel_loop3A_2546 = arith.addi %parallel_loop3A_1136, %parallel_loop3A_2545 : i32
        %parallel_loop3A_2547 = arith.constant 0 : i32
        %parallel_loop3A_2548 = arith.constant 0 : i32
        %parallel_loop3A_2549 = tpu.memref_slice %arg6[%select_n3A_79, %parallel_loop3A_2547, %parallel_loop3A_2548] : memref<3x200x128xf32, #tpu.memory_space<vmem>> -> memref<1x200x128xf32, #tpu.memory_space<vmem>>
        %parallel_loop3A_2550 = tpu.memref_squeeze %parallel_loop3A_2549 : memref<1x200x128xf32, #tpu.memory_space<vmem>> -> memref<200x128xf32, #tpu.memory_space<vmem>>
        %parallel_loop3A_2551 = arith.index_cast %parallel_loop3A_2546 : i32 to index
        %parallel_loop3A_2552 = arith.constant 48 : index
        %parallel_loop3A_2553 = tpu.vector_load %parallel_loop3A_2550[%parallel_loop3A_2551, %parallel_loop3A_2552] {strides = array<i32>} : memref<200x128xf32, #tpu.memory_space<vmem>>, vector<16xf32>,
        %parallel_loop3A_2554 = arith.constant 1 : i32
        %parallel_loop3A_2555 = vector.broadcast %parallel_loop3A_2554 : i32 to vector<16xi32>
        %parallel_loop3A_2556 = arith.addi %parallel_loop3A_2555, %iota3A : vector<16xi32>
        %parallel_loop3A_2557 = arith.mulf %parallel_loop3A_2514, %parallel_loop3A_2526 : vector<16xf32>
        %parallel_loop3A_2558 = arith.constant 0 : i32
        %parallel_loop3A_2559 = arith.constant 0 : i32
        %parallel_loop3A_2560 = tpu.memref_slice %arg6[%select_n3A_79, %parallel_loop3A_2558, %parallel_loop3A_2559] : memref<3x200x128xf32, #tpu.memory_space<vmem>> -> memref<1x200x128xf32, #tpu.memory_space<vmem>>
        %parallel_loop3A_2561 = tpu.memref_squeeze %parallel_loop3A_2560 : memref<1x200x128xf32, #tpu.memory_space<vmem>> -> memref<200x128xf32, #tpu.memory_space<vmem>>
        tpu.vector_store_idx %parallel_loop3A_2561[%parallel_loop3A_2517, %parallel_loop3A_2556], %parallel_loop3A_2557 : memref<200x128xf32, #tpu.memory_space<vmem>>[vector<16xi32>, vector<16xi32>], vector<16xf32>,
        %parallel_loop3A_2562 = arith.constant 17 : i32
        %parallel_loop3A_2563 = vector.broadcast %parallel_loop3A_2562 : i32 to vector<16xi32>
        %parallel_loop3A_2564 = arith.addi %parallel_loop3A_2563, %iota3A : vector<16xi32>
        %parallel_loop3A_2565 = arith.mulf %parallel_loop3A_2514, %parallel_loop3A_2535 : vector<16xf32>
        %parallel_loop3A_2566 = arith.constant 0 : i32
        %parallel_loop3A_2567 = arith.constant 0 : i32
        %parallel_loop3A_2568 = tpu.memref_slice %arg6[%select_n3A_79, %parallel_loop3A_2566, %parallel_loop3A_2567] : memref<3x200x128xf32, #tpu.memory_space<vmem>> -> memref<1x200x128xf32, #tpu.memory_space<vmem>>
        %parallel_loop3A_2569 = tpu.memref_squeeze %parallel_loop3A_2568 : memref<1x200x128xf32, #tpu.memory_space<vmem>> -> memref<200x128xf32, #tpu.memory_space<vmem>>
        tpu.vector_store_idx %parallel_loop3A_2569[%parallel_loop3A_2517, %parallel_loop3A_2564], %parallel_loop3A_2565 : memref<200x128xf32, #tpu.memory_space<vmem>>[vector<16xi32>, vector<16xi32>], vector<16xf32>,
        %parallel_loop3A_2570 = arith.constant 33 : i32
        %parallel_loop3A_2571 = vector.broadcast %parallel_loop3A_2570 : i32 to vector<16xi32>
        %parallel_loop3A_2572 = arith.addi %parallel_loop3A_2571, %iota3A : vector<16xi32>
        %parallel_loop3A_2573 = arith.mulf %parallel_loop3A_2514, %parallel_loop3A_2544 : vector<16xf32>
        %parallel_loop3A_2574 = arith.constant 0 : i32
        %parallel_loop3A_2575 = arith.constant 0 : i32
        %parallel_loop3A_2576 = tpu.memref_slice %arg6[%select_n3A_79, %parallel_loop3A_2574, %parallel_loop3A_2575] : memref<3x200x128xf32, #tpu.memory_space<vmem>> -> memref<1x200x128xf32, #tpu.memory_space<vmem>>
        %parallel_loop3A_2577 = tpu.memref_squeeze %parallel_loop3A_2576 : memref<1x200x128xf32, #tpu.memory_space<vmem>> -> memref<200x128xf32, #tpu.memory_space<vmem>>
        tpu.vector_store_idx %parallel_loop3A_2577[%parallel_loop3A_2517, %parallel_loop3A_2572], %parallel_loop3A_2573 : memref<200x128xf32, #tpu.memory_space<vmem>>[vector<16xi32>, vector<16xi32>], vector<16xf32>,
        %parallel_loop3A_2578 = arith.constant 49 : i32
        %parallel_loop3A_2579 = vector.broadcast %parallel_loop3A_2578 : i32 to vector<16xi32>
        %parallel_loop3A_2580 = arith.addi %parallel_loop3A_2579, %iota3A : vector<16xi32>
        %parallel_loop3A_2581 = arith.mulf %parallel_loop3A_2514, %parallel_loop3A_2553 : vector<16xf32>
        %parallel_loop3A_2582 = arith.constant 0 : i32
        %parallel_loop3A_2583 = arith.constant 0 : i32
        %parallel_loop3A_2584 = tpu.memref_slice %arg6[%select_n3A_79, %parallel_loop3A_2582, %parallel_loop3A_2583] : memref<3x200x128xf32, #tpu.memory_space<vmem>> -> memref<1x200x128xf32, #tpu.memory_space<vmem>>
        %parallel_loop3A_2585 = tpu.memref_squeeze %parallel_loop3A_2584 : memref<1x200x128xf32, #tpu.memory_space<vmem>> -> memref<200x128xf32, #tpu.memory_space<vmem>>
        tpu.vector_store_idx %parallel_loop3A_2585[%parallel_loop3A_2517, %parallel_loop3A_2580], %parallel_loop3A_2581 : memref<200x128xf32, #tpu.memory_space<vmem>>[vector<16xi32>, vector<16xi32>], vector<16xf32>,
        %parallel_loop3A_2586 = vector.extract_strided_slice %parallel_loop3A_2067 {offsets = [7], sizes = [1], strides = [1]} : vector<16xf32> to vector<1xf32>
        %parallel_loop3A_2587 = vector.extract %parallel_loop3A_2586[0] : f32 from vector<1xf32>
        %parallel_loop3A_2588 = vector.broadcast %parallel_loop3A_2587 : f32 to vector<16xf32>
        %parallel_loop3A_2589 = arith.constant 7 : i32
        %parallel_loop3A_2590 = arith.addi %parallel_loop3A_1136, %parallel_loop3A_2589 : i32
        %parallel_loop3A_2591 = vector.broadcast %parallel_loop3A_2590 : i32 to vector<16xi32>
        %parallel_loop3A_2592 = arith.constant 7 : i32
        %parallel_loop3A_2593 = arith.addi %parallel_loop3A_1136, %parallel_loop3A_2592 : i32
        %parallel_loop3A_2594 = arith.constant 0 : i32
        %parallel_loop3A_2595 = arith.constant 0 : i32
        %parallel_loop3A_2596 = tpu.memref_slice %arg6[%select_n3A_79, %parallel_loop3A_2594, %parallel_loop3A_2595] : memref<3x200x128xf32, #tpu.memory_space<vmem>> -> memref<1x200x128xf32, #tpu.memory_space<vmem>>
        %parallel_loop3A_2597 = tpu.memref_squeeze %parallel_loop3A_2596 : memref<1x200x128xf32, #tpu.memory_space<vmem>> -> memref<200x128xf32, #tpu.memory_space<vmem>>
        %parallel_loop3A_2598 = arith.index_cast %parallel_loop3A_2593 : i32 to index
        %parallel_loop3A_2599 = arith.constant 0 : index
        %parallel_loop3A_2600 = tpu.vector_load %parallel_loop3A_2597[%parallel_loop3A_2598, %parallel_loop3A_2599] {strides = array<i32>} : memref<200x128xf32, #tpu.memory_space<vmem>>, vector<16xf32>,
        %parallel_loop3A_2601 = arith.constant 7 : i32
        %parallel_loop3A_2602 = arith.addi %parallel_loop3A_1136, %parallel_loop3A_2601 : i32
        %parallel_loop3A_2603 = arith.constant 0 : i32
        %parallel_loop3A_2604 = arith.constant 0 : i32
        %parallel_loop3A_2605 = tpu.memref_slice %arg6[%select_n3A_79, %parallel_loop3A_2603, %parallel_loop3A_2604] : memref<3x200x128xf32, #tpu.memory_space<vmem>> -> memref<1x200x128xf32, #tpu.memory_space<vmem>>
        %parallel_loop3A_2606 = tpu.memref_squeeze %parallel_loop3A_2605 : memref<1x200x128xf32, #tpu.memory_space<vmem>> -> memref<200x128xf32, #tpu.memory_space<vmem>>
        %parallel_loop3A_2607 = arith.index_cast %parallel_loop3A_2602 : i32 to index
        %parallel_loop3A_2608 = arith.constant 16 : index
        %parallel_loop3A_2609 = tpu.vector_load %parallel_loop3A_2606[%parallel_loop3A_2607, %parallel_loop3A_2608] {strides = array<i32>} : memref<200x128xf32, #tpu.memory_space<vmem>>, vector<16xf32>,
        %parallel_loop3A_2610 = arith.constant 7 : i32
        %parallel_loop3A_2611 = arith.addi %parallel_loop3A_1136, %parallel_loop3A_2610 : i32
        %parallel_loop3A_2612 = arith.constant 0 : i32
        %parallel_loop3A_2613 = arith.constant 0 : i32
        %parallel_loop3A_2614 = tpu.memref_slice %arg6[%select_n3A_79, %parallel_loop3A_2612, %parallel_loop3A_2613] : memref<3x200x128xf32, #tpu.memory_space<vmem>> -> memref<1x200x128xf32, #tpu.memory_space<vmem>>
        %parallel_loop3A_2615 = tpu.memref_squeeze %parallel_loop3A_2614 : memref<1x200x128xf32, #tpu.memory_space<vmem>> -> memref<200x128xf32, #tpu.memory_space<vmem>>
        %parallel_loop3A_2616 = arith.index_cast %parallel_loop3A_2611 : i32 to index
        %parallel_loop3A_2617 = arith.constant 32 : index
        %parallel_loop3A_2618 = tpu.vector_load %parallel_loop3A_2615[%parallel_loop3A_2616, %parallel_loop3A_2617] {strides = array<i32>} : memref<200x128xf32, #tpu.memory_space<vmem>>, vector<16xf32>,
        %parallel_loop3A_2619 = arith.constant 7 : i32
        %parallel_loop3A_2620 = arith.addi %parallel_loop3A_1136, %parallel_loop3A_2619 : i32
        %parallel_loop3A_2621 = arith.constant 0 : i32
        %parallel_loop3A_2622 = arith.constant 0 : i32
        %parallel_loop3A_2623 = tpu.memref_slice %arg6[%select_n3A_79, %parallel_loop3A_2621, %parallel_loop3A_2622] : memref<3x200x128xf32, #tpu.memory_space<vmem>> -> memref<1x200x128xf32, #tpu.memory_space<vmem>>
        %parallel_loop3A_2624 = tpu.memref_squeeze %parallel_loop3A_2623 : memref<1x200x128xf32, #tpu.memory_space<vmem>> -> memref<200x128xf32, #tpu.memory_space<vmem>>
        %parallel_loop3A_2625 = arith.index_cast %parallel_loop3A_2620 : i32 to index
        %parallel_loop3A_2626 = arith.constant 48 : index
        %parallel_loop3A_2627 = tpu.vector_load %parallel_loop3A_2624[%parallel_loop3A_2625, %parallel_loop3A_2626] {strides = array<i32>} : memref<200x128xf32, #tpu.memory_space<vmem>>, vector<16xf32>,
        %parallel_loop3A_2628 = arith.constant 1 : i32
        %parallel_loop3A_2629 = vector.broadcast %parallel_loop3A_2628 : i32 to vector<16xi32>
        %parallel_loop3A_2630 = arith.addi %parallel_loop3A_2629, %iota3A : vector<16xi32>
        %parallel_loop3A_2631 = arith.mulf %parallel_loop3A_2588, %parallel_loop3A_2600 : vector<16xf32>
        %parallel_loop3A_2632 = arith.constant 0 : i32
        %parallel_loop3A_2633 = arith.constant 0 : i32
        %parallel_loop3A_2634 = tpu.memref_slice %arg6[%select_n3A_79, %parallel_loop3A_2632, %parallel_loop3A_2633] : memref<3x200x128xf32, #tpu.memory_space<vmem>> -> memref<1x200x128xf32, #tpu.memory_space<vmem>>
        %parallel_loop3A_2635 = tpu.memref_squeeze %parallel_loop3A_2634 : memref<1x200x128xf32, #tpu.memory_space<vmem>> -> memref<200x128xf32, #tpu.memory_space<vmem>>
        tpu.vector_store_idx %parallel_loop3A_2635[%parallel_loop3A_2591, %parallel_loop3A_2630], %parallel_loop3A_2631 : memref<200x128xf32, #tpu.memory_space<vmem>>[vector<16xi32>, vector<16xi32>], vector<16xf32>,
        %parallel_loop3A_2636 = arith.constant 17 : i32
        %parallel_loop3A_2637 = vector.broadcast %parallel_loop3A_2636 : i32 to vector<16xi32>
        %parallel_loop3A_2638 = arith.addi %parallel_loop3A_2637, %iota3A : vector<16xi32>
        %parallel_loop3A_2639 = arith.mulf %parallel_loop3A_2588, %parallel_loop3A_2609 : vector<16xf32>
        %parallel_loop3A_2640 = arith.constant 0 : i32
        %parallel_loop3A_2641 = arith.constant 0 : i32
        %parallel_loop3A_2642 = tpu.memref_slice %arg6[%select_n3A_79, %parallel_loop3A_2640, %parallel_loop3A_2641] : memref<3x200x128xf32, #tpu.memory_space<vmem>> -> memref<1x200x128xf32, #tpu.memory_space<vmem>>
        %parallel_loop3A_2643 = tpu.memref_squeeze %parallel_loop3A_2642 : memref<1x200x128xf32, #tpu.memory_space<vmem>> -> memref<200x128xf32, #tpu.memory_space<vmem>>
        tpu.vector_store_idx %parallel_loop3A_2643[%parallel_loop3A_2591, %parallel_loop3A_2638], %parallel_loop3A_2639 : memref<200x128xf32, #tpu.memory_space<vmem>>[vector<16xi32>, vector<16xi32>], vector<16xf32>,
        %parallel_loop3A_2644 = arith.constant 33 : i32
        %parallel_loop3A_2645 = vector.broadcast %parallel_loop3A_2644 : i32 to vector<16xi32>
        %parallel_loop3A_2646 = arith.addi %parallel_loop3A_2645, %iota3A : vector<16xi32>
        %parallel_loop3A_2647 = arith.mulf %parallel_loop3A_2588, %parallel_loop3A_2618 : vector<16xf32>
        %parallel_loop3A_2648 = arith.constant 0 : i32
        %parallel_loop3A_2649 = arith.constant 0 : i32
        %parallel_loop3A_2650 = tpu.memref_slice %arg6[%select_n3A_79, %parallel_loop3A_2648, %parallel_loop3A_2649] : memref<3x200x128xf32, #tpu.memory_space<vmem>> -> memref<1x200x128xf32, #tpu.memory_space<vmem>>
        %parallel_loop3A_2651 = tpu.memref_squeeze %parallel_loop3A_2650 : memref<1x200x128xf32, #tpu.memory_space<vmem>> -> memref<200x128xf32, #tpu.memory_space<vmem>>
        tpu.vector_store_idx %parallel_loop3A_2651[%parallel_loop3A_2591, %parallel_loop3A_2646], %parallel_loop3A_2647 : memref<200x128xf32, #tpu.memory_space<vmem>>[vector<16xi32>, vector<16xi32>], vector<16xf32>,
        %parallel_loop3A_2652 = arith.constant 49 : i32
        %parallel_loop3A_2653 = vector.broadcast %parallel_loop3A_2652 : i32 to vector<16xi32>
        %parallel_loop3A_2654 = arith.addi %parallel_loop3A_2653, %iota3A : vector<16xi32>
        %parallel_loop3A_2655 = arith.mulf %parallel_loop3A_2588, %parallel_loop3A_2627 : vector<16xf32>
        %parallel_loop3A_2656 = arith.constant 0 : i32
        %parallel_loop3A_2657 = arith.constant 0 : i32
        %parallel_loop3A_2658 = tpu.memref_slice %arg6[%select_n3A_79, %parallel_loop3A_2656, %parallel_loop3A_2657] : memref<3x200x128xf32, #tpu.memory_space<vmem>> -> memref<1x200x128xf32, #tpu.memory_space<vmem>>
        %parallel_loop3A_2659 = tpu.memref_squeeze %parallel_loop3A_2658 : memref<1x200x128xf32, #tpu.memory_space<vmem>> -> memref<200x128xf32, #tpu.memory_space<vmem>>
        tpu.vector_store_idx %parallel_loop3A_2659[%parallel_loop3A_2591, %parallel_loop3A_2654], %parallel_loop3A_2655 : memref<200x128xf32, #tpu.memory_space<vmem>>[vector<16xi32>, vector<16xi32>], vector<16xf32>,
        %parallel_loop3A_2660 = vector.extract_strided_slice %parallel_loop3A_2067 {offsets = [8], sizes = [1], strides = [1]} : vector<16xf32> to vector<1xf32>
        %parallel_loop3A_2661 = vector.extract %parallel_loop3A_2660[0] : f32 from vector<1xf32>
        %parallel_loop3A_2662 = vector.broadcast %parallel_loop3A_2661 : f32 to vector<16xf32>
        %parallel_loop3A_2663 = arith.constant 8 : i32
        %parallel_loop3A_2664 = arith.addi %parallel_loop3A_1136, %parallel_loop3A_2663 : i32
        %parallel_loop3A_2665 = vector.broadcast %parallel_loop3A_2664 : i32 to vector<16xi32>
        %parallel_loop3A_2666 = arith.constant 8 : i32
        %parallel_loop3A_2667 = arith.addi %parallel_loop3A_1136, %parallel_loop3A_2666 : i32
        %parallel_loop3A_2668 = arith.constant 0 : i32
        %parallel_loop3A_2669 = arith.constant 0 : i32
        %parallel_loop3A_2670 = tpu.memref_slice %arg6[%select_n3A_79, %parallel_loop3A_2668, %parallel_loop3A_2669] : memref<3x200x128xf32, #tpu.memory_space<vmem>> -> memref<1x200x128xf32, #tpu.memory_space<vmem>>
        %parallel_loop3A_2671 = tpu.memref_squeeze %parallel_loop3A_2670 : memref<1x200x128xf32, #tpu.memory_space<vmem>> -> memref<200x128xf32, #tpu.memory_space<vmem>>
        %parallel_loop3A_2672 = arith.index_cast %parallel_loop3A_2667 : i32 to index
        %parallel_loop3A_2673 = arith.constant 0 : index
        %parallel_loop3A_2674 = tpu.vector_load %parallel_loop3A_2671[%parallel_loop3A_2672, %parallel_loop3A_2673] {strides = array<i32>} : memref<200x128xf32, #tpu.memory_space<vmem>>, vector<16xf32>,
        %parallel_loop3A_2675 = arith.constant 8 : i32
        %parallel_loop3A_2676 = arith.addi %parallel_loop3A_1136, %parallel_loop3A_2675 : i32
        %parallel_loop3A_2677 = arith.constant 0 : i32
        %parallel_loop3A_2678 = arith.constant 0 : i32
        %parallel_loop3A_2679 = tpu.memref_slice %arg6[%select_n3A_79, %parallel_loop3A_2677, %parallel_loop3A_2678] : memref<3x200x128xf32, #tpu.memory_space<vmem>> -> memref<1x200x128xf32, #tpu.memory_space<vmem>>
        %parallel_loop3A_2680 = tpu.memref_squeeze %parallel_loop3A_2679 : memref<1x200x128xf32, #tpu.memory_space<vmem>> -> memref<200x128xf32, #tpu.memory_space<vmem>>
        %parallel_loop3A_2681 = arith.index_cast %parallel_loop3A_2676 : i32 to index
        %parallel_loop3A_2682 = arith.constant 16 : index
        %parallel_loop3A_2683 = tpu.vector_load %parallel_loop3A_2680[%parallel_loop3A_2681, %parallel_loop3A_2682] {strides = array<i32>} : memref<200x128xf32, #tpu.memory_space<vmem>>, vector<16xf32>,
        %parallel_loop3A_2684 = arith.constant 8 : i32
        %parallel_loop3A_2685 = arith.addi %parallel_loop3A_1136, %parallel_loop3A_2684 : i32
        %parallel_loop3A_2686 = arith.constant 0 : i32
        %parallel_loop3A_2687 = arith.constant 0 : i32
        %parallel_loop3A_2688 = tpu.memref_slice %arg6[%select_n3A_79, %parallel_loop3A_2686, %parallel_loop3A_2687] : memref<3x200x128xf32, #tpu.memory_space<vmem>> -> memref<1x200x128xf32, #tpu.memory_space<vmem>>
        %parallel_loop3A_2689 = tpu.memref_squeeze %parallel_loop3A_2688 : memref<1x200x128xf32, #tpu.memory_space<vmem>> -> memref<200x128xf32, #tpu.memory_space<vmem>>
        %parallel_loop3A_2690 = arith.index_cast %parallel_loop3A_2685 : i32 to index
        %parallel_loop3A_2691 = arith.constant 32 : index
        %parallel_loop3A_2692 = tpu.vector_load %parallel_loop3A_2689[%parallel_loop3A_2690, %parallel_loop3A_2691] {strides = array<i32>} : memref<200x128xf32, #tpu.memory_space<vmem>>, vector<16xf32>,
        %parallel_loop3A_2693 = arith.constant 8 : i32
        %parallel_loop3A_2694 = arith.addi %parallel_loop3A_1136, %parallel_loop3A_2693 : i32
        %parallel_loop3A_2695 = arith.constant 0 : i32
        %parallel_loop3A_2696 = arith.constant 0 : i32
        %parallel_loop3A_2697 = tpu.memref_slice %arg6[%select_n3A_79, %parallel_loop3A_2695, %parallel_loop3A_2696] : memref<3x200x128xf32, #tpu.memory_space<vmem>> -> memref<1x200x128xf32, #tpu.memory_space<vmem>>
        %parallel_loop3A_2698 = tpu.memref_squeeze %parallel_loop3A_2697 : memref<1x200x128xf32, #tpu.memory_space<vmem>> -> memref<200x128xf32, #tpu.memory_space<vmem>>
        %parallel_loop3A_2699 = arith.index_cast %parallel_loop3A_2694 : i32 to index
        %parallel_loop3A_2700 = arith.constant 48 : index
        %parallel_loop3A_2701 = tpu.vector_load %parallel_loop3A_2698[%parallel_loop3A_2699, %parallel_loop3A_2700] {strides = array<i32>} : memref<200x128xf32, #tpu.memory_space<vmem>>, vector<16xf32>,
        %parallel_loop3A_2702 = arith.constant 1 : i32
        %parallel_loop3A_2703 = vector.broadcast %parallel_loop3A_2702 : i32 to vector<16xi32>
        %parallel_loop3A_2704 = arith.addi %parallel_loop3A_2703, %iota3A : vector<16xi32>
        %parallel_loop3A_2705 = arith.mulf %parallel_loop3A_2662, %parallel_loop3A_2674 : vector<16xf32>
        %parallel_loop3A_2706 = arith.constant 0 : i32
        %parallel_loop3A_2707 = arith.constant 0 : i32
        %parallel_loop3A_2708 = tpu.memref_slice %arg6[%select_n3A_79, %parallel_loop3A_2706, %parallel_loop3A_2707] : memref<3x200x128xf32, #tpu.memory_space<vmem>> -> memref<1x200x128xf32, #tpu.memory_space<vmem>>
        %parallel_loop3A_2709 = tpu.memref_squeeze %parallel_loop3A_2708 : memref<1x200x128xf32, #tpu.memory_space<vmem>> -> memref<200x128xf32, #tpu.memory_space<vmem>>
        tpu.vector_store_idx %parallel_loop3A_2709[%parallel_loop3A_2665, %parallel_loop3A_2704], %parallel_loop3A_2705 : memref<200x128xf32, #tpu.memory_space<vmem>>[vector<16xi32>, vector<16xi32>], vector<16xf32>,
        %parallel_loop3A_2710 = arith.constant 17 : i32
        %parallel_loop3A_2711 = vector.broadcast %parallel_loop3A_2710 : i32 to vector<16xi32>
        %parallel_loop3A_2712 = arith.addi %parallel_loop3A_2711, %iota3A : vector<16xi32>
        %parallel_loop3A_2713 = arith.mulf %parallel_loop3A_2662, %parallel_loop3A_2683 : vector<16xf32>
        %parallel_loop3A_2714 = arith.constant 0 : i32
        %parallel_loop3A_2715 = arith.constant 0 : i32
        %parallel_loop3A_2716 = tpu.memref_slice %arg6[%select_n3A_79, %parallel_loop3A_2714, %parallel_loop3A_2715] : memref<3x200x128xf32, #tpu.memory_space<vmem>> -> memref<1x200x128xf32, #tpu.memory_space<vmem>>
        %parallel_loop3A_2717 = tpu.memref_squeeze %parallel_loop3A_2716 : memref<1x200x128xf32, #tpu.memory_space<vmem>> -> memref<200x128xf32, #tpu.memory_space<vmem>>
        tpu.vector_store_idx %parallel_loop3A_2717[%parallel_loop3A_2665, %parallel_loop3A_2712], %parallel_loop3A_2713 : memref<200x128xf32, #tpu.memory_space<vmem>>[vector<16xi32>, vector<16xi32>], vector<16xf32>,
        %parallel_loop3A_2718 = arith.constant 33 : i32
        %parallel_loop3A_2719 = vector.broadcast %parallel_loop3A_2718 : i32 to vector<16xi32>
        %parallel_loop3A_2720 = arith.addi %parallel_loop3A_2719, %iota3A : vector<16xi32>
        %parallel_loop3A_2721 = arith.mulf %parallel_loop3A_2662, %parallel_loop3A_2692 : vector<16xf32>
        %parallel_loop3A_2722 = arith.constant 0 : i32
        %parallel_loop3A_2723 = arith.constant 0 : i32
        %parallel_loop3A_2724 = tpu.memref_slice %arg6[%select_n3A_79, %parallel_loop3A_2722, %parallel_loop3A_2723] : memref<3x200x128xf32, #tpu.memory_space<vmem>> -> memref<1x200x128xf32, #tpu.memory_space<vmem>>
        %parallel_loop3A_2725 = tpu.memref_squeeze %parallel_loop3A_2724 : memref<1x200x128xf32, #tpu.memory_space<vmem>> -> memref<200x128xf32, #tpu.memory_space<vmem>>
        tpu.vector_store_idx %parallel_loop3A_2725[%parallel_loop3A_2665, %parallel_loop3A_2720], %parallel_loop3A_2721 : memref<200x128xf32, #tpu.memory_space<vmem>>[vector<16xi32>, vector<16xi32>], vector<16xf32>,
        %parallel_loop3A_2726 = arith.constant 49 : i32
        %parallel_loop3A_2727 = vector.broadcast %parallel_loop3A_2726 : i32 to vector<16xi32>
        %parallel_loop3A_2728 = arith.addi %parallel_loop3A_2727, %iota3A : vector<16xi32>
        %parallel_loop3A_2729 = arith.mulf %parallel_loop3A_2662, %parallel_loop3A_2701 : vector<16xf32>
        %parallel_loop3A_2730 = arith.constant 0 : i32
        %parallel_loop3A_2731 = arith.constant 0 : i32
        %parallel_loop3A_2732 = tpu.memref_slice %arg6[%select_n3A_79, %parallel_loop3A_2730, %parallel_loop3A_2731] : memref<3x200x128xf32, #tpu.memory_space<vmem>> -> memref<1x200x128xf32, #tpu.memory_space<vmem>>
        %parallel_loop3A_2733 = tpu.memref_squeeze %parallel_loop3A_2732 : memref<1x200x128xf32, #tpu.memory_space<vmem>> -> memref<200x128xf32, #tpu.memory_space<vmem>>
        tpu.vector_store_idx %parallel_loop3A_2733[%parallel_loop3A_2665, %parallel_loop3A_2728], %parallel_loop3A_2729 : memref<200x128xf32, #tpu.memory_space<vmem>>[vector<16xi32>, vector<16xi32>], vector<16xf32>,
        %parallel_loop3A_2734 = vector.extract_strided_slice %parallel_loop3A_2067 {offsets = [9], sizes = [1], strides = [1]} : vector<16xf32> to vector<1xf32>
        %parallel_loop3A_2735 = vector.extract %parallel_loop3A_2734[0] : f32 from vector<1xf32>
        %parallel_loop3A_2736 = vector.broadcast %parallel_loop3A_2735 : f32 to vector<16xf32>
        %parallel_loop3A_2737 = arith.constant 9 : i32
        %parallel_loop3A_2738 = arith.addi %parallel_loop3A_1136, %parallel_loop3A_2737 : i32
        %parallel_loop3A_2739 = vector.broadcast %parallel_loop3A_2738 : i32 to vector<16xi32>
        %parallel_loop3A_2740 = arith.constant 9 : i32
        %parallel_loop3A_2741 = arith.addi %parallel_loop3A_1136, %parallel_loop3A_2740 : i32
        %parallel_loop3A_2742 = arith.constant 0 : i32
        %parallel_loop3A_2743 = arith.constant 0 : i32
        %parallel_loop3A_2744 = tpu.memref_slice %arg6[%select_n3A_79, %parallel_loop3A_2742, %parallel_loop3A_2743] : memref<3x200x128xf32, #tpu.memory_space<vmem>> -> memref<1x200x128xf32, #tpu.memory_space<vmem>>
        %parallel_loop3A_2745 = tpu.memref_squeeze %parallel_loop3A_2744 : memref<1x200x128xf32, #tpu.memory_space<vmem>> -> memref<200x128xf32, #tpu.memory_space<vmem>>
        %parallel_loop3A_2746 = arith.index_cast %parallel_loop3A_2741 : i32 to index
        %parallel_loop3A_2747 = arith.constant 0 : index
        %parallel_loop3A_2748 = tpu.vector_load %parallel_loop3A_2745[%parallel_loop3A_2746, %parallel_loop3A_2747] {strides = array<i32>} : memref<200x128xf32, #tpu.memory_space<vmem>>, vector<16xf32>,
        %parallel_loop3A_2749 = arith.constant 9 : i32
        %parallel_loop3A_2750 = arith.addi %parallel_loop3A_1136, %parallel_loop3A_2749 : i32
        %parallel_loop3A_2751 = arith.constant 0 : i32
        %parallel_loop3A_2752 = arith.constant 0 : i32
        %parallel_loop3A_2753 = tpu.memref_slice %arg6[%select_n3A_79, %parallel_loop3A_2751, %parallel_loop3A_2752] : memref<3x200x128xf32, #tpu.memory_space<vmem>> -> memref<1x200x128xf32, #tpu.memory_space<vmem>>
        %parallel_loop3A_2754 = tpu.memref_squeeze %parallel_loop3A_2753 : memref<1x200x128xf32, #tpu.memory_space<vmem>> -> memref<200x128xf32, #tpu.memory_space<vmem>>
        %parallel_loop3A_2755 = arith.index_cast %parallel_loop3A_2750 : i32 to index
        %parallel_loop3A_2756 = arith.constant 16 : index
        %parallel_loop3A_2757 = tpu.vector_load %parallel_loop3A_2754[%parallel_loop3A_2755, %parallel_loop3A_2756] {strides = array<i32>} : memref<200x128xf32, #tpu.memory_space<vmem>>, vector<16xf32>,
        %parallel_loop3A_2758 = arith.constant 9 : i32
        %parallel_loop3A_2759 = arith.addi %parallel_loop3A_1136, %parallel_loop3A_2758 : i32
        %parallel_loop3A_2760 = arith.constant 0 : i32
        %parallel_loop3A_2761 = arith.constant 0 : i32
        %parallel_loop3A_2762 = tpu.memref_slice %arg6[%select_n3A_79, %parallel_loop3A_2760, %parallel_loop3A_2761] : memref<3x200x128xf32, #tpu.memory_space<vmem>> -> memref<1x200x128xf32, #tpu.memory_space<vmem>>
        %parallel_loop3A_2763 = tpu.memref_squeeze %parallel_loop3A_2762 : memref<1x200x128xf32, #tpu.memory_space<vmem>> -> memref<200x128xf32, #tpu.memory_space<vmem>>
        %parallel_loop3A_2764 = arith.index_cast %parallel_loop3A_2759 : i32 to index
        %parallel_loop3A_2765 = arith.constant 32 : index
        %parallel_loop3A_2766 = tpu.vector_load %parallel_loop3A_2763[%parallel_loop3A_2764, %parallel_loop3A_2765] {strides = array<i32>} : memref<200x128xf32, #tpu.memory_space<vmem>>, vector<16xf32>,
        %parallel_loop3A_2767 = arith.constant 9 : i32
        %parallel_loop3A_2768 = arith.addi %parallel_loop3A_1136, %parallel_loop3A_2767 : i32
        %parallel_loop3A_2769 = arith.constant 0 : i32
        %parallel_loop3A_2770 = arith.constant 0 : i32
        %parallel_loop3A_2771 = tpu.memref_slice %arg6[%select_n3A_79, %parallel_loop3A_2769, %parallel_loop3A_2770] : memref<3x200x128xf32, #tpu.memory_space<vmem>> -> memref<1x200x128xf32, #tpu.memory_space<vmem>>
        %parallel_loop3A_2772 = tpu.memref_squeeze %parallel_loop3A_2771 : memref<1x200x128xf32, #tpu.memory_space<vmem>> -> memref<200x128xf32, #tpu.memory_space<vmem>>
        %parallel_loop3A_2773 = arith.index_cast %parallel_loop3A_2768 : i32 to index
        %parallel_loop3A_2774 = arith.constant 48 : index
        %parallel_loop3A_2775 = tpu.vector_load %parallel_loop3A_2772[%parallel_loop3A_2773, %parallel_loop3A_2774] {strides = array<i32>} : memref<200x128xf32, #tpu.memory_space<vmem>>, vector<16xf32>,
        %parallel_loop3A_2776 = arith.constant 1 : i32
        %parallel_loop3A_2777 = vector.broadcast %parallel_loop3A_2776 : i32 to vector<16xi32>
        %parallel_loop3A_2778 = arith.addi %parallel_loop3A_2777, %iota3A : vector<16xi32>
        %parallel_loop3A_2779 = arith.mulf %parallel_loop3A_2736, %parallel_loop3A_2748 : vector<16xf32>
        %parallel_loop3A_2780 = arith.constant 0 : i32
        %parallel_loop3A_2781 = arith.constant 0 : i32
        %parallel_loop3A_2782 = tpu.memref_slice %arg6[%select_n3A_79, %parallel_loop3A_2780, %parallel_loop3A_2781] : memref<3x200x128xf32, #tpu.memory_space<vmem>> -> memref<1x200x128xf32, #tpu.memory_space<vmem>>
        %parallel_loop3A_2783 = tpu.memref_squeeze %parallel_loop3A_2782 : memref<1x200x128xf32, #tpu.memory_space<vmem>> -> memref<200x128xf32, #tpu.memory_space<vmem>>
        tpu.vector_store_idx %parallel_loop3A_2783[%parallel_loop3A_2739, %parallel_loop3A_2778], %parallel_loop3A_2779 : memref<200x128xf32, #tpu.memory_space<vmem>>[vector<16xi32>, vector<16xi32>], vector<16xf32>,
        %parallel_loop3A_2784 = arith.constant 17 : i32
        %parallel_loop3A_2785 = vector.broadcast %parallel_loop3A_2784 : i32 to vector<16xi32>
        %parallel_loop3A_2786 = arith.addi %parallel_loop3A_2785, %iota3A : vector<16xi32>
        %parallel_loop3A_2787 = arith.mulf %parallel_loop3A_2736, %parallel_loop3A_2757 : vector<16xf32>
        %parallel_loop3A_2788 = arith.constant 0 : i32
        %parallel_loop3A_2789 = arith.constant 0 : i32
        %parallel_loop3A_2790 = tpu.memref_slice %arg6[%select_n3A_79, %parallel_loop3A_2788, %parallel_loop3A_2789] : memref<3x200x128xf32, #tpu.memory_space<vmem>> -> memref<1x200x128xf32, #tpu.memory_space<vmem>>
        %parallel_loop3A_2791 = tpu.memref_squeeze %parallel_loop3A_2790 : memref<1x200x128xf32, #tpu.memory_space<vmem>> -> memref<200x128xf32, #tpu.memory_space<vmem>>
        tpu.vector_store_idx %parallel_loop3A_2791[%parallel_loop3A_2739, %parallel_loop3A_2786], %parallel_loop3A_2787 : memref<200x128xf32, #tpu.memory_space<vmem>>[vector<16xi32>, vector<16xi32>], vector<16xf32>,
        %parallel_loop3A_2792 = arith.constant 33 : i32
        %parallel_loop3A_2793 = vector.broadcast %parallel_loop3A_2792 : i32 to vector<16xi32>
        %parallel_loop3A_2794 = arith.addi %parallel_loop3A_2793, %iota3A : vector<16xi32>
        %parallel_loop3A_2795 = arith.mulf %parallel_loop3A_2736, %parallel_loop3A_2766 : vector<16xf32>
        %parallel_loop3A_2796 = arith.constant 0 : i32
        %parallel_loop3A_2797 = arith.constant 0 : i32
        %parallel_loop3A_2798 = tpu.memref_slice %arg6[%select_n3A_79, %parallel_loop3A_2796, %parallel_loop3A_2797] : memref<3x200x128xf32, #tpu.memory_space<vmem>> -> memref<1x200x128xf32, #tpu.memory_space<vmem>>
        %parallel_loop3A_2799 = tpu.memref_squeeze %parallel_loop3A_2798 : memref<1x200x128xf32, #tpu.memory_space<vmem>> -> memref<200x128xf32, #tpu.memory_space<vmem>>
        tpu.vector_store_idx %parallel_loop3A_2799[%parallel_loop3A_2739, %parallel_loop3A_2794], %parallel_loop3A_2795 : memref<200x128xf32, #tpu.memory_space<vmem>>[vector<16xi32>, vector<16xi32>], vector<16xf32>,
        %parallel_loop3A_2800 = arith.constant 49 : i32
        %parallel_loop3A_2801 = vector.broadcast %parallel_loop3A_2800 : i32 to vector<16xi32>
        %parallel_loop3A_2802 = arith.addi %parallel_loop3A_2801, %iota3A : vector<16xi32>
        %parallel_loop3A_2803 = arith.mulf %parallel_loop3A_2736, %parallel_loop3A_2775 : vector<16xf32>
        %parallel_loop3A_2804 = arith.constant 0 : i32
        %parallel_loop3A_2805 = arith.constant 0 : i32
        %parallel_loop3A_2806 = tpu.memref_slice %arg6[%select_n3A_79, %parallel_loop3A_2804, %parallel_loop3A_2805] : memref<3x200x128xf32, #tpu.memory_space<vmem>> -> memref<1x200x128xf32, #tpu.memory_space<vmem>>
        %parallel_loop3A_2807 = tpu.memref_squeeze %parallel_loop3A_2806 : memref<1x200x128xf32, #tpu.memory_space<vmem>> -> memref<200x128xf32, #tpu.memory_space<vmem>>
        tpu.vector_store_idx %parallel_loop3A_2807[%parallel_loop3A_2739, %parallel_loop3A_2802], %parallel_loop3A_2803 : memref<200x128xf32, #tpu.memory_space<vmem>>[vector<16xi32>, vector<16xi32>], vector<16xf32>,
        %parallel_loop3A_2808 = vector.extract_strided_slice %parallel_loop3A_2067 {offsets = [10], sizes = [1], strides = [1]} : vector<16xf32> to vector<1xf32>
        %parallel_loop3A_2809 = vector.extract %parallel_loop3A_2808[0] : f32 from vector<1xf32>
        %parallel_loop3A_2810 = vector.broadcast %parallel_loop3A_2809 : f32 to vector<16xf32>
        %parallel_loop3A_2811 = arith.constant 10 : i32
        %parallel_loop3A_2812 = arith.addi %parallel_loop3A_1136, %parallel_loop3A_2811 : i32
        %parallel_loop3A_2813 = vector.broadcast %parallel_loop3A_2812 : i32 to vector<16xi32>
        %parallel_loop3A_2814 = arith.constant 10 : i32
        %parallel_loop3A_2815 = arith.addi %parallel_loop3A_1136, %parallel_loop3A_2814 : i32
        %parallel_loop3A_2816 = arith.constant 0 : i32
        %parallel_loop3A_2817 = arith.constant 0 : i32
        %parallel_loop3A_2818 = tpu.memref_slice %arg6[%select_n3A_79, %parallel_loop3A_2816, %parallel_loop3A_2817] : memref<3x200x128xf32, #tpu.memory_space<vmem>> -> memref<1x200x128xf32, #tpu.memory_space<vmem>>
        %parallel_loop3A_2819 = tpu.memref_squeeze %parallel_loop3A_2818 : memref<1x200x128xf32, #tpu.memory_space<vmem>> -> memref<200x128xf32, #tpu.memory_space<vmem>>
        %parallel_loop3A_2820 = arith.index_cast %parallel_loop3A_2815 : i32 to index
        %parallel_loop3A_2821 = arith.constant 0 : index
        %parallel_loop3A_2822 = tpu.vector_load %parallel_loop3A_2819[%parallel_loop3A_2820, %parallel_loop3A_2821] {strides = array<i32>} : memref<200x128xf32, #tpu.memory_space<vmem>>, vector<16xf32>,
        %parallel_loop3A_2823 = arith.constant 10 : i32
        %parallel_loop3A_2824 = arith.addi %parallel_loop3A_1136, %parallel_loop3A_2823 : i32
        %parallel_loop3A_2825 = arith.constant 0 : i32
        %parallel_loop3A_2826 = arith.constant 0 : i32
        %parallel_loop3A_2827 = tpu.memref_slice %arg6[%select_n3A_79, %parallel_loop3A_2825, %parallel_loop3A_2826] : memref<3x200x128xf32, #tpu.memory_space<vmem>> -> memref<1x200x128xf32, #tpu.memory_space<vmem>>
        %parallel_loop3A_2828 = tpu.memref_squeeze %parallel_loop3A_2827 : memref<1x200x128xf32, #tpu.memory_space<vmem>> -> memref<200x128xf32, #tpu.memory_space<vmem>>
        %parallel_loop3A_2829 = arith.index_cast %parallel_loop3A_2824 : i32 to index
        %parallel_loop3A_2830 = arith.constant 16 : index
        %parallel_loop3A_2831 = tpu.vector_load %parallel_loop3A_2828[%parallel_loop3A_2829, %parallel_loop3A_2830] {strides = array<i32>} : memref<200x128xf32, #tpu.memory_space<vmem>>, vector<16xf32>,
        %parallel_loop3A_2832 = arith.constant 10 : i32
        %parallel_loop3A_2833 = arith.addi %parallel_loop3A_1136, %parallel_loop3A_2832 : i32
        %parallel_loop3A_2834 = arith.constant 0 : i32
        %parallel_loop3A_2835 = arith.constant 0 : i32
        %parallel_loop3A_2836 = tpu.memref_slice %arg6[%select_n3A_79, %parallel_loop3A_2834, %parallel_loop3A_2835] : memref<3x200x128xf32, #tpu.memory_space<vmem>> -> memref<1x200x128xf32, #tpu.memory_space<vmem>>
        %parallel_loop3A_2837 = tpu.memref_squeeze %parallel_loop3A_2836 : memref<1x200x128xf32, #tpu.memory_space<vmem>> -> memref<200x128xf32, #tpu.memory_space<vmem>>
        %parallel_loop3A_2838 = arith.index_cast %parallel_loop3A_2833 : i32 to index
        %parallel_loop3A_2839 = arith.constant 32 : index
        %parallel_loop3A_2840 = tpu.vector_load %parallel_loop3A_2837[%parallel_loop3A_2838, %parallel_loop3A_2839] {strides = array<i32>} : memref<200x128xf32, #tpu.memory_space<vmem>>, vector<16xf32>,
        %parallel_loop3A_2841 = arith.constant 10 : i32
        %parallel_loop3A_2842 = arith.addi %parallel_loop3A_1136, %parallel_loop3A_2841 : i32
        %parallel_loop3A_2843 = arith.constant 0 : i32
        %parallel_loop3A_2844 = arith.constant 0 : i32
        %parallel_loop3A_2845 = tpu.memref_slice %arg6[%select_n3A_79, %parallel_loop3A_2843, %parallel_loop3A_2844] : memref<3x200x128xf32, #tpu.memory_space<vmem>> -> memref<1x200x128xf32, #tpu.memory_space<vmem>>
        %parallel_loop3A_2846 = tpu.memref_squeeze %parallel_loop3A_2845 : memref<1x200x128xf32, #tpu.memory_space<vmem>> -> memref<200x128xf32, #tpu.memory_space<vmem>>
        %parallel_loop3A_2847 = arith.index_cast %parallel_loop3A_2842 : i32 to index
        %parallel_loop3A_2848 = arith.constant 48 : index
        %parallel_loop3A_2849 = tpu.vector_load %parallel_loop3A_2846[%parallel_loop3A_2847, %parallel_loop3A_2848] {strides = array<i32>} : memref<200x128xf32, #tpu.memory_space<vmem>>, vector<16xf32>,
        %parallel_loop3A_2850 = arith.constant 1 : i32
        %parallel_loop3A_2851 = vector.broadcast %parallel_loop3A_2850 : i32 to vector<16xi32>
        %parallel_loop3A_2852 = arith.addi %parallel_loop3A_2851, %iota3A : vector<16xi32>
        %parallel_loop3A_2853 = arith.mulf %parallel_loop3A_2810, %parallel_loop3A_2822 : vector<16xf32>
        %parallel_loop3A_2854 = arith.constant 0 : i32
        %parallel_loop3A_2855 = arith.constant 0 : i32
        %parallel_loop3A_2856 = tpu.memref_slice %arg6[%select_n3A_79, %parallel_loop3A_2854, %parallel_loop3A_2855] : memref<3x200x128xf32, #tpu.memory_space<vmem>> -> memref<1x200x128xf32, #tpu.memory_space<vmem>>
        %parallel_loop3A_2857 = tpu.memref_squeeze %parallel_loop3A_2856 : memref<1x200x128xf32, #tpu.memory_space<vmem>> -> memref<200x128xf32, #tpu.memory_space<vmem>>
        tpu.vector_store_idx %parallel_loop3A_2857[%parallel_loop3A_2813, %parallel_loop3A_2852], %parallel_loop3A_2853 : memref<200x128xf32, #tpu.memory_space<vmem>>[vector<16xi32>, vector<16xi32>], vector<16xf32>,
        %parallel_loop3A_2858 = arith.constant 17 : i32
        %parallel_loop3A_2859 = vector.broadcast %parallel_loop3A_2858 : i32 to vector<16xi32>
        %parallel_loop3A_2860 = arith.addi %parallel_loop3A_2859, %iota3A : vector<16xi32>
        %parallel_loop3A_2861 = arith.mulf %parallel_loop3A_2810, %parallel_loop3A_2831 : vector<16xf32>
        %parallel_loop3A_2862 = arith.constant 0 : i32
        %parallel_loop3A_2863 = arith.constant 0 : i32
        %parallel_loop3A_2864 = tpu.memref_slice %arg6[%select_n3A_79, %parallel_loop3A_2862, %parallel_loop3A_2863] : memref<3x200x128xf32, #tpu.memory_space<vmem>> -> memref<1x200x128xf32, #tpu.memory_space<vmem>>
        %parallel_loop3A_2865 = tpu.memref_squeeze %parallel_loop3A_2864 : memref<1x200x128xf32, #tpu.memory_space<vmem>> -> memref<200x128xf32, #tpu.memory_space<vmem>>
        tpu.vector_store_idx %parallel_loop3A_2865[%parallel_loop3A_2813, %parallel_loop3A_2860], %parallel_loop3A_2861 : memref<200x128xf32, #tpu.memory_space<vmem>>[vector<16xi32>, vector<16xi32>], vector<16xf32>,
        %parallel_loop3A_2866 = arith.constant 33 : i32
        %parallel_loop3A_2867 = vector.broadcast %parallel_loop3A_2866 : i32 to vector<16xi32>
        %parallel_loop3A_2868 = arith.addi %parallel_loop3A_2867, %iota3A : vector<16xi32>
        %parallel_loop3A_2869 = arith.mulf %parallel_loop3A_2810, %parallel_loop3A_2840 : vector<16xf32>
        %parallel_loop3A_2870 = arith.constant 0 : i32
        %parallel_loop3A_2871 = arith.constant 0 : i32
        %parallel_loop3A_2872 = tpu.memref_slice %arg6[%select_n3A_79, %parallel_loop3A_2870, %parallel_loop3A_2871] : memref<3x200x128xf32, #tpu.memory_space<vmem>> -> memref<1x200x128xf32, #tpu.memory_space<vmem>>
        %parallel_loop3A_2873 = tpu.memref_squeeze %parallel_loop3A_2872 : memref<1x200x128xf32, #tpu.memory_space<vmem>> -> memref<200x128xf32, #tpu.memory_space<vmem>>
        tpu.vector_store_idx %parallel_loop3A_2873[%parallel_loop3A_2813, %parallel_loop3A_2868], %parallel_loop3A_2869 : memref<200x128xf32, #tpu.memory_space<vmem>>[vector<16xi32>, vector<16xi32>], vector<16xf32>,
        %parallel_loop3A_2874 = arith.constant 49 : i32
        %parallel_loop3A_2875 = vector.broadcast %parallel_loop3A_2874 : i32 to vector<16xi32>
        %parallel_loop3A_2876 = arith.addi %parallel_loop3A_2875, %iota3A : vector<16xi32>
        %parallel_loop3A_2877 = arith.mulf %parallel_loop3A_2810, %parallel_loop3A_2849 : vector<16xf32>
        %parallel_loop3A_2878 = arith.constant 0 : i32
        %parallel_loop3A_2879 = arith.constant 0 : i32
        %parallel_loop3A_2880 = tpu.memref_slice %arg6[%select_n3A_79, %parallel_loop3A_2878, %parallel_loop3A_2879] : memref<3x200x128xf32, #tpu.memory_space<vmem>> -> memref<1x200x128xf32, #tpu.memory_space<vmem>>
        %parallel_loop3A_2881 = tpu.memref_squeeze %parallel_loop3A_2880 : memref<1x200x128xf32, #tpu.memory_space<vmem>> -> memref<200x128xf32, #tpu.memory_space<vmem>>
        tpu.vector_store_idx %parallel_loop3A_2881[%parallel_loop3A_2813, %parallel_loop3A_2876], %parallel_loop3A_2877 : memref<200x128xf32, #tpu.memory_space<vmem>>[vector<16xi32>, vector<16xi32>], vector<16xf32>,
        %parallel_loop3A_2882 = vector.extract_strided_slice %parallel_loop3A_2067 {offsets = [11], sizes = [1], strides = [1]} : vector<16xf32> to vector<1xf32>
        %parallel_loop3A_2883 = vector.extract %parallel_loop3A_2882[0] : f32 from vector<1xf32>
        %parallel_loop3A_2884 = vector.broadcast %parallel_loop3A_2883 : f32 to vector<16xf32>
        %parallel_loop3A_2885 = arith.constant 11 : i32
        %parallel_loop3A_2886 = arith.addi %parallel_loop3A_1136, %parallel_loop3A_2885 : i32
        %parallel_loop3A_2887 = vector.broadcast %parallel_loop3A_2886 : i32 to vector<16xi32>
        %parallel_loop3A_2888 = arith.constant 11 : i32
        %parallel_loop3A_2889 = arith.addi %parallel_loop3A_1136, %parallel_loop3A_2888 : i32
        %parallel_loop3A_2890 = arith.constant 0 : i32
        %parallel_loop3A_2891 = arith.constant 0 : i32
        %parallel_loop3A_2892 = tpu.memref_slice %arg6[%select_n3A_79, %parallel_loop3A_2890, %parallel_loop3A_2891] : memref<3x200x128xf32, #tpu.memory_space<vmem>> -> memref<1x200x128xf32, #tpu.memory_space<vmem>>
        %parallel_loop3A_2893 = tpu.memref_squeeze %parallel_loop3A_2892 : memref<1x200x128xf32, #tpu.memory_space<vmem>> -> memref<200x128xf32, #tpu.memory_space<vmem>>
        %parallel_loop3A_2894 = arith.index_cast %parallel_loop3A_2889 : i32 to index
        %parallel_loop3A_2895 = arith.constant 0 : index
        %parallel_loop3A_2896 = tpu.vector_load %parallel_loop3A_2893[%parallel_loop3A_2894, %parallel_loop3A_2895] {strides = array<i32>} : memref<200x128xf32, #tpu.memory_space<vmem>>, vector<16xf32>,
        %parallel_loop3A_2897 = arith.constant 11 : i32
        %parallel_loop3A_2898 = arith.addi %parallel_loop3A_1136, %parallel_loop3A_2897 : i32
        %parallel_loop3A_2899 = arith.constant 0 : i32
        %parallel_loop3A_2900 = arith.constant 0 : i32
        %parallel_loop3A_2901 = tpu.memref_slice %arg6[%select_n3A_79, %parallel_loop3A_2899, %parallel_loop3A_2900] : memref<3x200x128xf32, #tpu.memory_space<vmem>> -> memref<1x200x128xf32, #tpu.memory_space<vmem>>
        %parallel_loop3A_2902 = tpu.memref_squeeze %parallel_loop3A_2901 : memref<1x200x128xf32, #tpu.memory_space<vmem>> -> memref<200x128xf32, #tpu.memory_space<vmem>>
        %parallel_loop3A_2903 = arith.index_cast %parallel_loop3A_2898 : i32 to index
        %parallel_loop3A_2904 = arith.constant 16 : index
        %parallel_loop3A_2905 = tpu.vector_load %parallel_loop3A_2902[%parallel_loop3A_2903, %parallel_loop3A_2904] {strides = array<i32>} : memref<200x128xf32, #tpu.memory_space<vmem>>, vector<16xf32>,
        %parallel_loop3A_2906 = arith.constant 11 : i32
        %parallel_loop3A_2907 = arith.addi %parallel_loop3A_1136, %parallel_loop3A_2906 : i32
        %parallel_loop3A_2908 = arith.constant 0 : i32
        %parallel_loop3A_2909 = arith.constant 0 : i32
        %parallel_loop3A_2910 = tpu.memref_slice %arg6[%select_n3A_79, %parallel_loop3A_2908, %parallel_loop3A_2909] : memref<3x200x128xf32, #tpu.memory_space<vmem>> -> memref<1x200x128xf32, #tpu.memory_space<vmem>>
        %parallel_loop3A_2911 = tpu.memref_squeeze %parallel_loop3A_2910 : memref<1x200x128xf32, #tpu.memory_space<vmem>> -> memref<200x128xf32, #tpu.memory_space<vmem>>
        %parallel_loop3A_2912 = arith.index_cast %parallel_loop3A_2907 : i32 to index
        %parallel_loop3A_2913 = arith.constant 32 : index
        %parallel_loop3A_2914 = tpu.vector_load %parallel_loop3A_2911[%parallel_loop3A_2912, %parallel_loop3A_2913] {strides = array<i32>} : memref<200x128xf32, #tpu.memory_space<vmem>>, vector<16xf32>,
        %parallel_loop3A_2915 = arith.constant 11 : i32
        %parallel_loop3A_2916 = arith.addi %parallel_loop3A_1136, %parallel_loop3A_2915 : i32
        %parallel_loop3A_2917 = arith.constant 0 : i32
        %parallel_loop3A_2918 = arith.constant 0 : i32
        %parallel_loop3A_2919 = tpu.memref_slice %arg6[%select_n3A_79, %parallel_loop3A_2917, %parallel_loop3A_2918] : memref<3x200x128xf32, #tpu.memory_space<vmem>> -> memref<1x200x128xf32, #tpu.memory_space<vmem>>
        %parallel_loop3A_2920 = tpu.memref_squeeze %parallel_loop3A_2919 : memref<1x200x128xf32, #tpu.memory_space<vmem>> -> memref<200x128xf32, #tpu.memory_space<vmem>>
        %parallel_loop3A_2921 = arith.index_cast %parallel_loop3A_2916 : i32 to index
        %parallel_loop3A_2922 = arith.constant 48 : index
        %parallel_loop3A_2923 = tpu.vector_load %parallel_loop3A_2920[%parallel_loop3A_2921, %parallel_loop3A_2922] {strides = array<i32>} : memref<200x128xf32, #tpu.memory_space<vmem>>, vector<16xf32>,
        %parallel_loop3A_2924 = arith.constant 1 : i32
        %parallel_loop3A_2925 = vector.broadcast %parallel_loop3A_2924 : i32 to vector<16xi32>
        %parallel_loop3A_2926 = arith.addi %parallel_loop3A_2925, %iota3A : vector<16xi32>
        %parallel_loop3A_2927 = arith.mulf %parallel_loop3A_2884, %parallel_loop3A_2896 : vector<16xf32>
        %parallel_loop3A_2928 = arith.constant 0 : i32
        %parallel_loop3A_2929 = arith.constant 0 : i32
        %parallel_loop3A_2930 = tpu.memref_slice %arg6[%select_n3A_79, %parallel_loop3A_2928, %parallel_loop3A_2929] : memref<3x200x128xf32, #tpu.memory_space<vmem>> -> memref<1x200x128xf32, #tpu.memory_space<vmem>>
        %parallel_loop3A_2931 = tpu.memref_squeeze %parallel_loop3A_2930 : memref<1x200x128xf32, #tpu.memory_space<vmem>> -> memref<200x128xf32, #tpu.memory_space<vmem>>
        tpu.vector_store_idx %parallel_loop3A_2931[%parallel_loop3A_2887, %parallel_loop3A_2926], %parallel_loop3A_2927 : memref<200x128xf32, #tpu.memory_space<vmem>>[vector<16xi32>, vector<16xi32>], vector<16xf32>,
        %parallel_loop3A_2932 = arith.constant 17 : i32
        %parallel_loop3A_2933 = vector.broadcast %parallel_loop3A_2932 : i32 to vector<16xi32>
        %parallel_loop3A_2934 = arith.addi %parallel_loop3A_2933, %iota3A : vector<16xi32>
        %parallel_loop3A_2935 = arith.mulf %parallel_loop3A_2884, %parallel_loop3A_2905 : vector<16xf32>
        %parallel_loop3A_2936 = arith.constant 0 : i32
        %parallel_loop3A_2937 = arith.constant 0 : i32
        %parallel_loop3A_2938 = tpu.memref_slice %arg6[%select_n3A_79, %parallel_loop3A_2936, %parallel_loop3A_2937] : memref<3x200x128xf32, #tpu.memory_space<vmem>> -> memref<1x200x128xf32, #tpu.memory_space<vmem>>
        %parallel_loop3A_2939 = tpu.memref_squeeze %parallel_loop3A_2938 : memref<1x200x128xf32, #tpu.memory_space<vmem>> -> memref<200x128xf32, #tpu.memory_space<vmem>>
        tpu.vector_store_idx %parallel_loop3A_2939[%parallel_loop3A_2887, %parallel_loop3A_2934], %parallel_loop3A_2935 : memref<200x128xf32, #tpu.memory_space<vmem>>[vector<16xi32>, vector<16xi32>], vector<16xf32>,
        %parallel_loop3A_2940 = arith.constant 33 : i32
        %parallel_loop3A_2941 = vector.broadcast %parallel_loop3A_2940 : i32 to vector<16xi32>
        %parallel_loop3A_2942 = arith.addi %parallel_loop3A_2941, %iota3A : vector<16xi32>
        %parallel_loop3A_2943 = arith.mulf %parallel_loop3A_2884, %parallel_loop3A_2914 : vector<16xf32>
        %parallel_loop3A_2944 = arith.constant 0 : i32
        %parallel_loop3A_2945 = arith.constant 0 : i32
        %parallel_loop3A_2946 = tpu.memref_slice %arg6[%select_n3A_79, %parallel_loop3A_2944, %parallel_loop3A_2945] : memref<3x200x128xf32, #tpu.memory_space<vmem>> -> memref<1x200x128xf32, #tpu.memory_space<vmem>>
        %parallel_loop3A_2947 = tpu.memref_squeeze %parallel_loop3A_2946 : memref<1x200x128xf32, #tpu.memory_space<vmem>> -> memref<200x128xf32, #tpu.memory_space<vmem>>
        tpu.vector_store_idx %parallel_loop3A_2947[%parallel_loop3A_2887, %parallel_loop3A_2942], %parallel_loop3A_2943 : memref<200x128xf32, #tpu.memory_space<vmem>>[vector<16xi32>, vector<16xi32>], vector<16xf32>,
        %parallel_loop3A_2948 = arith.constant 49 : i32
        %parallel_loop3A_2949 = vector.broadcast %parallel_loop3A_2948 : i32 to vector<16xi32>
        %parallel_loop3A_2950 = arith.addi %parallel_loop3A_2949, %iota3A : vector<16xi32>
        %parallel_loop3A_2951 = arith.mulf %parallel_loop3A_2884, %parallel_loop3A_2923 : vector<16xf32>
        %parallel_loop3A_2952 = arith.constant 0 : i32
        %parallel_loop3A_2953 = arith.constant 0 : i32
        %parallel_loop3A_2954 = tpu.memref_slice %arg6[%select_n3A_79, %parallel_loop3A_2952, %parallel_loop3A_2953] : memref<3x200x128xf32, #tpu.memory_space<vmem>> -> memref<1x200x128xf32, #tpu.memory_space<vmem>>
        %parallel_loop3A_2955 = tpu.memref_squeeze %parallel_loop3A_2954 : memref<1x200x128xf32, #tpu.memory_space<vmem>> -> memref<200x128xf32, #tpu.memory_space<vmem>>
        tpu.vector_store_idx %parallel_loop3A_2955[%parallel_loop3A_2887, %parallel_loop3A_2950], %parallel_loop3A_2951 : memref<200x128xf32, #tpu.memory_space<vmem>>[vector<16xi32>, vector<16xi32>], vector<16xf32>,
        %parallel_loop3A_2956 = vector.extract_strided_slice %parallel_loop3A_2067 {offsets = [12], sizes = [1], strides = [1]} : vector<16xf32> to vector<1xf32>
        %parallel_loop3A_2957 = vector.extract %parallel_loop3A_2956[0] : f32 from vector<1xf32>
        %parallel_loop3A_2958 = vector.broadcast %parallel_loop3A_2957 : f32 to vector<16xf32>
        %parallel_loop3A_2959 = arith.constant 12 : i32
        %parallel_loop3A_2960 = arith.addi %parallel_loop3A_1136, %parallel_loop3A_2959 : i32
        %parallel_loop3A_2961 = vector.broadcast %parallel_loop3A_2960 : i32 to vector<16xi32>
        %parallel_loop3A_2962 = arith.constant 12 : i32
        %parallel_loop3A_2963 = arith.addi %parallel_loop3A_1136, %parallel_loop3A_2962 : i32
        %parallel_loop3A_2964 = arith.constant 0 : i32
        %parallel_loop3A_2965 = arith.constant 0 : i32
        %parallel_loop3A_2966 = tpu.memref_slice %arg6[%select_n3A_79, %parallel_loop3A_2964, %parallel_loop3A_2965] : memref<3x200x128xf32, #tpu.memory_space<vmem>> -> memref<1x200x128xf32, #tpu.memory_space<vmem>>
        %parallel_loop3A_2967 = tpu.memref_squeeze %parallel_loop3A_2966 : memref<1x200x128xf32, #tpu.memory_space<vmem>> -> memref<200x128xf32, #tpu.memory_space<vmem>>
        %parallel_loop3A_2968 = arith.index_cast %parallel_loop3A_2963 : i32 to index
        %parallel_loop3A_2969 = arith.constant 0 : index
        %parallel_loop3A_2970 = tpu.vector_load %parallel_loop3A_2967[%parallel_loop3A_2968, %parallel_loop3A_2969] {strides = array<i32>} : memref<200x128xf32, #tpu.memory_space<vmem>>, vector<16xf32>,
        %parallel_loop3A_2971 = arith.constant 12 : i32
        %parallel_loop3A_2972 = arith.addi %parallel_loop3A_1136, %parallel_loop3A_2971 : i32
        %parallel_loop3A_2973 = arith.constant 0 : i32
        %parallel_loop3A_2974 = arith.constant 0 : i32
        %parallel_loop3A_2975 = tpu.memref_slice %arg6[%select_n3A_79, %parallel_loop3A_2973, %parallel_loop3A_2974] : memref<3x200x128xf32, #tpu.memory_space<vmem>> -> memref<1x200x128xf32, #tpu.memory_space<vmem>>
        %parallel_loop3A_2976 = tpu.memref_squeeze %parallel_loop3A_2975 : memref<1x200x128xf32, #tpu.memory_space<vmem>> -> memref<200x128xf32, #tpu.memory_space<vmem>>
        %parallel_loop3A_2977 = arith.index_cast %parallel_loop3A_2972 : i32 to index
        %parallel_loop3A_2978 = arith.constant 16 : index
        %parallel_loop3A_2979 = tpu.vector_load %parallel_loop3A_2976[%parallel_loop3A_2977, %parallel_loop3A_2978] {strides = array<i32>} : memref<200x128xf32, #tpu.memory_space<vmem>>, vector<16xf32>,
        %parallel_loop3A_2980 = arith.constant 12 : i32
        %parallel_loop3A_2981 = arith.addi %parallel_loop3A_1136, %parallel_loop3A_2980 : i32
        %parallel_loop3A_2982 = arith.constant 0 : i32
        %parallel_loop3A_2983 = arith.constant 0 : i32
        %parallel_loop3A_2984 = tpu.memref_slice %arg6[%select_n3A_79, %parallel_loop3A_2982, %parallel_loop3A_2983] : memref<3x200x128xf32, #tpu.memory_space<vmem>> -> memref<1x200x128xf32, #tpu.memory_space<vmem>>
        %parallel_loop3A_2985 = tpu.memref_squeeze %parallel_loop3A_2984 : memref<1x200x128xf32, #tpu.memory_space<vmem>> -> memref<200x128xf32, #tpu.memory_space<vmem>>
        %parallel_loop3A_2986 = arith.index_cast %parallel_loop3A_2981 : i32 to index
        %parallel_loop3A_2987 = arith.constant 32 : index
        %parallel_loop3A_2988 = tpu.vector_load %parallel_loop3A_2985[%parallel_loop3A_2986, %parallel_loop3A_2987] {strides = array<i32>} : memref<200x128xf32, #tpu.memory_space<vmem>>, vector<16xf32>,
        %parallel_loop3A_2989 = arith.constant 12 : i32
        %parallel_loop3A_2990 = arith.addi %parallel_loop3A_1136, %parallel_loop3A_2989 : i32
        %parallel_loop3A_2991 = arith.constant 0 : i32
        %parallel_loop3A_2992 = arith.constant 0 : i32
        %parallel_loop3A_2993 = tpu.memref_slice %arg6[%select_n3A_79, %parallel_loop3A_2991, %parallel_loop3A_2992] : memref<3x200x128xf32, #tpu.memory_space<vmem>> -> memref<1x200x128xf32, #tpu.memory_space<vmem>>
        %parallel_loop3A_2994 = tpu.memref_squeeze %parallel_loop3A_2993 : memref<1x200x128xf32, #tpu.memory_space<vmem>> -> memref<200x128xf32, #tpu.memory_space<vmem>>
        %parallel_loop3A_2995 = arith.index_cast %parallel_loop3A_2990 : i32 to index
        %parallel_loop3A_2996 = arith.constant 48 : index
        %parallel_loop3A_2997 = tpu.vector_load %parallel_loop3A_2994[%parallel_loop3A_2995, %parallel_loop3A_2996] {strides = array<i32>} : memref<200x128xf32, #tpu.memory_space<vmem>>, vector<16xf32>,
        %parallel_loop3A_2998 = arith.constant 1 : i32
        %parallel_loop3A_2999 = vector.broadcast %parallel_loop3A_2998 : i32 to vector<16xi32>
        %parallel_loop3A_3000 = arith.addi %parallel_loop3A_2999, %iota3A : vector<16xi32>
        %parallel_loop3A_3001 = arith.mulf %parallel_loop3A_2958, %parallel_loop3A_2970 : vector<16xf32>
        %parallel_loop3A_3002 = arith.constant 0 : i32
        %parallel_loop3A_3003 = arith.constant 0 : i32
        %parallel_loop3A_3004 = tpu.memref_slice %arg6[%select_n3A_79, %parallel_loop3A_3002, %parallel_loop3A_3003] : memref<3x200x128xf32, #tpu.memory_space<vmem>> -> memref<1x200x128xf32, #tpu.memory_space<vmem>>
        %parallel_loop3A_3005 = tpu.memref_squeeze %parallel_loop3A_3004 : memref<1x200x128xf32, #tpu.memory_space<vmem>> -> memref<200x128xf32, #tpu.memory_space<vmem>>
        tpu.vector_store_idx %parallel_loop3A_3005[%parallel_loop3A_2961, %parallel_loop3A_3000], %parallel_loop3A_3001 : memref<200x128xf32, #tpu.memory_space<vmem>>[vector<16xi32>, vector<16xi32>], vector<16xf32>,
        %parallel_loop3A_3006 = arith.constant 17 : i32
        %parallel_loop3A_3007 = vector.broadcast %parallel_loop3A_3006 : i32 to vector<16xi32>
        %parallel_loop3A_3008 = arith.addi %parallel_loop3A_3007, %iota3A : vector<16xi32>
        %parallel_loop3A_3009 = arith.mulf %parallel_loop3A_2958, %parallel_loop3A_2979 : vector<16xf32>
        %parallel_loop3A_3010 = arith.constant 0 : i32
        %parallel_loop3A_3011 = arith.constant 0 : i32
        %parallel_loop3A_3012 = tpu.memref_slice %arg6[%select_n3A_79, %parallel_loop3A_3010, %parallel_loop3A_3011] : memref<3x200x128xf32, #tpu.memory_space<vmem>> -> memref<1x200x128xf32, #tpu.memory_space<vmem>>
        %parallel_loop3A_3013 = tpu.memref_squeeze %parallel_loop3A_3012 : memref<1x200x128xf32, #tpu.memory_space<vmem>> -> memref<200x128xf32, #tpu.memory_space<vmem>>
        tpu.vector_store_idx %parallel_loop3A_3013[%parallel_loop3A_2961, %parallel_loop3A_3008], %parallel_loop3A_3009 : memref<200x128xf32, #tpu.memory_space<vmem>>[vector<16xi32>, vector<16xi32>], vector<16xf32>,
        %parallel_loop3A_3014 = arith.constant 33 : i32
        %parallel_loop3A_3015 = vector.broadcast %parallel_loop3A_3014 : i32 to vector<16xi32>
        %parallel_loop3A_3016 = arith.addi %parallel_loop3A_3015, %iota3A : vector<16xi32>
        %parallel_loop3A_3017 = arith.mulf %parallel_loop3A_2958, %parallel_loop3A_2988 : vector<16xf32>
        %parallel_loop3A_3018 = arith.constant 0 : i32
        %parallel_loop3A_3019 = arith.constant 0 : i32
        %parallel_loop3A_3020 = tpu.memref_slice %arg6[%select_n3A_79, %parallel_loop3A_3018, %parallel_loop3A_3019] : memref<3x200x128xf32, #tpu.memory_space<vmem>> -> memref<1x200x128xf32, #tpu.memory_space<vmem>>
        %parallel_loop3A_3021 = tpu.memref_squeeze %parallel_loop3A_3020 : memref<1x200x128xf32, #tpu.memory_space<vmem>> -> memref<200x128xf32, #tpu.memory_space<vmem>>
        tpu.vector_store_idx %parallel_loop3A_3021[%parallel_loop3A_2961, %parallel_loop3A_3016], %parallel_loop3A_3017 : memref<200x128xf32, #tpu.memory_space<vmem>>[vector<16xi32>, vector<16xi32>], vector<16xf32>,
        %parallel_loop3A_3022 = arith.constant 49 : i32
        %parallel_loop3A_3023 = vector.broadcast %parallel_loop3A_3022 : i32 to vector<16xi32>
        %parallel_loop3A_3024 = arith.addi %parallel_loop3A_3023, %iota3A : vector<16xi32>
        %parallel_loop3A_3025 = arith.mulf %parallel_loop3A_2958, %parallel_loop3A_2997 : vector<16xf32>
        %parallel_loop3A_3026 = arith.constant 0 : i32
        %parallel_loop3A_3027 = arith.constant 0 : i32
        %parallel_loop3A_3028 = tpu.memref_slice %arg6[%select_n3A_79, %parallel_loop3A_3026, %parallel_loop3A_3027] : memref<3x200x128xf32, #tpu.memory_space<vmem>> -> memref<1x200x128xf32, #tpu.memory_space<vmem>>
        %parallel_loop3A_3029 = tpu.memref_squeeze %parallel_loop3A_3028 : memref<1x200x128xf32, #tpu.memory_space<vmem>> -> memref<200x128xf32, #tpu.memory_space<vmem>>
        tpu.vector_store_idx %parallel_loop3A_3029[%parallel_loop3A_2961, %parallel_loop3A_3024], %parallel_loop3A_3025 : memref<200x128xf32, #tpu.memory_space<vmem>>[vector<16xi32>, vector<16xi32>], vector<16xf32>,
        %parallel_loop3A_3030 = vector.extract_strided_slice %parallel_loop3A_2067 {offsets = [13], sizes = [1], strides = [1]} : vector<16xf32> to vector<1xf32>
        %parallel_loop3A_3031 = vector.extract %parallel_loop3A_3030[0] : f32 from vector<1xf32>
        %parallel_loop3A_3032 = vector.broadcast %parallel_loop3A_3031 : f32 to vector<16xf32>
        %parallel_loop3A_3033 = arith.constant 13 : i32
        %parallel_loop3A_3034 = arith.addi %parallel_loop3A_1136, %parallel_loop3A_3033 : i32
        %parallel_loop3A_3035 = vector.broadcast %parallel_loop3A_3034 : i32 to vector<16xi32>
        %parallel_loop3A_3036 = arith.constant 13 : i32
        %parallel_loop3A_3037 = arith.addi %parallel_loop3A_1136, %parallel_loop3A_3036 : i32
        %parallel_loop3A_3038 = arith.constant 0 : i32
        %parallel_loop3A_3039 = arith.constant 0 : i32
        %parallel_loop3A_3040 = tpu.memref_slice %arg6[%select_n3A_79, %parallel_loop3A_3038, %parallel_loop3A_3039] : memref<3x200x128xf32, #tpu.memory_space<vmem>> -> memref<1x200x128xf32, #tpu.memory_space<vmem>>
        %parallel_loop3A_3041 = tpu.memref_squeeze %parallel_loop3A_3040 : memref<1x200x128xf32, #tpu.memory_space<vmem>> -> memref<200x128xf32, #tpu.memory_space<vmem>>
        %parallel_loop3A_3042 = arith.index_cast %parallel_loop3A_3037 : i32 to index
        %parallel_loop3A_3043 = arith.constant 0 : index
        %parallel_loop3A_3044 = tpu.vector_load %parallel_loop3A_3041[%parallel_loop3A_3042, %parallel_loop3A_3043] {strides = array<i32>} : memref<200x128xf32, #tpu.memory_space<vmem>>, vector<16xf32>,
        %parallel_loop3A_3045 = arith.constant 13 : i32
        %parallel_loop3A_3046 = arith.addi %parallel_loop3A_1136, %parallel_loop3A_3045 : i32
        %parallel_loop3A_3047 = arith.constant 0 : i32
        %parallel_loop3A_3048 = arith.constant 0 : i32
        %parallel_loop3A_3049 = tpu.memref_slice %arg6[%select_n3A_79, %parallel_loop3A_3047, %parallel_loop3A_3048] : memref<3x200x128xf32, #tpu.memory_space<vmem>> -> memref<1x200x128xf32, #tpu.memory_space<vmem>>
        %parallel_loop3A_3050 = tpu.memref_squeeze %parallel_loop3A_3049 : memref<1x200x128xf32, #tpu.memory_space<vmem>> -> memref<200x128xf32, #tpu.memory_space<vmem>>
        %parallel_loop3A_3051 = arith.index_cast %parallel_loop3A_3046 : i32 to index
        %parallel_loop3A_3052 = arith.constant 16 : index
        %parallel_loop3A_3053 = tpu.vector_load %parallel_loop3A_3050[%parallel_loop3A_3051, %parallel_loop3A_3052] {strides = array<i32>} : memref<200x128xf32, #tpu.memory_space<vmem>>, vector<16xf32>,
        %parallel_loop3A_3054 = arith.constant 13 : i32
        %parallel_loop3A_3055 = arith.addi %parallel_loop3A_1136, %parallel_loop3A_3054 : i32
        %parallel_loop3A_3056 = arith.constant 0 : i32
        %parallel_loop3A_3057 = arith.constant 0 : i32
        %parallel_loop3A_3058 = tpu.memref_slice %arg6[%select_n3A_79, %parallel_loop3A_3056, %parallel_loop3A_3057] : memref<3x200x128xf32, #tpu.memory_space<vmem>> -> memref<1x200x128xf32, #tpu.memory_space<vmem>>
        %parallel_loop3A_3059 = tpu.memref_squeeze %parallel_loop3A_3058 : memref<1x200x128xf32, #tpu.memory_space<vmem>> -> memref<200x128xf32, #tpu.memory_space<vmem>>
        %parallel_loop3A_3060 = arith.index_cast %parallel_loop3A_3055 : i32 to index
        %parallel_loop3A_3061 = arith.constant 32 : index
        %parallel_loop3A_3062 = tpu.vector_load %parallel_loop3A_3059[%parallel_loop3A_3060, %parallel_loop3A_3061] {strides = array<i32>} : memref<200x128xf32, #tpu.memory_space<vmem>>, vector<16xf32>,
        %parallel_loop3A_3063 = arith.constant 13 : i32
        %parallel_loop3A_3064 = arith.addi %parallel_loop3A_1136, %parallel_loop3A_3063 : i32
        %parallel_loop3A_3065 = arith.constant 0 : i32
        %parallel_loop3A_3066 = arith.constant 0 : i32
        %parallel_loop3A_3067 = tpu.memref_slice %arg6[%select_n3A_79, %parallel_loop3A_3065, %parallel_loop3A_3066] : memref<3x200x128xf32, #tpu.memory_space<vmem>> -> memref<1x200x128xf32, #tpu.memory_space<vmem>>
        %parallel_loop3A_3068 = tpu.memref_squeeze %parallel_loop3A_3067 : memref<1x200x128xf32, #tpu.memory_space<vmem>> -> memref<200x128xf32, #tpu.memory_space<vmem>>
        %parallel_loop3A_3069 = arith.index_cast %parallel_loop3A_3064 : i32 to index
        %parallel_loop3A_3070 = arith.constant 48 : index
        %parallel_loop3A_3071 = tpu.vector_load %parallel_loop3A_3068[%parallel_loop3A_3069, %parallel_loop3A_3070] {strides = array<i32>} : memref<200x128xf32, #tpu.memory_space<vmem>>, vector<16xf32>,
        %parallel_loop3A_3072 = arith.constant 1 : i32
        %parallel_loop3A_3073 = vector.broadcast %parallel_loop3A_3072 : i32 to vector<16xi32>
        %parallel_loop3A_3074 = arith.addi %parallel_loop3A_3073, %iota3A : vector<16xi32>
        %parallel_loop3A_3075 = arith.mulf %parallel_loop3A_3032, %parallel_loop3A_3044 : vector<16xf32>
        %parallel_loop3A_3076 = arith.constant 0 : i32
        %parallel_loop3A_3077 = arith.constant 0 : i32
        %parallel_loop3A_3078 = tpu.memref_slice %arg6[%select_n3A_79, %parallel_loop3A_3076, %parallel_loop3A_3077] : memref<3x200x128xf32, #tpu.memory_space<vmem>> -> memref<1x200x128xf32, #tpu.memory_space<vmem>>
        %parallel_loop3A_3079 = tpu.memref_squeeze %parallel_loop3A_3078 : memref<1x200x128xf32, #tpu.memory_space<vmem>> -> memref<200x128xf32, #tpu.memory_space<vmem>>
        tpu.vector_store_idx %parallel_loop3A_3079[%parallel_loop3A_3035, %parallel_loop3A_3074], %parallel_loop3A_3075 : memref<200x128xf32, #tpu.memory_space<vmem>>[vector<16xi32>, vector<16xi32>], vector<16xf32>,
        %parallel_loop3A_3080 = arith.constant 17 : i32
        %parallel_loop3A_3081 = vector.broadcast %parallel_loop3A_3080 : i32 to vector<16xi32>
        %parallel_loop3A_3082 = arith.addi %parallel_loop3A_3081, %iota3A : vector<16xi32>
        %parallel_loop3A_3083 = arith.mulf %parallel_loop3A_3032, %parallel_loop3A_3053 : vector<16xf32>
        %parallel_loop3A_3084 = arith.constant 0 : i32
        %parallel_loop3A_3085 = arith.constant 0 : i32
        %parallel_loop3A_3086 = tpu.memref_slice %arg6[%select_n3A_79, %parallel_loop3A_3084, %parallel_loop3A_3085] : memref<3x200x128xf32, #tpu.memory_space<vmem>> -> memref<1x200x128xf32, #tpu.memory_space<vmem>>
        %parallel_loop3A_3087 = tpu.memref_squeeze %parallel_loop3A_3086 : memref<1x200x128xf32, #tpu.memory_space<vmem>> -> memref<200x128xf32, #tpu.memory_space<vmem>>
        tpu.vector_store_idx %parallel_loop3A_3087[%parallel_loop3A_3035, %parallel_loop3A_3082], %parallel_loop3A_3083 : memref<200x128xf32, #tpu.memory_space<vmem>>[vector<16xi32>, vector<16xi32>], vector<16xf32>,
        %parallel_loop3A_3088 = arith.constant 33 : i32
        %parallel_loop3A_3089 = vector.broadcast %parallel_loop3A_3088 : i32 to vector<16xi32>
        %parallel_loop3A_3090 = arith.addi %parallel_loop3A_3089, %iota3A : vector<16xi32>
        %parallel_loop3A_3091 = arith.mulf %parallel_loop3A_3032, %parallel_loop3A_3062 : vector<16xf32>
        %parallel_loop3A_3092 = arith.constant 0 : i32
        %parallel_loop3A_3093 = arith.constant 0 : i32
        %parallel_loop3A_3094 = tpu.memref_slice %arg6[%select_n3A_79, %parallel_loop3A_3092, %parallel_loop3A_3093] : memref<3x200x128xf32, #tpu.memory_space<vmem>> -> memref<1x200x128xf32, #tpu.memory_space<vmem>>
        %parallel_loop3A_3095 = tpu.memref_squeeze %parallel_loop3A_3094 : memref<1x200x128xf32, #tpu.memory_space<vmem>> -> memref<200x128xf32, #tpu.memory_space<vmem>>
        tpu.vector_store_idx %parallel_loop3A_3095[%parallel_loop3A_3035, %parallel_loop3A_3090], %parallel_loop3A_3091 : memref<200x128xf32, #tpu.memory_space<vmem>>[vector<16xi32>, vector<16xi32>], vector<16xf32>,
        %parallel_loop3A_3096 = arith.constant 49 : i32
        %parallel_loop3A_3097 = vector.broadcast %parallel_loop3A_3096 : i32 to vector<16xi32>
        %parallel_loop3A_3098 = arith.addi %parallel_loop3A_3097, %iota3A : vector<16xi32>
        %parallel_loop3A_3099 = arith.mulf %parallel_loop3A_3032, %parallel_loop3A_3071 : vector<16xf32>
        %parallel_loop3A_3100 = arith.constant 0 : i32
        %parallel_loop3A_3101 = arith.constant 0 : i32
        %parallel_loop3A_3102 = tpu.memref_slice %arg6[%select_n3A_79, %parallel_loop3A_3100, %parallel_loop3A_3101] : memref<3x200x128xf32, #tpu.memory_space<vmem>> -> memref<1x200x128xf32, #tpu.memory_space<vmem>>
        %parallel_loop3A_3103 = tpu.memref_squeeze %parallel_loop3A_3102 : memref<1x200x128xf32, #tpu.memory_space<vmem>> -> memref<200x128xf32, #tpu.memory_space<vmem>>
        tpu.vector_store_idx %parallel_loop3A_3103[%parallel_loop3A_3035, %parallel_loop3A_3098], %parallel_loop3A_3099 : memref<200x128xf32, #tpu.memory_space<vmem>>[vector<16xi32>, vector<16xi32>], vector<16xf32>,
        %parallel_loop3A_3104 = vector.extract_strided_slice %parallel_loop3A_2067 {offsets = [14], sizes = [1], strides = [1]} : vector<16xf32> to vector<1xf32>
        %parallel_loop3A_3105 = vector.extract %parallel_loop3A_3104[0] : f32 from vector<1xf32>
        %parallel_loop3A_3106 = vector.broadcast %parallel_loop3A_3105 : f32 to vector<16xf32>
        %parallel_loop3A_3107 = arith.constant 14 : i32
        %parallel_loop3A_3108 = arith.addi %parallel_loop3A_1136, %parallel_loop3A_3107 : i32
        %parallel_loop3A_3109 = vector.broadcast %parallel_loop3A_3108 : i32 to vector<16xi32>
        %parallel_loop3A_3110 = arith.constant 14 : i32
        %parallel_loop3A_3111 = arith.addi %parallel_loop3A_1136, %parallel_loop3A_3110 : i32
        %parallel_loop3A_3112 = arith.constant 0 : i32
        %parallel_loop3A_3113 = arith.constant 0 : i32
        %parallel_loop3A_3114 = tpu.memref_slice %arg6[%select_n3A_79, %parallel_loop3A_3112, %parallel_loop3A_3113] : memref<3x200x128xf32, #tpu.memory_space<vmem>> -> memref<1x200x128xf32, #tpu.memory_space<vmem>>
        %parallel_loop3A_3115 = tpu.memref_squeeze %parallel_loop3A_3114 : memref<1x200x128xf32, #tpu.memory_space<vmem>> -> memref<200x128xf32, #tpu.memory_space<vmem>>
        %parallel_loop3A_3116 = arith.index_cast %parallel_loop3A_3111 : i32 to index
        %parallel_loop3A_3117 = arith.constant 0 : index
        %parallel_loop3A_3118 = tpu.vector_load %parallel_loop3A_3115[%parallel_loop3A_3116, %parallel_loop3A_3117] {strides = array<i32>} : memref<200x128xf32, #tpu.memory_space<vmem>>, vector<16xf32>,
        %parallel_loop3A_3119 = arith.constant 14 : i32
        %parallel_loop3A_3120 = arith.addi %parallel_loop3A_1136, %parallel_loop3A_3119 : i32
        %parallel_loop3A_3121 = arith.constant 0 : i32
        %parallel_loop3A_3122 = arith.constant 0 : i32
        %parallel_loop3A_3123 = tpu.memref_slice %arg6[%select_n3A_79, %parallel_loop3A_3121, %parallel_loop3A_3122] : memref<3x200x128xf32, #tpu.memory_space<vmem>> -> memref<1x200x128xf32, #tpu.memory_space<vmem>>
        %parallel_loop3A_3124 = tpu.memref_squeeze %parallel_loop3A_3123 : memref<1x200x128xf32, #tpu.memory_space<vmem>> -> memref<200x128xf32, #tpu.memory_space<vmem>>
        %parallel_loop3A_3125 = arith.index_cast %parallel_loop3A_3120 : i32 to index
        %parallel_loop3A_3126 = arith.constant 16 : index
        %parallel_loop3A_3127 = tpu.vector_load %parallel_loop3A_3124[%parallel_loop3A_3125, %parallel_loop3A_3126] {strides = array<i32>} : memref<200x128xf32, #tpu.memory_space<vmem>>, vector<16xf32>,
        %parallel_loop3A_3128 = arith.constant 14 : i32
        %parallel_loop3A_3129 = arith.addi %parallel_loop3A_1136, %parallel_loop3A_3128 : i32
        %parallel_loop3A_3130 = arith.constant 0 : i32
        %parallel_loop3A_3131 = arith.constant 0 : i32
        %parallel_loop3A_3132 = tpu.memref_slice %arg6[%select_n3A_79, %parallel_loop3A_3130, %parallel_loop3A_3131] : memref<3x200x128xf32, #tpu.memory_space<vmem>> -> memref<1x200x128xf32, #tpu.memory_space<vmem>>
        %parallel_loop3A_3133 = tpu.memref_squeeze %parallel_loop3A_3132 : memref<1x200x128xf32, #tpu.memory_space<vmem>> -> memref<200x128xf32, #tpu.memory_space<vmem>>
        %parallel_loop3A_3134 = arith.index_cast %parallel_loop3A_3129 : i32 to index
        %parallel_loop3A_3135 = arith.constant 32 : index
        %parallel_loop3A_3136 = tpu.vector_load %parallel_loop3A_3133[%parallel_loop3A_3134, %parallel_loop3A_3135] {strides = array<i32>} : memref<200x128xf32, #tpu.memory_space<vmem>>, vector<16xf32>,
        %parallel_loop3A_3137 = arith.constant 14 : i32
        %parallel_loop3A_3138 = arith.addi %parallel_loop3A_1136, %parallel_loop3A_3137 : i32
        %parallel_loop3A_3139 = arith.constant 0 : i32
        %parallel_loop3A_3140 = arith.constant 0 : i32
        %parallel_loop3A_3141 = tpu.memref_slice %arg6[%select_n3A_79, %parallel_loop3A_3139, %parallel_loop3A_3140] : memref<3x200x128xf32, #tpu.memory_space<vmem>> -> memref<1x200x128xf32, #tpu.memory_space<vmem>>
        %parallel_loop3A_3142 = tpu.memref_squeeze %parallel_loop3A_3141 : memref<1x200x128xf32, #tpu.memory_space<vmem>> -> memref<200x128xf32, #tpu.memory_space<vmem>>
        %parallel_loop3A_3143 = arith.index_cast %parallel_loop3A_3138 : i32 to index
        %parallel_loop3A_3144 = arith.constant 48 : index
        %parallel_loop3A_3145 = tpu.vector_load %parallel_loop3A_3142[%parallel_loop3A_3143, %parallel_loop3A_3144] {strides = array<i32>} : memref<200x128xf32, #tpu.memory_space<vmem>>, vector<16xf32>,
        %parallel_loop3A_3146 = arith.constant 1 : i32
        %parallel_loop3A_3147 = vector.broadcast %parallel_loop3A_3146 : i32 to vector<16xi32>
        %parallel_loop3A_3148 = arith.addi %parallel_loop3A_3147, %iota3A : vector<16xi32>
        %parallel_loop3A_3149 = arith.mulf %parallel_loop3A_3106, %parallel_loop3A_3118 : vector<16xf32>
        %parallel_loop3A_3150 = arith.constant 0 : i32
        %parallel_loop3A_3151 = arith.constant 0 : i32
        %parallel_loop3A_3152 = tpu.memref_slice %arg6[%select_n3A_79, %parallel_loop3A_3150, %parallel_loop3A_3151] : memref<3x200x128xf32, #tpu.memory_space<vmem>> -> memref<1x200x128xf32, #tpu.memory_space<vmem>>
        %parallel_loop3A_3153 = tpu.memref_squeeze %parallel_loop3A_3152 : memref<1x200x128xf32, #tpu.memory_space<vmem>> -> memref<200x128xf32, #tpu.memory_space<vmem>>
        tpu.vector_store_idx %parallel_loop3A_3153[%parallel_loop3A_3109, %parallel_loop3A_3148], %parallel_loop3A_3149 : memref<200x128xf32, #tpu.memory_space<vmem>>[vector<16xi32>, vector<16xi32>], vector<16xf32>,
        %parallel_loop3A_3154 = arith.constant 17 : i32
        %parallel_loop3A_3155 = vector.broadcast %parallel_loop3A_3154 : i32 to vector<16xi32>
        %parallel_loop3A_3156 = arith.addi %parallel_loop3A_3155, %iota3A : vector<16xi32>
        %parallel_loop3A_3157 = arith.mulf %parallel_loop3A_3106, %parallel_loop3A_3127 : vector<16xf32>
        %parallel_loop3A_3158 = arith.constant 0 : i32
        %parallel_loop3A_3159 = arith.constant 0 : i32
        %parallel_loop3A_3160 = tpu.memref_slice %arg6[%select_n3A_79, %parallel_loop3A_3158, %parallel_loop3A_3159] : memref<3x200x128xf32, #tpu.memory_space<vmem>> -> memref<1x200x128xf32, #tpu.memory_space<vmem>>
        %parallel_loop3A_3161 = tpu.memref_squeeze %parallel_loop3A_3160 : memref<1x200x128xf32, #tpu.memory_space<vmem>> -> memref<200x128xf32, #tpu.memory_space<vmem>>
        tpu.vector_store_idx %parallel_loop3A_3161[%parallel_loop3A_3109, %parallel_loop3A_3156], %parallel_loop3A_3157 : memref<200x128xf32, #tpu.memory_space<vmem>>[vector<16xi32>, vector<16xi32>], vector<16xf32>,
        %parallel_loop3A_3162 = arith.constant 33 : i32
        %parallel_loop3A_3163 = vector.broadcast %parallel_loop3A_3162 : i32 to vector<16xi32>
        %parallel_loop3A_3164 = arith.addi %parallel_loop3A_3163, %iota3A : vector<16xi32>
        %parallel_loop3A_3165 = arith.mulf %parallel_loop3A_3106, %parallel_loop3A_3136 : vector<16xf32>
        %parallel_loop3A_3166 = arith.constant 0 : i32
        %parallel_loop3A_3167 = arith.constant 0 : i32
        %parallel_loop3A_3168 = tpu.memref_slice %arg6[%select_n3A_79, %parallel_loop3A_3166, %parallel_loop3A_3167] : memref<3x200x128xf32, #tpu.memory_space<vmem>> -> memref<1x200x128xf32, #tpu.memory_space<vmem>>
        %parallel_loop3A_3169 = tpu.memref_squeeze %parallel_loop3A_3168 : memref<1x200x128xf32, #tpu.memory_space<vmem>> -> memref<200x128xf32, #tpu.memory_space<vmem>>
        tpu.vector_store_idx %parallel_loop3A_3169[%parallel_loop3A_3109, %parallel_loop3A_3164], %parallel_loop3A_3165 : memref<200x128xf32, #tpu.memory_space<vmem>>[vector<16xi32>, vector<16xi32>], vector<16xf32>,
        %parallel_loop3A_3170 = arith.constant 49 : i32
        %parallel_loop3A_3171 = vector.broadcast %parallel_loop3A_3170 : i32 to vector<16xi32>
        %parallel_loop3A_3172 = arith.addi %parallel_loop3A_3171, %iota3A : vector<16xi32>
        %parallel_loop3A_3173 = arith.mulf %parallel_loop3A_3106, %parallel_loop3A_3145 : vector<16xf32>
        %parallel_loop3A_3174 = arith.constant 0 : i32
        %parallel_loop3A_3175 = arith.constant 0 : i32
        %parallel_loop3A_3176 = tpu.memref_slice %arg6[%select_n3A_79, %parallel_loop3A_3174, %parallel_loop3A_3175] : memref<3x200x128xf32, #tpu.memory_space<vmem>> -> memref<1x200x128xf32, #tpu.memory_space<vmem>>
        %parallel_loop3A_3177 = tpu.memref_squeeze %parallel_loop3A_3176 : memref<1x200x128xf32, #tpu.memory_space<vmem>> -> memref<200x128xf32, #tpu.memory_space<vmem>>
        tpu.vector_store_idx %parallel_loop3A_3177[%parallel_loop3A_3109, %parallel_loop3A_3172], %parallel_loop3A_3173 : memref<200x128xf32, #tpu.memory_space<vmem>>[vector<16xi32>, vector<16xi32>], vector<16xf32>,
        %parallel_loop3A_3178 = vector.extract_strided_slice %parallel_loop3A_2067 {offsets = [15], sizes = [1], strides = [1]} : vector<16xf32> to vector<1xf32>
        %parallel_loop3A_3179 = vector.extract %parallel_loop3A_3178[0] : f32 from vector<1xf32>
        %parallel_loop3A_3180 = vector.broadcast %parallel_loop3A_3179 : f32 to vector<16xf32>
        %parallel_loop3A_3181 = arith.constant 15 : i32
        %parallel_loop3A_3182 = arith.addi %parallel_loop3A_1136, %parallel_loop3A_3181 : i32
        %parallel_loop3A_3183 = vector.broadcast %parallel_loop3A_3182 : i32 to vector<16xi32>
        %parallel_loop3A_3184 = arith.constant 15 : i32
        %parallel_loop3A_3185 = arith.addi %parallel_loop3A_1136, %parallel_loop3A_3184 : i32
        %parallel_loop3A_3186 = arith.constant 0 : i32
        %parallel_loop3A_3187 = arith.constant 0 : i32
        %parallel_loop3A_3188 = tpu.memref_slice %arg6[%select_n3A_79, %parallel_loop3A_3186, %parallel_loop3A_3187] : memref<3x200x128xf32, #tpu.memory_space<vmem>> -> memref<1x200x128xf32, #tpu.memory_space<vmem>>
        %parallel_loop3A_3189 = tpu.memref_squeeze %parallel_loop3A_3188 : memref<1x200x128xf32, #tpu.memory_space<vmem>> -> memref<200x128xf32, #tpu.memory_space<vmem>>
        %parallel_loop3A_3190 = arith.index_cast %parallel_loop3A_3185 : i32 to index
        %parallel_loop3A_3191 = arith.constant 0 : index
        %parallel_loop3A_3192 = tpu.vector_load %parallel_loop3A_3189[%parallel_loop3A_3190, %parallel_loop3A_3191] {strides = array<i32>} : memref<200x128xf32, #tpu.memory_space<vmem>>, vector<16xf32>,
        %parallel_loop3A_3193 = arith.constant 15 : i32
        %parallel_loop3A_3194 = arith.addi %parallel_loop3A_1136, %parallel_loop3A_3193 : i32
        %parallel_loop3A_3195 = arith.constant 0 : i32
        %parallel_loop3A_3196 = arith.constant 0 : i32
        %parallel_loop3A_3197 = tpu.memref_slice %arg6[%select_n3A_79, %parallel_loop3A_3195, %parallel_loop3A_3196] : memref<3x200x128xf32, #tpu.memory_space<vmem>> -> memref<1x200x128xf32, #tpu.memory_space<vmem>>
        %parallel_loop3A_3198 = tpu.memref_squeeze %parallel_loop3A_3197 : memref<1x200x128xf32, #tpu.memory_space<vmem>> -> memref<200x128xf32, #tpu.memory_space<vmem>>
        %parallel_loop3A_3199 = arith.index_cast %parallel_loop3A_3194 : i32 to index
        %parallel_loop3A_3200 = arith.constant 16 : index
        %parallel_loop3A_3201 = tpu.vector_load %parallel_loop3A_3198[%parallel_loop3A_3199, %parallel_loop3A_3200] {strides = array<i32>} : memref<200x128xf32, #tpu.memory_space<vmem>>, vector<16xf32>,
        %parallel_loop3A_3202 = arith.constant 15 : i32
        %parallel_loop3A_3203 = arith.addi %parallel_loop3A_1136, %parallel_loop3A_3202 : i32
        %parallel_loop3A_3204 = arith.constant 0 : i32
        %parallel_loop3A_3205 = arith.constant 0 : i32
        %parallel_loop3A_3206 = tpu.memref_slice %arg6[%select_n3A_79, %parallel_loop3A_3204, %parallel_loop3A_3205] : memref<3x200x128xf32, #tpu.memory_space<vmem>> -> memref<1x200x128xf32, #tpu.memory_space<vmem>>
        %parallel_loop3A_3207 = tpu.memref_squeeze %parallel_loop3A_3206 : memref<1x200x128xf32, #tpu.memory_space<vmem>> -> memref<200x128xf32, #tpu.memory_space<vmem>>
        %parallel_loop3A_3208 = arith.index_cast %parallel_loop3A_3203 : i32 to index
        %parallel_loop3A_3209 = arith.constant 32 : index
        %parallel_loop3A_3210 = tpu.vector_load %parallel_loop3A_3207[%parallel_loop3A_3208, %parallel_loop3A_3209] {strides = array<i32>} : memref<200x128xf32, #tpu.memory_space<vmem>>, vector<16xf32>,
        %parallel_loop3A_3211 = arith.constant 15 : i32
        %parallel_loop3A_3212 = arith.addi %parallel_loop3A_1136, %parallel_loop3A_3211 : i32
        %parallel_loop3A_3213 = arith.constant 0 : i32
        %parallel_loop3A_3214 = arith.constant 0 : i32
        %parallel_loop3A_3215 = tpu.memref_slice %arg6[%select_n3A_79, %parallel_loop3A_3213, %parallel_loop3A_3214] : memref<3x200x128xf32, #tpu.memory_space<vmem>> -> memref<1x200x128xf32, #tpu.memory_space<vmem>>
        %parallel_loop3A_3216 = tpu.memref_squeeze %parallel_loop3A_3215 : memref<1x200x128xf32, #tpu.memory_space<vmem>> -> memref<200x128xf32, #tpu.memory_space<vmem>>
        %parallel_loop3A_3217 = arith.index_cast %parallel_loop3A_3212 : i32 to index
        %parallel_loop3A_3218 = arith.constant 48 : index
        %parallel_loop3A_3219 = tpu.vector_load %parallel_loop3A_3216[%parallel_loop3A_3217, %parallel_loop3A_3218] {strides = array<i32>} : memref<200x128xf32, #tpu.memory_space<vmem>>, vector<16xf32>,
        %parallel_loop3A_3220 = arith.constant 1 : i32
        %parallel_loop3A_3221 = vector.broadcast %parallel_loop3A_3220 : i32 to vector<16xi32>
        %parallel_loop3A_3222 = arith.addi %parallel_loop3A_3221, %iota3A : vector<16xi32>
        %parallel_loop3A_3223 = arith.mulf %parallel_loop3A_3180, %parallel_loop3A_3192 : vector<16xf32>
        %parallel_loop3A_3224 = arith.constant 0 : i32
        %parallel_loop3A_3225 = arith.constant 0 : i32
        %parallel_loop3A_3226 = tpu.memref_slice %arg6[%select_n3A_79, %parallel_loop3A_3224, %parallel_loop3A_3225] : memref<3x200x128xf32, #tpu.memory_space<vmem>> -> memref<1x200x128xf32, #tpu.memory_space<vmem>>
        %parallel_loop3A_3227 = tpu.memref_squeeze %parallel_loop3A_3226 : memref<1x200x128xf32, #tpu.memory_space<vmem>> -> memref<200x128xf32, #tpu.memory_space<vmem>>
        tpu.vector_store_idx %parallel_loop3A_3227[%parallel_loop3A_3183, %parallel_loop3A_3222], %parallel_loop3A_3223 : memref<200x128xf32, #tpu.memory_space<vmem>>[vector<16xi32>, vector<16xi32>], vector<16xf32>,
        %parallel_loop3A_3228 = arith.constant 17 : i32
        %parallel_loop3A_3229 = vector.broadcast %parallel_loop3A_3228 : i32 to vector<16xi32>
        %parallel_loop3A_3230 = arith.addi %parallel_loop3A_3229, %iota3A : vector<16xi32>
        %parallel_loop3A_3231 = arith.mulf %parallel_loop3A_3180, %parallel_loop3A_3201 : vector<16xf32>
        %parallel_loop3A_3232 = arith.constant 0 : i32
        %parallel_loop3A_3233 = arith.constant 0 : i32
        %parallel_loop3A_3234 = tpu.memref_slice %arg6[%select_n3A_79, %parallel_loop3A_3232, %parallel_loop3A_3233] : memref<3x200x128xf32, #tpu.memory_space<vmem>> -> memref<1x200x128xf32, #tpu.memory_space<vmem>>
        %parallel_loop3A_3235 = tpu.memref_squeeze %parallel_loop3A_3234 : memref<1x200x128xf32, #tpu.memory_space<vmem>> -> memref<200x128xf32, #tpu.memory_space<vmem>>
        tpu.vector_store_idx %parallel_loop3A_3235[%parallel_loop3A_3183, %parallel_loop3A_3230], %parallel_loop3A_3231 : memref<200x128xf32, #tpu.memory_space<vmem>>[vector<16xi32>, vector<16xi32>], vector<16xf32>,
        %parallel_loop3A_3236 = arith.constant 33 : i32
        %parallel_loop3A_3237 = vector.broadcast %parallel_loop3A_3236 : i32 to vector<16xi32>
        %parallel_loop3A_3238 = arith.addi %parallel_loop3A_3237, %iota3A : vector<16xi32>
        %parallel_loop3A_3239 = arith.mulf %parallel_loop3A_3180, %parallel_loop3A_3210 : vector<16xf32>
        %parallel_loop3A_3240 = arith.constant 0 : i32
        %parallel_loop3A_3241 = arith.constant 0 : i32
        %parallel_loop3A_3242 = tpu.memref_slice %arg6[%select_n3A_79, %parallel_loop3A_3240, %parallel_loop3A_3241] : memref<3x200x128xf32, #tpu.memory_space<vmem>> -> memref<1x200x128xf32, #tpu.memory_space<vmem>>
        %parallel_loop3A_3243 = tpu.memref_squeeze %parallel_loop3A_3242 : memref<1x200x128xf32, #tpu.memory_space<vmem>> -> memref<200x128xf32, #tpu.memory_space<vmem>>
        tpu.vector_store_idx %parallel_loop3A_3243[%parallel_loop3A_3183, %parallel_loop3A_3238], %parallel_loop3A_3239 : memref<200x128xf32, #tpu.memory_space<vmem>>[vector<16xi32>, vector<16xi32>], vector<16xf32>,
        %parallel_loop3A_3244 = arith.constant 49 : i32
        %parallel_loop3A_3245 = vector.broadcast %parallel_loop3A_3244 : i32 to vector<16xi32>
        %parallel_loop3A_3246 = arith.addi %parallel_loop3A_3245, %iota3A : vector<16xi32>
        %parallel_loop3A_3247 = arith.mulf %parallel_loop3A_3180, %parallel_loop3A_3219 : vector<16xf32>
        %parallel_loop3A_3248 = arith.constant 0 : i32
        %parallel_loop3A_3249 = arith.constant 0 : i32
        %parallel_loop3A_3250 = tpu.memref_slice %arg6[%select_n3A_79, %parallel_loop3A_3248, %parallel_loop3A_3249] : memref<3x200x128xf32, #tpu.memory_space<vmem>> -> memref<1x200x128xf32, #tpu.memory_space<vmem>>
        %parallel_loop3A_3251 = tpu.memref_squeeze %parallel_loop3A_3250 : memref<1x200x128xf32, #tpu.memory_space<vmem>> -> memref<200x128xf32, #tpu.memory_space<vmem>>
        tpu.vector_store_idx %parallel_loop3A_3251[%parallel_loop3A_3183, %parallel_loop3A_3246], %parallel_loop3A_3247 : memref<200x128xf32, #tpu.memory_space<vmem>>[vector<16xi32>, vector<16xi32>], vector<16xf32>,
        %parallel_loop3A_3252 = vector.broadcast %parallel_loop3A_1136 : i32 to vector<16xi32>
        %parallel_loop3A_3253 = arith.addi %parallel_loop3A_3252, %iota3A : vector<16xi32>
        %parallel_loop3A_3254 = arith.constant 0 : i32
        %parallel_loop3A_3255 = vector.broadcast %parallel_loop3A_3254 : i32 to vector<16xi32>
        %parallel_loop3A_3256 = arith.constant 16 : i32
        %parallel_loop3A_3257 = vector.broadcast %parallel_loop3A_3256 : i32 to vector<16xi32>
        %parallel_loop3A_3258 = arith.cmpi slt, %iota3A, %parallel_loop3A_3257 : vector<16xi32>
        %parallel_loop3A_3259 = arith.constant 0 : i32
        %parallel_loop3A_3260 = arith.constant 0 : i32
        %parallel_loop3A_3261 = tpu.memref_slice %arg6[%select_n3A_79, %parallel_loop3A_3259, %parallel_loop3A_3260] : memref<3x200x128xf32, #tpu.memory_space<vmem>> -> memref<1x200x128xf32, #tpu.memory_space<vmem>>
        %parallel_loop3A_3262 = tpu.memref_squeeze %parallel_loop3A_3261 : memref<1x200x128xf32, #tpu.memory_space<vmem>> -> memref<200x128xf32, #tpu.memory_space<vmem>>
        tpu.vector_store_idx %parallel_loop3A_3262[%parallel_loop3A_3253, %parallel_loop3A_3255], %parallel_loop3A_2062 masked %parallel_loop3A_3258 : memref<200x128xf32, #tpu.memory_space<vmem>>[vector<16xi32>, vector<16xi32>], vector<16xf32>, vector<16xi1>
      } {sc.loop_unroll_factor = 4 : i64, sc.parallel_access}
      %get3A = arith.constant 192 : i32
      %get3A_106 = arith.constant 0 : i32
      %get3A_107 = arith.constant 0 : i32
      %get3A_108 = tpu.memref_slice %arg6[%select_n3A_79, %get3A_106, %get3A_107] : memref<3x200x128xf32, #tpu.memory_space<vmem>> -> memref<1x200x128xf32, #tpu.memory_space<vmem>>
      %get3A_109 = tpu.memref_squeeze %get3A_108 : memref<1x200x128xf32, #tpu.memory_space<vmem>> -> memref<200x128xf32, #tpu.memory_space<vmem>>
      %get3A_110 = arith.index_cast %get3A : i32 to index
      %get3A_111 = arith.constant 0 : index
      %get3A_112 = tpu.vector_load %get3A_109[%get3A_110, %get3A_111] {strides = array<i32>} : memref<200x128xf32, #tpu.memory_space<vmem>>, vector<16xf32>,
      %get3A_113 = arith.constant 192 : i32
      %get3A_114 = arith.constant 0 : i32
      %get3A_115 = arith.constant 0 : i32
      %get3A_116 = tpu.memref_slice %arg6[%select_n3A_79, %get3A_114, %get3A_115] : memref<3x200x128xf32, #tpu.memory_space<vmem>> -> memref<1x200x128xf32, #tpu.memory_space<vmem>>
      %get3A_117 = tpu.memref_squeeze %get3A_116 : memref<1x200x128xf32, #tpu.memory_space<vmem>> -> memref<200x128xf32, #tpu.memory_space<vmem>>
      %get3A_118 = arith.index_cast %get3A_113 : i32 to index
      %get3A_119 = arith.constant 16 : index
      %get3A_120 = tpu.vector_load %get3A_117[%get3A_118, %get3A_119] {strides = array<i32>} : memref<200x128xf32, #tpu.memory_space<vmem>>, vector<16xf32>,
      %get3A_121 = arith.constant 192 : i32
      %get3A_122 = arith.constant 0 : i32
      %get3A_123 = arith.constant 0 : i32
      %get3A_124 = tpu.memref_slice %arg6[%select_n3A_79, %get3A_122, %get3A_123] : memref<3x200x128xf32, #tpu.memory_space<vmem>> -> memref<1x200x128xf32, #tpu.memory_space<vmem>>
      %get3A_125 = tpu.memref_squeeze %get3A_124 : memref<1x200x128xf32, #tpu.memory_space<vmem>> -> memref<200x128xf32, #tpu.memory_space<vmem>>
      %get3A_126 = arith.index_cast %get3A_121 : i32 to index
      %get3A_127 = arith.constant 32 : index
      %get3A_128 = tpu.vector_load %get3A_125[%get3A_126, %get3A_127] {strides = array<i32>} : memref<200x128xf32, #tpu.memory_space<vmem>>, vector<16xf32>,
      %get3A_129 = arith.constant 192 : i32
      %get3A_130 = arith.constant 0 : i32
      %get3A_131 = arith.constant 0 : i32
      %get3A_132 = tpu.memref_slice %arg6[%select_n3A_79, %get3A_130, %get3A_131] : memref<3x200x128xf32, #tpu.memory_space<vmem>> -> memref<1x200x128xf32, #tpu.memory_space<vmem>>
      %get3A_133 = tpu.memref_squeeze %get3A_132 : memref<1x200x128xf32, #tpu.memory_space<vmem>> -> memref<200x128xf32, #tpu.memory_space<vmem>>
      %get3A_134 = arith.index_cast %get3A_129 : i32 to index
      %get3A_135 = arith.constant 48 : index
      %get3A_136 = tpu.vector_load %get3A_133[%get3A_134, %get3A_135] {strides = array<i32>} : memref<200x128xf32, #tpu.memory_space<vmem>>, vector<16xf32>,
      %mul3A_137 = arith.mulf %get3A_112, %get3A_112 : vector<16xf32>
      %mul3A_138 = arith.mulf %get3A_120, %get3A_120 : vector<16xf32>
      %add3A_139 = arith.addf %mul3A_137, %mul3A_138 : vector<16xf32>
      %mul3A_140 = arith.mulf %get3A_128, %get3A_128 : vector<16xf32>
      %mul3A_141 = arith.mulf %get3A_136, %get3A_136 : vector<16xf32>
      %add3A_142 = arith.addf %mul3A_140, %mul3A_141 : vector<16xf32>
      %add3A_143 = arith.addf %add3A_139, %add3A_142 : vector<16xf32>
      %eq3A_144 = arith.constant 0 : i32
      %eq3A_145 = vector.broadcast %eq3A_144 : i32 to vector<16xi32>
      %eq3A_146 = arith.cmpi eq, %iota3A, %eq3A_145 : vector<16xi32>
      %reduce_sum3A = arith.constant true
      %reduce_sum3A_147 = vector.broadcast %reduce_sum3A : i1 to vector<16xi1>
      %reduce_sum3A_148 = tpu.scan <sum>, %add3A_143 masked %reduce_sum3A_147 : vector<16xf32>, vector<16xi1> -> vector<16xf32>
      %reduce_sum3A_149 = vector.extract %reduce_sum3A_148[15] : f32 from vector<16xf32>
      %broadcast_in_dim3A = vector.broadcast %reduce_sum3A_149 : f32 to vector<16xf32>
      %jit3A_150 = arith.constant 0.000000e+00 : f32
      %broadcast_in_dim3A_151 = vector.broadcast %jit3A_150 : f32 to vector<16xf32>
      %select_n3A_152 = arith.select %eq3A_146, %broadcast_in_dim3A, %broadcast_in_dim3A_151 : vector<16xi1>, vector<16xf32>
      %get3A_153 = arith.constant 193 : i32
      %get3A_154 = arith.constant 0 : i32
      %get3A_155 = arith.constant 0 : i32
      %get3A_156 = tpu.memref_slice %arg6[%select_n3A_79, %get3A_154, %get3A_155] : memref<3x200x128xf32, #tpu.memory_space<vmem>> -> memref<1x200x128xf32, #tpu.memory_space<vmem>>
      %get3A_157 = tpu.memref_squeeze %get3A_156 : memref<1x200x128xf32, #tpu.memory_space<vmem>> -> memref<200x128xf32, #tpu.memory_space<vmem>>
      %get3A_158 = arith.index_cast %get3A_153 : i32 to index
      %get3A_159 = arith.constant 0 : index
      %get3A_160 = tpu.vector_load %get3A_157[%get3A_158, %get3A_159] {strides = array<i32>} : memref<200x128xf32, #tpu.memory_space<vmem>>, vector<16xf32>,
      %get3A_161 = arith.constant 193 : i32
      %get3A_162 = arith.constant 0 : i32
      %get3A_163 = arith.constant 0 : i32
      %get3A_164 = tpu.memref_slice %arg6[%select_n3A_79, %get3A_162, %get3A_163] : memref<3x200x128xf32, #tpu.memory_space<vmem>> -> memref<1x200x128xf32, #tpu.memory_space<vmem>>
      %get3A_165 = tpu.memref_squeeze %get3A_164 : memref<1x200x128xf32, #tpu.memory_space<vmem>> -> memref<200x128xf32, #tpu.memory_space<vmem>>
      %get3A_166 = arith.index_cast %get3A_161 : i32 to index
      %get3A_167 = arith.constant 16 : index
      %get3A_168 = tpu.vector_load %get3A_165[%get3A_166, %get3A_167] {strides = array<i32>} : memref<200x128xf32, #tpu.memory_space<vmem>>, vector<16xf32>,
      %get3A_169 = arith.constant 193 : i32
      %get3A_170 = arith.constant 0 : i32
      %get3A_171 = arith.constant 0 : i32
      %get3A_172 = tpu.memref_slice %arg6[%select_n3A_79, %get3A_170, %get3A_171] : memref<3x200x128xf32, #tpu.memory_space<vmem>> -> memref<1x200x128xf32, #tpu.memory_space<vmem>>
      %get3A_173 = tpu.memref_squeeze %get3A_172 : memref<1x200x128xf32, #tpu.memory_space<vmem>> -> memref<200x128xf32, #tpu.memory_space<vmem>>
      %get3A_174 = arith.index_cast %get3A_169 : i32 to index
      %get3A_175 = arith.constant 32 : index
      %get3A_176 = tpu.vector_load %get3A_173[%get3A_174, %get3A_175] {strides = array<i32>} : memref<200x128xf32, #tpu.memory_space<vmem>>, vector<16xf32>,
      %get3A_177 = arith.constant 193 : i32
      %get3A_178 = arith.constant 0 : i32
      %get3A_179 = arith.constant 0 : i32
      %get3A_180 = tpu.memref_slice %arg6[%select_n3A_79, %get3A_178, %get3A_179] : memref<3x200x128xf32, #tpu.memory_space<vmem>> -> memref<1x200x128xf32, #tpu.memory_space<vmem>>
      %get3A_181 = tpu.memref_squeeze %get3A_180 : memref<1x200x128xf32, #tpu.memory_space<vmem>> -> memref<200x128xf32, #tpu.memory_space<vmem>>
      %get3A_182 = arith.index_cast %get3A_177 : i32 to index
      %get3A_183 = arith.constant 48 : index
      %get3A_184 = tpu.vector_load %get3A_181[%get3A_182, %get3A_183] {strides = array<i32>} : memref<200x128xf32, #tpu.memory_space<vmem>>, vector<16xf32>,
      %mul3A_185 = arith.mulf %get3A_160, %get3A_160 : vector<16xf32>
      %mul3A_186 = arith.mulf %get3A_168, %get3A_168 : vector<16xf32>
      %add3A_187 = arith.addf %mul3A_185, %mul3A_186 : vector<16xf32>
      %mul3A_188 = arith.mulf %get3A_176, %get3A_176 : vector<16xf32>
      %mul3A_189 = arith.mulf %get3A_184, %get3A_184 : vector<16xf32>
      %add3A_190 = arith.addf %mul3A_188, %mul3A_189 : vector<16xf32>
      %add3A_191 = arith.addf %add3A_187, %add3A_190 : vector<16xf32>
      %eq3A_192 = arith.constant 1 : i32
      %eq3A_193 = vector.broadcast %eq3A_192 : i32 to vector<16xi32>
      %eq3A_194 = arith.cmpi eq, %iota3A, %eq3A_193 : vector<16xi32>
      %reduce_sum3A_195 = arith.constant true
      %reduce_sum3A_196 = vector.broadcast %reduce_sum3A_195 : i1 to vector<16xi1>
      %reduce_sum3A_197 = tpu.scan <sum>, %add3A_191 masked %reduce_sum3A_196 : vector<16xf32>, vector<16xi1> -> vector<16xf32>
      %reduce_sum3A_198 = vector.extract %reduce_sum3A_197[15] : f32 from vector<16xf32>
      %broadcast_in_dim3A_199 = vector.broadcast %reduce_sum3A_198 : f32 to vector<16xf32>
      %jit3A_200 = arith.constant 0.000000e+00 : f32
      %broadcast_in_dim3A_201 = vector.broadcast %jit3A_200 : f32 to vector<16xf32>
      %select_n3A_202 = arith.select %eq3A_194, %broadcast_in_dim3A_199, %broadcast_in_dim3A_201 : vector<16xi1>, vector<16xf32>
      %get3A_203 = arith.constant 194 : i32
      %get3A_204 = arith.constant 0 : i32
      %get3A_205 = arith.constant 0 : i32
      %get3A_206 = tpu.memref_slice %arg6[%select_n3A_79, %get3A_204, %get3A_205] : memref<3x200x128xf32, #tpu.memory_space<vmem>> -> memref<1x200x128xf32, #tpu.memory_space<vmem>>
      %get3A_207 = tpu.memref_squeeze %get3A_206 : memref<1x200x128xf32, #tpu.memory_space<vmem>> -> memref<200x128xf32, #tpu.memory_space<vmem>>
      %get3A_208 = arith.index_cast %get3A_203 : i32 to index
      %get3A_209 = arith.constant 0 : index
      %get3A_210 = tpu.vector_load %get3A_207[%get3A_208, %get3A_209] {strides = array<i32>} : memref<200x128xf32, #tpu.memory_space<vmem>>, vector<16xf32>,
      %get3A_211 = arith.constant 194 : i32
      %get3A_212 = arith.constant 0 : i32
      %get3A_213 = arith.constant 0 : i32
      %get3A_214 = tpu.memref_slice %arg6[%select_n3A_79, %get3A_212, %get3A_213] : memref<3x200x128xf32, #tpu.memory_space<vmem>> -> memref<1x200x128xf32, #tpu.memory_space<vmem>>
      %get3A_215 = tpu.memref_squeeze %get3A_214 : memref<1x200x128xf32, #tpu.memory_space<vmem>> -> memref<200x128xf32, #tpu.memory_space<vmem>>
      %get3A_216 = arith.index_cast %get3A_211 : i32 to index
      %get3A_217 = arith.constant 16 : index
      %get3A_218 = tpu.vector_load %get3A_215[%get3A_216, %get3A_217] {strides = array<i32>} : memref<200x128xf32, #tpu.memory_space<vmem>>, vector<16xf32>,
      %get3A_219 = arith.constant 194 : i32
      %get3A_220 = arith.constant 0 : i32
      %get3A_221 = arith.constant 0 : i32
      %get3A_222 = tpu.memref_slice %arg6[%select_n3A_79, %get3A_220, %get3A_221] : memref<3x200x128xf32, #tpu.memory_space<vmem>> -> memref<1x200x128xf32, #tpu.memory_space<vmem>>
      %get3A_223 = tpu.memref_squeeze %get3A_222 : memref<1x200x128xf32, #tpu.memory_space<vmem>> -> memref<200x128xf32, #tpu.memory_space<vmem>>
      %get3A_224 = arith.index_cast %get3A_219 : i32 to index
      %get3A_225 = arith.constant 32 : index
      %get3A_226 = tpu.vector_load %get3A_223[%get3A_224, %get3A_225] {strides = array<i32>} : memref<200x128xf32, #tpu.memory_space<vmem>>, vector<16xf32>,
      %get3A_227 = arith.constant 194 : i32
      %get3A_228 = arith.constant 0 : i32
      %get3A_229 = arith.constant 0 : i32
      %get3A_230 = tpu.memref_slice %arg6[%select_n3A_79, %get3A_228, %get3A_229] : memref<3x200x128xf32, #tpu.memory_space<vmem>> -> memref<1x200x128xf32, #tpu.memory_space<vmem>>
      %get3A_231 = tpu.memref_squeeze %get3A_230 : memref<1x200x128xf32, #tpu.memory_space<vmem>> -> memref<200x128xf32, #tpu.memory_space<vmem>>
      %get3A_232 = arith.index_cast %get3A_227 : i32 to index
      %get3A_233 = arith.constant 48 : index
      %get3A_234 = tpu.vector_load %get3A_231[%get3A_232, %get3A_233] {strides = array<i32>} : memref<200x128xf32, #tpu.memory_space<vmem>>, vector<16xf32>,
      %mul3A_235 = arith.mulf %get3A_210, %get3A_210 : vector<16xf32>
      %mul3A_236 = arith.mulf %get3A_218, %get3A_218 : vector<16xf32>
      %add3A_237 = arith.addf %mul3A_235, %mul3A_236 : vector<16xf32>
      %mul3A_238 = arith.mulf %get3A_226, %get3A_226 : vector<16xf32>
      %mul3A_239 = arith.mulf %get3A_234, %get3A_234 : vector<16xf32>
      %add3A_240 = arith.addf %mul3A_238, %mul3A_239 : vector<16xf32>
      %add3A_241 = arith.addf %add3A_237, %add3A_240 : vector<16xf32>
      %eq3A_242 = arith.constant 2 : i32
      %eq3A_243 = vector.broadcast %eq3A_242 : i32 to vector<16xi32>
      %eq3A_244 = arith.cmpi eq, %iota3A, %eq3A_243 : vector<16xi32>
      %reduce_sum3A_245 = arith.constant true
      %reduce_sum3A_246 = vector.broadcast %reduce_sum3A_245 : i1 to vector<16xi1>
      %reduce_sum3A_247 = tpu.scan <sum>, %add3A_241 masked %reduce_sum3A_246 : vector<16xf32>, vector<16xi1> -> vector<16xf32>
      %reduce_sum3A_248 = vector.extract %reduce_sum3A_247[15] : f32 from vector<16xf32>
      %broadcast_in_dim3A_249 = vector.broadcast %reduce_sum3A_248 : f32 to vector<16xf32>
      %jit3A_250 = arith.constant 0.000000e+00 : f32
      %broadcast_in_dim3A_251 = vector.broadcast %jit3A_250 : f32 to vector<16xf32>
      %select_n3A_252 = arith.select %eq3A_244, %broadcast_in_dim3A_249, %broadcast_in_dim3A_251 : vector<16xi1>, vector<16xf32>
      %get3A_253 = arith.constant 195 : i32
      %get3A_254 = arith.constant 0 : i32
      %get3A_255 = arith.constant 0 : i32
      %get3A_256 = tpu.memref_slice %arg6[%select_n3A_79, %get3A_254, %get3A_255] : memref<3x200x128xf32, #tpu.memory_space<vmem>> -> memref<1x200x128xf32, #tpu.memory_space<vmem>>
      %get3A_257 = tpu.memref_squeeze %get3A_256 : memref<1x200x128xf32, #tpu.memory_space<vmem>> -> memref<200x128xf32, #tpu.memory_space<vmem>>
      %get3A_258 = arith.index_cast %get3A_253 : i32 to index
      %get3A_259 = arith.constant 0 : index
      %get3A_260 = tpu.vector_load %get3A_257[%get3A_258, %get3A_259] {strides = array<i32>} : memref<200x128xf32, #tpu.memory_space<vmem>>, vector<16xf32>,
      %get3A_261 = arith.constant 195 : i32
      %get3A_262 = arith.constant 0 : i32
      %get3A_263 = arith.constant 0 : i32
      %get3A_264 = tpu.memref_slice %arg6[%select_n3A_79, %get3A_262, %get3A_263] : memref<3x200x128xf32, #tpu.memory_space<vmem>> -> memref<1x200x128xf32, #tpu.memory_space<vmem>>
      %get3A_265 = tpu.memref_squeeze %get3A_264 : memref<1x200x128xf32, #tpu.memory_space<vmem>> -> memref<200x128xf32, #tpu.memory_space<vmem>>
      %get3A_266 = arith.index_cast %get3A_261 : i32 to index
      %get3A_267 = arith.constant 16 : index
      %get3A_268 = tpu.vector_load %get3A_265[%get3A_266, %get3A_267] {strides = array<i32>} : memref<200x128xf32, #tpu.memory_space<vmem>>, vector<16xf32>,
      %get3A_269 = arith.constant 195 : i32
      %get3A_270 = arith.constant 0 : i32
      %get3A_271 = arith.constant 0 : i32
      %get3A_272 = tpu.memref_slice %arg6[%select_n3A_79, %get3A_270, %get3A_271] : memref<3x200x128xf32, #tpu.memory_space<vmem>> -> memref<1x200x128xf32, #tpu.memory_space<vmem>>
      %get3A_273 = tpu.memref_squeeze %get3A_272 : memref<1x200x128xf32, #tpu.memory_space<vmem>> -> memref<200x128xf32, #tpu.memory_space<vmem>>
      %get3A_274 = arith.index_cast %get3A_269 : i32 to index
      %get3A_275 = arith.constant 32 : index
      %get3A_276 = tpu.vector_load %get3A_273[%get3A_274, %get3A_275] {strides = array<i32>} : memref<200x128xf32, #tpu.memory_space<vmem>>, vector<16xf32>,
      %get3A_277 = arith.constant 195 : i32
      %get3A_278 = arith.constant 0 : i32
      %get3A_279 = arith.constant 0 : i32
      %get3A_280 = tpu.memref_slice %arg6[%select_n3A_79, %get3A_278, %get3A_279] : memref<3x200x128xf32, #tpu.memory_space<vmem>> -> memref<1x200x128xf32, #tpu.memory_space<vmem>>
      %get3A_281 = tpu.memref_squeeze %get3A_280 : memref<1x200x128xf32, #tpu.memory_space<vmem>> -> memref<200x128xf32, #tpu.memory_space<vmem>>
      %get3A_282 = arith.index_cast %get3A_277 : i32 to index
      %get3A_283 = arith.constant 48 : index
      %get3A_284 = tpu.vector_load %get3A_281[%get3A_282, %get3A_283] {strides = array<i32>} : memref<200x128xf32, #tpu.memory_space<vmem>>, vector<16xf32>,
      %mul3A_285 = arith.mulf %get3A_260, %get3A_260 : vector<16xf32>
      %mul3A_286 = arith.mulf %get3A_268, %get3A_268 : vector<16xf32>
      %add3A_287 = arith.addf %mul3A_285, %mul3A_286 : vector<16xf32>
      %mul3A_288 = arith.mulf %get3A_276, %get3A_276 : vector<16xf32>
      %mul3A_289 = arith.mulf %get3A_284, %get3A_284 : vector<16xf32>
      %add3A_290 = arith.addf %mul3A_288, %mul3A_289 : vector<16xf32>
      %add3A_291 = arith.addf %add3A_287, %add3A_290 : vector<16xf32>
      %eq3A_292 = arith.constant 3 : i32
      %eq3A_293 = vector.broadcast %eq3A_292 : i32 to vector<16xi32>
      %eq3A_294 = arith.cmpi eq, %iota3A, %eq3A_293 : vector<16xi32>
      %reduce_sum3A_295 = arith.constant true
      %reduce_sum3A_296 = vector.broadcast %reduce_sum3A_295 : i1 to vector<16xi1>
      %reduce_sum3A_297 = tpu.scan <sum>, %add3A_291 masked %reduce_sum3A_296 : vector<16xf32>, vector<16xi1> -> vector<16xf32>
      %reduce_sum3A_298 = vector.extract %reduce_sum3A_297[15] : f32 from vector<16xf32>
      %broadcast_in_dim3A_299 = vector.broadcast %reduce_sum3A_298 : f32 to vector<16xf32>
      %jit3A_300 = arith.constant 0.000000e+00 : f32
      %broadcast_in_dim3A_301 = vector.broadcast %jit3A_300 : f32 to vector<16xf32>
      %select_n3A_302 = arith.select %eq3A_294, %broadcast_in_dim3A_299, %broadcast_in_dim3A_301 : vector<16xi1>, vector<16xf32>
      %get3A_303 = arith.constant 196 : i32
      %get3A_304 = arith.constant 0 : i32
      %get3A_305 = arith.constant 0 : i32
      %get3A_306 = tpu.memref_slice %arg6[%select_n3A_79, %get3A_304, %get3A_305] : memref<3x200x128xf32, #tpu.memory_space<vmem>> -> memref<1x200x128xf32, #tpu.memory_space<vmem>>
      %get3A_307 = tpu.memref_squeeze %get3A_306 : memref<1x200x128xf32, #tpu.memory_space<vmem>> -> memref<200x128xf32, #tpu.memory_space<vmem>>
      %get3A_308 = arith.index_cast %get3A_303 : i32 to index
      %get3A_309 = arith.constant 0 : index
      %get3A_310 = tpu.vector_load %get3A_307[%get3A_308, %get3A_309] {strides = array<i32>} : memref<200x128xf32, #tpu.memory_space<vmem>>, vector<16xf32>,
      %get3A_311 = arith.constant 196 : i32
      %get3A_312 = arith.constant 0 : i32
      %get3A_313 = arith.constant 0 : i32
      %get3A_314 = tpu.memref_slice %arg6[%select_n3A_79, %get3A_312, %get3A_313] : memref<3x200x128xf32, #tpu.memory_space<vmem>> -> memref<1x200x128xf32, #tpu.memory_space<vmem>>
      %get3A_315 = tpu.memref_squeeze %get3A_314 : memref<1x200x128xf32, #tpu.memory_space<vmem>> -> memref<200x128xf32, #tpu.memory_space<vmem>>
      %get3A_316 = arith.index_cast %get3A_311 : i32 to index
      %get3A_317 = arith.constant 16 : index
      %get3A_318 = tpu.vector_load %get3A_315[%get3A_316, %get3A_317] {strides = array<i32>} : memref<200x128xf32, #tpu.memory_space<vmem>>, vector<16xf32>,
      %get3A_319 = arith.constant 196 : i32
      %get3A_320 = arith.constant 0 : i32
      %get3A_321 = arith.constant 0 : i32
      %get3A_322 = tpu.memref_slice %arg6[%select_n3A_79, %get3A_320, %get3A_321] : memref<3x200x128xf32, #tpu.memory_space<vmem>> -> memref<1x200x128xf32, #tpu.memory_space<vmem>>
      %get3A_323 = tpu.memref_squeeze %get3A_322 : memref<1x200x128xf32, #tpu.memory_space<vmem>> -> memref<200x128xf32, #tpu.memory_space<vmem>>
      %get3A_324 = arith.index_cast %get3A_319 : i32 to index
      %get3A_325 = arith.constant 32 : index
      %get3A_326 = tpu.vector_load %get3A_323[%get3A_324, %get3A_325] {strides = array<i32>} : memref<200x128xf32, #tpu.memory_space<vmem>>, vector<16xf32>,
      %get3A_327 = arith.constant 196 : i32
      %get3A_328 = arith.constant 0 : i32
      %get3A_329 = arith.constant 0 : i32
      %get3A_330 = tpu.memref_slice %arg6[%select_n3A_79, %get3A_328, %get3A_329] : memref<3x200x128xf32, #tpu.memory_space<vmem>> -> memref<1x200x128xf32, #tpu.memory_space<vmem>>
      %get3A_331 = tpu.memref_squeeze %get3A_330 : memref<1x200x128xf32, #tpu.memory_space<vmem>> -> memref<200x128xf32, #tpu.memory_space<vmem>>
      %get3A_332 = arith.index_cast %get3A_327 : i32 to index
      %get3A_333 = arith.constant 48 : index
      %get3A_334 = tpu.vector_load %get3A_331[%get3A_332, %get3A_333] {strides = array<i32>} : memref<200x128xf32, #tpu.memory_space<vmem>>, vector<16xf32>,
      %mul3A_335 = arith.mulf %get3A_310, %get3A_310 : vector<16xf32>
      %mul3A_336 = arith.mulf %get3A_318, %get3A_318 : vector<16xf32>
      %add3A_337 = arith.addf %mul3A_335, %mul3A_336 : vector<16xf32>
      %mul3A_338 = arith.mulf %get3A_326, %get3A_326 : vector<16xf32>
      %mul3A_339 = arith.mulf %get3A_334, %get3A_334 : vector<16xf32>
      %add3A_340 = arith.addf %mul3A_338, %mul3A_339 : vector<16xf32>
      %add3A_341 = arith.addf %add3A_337, %add3A_340 : vector<16xf32>
      %eq3A_342 = arith.constant 4 : i32
      %eq3A_343 = vector.broadcast %eq3A_342 : i32 to vector<16xi32>
      %eq3A_344 = arith.cmpi eq, %iota3A, %eq3A_343 : vector<16xi32>
      %reduce_sum3A_345 = arith.constant true
      %reduce_sum3A_346 = vector.broadcast %reduce_sum3A_345 : i1 to vector<16xi1>
      %reduce_sum3A_347 = tpu.scan <sum>, %add3A_341 masked %reduce_sum3A_346 : vector<16xf32>, vector<16xi1> -> vector<16xf32>
      %reduce_sum3A_348 = vector.extract %reduce_sum3A_347[15] : f32 from vector<16xf32>
      %broadcast_in_dim3A_349 = vector.broadcast %reduce_sum3A_348 : f32 to vector<16xf32>
      %jit3A_350 = arith.constant 0.000000e+00 : f32
      %broadcast_in_dim3A_351 = vector.broadcast %jit3A_350 : f32 to vector<16xf32>
      %select_n3A_352 = arith.select %eq3A_344, %broadcast_in_dim3A_349, %broadcast_in_dim3A_351 : vector<16xi1>, vector<16xf32>
      %get3A_353 = arith.constant 197 : i32
      %get3A_354 = arith.constant 0 : i32
      %get3A_355 = arith.constant 0 : i32
      %get3A_356 = tpu.memref_slice %arg6[%select_n3A_79, %get3A_354, %get3A_355] : memref<3x200x128xf32, #tpu.memory_space<vmem>> -> memref<1x200x128xf32, #tpu.memory_space<vmem>>
      %get3A_357 = tpu.memref_squeeze %get3A_356 : memref<1x200x128xf32, #tpu.memory_space<vmem>> -> memref<200x128xf32, #tpu.memory_space<vmem>>
      %get3A_358 = arith.index_cast %get3A_353 : i32 to index
      %get3A_359 = arith.constant 0 : index
      %get3A_360 = tpu.vector_load %get3A_357[%get3A_358, %get3A_359] {strides = array<i32>} : memref<200x128xf32, #tpu.memory_space<vmem>>, vector<16xf32>,
      %get3A_361 = arith.constant 197 : i32
      %get3A_362 = arith.constant 0 : i32
      %get3A_363 = arith.constant 0 : i32
      %get3A_364 = tpu.memref_slice %arg6[%select_n3A_79, %get3A_362, %get3A_363] : memref<3x200x128xf32, #tpu.memory_space<vmem>> -> memref<1x200x128xf32, #tpu.memory_space<vmem>>
      %get3A_365 = tpu.memref_squeeze %get3A_364 : memref<1x200x128xf32, #tpu.memory_space<vmem>> -> memref<200x128xf32, #tpu.memory_space<vmem>>
      %get3A_366 = arith.index_cast %get3A_361 : i32 to index
      %get3A_367 = arith.constant 16 : index
      %get3A_368 = tpu.vector_load %get3A_365[%get3A_366, %get3A_367] {strides = array<i32>} : memref<200x128xf32, #tpu.memory_space<vmem>>, vector<16xf32>,
      %get3A_369 = arith.constant 197 : i32
      %get3A_370 = arith.constant 0 : i32
      %get3A_371 = arith.constant 0 : i32
      %get3A_372 = tpu.memref_slice %arg6[%select_n3A_79, %get3A_370, %get3A_371] : memref<3x200x128xf32, #tpu.memory_space<vmem>> -> memref<1x200x128xf32, #tpu.memory_space<vmem>>
      %get3A_373 = tpu.memref_squeeze %get3A_372 : memref<1x200x128xf32, #tpu.memory_space<vmem>> -> memref<200x128xf32, #tpu.memory_space<vmem>>
      %get3A_374 = arith.index_cast %get3A_369 : i32 to index
      %get3A_375 = arith.constant 32 : index
      %get3A_376 = tpu.vector_load %get3A_373[%get3A_374, %get3A_375] {strides = array<i32>} : memref<200x128xf32, #tpu.memory_space<vmem>>, vector<16xf32>,
      %get3A_377 = arith.constant 197 : i32
      %get3A_378 = arith.constant 0 : i32
      %get3A_379 = arith.constant 0 : i32
      %get3A_380 = tpu.memref_slice %arg6[%select_n3A_79, %get3A_378, %get3A_379] : memref<3x200x128xf32, #tpu.memory_space<vmem>> -> memref<1x200x128xf32, #tpu.memory_space<vmem>>
      %get3A_381 = tpu.memref_squeeze %get3A_380 : memref<1x200x128xf32, #tpu.memory_space<vmem>> -> memref<200x128xf32, #tpu.memory_space<vmem>>
      %get3A_382 = arith.index_cast %get3A_377 : i32 to index
      %get3A_383 = arith.constant 48 : index
      %get3A_384 = tpu.vector_load %get3A_381[%get3A_382, %get3A_383] {strides = array<i32>} : memref<200x128xf32, #tpu.memory_space<vmem>>, vector<16xf32>,
      %mul3A_385 = arith.mulf %get3A_360, %get3A_360 : vector<16xf32>
      %mul3A_386 = arith.mulf %get3A_368, %get3A_368 : vector<16xf32>
      %add3A_387 = arith.addf %mul3A_385, %mul3A_386 : vector<16xf32>
      %mul3A_388 = arith.mulf %get3A_376, %get3A_376 : vector<16xf32>
      %mul3A_389 = arith.mulf %get3A_384, %get3A_384 : vector<16xf32>
      %add3A_390 = arith.addf %mul3A_388, %mul3A_389 : vector<16xf32>
      %add3A_391 = arith.addf %add3A_387, %add3A_390 : vector<16xf32>
      %eq3A_392 = arith.constant 5 : i32
      %eq3A_393 = vector.broadcast %eq3A_392 : i32 to vector<16xi32>
      %eq3A_394 = arith.cmpi eq, %iota3A, %eq3A_393 : vector<16xi32>
      %reduce_sum3A_395 = arith.constant true
      %reduce_sum3A_396 = vector.broadcast %reduce_sum3A_395 : i1 to vector<16xi1>
      %reduce_sum3A_397 = tpu.scan <sum>, %add3A_391 masked %reduce_sum3A_396 : vector<16xf32>, vector<16xi1> -> vector<16xf32>
      %reduce_sum3A_398 = vector.extract %reduce_sum3A_397[15] : f32 from vector<16xf32>
      %broadcast_in_dim3A_399 = vector.broadcast %reduce_sum3A_398 : f32 to vector<16xf32>
      %jit3A_400 = arith.constant 0.000000e+00 : f32
      %broadcast_in_dim3A_401 = vector.broadcast %jit3A_400 : f32 to vector<16xf32>
      %select_n3A_402 = arith.select %eq3A_394, %broadcast_in_dim3A_399, %broadcast_in_dim3A_401 : vector<16xi1>, vector<16xf32>
      %get3A_403 = arith.constant 198 : i32
      %get3A_404 = arith.constant 0 : i32
      %get3A_405 = arith.constant 0 : i32
      %get3A_406 = tpu.memref_slice %arg6[%select_n3A_79, %get3A_404, %get3A_405] : memref<3x200x128xf32, #tpu.memory_space<vmem>> -> memref<1x200x128xf32, #tpu.memory_space<vmem>>
      %get3A_407 = tpu.memref_squeeze %get3A_406 : memref<1x200x128xf32, #tpu.memory_space<vmem>> -> memref<200x128xf32, #tpu.memory_space<vmem>>
      %get3A_408 = arith.index_cast %get3A_403 : i32 to index
      %get3A_409 = arith.constant 0 : index
      %get3A_410 = tpu.vector_load %get3A_407[%get3A_408, %get3A_409] {strides = array<i32>} : memref<200x128xf32, #tpu.memory_space<vmem>>, vector<16xf32>,
      %get3A_411 = arith.constant 198 : i32
      %get3A_412 = arith.constant 0 : i32
      %get3A_413 = arith.constant 0 : i32
      %get3A_414 = tpu.memref_slice %arg6[%select_n3A_79, %get3A_412, %get3A_413] : memref<3x200x128xf32, #tpu.memory_space<vmem>> -> memref<1x200x128xf32, #tpu.memory_space<vmem>>
      %get3A_415 = tpu.memref_squeeze %get3A_414 : memref<1x200x128xf32, #tpu.memory_space<vmem>> -> memref<200x128xf32, #tpu.memory_space<vmem>>
      %get3A_416 = arith.index_cast %get3A_411 : i32 to index
      %get3A_417 = arith.constant 16 : index
      %get3A_418 = tpu.vector_load %get3A_415[%get3A_416, %get3A_417] {strides = array<i32>} : memref<200x128xf32, #tpu.memory_space<vmem>>, vector<16xf32>,
      %get3A_419 = arith.constant 198 : i32
      %get3A_420 = arith.constant 0 : i32
      %get3A_421 = arith.constant 0 : i32
      %get3A_422 = tpu.memref_slice %arg6[%select_n3A_79, %get3A_420, %get3A_421] : memref<3x200x128xf32, #tpu.memory_space<vmem>> -> memref<1x200x128xf32, #tpu.memory_space<vmem>>
      %get3A_423 = tpu.memref_squeeze %get3A_422 : memref<1x200x128xf32, #tpu.memory_space<vmem>> -> memref<200x128xf32, #tpu.memory_space<vmem>>
      %get3A_424 = arith.index_cast %get3A_419 : i32 to index
      %get3A_425 = arith.constant 32 : index
      %get3A_426 = tpu.vector_load %get3A_423[%get3A_424, %get3A_425] {strides = array<i32>} : memref<200x128xf32, #tpu.memory_space<vmem>>, vector<16xf32>,
      %get3A_427 = arith.constant 198 : i32
      %get3A_428 = arith.constant 0 : i32
      %get3A_429 = arith.constant 0 : i32
      %get3A_430 = tpu.memref_slice %arg6[%select_n3A_79, %get3A_428, %get3A_429] : memref<3x200x128xf32, #tpu.memory_space<vmem>> -> memref<1x200x128xf32, #tpu.memory_space<vmem>>
      %get3A_431 = tpu.memref_squeeze %get3A_430 : memref<1x200x128xf32, #tpu.memory_space<vmem>> -> memref<200x128xf32, #tpu.memory_space<vmem>>
      %get3A_432 = arith.index_cast %get3A_427 : i32 to index
      %get3A_433 = arith.constant 48 : index
      %get3A_434 = tpu.vector_load %get3A_431[%get3A_432, %get3A_433] {strides = array<i32>} : memref<200x128xf32, #tpu.memory_space<vmem>>, vector<16xf32>,
      %mul3A_435 = arith.mulf %get3A_410, %get3A_410 : vector<16xf32>
      %mul3A_436 = arith.mulf %get3A_418, %get3A_418 : vector<16xf32>
      %add3A_437 = arith.addf %mul3A_435, %mul3A_436 : vector<16xf32>
      %mul3A_438 = arith.mulf %get3A_426, %get3A_426 : vector<16xf32>
      %mul3A_439 = arith.mulf %get3A_434, %get3A_434 : vector<16xf32>
      %add3A_440 = arith.addf %mul3A_438, %mul3A_439 : vector<16xf32>
      %add3A_441 = arith.addf %add3A_437, %add3A_440 : vector<16xf32>
      %eq3A_442 = arith.constant 6 : i32
      %eq3A_443 = vector.broadcast %eq3A_442 : i32 to vector<16xi32>
      %eq3A_444 = arith.cmpi eq, %iota3A, %eq3A_443 : vector<16xi32>
      %reduce_sum3A_445 = arith.constant true
      %reduce_sum3A_446 = vector.broadcast %reduce_sum3A_445 : i1 to vector<16xi1>
      %reduce_sum3A_447 = tpu.scan <sum>, %add3A_441 masked %reduce_sum3A_446 : vector<16xf32>, vector<16xi1> -> vector<16xf32>
      %reduce_sum3A_448 = vector.extract %reduce_sum3A_447[15] : f32 from vector<16xf32>
      %broadcast_in_dim3A_449 = vector.broadcast %reduce_sum3A_448 : f32 to vector<16xf32>
      %jit3A_450 = arith.constant 0.000000e+00 : f32
      %broadcast_in_dim3A_451 = vector.broadcast %jit3A_450 : f32 to vector<16xf32>
      %select_n3A_452 = arith.select %eq3A_444, %broadcast_in_dim3A_449, %broadcast_in_dim3A_451 : vector<16xi1>, vector<16xf32>
      %get3A_453 = arith.constant 199 : i32
      %get3A_454 = arith.constant 0 : i32
      %get3A_455 = arith.constant 0 : i32
      %get3A_456 = tpu.memref_slice %arg6[%select_n3A_79, %get3A_454, %get3A_455] : memref<3x200x128xf32, #tpu.memory_space<vmem>> -> memref<1x200x128xf32, #tpu.memory_space<vmem>>
      %get3A_457 = tpu.memref_squeeze %get3A_456 : memref<1x200x128xf32, #tpu.memory_space<vmem>> -> memref<200x128xf32, #tpu.memory_space<vmem>>
      %get3A_458 = arith.index_cast %get3A_453 : i32 to index
      %get3A_459 = arith.constant 0 : index
      %get3A_460 = tpu.vector_load %get3A_457[%get3A_458, %get3A_459] {strides = array<i32>} : memref<200x128xf32, #tpu.memory_space<vmem>>, vector<16xf32>,
      %get3A_461 = arith.constant 199 : i32
      %get3A_462 = arith.constant 0 : i32
      %get3A_463 = arith.constant 0 : i32
      %get3A_464 = tpu.memref_slice %arg6[%select_n3A_79, %get3A_462, %get3A_463] : memref<3x200x128xf32, #tpu.memory_space<vmem>> -> memref<1x200x128xf32, #tpu.memory_space<vmem>>
      %get3A_465 = tpu.memref_squeeze %get3A_464 : memref<1x200x128xf32, #tpu.memory_space<vmem>> -> memref<200x128xf32, #tpu.memory_space<vmem>>
      %get3A_466 = arith.index_cast %get3A_461 : i32 to index
      %get3A_467 = arith.constant 16 : index
      %get3A_468 = tpu.vector_load %get3A_465[%get3A_466, %get3A_467] {strides = array<i32>} : memref<200x128xf32, #tpu.memory_space<vmem>>, vector<16xf32>,
      %get3A_469 = arith.constant 199 : i32
      %get3A_470 = arith.constant 0 : i32
      %get3A_471 = arith.constant 0 : i32
      %get3A_472 = tpu.memref_slice %arg6[%select_n3A_79, %get3A_470, %get3A_471] : memref<3x200x128xf32, #tpu.memory_space<vmem>> -> memref<1x200x128xf32, #tpu.memory_space<vmem>>
      %get3A_473 = tpu.memref_squeeze %get3A_472 : memref<1x200x128xf32, #tpu.memory_space<vmem>> -> memref<200x128xf32, #tpu.memory_space<vmem>>
      %get3A_474 = arith.index_cast %get3A_469 : i32 to index
      %get3A_475 = arith.constant 32 : index
      %get3A_476 = tpu.vector_load %get3A_473[%get3A_474, %get3A_475] {strides = array<i32>} : memref<200x128xf32, #tpu.memory_space<vmem>>, vector<16xf32>,
      %get3A_477 = arith.constant 199 : i32
      %get3A_478 = arith.constant 0 : i32
      %get3A_479 = arith.constant 0 : i32
      %get3A_480 = tpu.memref_slice %arg6[%select_n3A_79, %get3A_478, %get3A_479] : memref<3x200x128xf32, #tpu.memory_space<vmem>> -> memref<1x200x128xf32, #tpu.memory_space<vmem>>
      %get3A_481 = tpu.memref_squeeze %get3A_480 : memref<1x200x128xf32, #tpu.memory_space<vmem>> -> memref<200x128xf32, #tpu.memory_space<vmem>>
      %get3A_482 = arith.index_cast %get3A_477 : i32 to index
      %get3A_483 = arith.constant 48 : index
      %get3A_484 = tpu.vector_load %get3A_481[%get3A_482, %get3A_483] {strides = array<i32>} : memref<200x128xf32, #tpu.memory_space<vmem>>, vector<16xf32>,
      %mul3A_485 = arith.mulf %get3A_460, %get3A_460 : vector<16xf32>
      %mul3A_486 = arith.mulf %get3A_468, %get3A_468 : vector<16xf32>
      %add3A_487 = arith.addf %mul3A_485, %mul3A_486 : vector<16xf32>
      %mul3A_488 = arith.mulf %get3A_476, %get3A_476 : vector<16xf32>
      %mul3A_489 = arith.mulf %get3A_484, %get3A_484 : vector<16xf32>
      %add3A_490 = arith.addf %mul3A_488, %mul3A_489 : vector<16xf32>
      %add3A_491 = arith.addf %add3A_487, %add3A_490 : vector<16xf32>
      %eq3A_492 = arith.constant 7 : i32
      %eq3A_493 = vector.broadcast %eq3A_492 : i32 to vector<16xi32>
      %eq3A_494 = arith.cmpi eq, %iota3A, %eq3A_493 : vector<16xi32>
      %reduce_sum3A_495 = arith.constant true
      %reduce_sum3A_496 = vector.broadcast %reduce_sum3A_495 : i1 to vector<16xi1>
      %reduce_sum3A_497 = tpu.scan <sum>, %add3A_491 masked %reduce_sum3A_496 : vector<16xf32>, vector<16xi1> -> vector<16xf32>
      %reduce_sum3A_498 = vector.extract %reduce_sum3A_497[15] : f32 from vector<16xf32>
      %broadcast_in_dim3A_499 = vector.broadcast %reduce_sum3A_498 : f32 to vector<16xf32>
      %jit3A_500 = arith.constant 0.000000e+00 : f32
      %broadcast_in_dim3A_501 = vector.broadcast %jit3A_500 : f32 to vector<16xf32>
      %select_n3A_502 = arith.select %eq3A_494, %broadcast_in_dim3A_499, %broadcast_in_dim3A_501 : vector<16xi1>, vector<16xf32>
      %add3A_503 = arith.addf %select_n3A_152, %select_n3A_202 : vector<16xf32>
      %add3A_504 = arith.addf %select_n3A_252, %select_n3A_302 : vector<16xf32>
      %add3A_505 = arith.addf %select_n3A_352, %select_n3A_402 : vector<16xf32>
      %add3A_506 = arith.addf %select_n3A_452, %select_n3A_502 : vector<16xf32>
      %add3A_507 = arith.addf %add3A_503, %add3A_504 : vector<16xf32>
      %add3A_508 = arith.addf %add3A_505, %add3A_506 : vector<16xf32>
      %add3A_509 = arith.addf %add3A_507, %add3A_508 : vector<16xf32>
      %max3A = arith.constant 9.99999993E-9 : f32
      %max3A_510 = vector.broadcast %max3A : f32 to vector<16xf32>
      %max3A_511 = arith.maximumf %add3A_509, %max3A_510 : vector<16xf32>
      %bitcast3A = vector.bitcast %max3A_511 : vector<16xf32> to vector<16xi32>
      %shift_right_arithmetic3A = arith.constant 1 : i32
      %shift_right_arithmetic3A_512 = vector.broadcast %shift_right_arithmetic3A : i32 to vector<16xi32>
      %shift_right_arithmetic3A_513 = arith.shrsi %bitcast3A, %shift_right_arithmetic3A_512 : vector<16xi32>
      %sub3A = arith.constant 1597463007 : i32
      %sub3A_514 = vector.broadcast %sub3A : i32 to vector<16xi32>
      %sub3A_515 = arith.subi %sub3A_514, %shift_right_arithmetic3A_513 : vector<16xi32>
      %bitcast3A_516 = vector.bitcast %sub3A_515 : vector<16xi32> to vector<16xf32>
      %mul3A_517 = arith.constant 5.000000e-01 : f32
      %mul3A_518 = vector.broadcast %mul3A_517 : f32 to vector<16xf32>
      %mul3A_519 = arith.mulf %mul3A_518, %max3A_511 : vector<16xf32>
      %mul3A_520 = arith.mulf %mul3A_519, %bitcast3A_516 : vector<16xf32>
      %mul3A_521 = arith.mulf %mul3A_520, %bitcast3A_516 : vector<16xf32>
      %sub3A_522 = arith.constant 1.500000e+00 : f32
      %sub3A_523 = vector.broadcast %sub3A_522 : f32 to vector<16xf32>
      %sub3A_524 = arith.subf %sub3A_523, %mul3A_521 : vector<16xf32>
      %mul3A_525 = arith.mulf %bitcast3A_516, %sub3A_524 : vector<16xf32>
      %mul3A_526 = arith.constant 5.000000e-01 : f32
      %mul3A_527 = vector.broadcast %mul3A_526 : f32 to vector<16xf32>
      %mul3A_528 = arith.mulf %mul3A_527, %max3A_511 : vector<16xf32>
      %mul3A_529 = arith.mulf %mul3A_528, %mul3A_525 : vector<16xf32>
      %mul3A_530 = arith.mulf %mul3A_529, %mul3A_525 : vector<16xf32>
      %sub3A_531 = arith.constant 1.500000e+00 : f32
      %sub3A_532 = vector.broadcast %sub3A_531 : f32 to vector<16xf32>
      %sub3A_533 = arith.subf %sub3A_532, %mul3A_530 : vector<16xf32>
      %mul3A_534 = arith.mulf %mul3A_525, %sub3A_533 : vector<16xf32>
      %mul3A_535 = arith.constant 5.000000e-01 : f32
      %mul3A_536 = vector.broadcast %mul3A_535 : f32 to vector<16xf32>
      %mul3A_537 = arith.mulf %mul3A_536, %max3A_511 : vector<16xf32>
      %mul3A_538 = arith.mulf %mul3A_537, %mul3A_534 : vector<16xf32>
      %mul3A_539 = arith.mulf %mul3A_538, %mul3A_534 : vector<16xf32>
      %sub3A_540 = arith.constant 1.500000e+00 : f32
      %sub3A_541 = vector.broadcast %sub3A_540 : f32 to vector<16xf32>
      %sub3A_542 = arith.subf %sub3A_541, %mul3A_539 : vector<16xf32>
      %mul3A_543 = arith.mulf %mul3A_534, %sub3A_542 : vector<16xf32>
      %mul3A_544 = arith.mulf %max3A_511, %mul3A_543 : vector<16xf32>
      %exp3A = math.exp %mul3A_544 : vector<16xf32>
      %div3A = arith.constant 1.000000e+00 : f32
      %div3A_545 = vector.broadcast %div3A : f32 to vector<16xf32>
      %div3A_546 = arith.divf %div3A_545, %exp3A : vector<16xf32>
      %add3A_547 = arith.addf %exp3A, %div3A_546 : vector<16xf32>
      %mul3A_548 = arith.constant 5.000000e-01 : f32
      %mul3A_549 = vector.broadcast %mul3A_548 : f32 to vector<16xf32>
      %mul3A_550 = arith.mulf %mul3A_549, %add3A_547 : vector<16xf32>
      %sub3A_551 = arith.subf %exp3A, %div3A_546 : vector<16xf32>
      %mul3A_552 = arith.constant 5.000000e-01 : f32
      %mul3A_553 = vector.broadcast %mul3A_552 : f32 to vector<16xf32>
      %mul3A_554 = arith.mulf %mul3A_553, %sub3A_551 : vector<16xf32>
      %mul3A_555 = arith.mulf %mul3A_554, %mul3A_543 : vector<16xf32>
      %slice3A = vector.extract_strided_slice %mul3A_555 {offsets = [0], sizes = [1], strides = [1]} : vector<16xf32> to vector<1xf32>
      %squeeze3A = vector.extract %slice3A[0] : f32 from vector<1xf32>
      %broadcast_in_dim3A_556 = vector.broadcast %squeeze3A : f32 to vector<16xf32>
      %broadcast_in_dim3A_557 = arith.constant 192 : i32
      %broadcast_in_dim3A_558 = vector.broadcast %broadcast_in_dim3A_557 : i32 to vector<16xi32>
      %get3A_559 = arith.constant 192 : i32
      %get3A_560 = arith.constant 0 : i32
      %get3A_561 = arith.constant 0 : i32
      %get3A_562 = tpu.memref_slice %arg6[%select_n3A_79, %get3A_560, %get3A_561] : memref<3x200x128xf32, #tpu.memory_space<vmem>> -> memref<1x200x128xf32, #tpu.memory_space<vmem>>
      %get3A_563 = tpu.memref_squeeze %get3A_562 : memref<1x200x128xf32, #tpu.memory_space<vmem>> -> memref<200x128xf32, #tpu.memory_space<vmem>>
      %get3A_564 = arith.index_cast %get3A_559 : i32 to index
      %get3A_565 = arith.constant 0 : index
      %get3A_566 = tpu.vector_load %get3A_563[%get3A_564, %get3A_565] {strides = array<i32>} : memref<200x128xf32, #tpu.memory_space<vmem>>, vector<16xf32>,
      %get3A_567 = arith.constant 192 : i32
      %get3A_568 = arith.constant 0 : i32
      %get3A_569 = arith.constant 0 : i32
      %get3A_570 = tpu.memref_slice %arg6[%select_n3A_79, %get3A_568, %get3A_569] : memref<3x200x128xf32, #tpu.memory_space<vmem>> -> memref<1x200x128xf32, #tpu.memory_space<vmem>>
      %get3A_571 = tpu.memref_squeeze %get3A_570 : memref<1x200x128xf32, #tpu.memory_space<vmem>> -> memref<200x128xf32, #tpu.memory_space<vmem>>
      %get3A_572 = arith.index_cast %get3A_567 : i32 to index
      %get3A_573 = arith.constant 16 : index
      %get3A_574 = tpu.vector_load %get3A_571[%get3A_572, %get3A_573] {strides = array<i32>} : memref<200x128xf32, #tpu.memory_space<vmem>>, vector<16xf32>,
      %get3A_575 = arith.constant 192 : i32
      %get3A_576 = arith.constant 0 : i32
      %get3A_577 = arith.constant 0 : i32
      %get3A_578 = tpu.memref_slice %arg6[%select_n3A_79, %get3A_576, %get3A_577] : memref<3x200x128xf32, #tpu.memory_space<vmem>> -> memref<1x200x128xf32, #tpu.memory_space<vmem>>
      %get3A_579 = tpu.memref_squeeze %get3A_578 : memref<1x200x128xf32, #tpu.memory_space<vmem>> -> memref<200x128xf32, #tpu.memory_space<vmem>>
      %get3A_580 = arith.index_cast %get3A_575 : i32 to index
      %get3A_581 = arith.constant 32 : index
      %get3A_582 = tpu.vector_load %get3A_579[%get3A_580, %get3A_581] {strides = array<i32>} : memref<200x128xf32, #tpu.memory_space<vmem>>, vector<16xf32>,
      %get3A_583 = arith.constant 192 : i32
      %get3A_584 = arith.constant 0 : i32
      %get3A_585 = arith.constant 0 : i32
      %get3A_586 = tpu.memref_slice %arg6[%select_n3A_79, %get3A_584, %get3A_585] : memref<3x200x128xf32, #tpu.memory_space<vmem>> -> memref<1x200x128xf32, #tpu.memory_space<vmem>>
      %get3A_587 = tpu.memref_squeeze %get3A_586 : memref<1x200x128xf32, #tpu.memory_space<vmem>> -> memref<200x128xf32, #tpu.memory_space<vmem>>
      %get3A_588 = arith.index_cast %get3A_583 : i32 to index
      %get3A_589 = arith.constant 48 : index
      %get3A_590 = tpu.vector_load %get3A_587[%get3A_588, %get3A_589] {strides = array<i32>} : memref<200x128xf32, #tpu.memory_space<vmem>>, vector<16xf32>,
      %add3A_591 = arith.constant 1 : i32
      %add3A_592 = vector.broadcast %add3A_591 : i32 to vector<16xi32>
      %add3A_593 = arith.addi %add3A_592, %iota3A : vector<16xi32>
      %mul3A_594 = arith.mulf %broadcast_in_dim3A_556, %get3A_566 : vector<16xf32>
      %scatter3A = arith.constant 0 : i32
      %scatter3A_595 = arith.constant 0 : i32
      %scatter3A_596 = tpu.memref_slice %arg6[%select_n3A_79, %scatter3A, %scatter3A_595] : memref<3x200x128xf32, #tpu.memory_space<vmem>> -> memref<1x200x128xf32, #tpu.memory_space<vmem>>
      %scatter3A_597 = tpu.memref_squeeze %scatter3A_596 : memref<1x200x128xf32, #tpu.memory_space<vmem>> -> memref<200x128xf32, #tpu.memory_space<vmem>>
      tpu.vector_store_idx %scatter3A_597[%broadcast_in_dim3A_558, %add3A_593], %mul3A_594 : memref<200x128xf32, #tpu.memory_space<vmem>>[vector<16xi32>, vector<16xi32>], vector<16xf32>,
      %add3A_598 = arith.constant 17 : i32
      %add3A_599 = vector.broadcast %add3A_598 : i32 to vector<16xi32>
      %add3A_600 = arith.addi %add3A_599, %iota3A : vector<16xi32>
      %mul3A_601 = arith.mulf %broadcast_in_dim3A_556, %get3A_574 : vector<16xf32>
      %scatter3A_602 = arith.constant 0 : i32
      %scatter3A_603 = arith.constant 0 : i32
      %scatter3A_604 = tpu.memref_slice %arg6[%select_n3A_79, %scatter3A_602, %scatter3A_603] : memref<3x200x128xf32, #tpu.memory_space<vmem>> -> memref<1x200x128xf32, #tpu.memory_space<vmem>>
      %scatter3A_605 = tpu.memref_squeeze %scatter3A_604 : memref<1x200x128xf32, #tpu.memory_space<vmem>> -> memref<200x128xf32, #tpu.memory_space<vmem>>
      tpu.vector_store_idx %scatter3A_605[%broadcast_in_dim3A_558, %add3A_600], %mul3A_601 : memref<200x128xf32, #tpu.memory_space<vmem>>[vector<16xi32>, vector<16xi32>], vector<16xf32>,
      %add3A_606 = arith.constant 33 : i32
      %add3A_607 = vector.broadcast %add3A_606 : i32 to vector<16xi32>
      %add3A_608 = arith.addi %add3A_607, %iota3A : vector<16xi32>
      %mul3A_609 = arith.mulf %broadcast_in_dim3A_556, %get3A_582 : vector<16xf32>
      %scatter3A_610 = arith.constant 0 : i32
      %scatter3A_611 = arith.constant 0 : i32
      %scatter3A_612 = tpu.memref_slice %arg6[%select_n3A_79, %scatter3A_610, %scatter3A_611] : memref<3x200x128xf32, #tpu.memory_space<vmem>> -> memref<1x200x128xf32, #tpu.memory_space<vmem>>
      %scatter3A_613 = tpu.memref_squeeze %scatter3A_612 : memref<1x200x128xf32, #tpu.memory_space<vmem>> -> memref<200x128xf32, #tpu.memory_space<vmem>>
      tpu.vector_store_idx %scatter3A_613[%broadcast_in_dim3A_558, %add3A_608], %mul3A_609 : memref<200x128xf32, #tpu.memory_space<vmem>>[vector<16xi32>, vector<16xi32>], vector<16xf32>,
      %add3A_614 = arith.constant 49 : i32
      %add3A_615 = vector.broadcast %add3A_614 : i32 to vector<16xi32>
      %add3A_616 = arith.addi %add3A_615, %iota3A : vector<16xi32>
      %mul3A_617 = arith.mulf %broadcast_in_dim3A_556, %get3A_590 : vector<16xf32>
      %scatter3A_618 = arith.constant 0 : i32
      %scatter3A_619 = arith.constant 0 : i32
      %scatter3A_620 = tpu.memref_slice %arg6[%select_n3A_79, %scatter3A_618, %scatter3A_619] : memref<3x200x128xf32, #tpu.memory_space<vmem>> -> memref<1x200x128xf32, #tpu.memory_space<vmem>>
      %scatter3A_621 = tpu.memref_squeeze %scatter3A_620 : memref<1x200x128xf32, #tpu.memory_space<vmem>> -> memref<200x128xf32, #tpu.memory_space<vmem>>
      tpu.vector_store_idx %scatter3A_621[%broadcast_in_dim3A_558, %add3A_616], %mul3A_617 : memref<200x128xf32, #tpu.memory_space<vmem>>[vector<16xi32>, vector<16xi32>], vector<16xf32>,
      %slice3A_622 = vector.extract_strided_slice %mul3A_555 {offsets = [1], sizes = [1], strides = [1]} : vector<16xf32> to vector<1xf32>
      %squeeze3A_623 = vector.extract %slice3A_622[0] : f32 from vector<1xf32>
      %broadcast_in_dim3A_624 = vector.broadcast %squeeze3A_623 : f32 to vector<16xf32>
      %broadcast_in_dim3A_625 = arith.constant 193 : i32
      %broadcast_in_dim3A_626 = vector.broadcast %broadcast_in_dim3A_625 : i32 to vector<16xi32>
      %get3A_627 = arith.constant 193 : i32
      %get3A_628 = arith.constant 0 : i32
      %get3A_629 = arith.constant 0 : i32
      %get3A_630 = tpu.memref_slice %arg6[%select_n3A_79, %get3A_628, %get3A_629] : memref<3x200x128xf32, #tpu.memory_space<vmem>> -> memref<1x200x128xf32, #tpu.memory_space<vmem>>
      %get3A_631 = tpu.memref_squeeze %get3A_630 : memref<1x200x128xf32, #tpu.memory_space<vmem>> -> memref<200x128xf32, #tpu.memory_space<vmem>>
      %get3A_632 = arith.index_cast %get3A_627 : i32 to index
      %get3A_633 = arith.constant 0 : index
      %get3A_634 = tpu.vector_load %get3A_631[%get3A_632, %get3A_633] {strides = array<i32>} : memref<200x128xf32, #tpu.memory_space<vmem>>, vector<16xf32>,
      %get3A_635 = arith.constant 193 : i32
      %get3A_636 = arith.constant 0 : i32
      %get3A_637 = arith.constant 0 : i32
      %get3A_638 = tpu.memref_slice %arg6[%select_n3A_79, %get3A_636, %get3A_637] : memref<3x200x128xf32, #tpu.memory_space<vmem>> -> memref<1x200x128xf32, #tpu.memory_space<vmem>>
      %get3A_639 = tpu.memref_squeeze %get3A_638 : memref<1x200x128xf32, #tpu.memory_space<vmem>> -> memref<200x128xf32, #tpu.memory_space<vmem>>
      %get3A_640 = arith.index_cast %get3A_635 : i32 to index
      %get3A_641 = arith.constant 16 : index
      %get3A_642 = tpu.vector_load %get3A_639[%get3A_640, %get3A_641] {strides = array<i32>} : memref<200x128xf32, #tpu.memory_space<vmem>>, vector<16xf32>,
      %get3A_643 = arith.constant 193 : i32
      %get3A_644 = arith.constant 0 : i32
      %get3A_645 = arith.constant 0 : i32
      %get3A_646 = tpu.memref_slice %arg6[%select_n3A_79, %get3A_644, %get3A_645] : memref<3x200x128xf32, #tpu.memory_space<vmem>> -> memref<1x200x128xf32, #tpu.memory_space<vmem>>
      %get3A_647 = tpu.memref_squeeze %get3A_646 : memref<1x200x128xf32, #tpu.memory_space<vmem>> -> memref<200x128xf32, #tpu.memory_space<vmem>>
      %get3A_648 = arith.index_cast %get3A_643 : i32 to index
      %get3A_649 = arith.constant 32 : index
      %get3A_650 = tpu.vector_load %get3A_647[%get3A_648, %get3A_649] {strides = array<i32>} : memref<200x128xf32, #tpu.memory_space<vmem>>, vector<16xf32>,
      %get3A_651 = arith.constant 193 : i32
      %get3A_652 = arith.constant 0 : i32
      %get3A_653 = arith.constant 0 : i32
      %get3A_654 = tpu.memref_slice %arg6[%select_n3A_79, %get3A_652, %get3A_653] : memref<3x200x128xf32, #tpu.memory_space<vmem>> -> memref<1x200x128xf32, #tpu.memory_space<vmem>>
      %get3A_655 = tpu.memref_squeeze %get3A_654 : memref<1x200x128xf32, #tpu.memory_space<vmem>> -> memref<200x128xf32, #tpu.memory_space<vmem>>
      %get3A_656 = arith.index_cast %get3A_651 : i32 to index
      %get3A_657 = arith.constant 48 : index
      %get3A_658 = tpu.vector_load %get3A_655[%get3A_656, %get3A_657] {strides = array<i32>} : memref<200x128xf32, #tpu.memory_space<vmem>>, vector<16xf32>,
      %add3A_659 = arith.constant 1 : i32
      %add3A_660 = vector.broadcast %add3A_659 : i32 to vector<16xi32>
      %add3A_661 = arith.addi %add3A_660, %iota3A : vector<16xi32>
      %mul3A_662 = arith.mulf %broadcast_in_dim3A_624, %get3A_634 : vector<16xf32>
      %scatter3A_663 = arith.constant 0 : i32
      %scatter3A_664 = arith.constant 0 : i32
      %scatter3A_665 = tpu.memref_slice %arg6[%select_n3A_79, %scatter3A_663, %scatter3A_664] : memref<3x200x128xf32, #tpu.memory_space<vmem>> -> memref<1x200x128xf32, #tpu.memory_space<vmem>>
      %scatter3A_666 = tpu.memref_squeeze %scatter3A_665 : memref<1x200x128xf32, #tpu.memory_space<vmem>> -> memref<200x128xf32, #tpu.memory_space<vmem>>
      tpu.vector_store_idx %scatter3A_666[%broadcast_in_dim3A_626, %add3A_661], %mul3A_662 : memref<200x128xf32, #tpu.memory_space<vmem>>[vector<16xi32>, vector<16xi32>], vector<16xf32>,
      %add3A_667 = arith.constant 17 : i32
      %add3A_668 = vector.broadcast %add3A_667 : i32 to vector<16xi32>
      %add3A_669 = arith.addi %add3A_668, %iota3A : vector<16xi32>
      %mul3A_670 = arith.mulf %broadcast_in_dim3A_624, %get3A_642 : vector<16xf32>
      %scatter3A_671 = arith.constant 0 : i32
      %scatter3A_672 = arith.constant 0 : i32
      %scatter3A_673 = tpu.memref_slice %arg6[%select_n3A_79, %scatter3A_671, %scatter3A_672] : memref<3x200x128xf32, #tpu.memory_space<vmem>> -> memref<1x200x128xf32, #tpu.memory_space<vmem>>
      %scatter3A_674 = tpu.memref_squeeze %scatter3A_673 : memref<1x200x128xf32, #tpu.memory_space<vmem>> -> memref<200x128xf32, #tpu.memory_space<vmem>>
      tpu.vector_store_idx %scatter3A_674[%broadcast_in_dim3A_626, %add3A_669], %mul3A_670 : memref<200x128xf32, #tpu.memory_space<vmem>>[vector<16xi32>, vector<16xi32>], vector<16xf32>,
      %add3A_675 = arith.constant 33 : i32
      %add3A_676 = vector.broadcast %add3A_675 : i32 to vector<16xi32>
      %add3A_677 = arith.addi %add3A_676, %iota3A : vector<16xi32>
      %mul3A_678 = arith.mulf %broadcast_in_dim3A_624, %get3A_650 : vector<16xf32>
      %scatter3A_679 = arith.constant 0 : i32
      %scatter3A_680 = arith.constant 0 : i32
      %scatter3A_681 = tpu.memref_slice %arg6[%select_n3A_79, %scatter3A_679, %scatter3A_680] : memref<3x200x128xf32, #tpu.memory_space<vmem>> -> memref<1x200x128xf32, #tpu.memory_space<vmem>>
      %scatter3A_682 = tpu.memref_squeeze %scatter3A_681 : memref<1x200x128xf32, #tpu.memory_space<vmem>> -> memref<200x128xf32, #tpu.memory_space<vmem>>
      tpu.vector_store_idx %scatter3A_682[%broadcast_in_dim3A_626, %add3A_677], %mul3A_678 : memref<200x128xf32, #tpu.memory_space<vmem>>[vector<16xi32>, vector<16xi32>], vector<16xf32>,
      %add3A_683 = arith.constant 49 : i32
      %add3A_684 = vector.broadcast %add3A_683 : i32 to vector<16xi32>
      %add3A_685 = arith.addi %add3A_684, %iota3A : vector<16xi32>
      %mul3A_686 = arith.mulf %broadcast_in_dim3A_624, %get3A_658 : vector<16xf32>
      %scatter3A_687 = arith.constant 0 : i32
      %scatter3A_688 = arith.constant 0 : i32
      %scatter3A_689 = tpu.memref_slice %arg6[%select_n3A_79, %scatter3A_687, %scatter3A_688] : memref<3x200x128xf32, #tpu.memory_space<vmem>> -> memref<1x200x128xf32, #tpu.memory_space<vmem>>
      %scatter3A_690 = tpu.memref_squeeze %scatter3A_689 : memref<1x200x128xf32, #tpu.memory_space<vmem>> -> memref<200x128xf32, #tpu.memory_space<vmem>>
      tpu.vector_store_idx %scatter3A_690[%broadcast_in_dim3A_626, %add3A_685], %mul3A_686 : memref<200x128xf32, #tpu.memory_space<vmem>>[vector<16xi32>, vector<16xi32>], vector<16xf32>,
      %slice3A_691 = vector.extract_strided_slice %mul3A_555 {offsets = [2], sizes = [1], strides = [1]} : vector<16xf32> to vector<1xf32>
      %squeeze3A_692 = vector.extract %slice3A_691[0] : f32 from vector<1xf32>
      %broadcast_in_dim3A_693 = vector.broadcast %squeeze3A_692 : f32 to vector<16xf32>
      %broadcast_in_dim3A_694 = arith.constant 194 : i32
      %broadcast_in_dim3A_695 = vector.broadcast %broadcast_in_dim3A_694 : i32 to vector<16xi32>
      %get3A_696 = arith.constant 194 : i32
      %get3A_697 = arith.constant 0 : i32
      %get3A_698 = arith.constant 0 : i32
      %get3A_699 = tpu.memref_slice %arg6[%select_n3A_79, %get3A_697, %get3A_698] : memref<3x200x128xf32, #tpu.memory_space<vmem>> -> memref<1x200x128xf32, #tpu.memory_space<vmem>>
      %get3A_700 = tpu.memref_squeeze %get3A_699 : memref<1x200x128xf32, #tpu.memory_space<vmem>> -> memref<200x128xf32, #tpu.memory_space<vmem>>
      %get3A_701 = arith.index_cast %get3A_696 : i32 to index
      %get3A_702 = arith.constant 0 : index
      %get3A_703 = tpu.vector_load %get3A_700[%get3A_701, %get3A_702] {strides = array<i32>} : memref<200x128xf32, #tpu.memory_space<vmem>>, vector<16xf32>,
      %get3A_704 = arith.constant 194 : i32
      %get3A_705 = arith.constant 0 : i32
      %get3A_706 = arith.constant 0 : i32
      %get3A_707 = tpu.memref_slice %arg6[%select_n3A_79, %get3A_705, %get3A_706] : memref<3x200x128xf32, #tpu.memory_space<vmem>> -> memref<1x200x128xf32, #tpu.memory_space<vmem>>
      %get3A_708 = tpu.memref_squeeze %get3A_707 : memref<1x200x128xf32, #tpu.memory_space<vmem>> -> memref<200x128xf32, #tpu.memory_space<vmem>>
      %get3A_709 = arith.index_cast %get3A_704 : i32 to index
      %get3A_710 = arith.constant 16 : index
      %get3A_711 = tpu.vector_load %get3A_708[%get3A_709, %get3A_710] {strides = array<i32>} : memref<200x128xf32, #tpu.memory_space<vmem>>, vector<16xf32>,
      %get3A_712 = arith.constant 194 : i32
      %get3A_713 = arith.constant 0 : i32
      %get3A_714 = arith.constant 0 : i32
      %get3A_715 = tpu.memref_slice %arg6[%select_n3A_79, %get3A_713, %get3A_714] : memref<3x200x128xf32, #tpu.memory_space<vmem>> -> memref<1x200x128xf32, #tpu.memory_space<vmem>>
      %get3A_716 = tpu.memref_squeeze %get3A_715 : memref<1x200x128xf32, #tpu.memory_space<vmem>> -> memref<200x128xf32, #tpu.memory_space<vmem>>
      %get3A_717 = arith.index_cast %get3A_712 : i32 to index
      %get3A_718 = arith.constant 32 : index
      %get3A_719 = tpu.vector_load %get3A_716[%get3A_717, %get3A_718] {strides = array<i32>} : memref<200x128xf32, #tpu.memory_space<vmem>>, vector<16xf32>,
      %get3A_720 = arith.constant 194 : i32
      %get3A_721 = arith.constant 0 : i32
      %get3A_722 = arith.constant 0 : i32
      %get3A_723 = tpu.memref_slice %arg6[%select_n3A_79, %get3A_721, %get3A_722] : memref<3x200x128xf32, #tpu.memory_space<vmem>> -> memref<1x200x128xf32, #tpu.memory_space<vmem>>
      %get3A_724 = tpu.memref_squeeze %get3A_723 : memref<1x200x128xf32, #tpu.memory_space<vmem>> -> memref<200x128xf32, #tpu.memory_space<vmem>>
      %get3A_725 = arith.index_cast %get3A_720 : i32 to index
      %get3A_726 = arith.constant 48 : index
      %get3A_727 = tpu.vector_load %get3A_724[%get3A_725, %get3A_726] {strides = array<i32>} : memref<200x128xf32, #tpu.memory_space<vmem>>, vector<16xf32>,
      %add3A_728 = arith.constant 1 : i32
      %add3A_729 = vector.broadcast %add3A_728 : i32 to vector<16xi32>
      %add3A_730 = arith.addi %add3A_729, %iota3A : vector<16xi32>
      %mul3A_731 = arith.mulf %broadcast_in_dim3A_693, %get3A_703 : vector<16xf32>
      %scatter3A_732 = arith.constant 0 : i32
      %scatter3A_733 = arith.constant 0 : i32
      %scatter3A_734 = tpu.memref_slice %arg6[%select_n3A_79, %scatter3A_732, %scatter3A_733] : memref<3x200x128xf32, #tpu.memory_space<vmem>> -> memref<1x200x128xf32, #tpu.memory_space<vmem>>
      %scatter3A_735 = tpu.memref_squeeze %scatter3A_734 : memref<1x200x128xf32, #tpu.memory_space<vmem>> -> memref<200x128xf32, #tpu.memory_space<vmem>>
      tpu.vector_store_idx %scatter3A_735[%broadcast_in_dim3A_695, %add3A_730], %mul3A_731 : memref<200x128xf32, #tpu.memory_space<vmem>>[vector<16xi32>, vector<16xi32>], vector<16xf32>,
      %add3A_736 = arith.constant 17 : i32
      %add3A_737 = vector.broadcast %add3A_736 : i32 to vector<16xi32>
      %add3A_738 = arith.addi %add3A_737, %iota3A : vector<16xi32>
      %mul3A_739 = arith.mulf %broadcast_in_dim3A_693, %get3A_711 : vector<16xf32>
      %scatter3A_740 = arith.constant 0 : i32
      %scatter3A_741 = arith.constant 0 : i32
      %scatter3A_742 = tpu.memref_slice %arg6[%select_n3A_79, %scatter3A_740, %scatter3A_741] : memref<3x200x128xf32, #tpu.memory_space<vmem>> -> memref<1x200x128xf32, #tpu.memory_space<vmem>>
      %scatter3A_743 = tpu.memref_squeeze %scatter3A_742 : memref<1x200x128xf32, #tpu.memory_space<vmem>> -> memref<200x128xf32, #tpu.memory_space<vmem>>
      tpu.vector_store_idx %scatter3A_743[%broadcast_in_dim3A_695, %add3A_738], %mul3A_739 : memref<200x128xf32, #tpu.memory_space<vmem>>[vector<16xi32>, vector<16xi32>], vector<16xf32>,
      %add3A_744 = arith.constant 33 : i32
      %add3A_745 = vector.broadcast %add3A_744 : i32 to vector<16xi32>
      %add3A_746 = arith.addi %add3A_745, %iota3A : vector<16xi32>
      %mul3A_747 = arith.mulf %broadcast_in_dim3A_693, %get3A_719 : vector<16xf32>
      %scatter3A_748 = arith.constant 0 : i32
      %scatter3A_749 = arith.constant 0 : i32
      %scatter3A_750 = tpu.memref_slice %arg6[%select_n3A_79, %scatter3A_748, %scatter3A_749] : memref<3x200x128xf32, #tpu.memory_space<vmem>> -> memref<1x200x128xf32, #tpu.memory_space<vmem>>
      %scatter3A_751 = tpu.memref_squeeze %scatter3A_750 : memref<1x200x128xf32, #tpu.memory_space<vmem>> -> memref<200x128xf32, #tpu.memory_space<vmem>>
      tpu.vector_store_idx %scatter3A_751[%broadcast_in_dim3A_695, %add3A_746], %mul3A_747 : memref<200x128xf32, #tpu.memory_space<vmem>>[vector<16xi32>, vector<16xi32>], vector<16xf32>,
      %add3A_752 = arith.constant 49 : i32
      %add3A_753 = vector.broadcast %add3A_752 : i32 to vector<16xi32>
      %add3A_754 = arith.addi %add3A_753, %iota3A : vector<16xi32>
      %mul3A_755 = arith.mulf %broadcast_in_dim3A_693, %get3A_727 : vector<16xf32>
      %scatter3A_756 = arith.constant 0 : i32
      %scatter3A_757 = arith.constant 0 : i32
      %scatter3A_758 = tpu.memref_slice %arg6[%select_n3A_79, %scatter3A_756, %scatter3A_757] : memref<3x200x128xf32, #tpu.memory_space<vmem>> -> memref<1x200x128xf32, #tpu.memory_space<vmem>>
      %scatter3A_759 = tpu.memref_squeeze %scatter3A_758 : memref<1x200x128xf32, #tpu.memory_space<vmem>> -> memref<200x128xf32, #tpu.memory_space<vmem>>
      tpu.vector_store_idx %scatter3A_759[%broadcast_in_dim3A_695, %add3A_754], %mul3A_755 : memref<200x128xf32, #tpu.memory_space<vmem>>[vector<16xi32>, vector<16xi32>], vector<16xf32>,
      %slice3A_760 = vector.extract_strided_slice %mul3A_555 {offsets = [3], sizes = [1], strides = [1]} : vector<16xf32> to vector<1xf32>
      %squeeze3A_761 = vector.extract %slice3A_760[0] : f32 from vector<1xf32>
      %broadcast_in_dim3A_762 = vector.broadcast %squeeze3A_761 : f32 to vector<16xf32>
      %broadcast_in_dim3A_763 = arith.constant 195 : i32
      %broadcast_in_dim3A_764 = vector.broadcast %broadcast_in_dim3A_763 : i32 to vector<16xi32>
      %get3A_765 = arith.constant 195 : i32
      %get3A_766 = arith.constant 0 : i32
      %get3A_767 = arith.constant 0 : i32
      %get3A_768 = tpu.memref_slice %arg6[%select_n3A_79, %get3A_766, %get3A_767] : memref<3x200x128xf32, #tpu.memory_space<vmem>> -> memref<1x200x128xf32, #tpu.memory_space<vmem>>
      %get3A_769 = tpu.memref_squeeze %get3A_768 : memref<1x200x128xf32, #tpu.memory_space<vmem>> -> memref<200x128xf32, #tpu.memory_space<vmem>>
      %get3A_770 = arith.index_cast %get3A_765 : i32 to index
      %get3A_771 = arith.constant 0 : index
      %get3A_772 = tpu.vector_load %get3A_769[%get3A_770, %get3A_771] {strides = array<i32>} : memref<200x128xf32, #tpu.memory_space<vmem>>, vector<16xf32>,
      %get3A_773 = arith.constant 195 : i32
      %get3A_774 = arith.constant 0 : i32
      %get3A_775 = arith.constant 0 : i32
      %get3A_776 = tpu.memref_slice %arg6[%select_n3A_79, %get3A_774, %get3A_775] : memref<3x200x128xf32, #tpu.memory_space<vmem>> -> memref<1x200x128xf32, #tpu.memory_space<vmem>>
      %get3A_777 = tpu.memref_squeeze %get3A_776 : memref<1x200x128xf32, #tpu.memory_space<vmem>> -> memref<200x128xf32, #tpu.memory_space<vmem>>
      %get3A_778 = arith.index_cast %get3A_773 : i32 to index
      %get3A_779 = arith.constant 16 : index
      %get3A_780 = tpu.vector_load %get3A_777[%get3A_778, %get3A_779] {strides = array<i32>} : memref<200x128xf32, #tpu.memory_space<vmem>>, vector<16xf32>,
      %get3A_781 = arith.constant 195 : i32
      %get3A_782 = arith.constant 0 : i32
      %get3A_783 = arith.constant 0 : i32
      %get3A_784 = tpu.memref_slice %arg6[%select_n3A_79, %get3A_782, %get3A_783] : memref<3x200x128xf32, #tpu.memory_space<vmem>> -> memref<1x200x128xf32, #tpu.memory_space<vmem>>
      %get3A_785 = tpu.memref_squeeze %get3A_784 : memref<1x200x128xf32, #tpu.memory_space<vmem>> -> memref<200x128xf32, #tpu.memory_space<vmem>>
      %get3A_786 = arith.index_cast %get3A_781 : i32 to index
      %get3A_787 = arith.constant 32 : index
      %get3A_788 = tpu.vector_load %get3A_785[%get3A_786, %get3A_787] {strides = array<i32>} : memref<200x128xf32, #tpu.memory_space<vmem>>, vector<16xf32>,
      %get3A_789 = arith.constant 195 : i32
      %get3A_790 = arith.constant 0 : i32
      %get3A_791 = arith.constant 0 : i32
      %get3A_792 = tpu.memref_slice %arg6[%select_n3A_79, %get3A_790, %get3A_791] : memref<3x200x128xf32, #tpu.memory_space<vmem>> -> memref<1x200x128xf32, #tpu.memory_space<vmem>>
      %get3A_793 = tpu.memref_squeeze %get3A_792 : memref<1x200x128xf32, #tpu.memory_space<vmem>> -> memref<200x128xf32, #tpu.memory_space<vmem>>
      %get3A_794 = arith.index_cast %get3A_789 : i32 to index
      %get3A_795 = arith.constant 48 : index
      %get3A_796 = tpu.vector_load %get3A_793[%get3A_794, %get3A_795] {strides = array<i32>} : memref<200x128xf32, #tpu.memory_space<vmem>>, vector<16xf32>,
      %add3A_797 = arith.constant 1 : i32
      %add3A_798 = vector.broadcast %add3A_797 : i32 to vector<16xi32>
      %add3A_799 = arith.addi %add3A_798, %iota3A : vector<16xi32>
      %mul3A_800 = arith.mulf %broadcast_in_dim3A_762, %get3A_772 : vector<16xf32>
      %scatter3A_801 = arith.constant 0 : i32
      %scatter3A_802 = arith.constant 0 : i32
      %scatter3A_803 = tpu.memref_slice %arg6[%select_n3A_79, %scatter3A_801, %scatter3A_802] : memref<3x200x128xf32, #tpu.memory_space<vmem>> -> memref<1x200x128xf32, #tpu.memory_space<vmem>>
      %scatter3A_804 = tpu.memref_squeeze %scatter3A_803 : memref<1x200x128xf32, #tpu.memory_space<vmem>> -> memref<200x128xf32, #tpu.memory_space<vmem>>
      tpu.vector_store_idx %scatter3A_804[%broadcast_in_dim3A_764, %add3A_799], %mul3A_800 : memref<200x128xf32, #tpu.memory_space<vmem>>[vector<16xi32>, vector<16xi32>], vector<16xf32>,
      %add3A_805 = arith.constant 17 : i32
      %add3A_806 = vector.broadcast %add3A_805 : i32 to vector<16xi32>
      %add3A_807 = arith.addi %add3A_806, %iota3A : vector<16xi32>
      %mul3A_808 = arith.mulf %broadcast_in_dim3A_762, %get3A_780 : vector<16xf32>
      %scatter3A_809 = arith.constant 0 : i32
      %scatter3A_810 = arith.constant 0 : i32
      %scatter3A_811 = tpu.memref_slice %arg6[%select_n3A_79, %scatter3A_809, %scatter3A_810] : memref<3x200x128xf32, #tpu.memory_space<vmem>> -> memref<1x200x128xf32, #tpu.memory_space<vmem>>
      %scatter3A_812 = tpu.memref_squeeze %scatter3A_811 : memref<1x200x128xf32, #tpu.memory_space<vmem>> -> memref<200x128xf32, #tpu.memory_space<vmem>>
      tpu.vector_store_idx %scatter3A_812[%broadcast_in_dim3A_764, %add3A_807], %mul3A_808 : memref<200x128xf32, #tpu.memory_space<vmem>>[vector<16xi32>, vector<16xi32>], vector<16xf32>,
      %add3A_813 = arith.constant 33 : i32
      %add3A_814 = vector.broadcast %add3A_813 : i32 to vector<16xi32>
      %add3A_815 = arith.addi %add3A_814, %iota3A : vector<16xi32>
      %mul3A_816 = arith.mulf %broadcast_in_dim3A_762, %get3A_788 : vector<16xf32>
      %scatter3A_817 = arith.constant 0 : i32
      %scatter3A_818 = arith.constant 0 : i32
      %scatter3A_819 = tpu.memref_slice %arg6[%select_n3A_79, %scatter3A_817, %scatter3A_818] : memref<3x200x128xf32, #tpu.memory_space<vmem>> -> memref<1x200x128xf32, #tpu.memory_space<vmem>>
      %scatter3A_820 = tpu.memref_squeeze %scatter3A_819 : memref<1x200x128xf32, #tpu.memory_space<vmem>> -> memref<200x128xf32, #tpu.memory_space<vmem>>
      tpu.vector_store_idx %scatter3A_820[%broadcast_in_dim3A_764, %add3A_815], %mul3A_816 : memref<200x128xf32, #tpu.memory_space<vmem>>[vector<16xi32>, vector<16xi32>], vector<16xf32>,
      %add3A_821 = arith.constant 49 : i32
      %add3A_822 = vector.broadcast %add3A_821 : i32 to vector<16xi32>
      %add3A_823 = arith.addi %add3A_822, %iota3A : vector<16xi32>
      %mul3A_824 = arith.mulf %broadcast_in_dim3A_762, %get3A_796 : vector<16xf32>
      %scatter3A_825 = arith.constant 0 : i32
      %scatter3A_826 = arith.constant 0 : i32
      %scatter3A_827 = tpu.memref_slice %arg6[%select_n3A_79, %scatter3A_825, %scatter3A_826] : memref<3x200x128xf32, #tpu.memory_space<vmem>> -> memref<1x200x128xf32, #tpu.memory_space<vmem>>
      %scatter3A_828 = tpu.memref_squeeze %scatter3A_827 : memref<1x200x128xf32, #tpu.memory_space<vmem>> -> memref<200x128xf32, #tpu.memory_space<vmem>>
      tpu.vector_store_idx %scatter3A_828[%broadcast_in_dim3A_764, %add3A_823], %mul3A_824 : memref<200x128xf32, #tpu.memory_space<vmem>>[vector<16xi32>, vector<16xi32>], vector<16xf32>,
      %slice3A_829 = vector.extract_strided_slice %mul3A_555 {offsets = [4], sizes = [1], strides = [1]} : vector<16xf32> to vector<1xf32>
      %squeeze3A_830 = vector.extract %slice3A_829[0] : f32 from vector<1xf32>
      %broadcast_in_dim3A_831 = vector.broadcast %squeeze3A_830 : f32 to vector<16xf32>
      %broadcast_in_dim3A_832 = arith.constant 196 : i32
      %broadcast_in_dim3A_833 = vector.broadcast %broadcast_in_dim3A_832 : i32 to vector<16xi32>
      %get3A_834 = arith.constant 196 : i32
      %get3A_835 = arith.constant 0 : i32
      %get3A_836 = arith.constant 0 : i32
      %get3A_837 = tpu.memref_slice %arg6[%select_n3A_79, %get3A_835, %get3A_836] : memref<3x200x128xf32, #tpu.memory_space<vmem>> -> memref<1x200x128xf32, #tpu.memory_space<vmem>>
      %get3A_838 = tpu.memref_squeeze %get3A_837 : memref<1x200x128xf32, #tpu.memory_space<vmem>> -> memref<200x128xf32, #tpu.memory_space<vmem>>
      %get3A_839 = arith.index_cast %get3A_834 : i32 to index
      %get3A_840 = arith.constant 0 : index
      %get3A_841 = tpu.vector_load %get3A_838[%get3A_839, %get3A_840] {strides = array<i32>} : memref<200x128xf32, #tpu.memory_space<vmem>>, vector<16xf32>,
      %get3A_842 = arith.constant 196 : i32
      %get3A_843 = arith.constant 0 : i32
      %get3A_844 = arith.constant 0 : i32
      %get3A_845 = tpu.memref_slice %arg6[%select_n3A_79, %get3A_843, %get3A_844] : memref<3x200x128xf32, #tpu.memory_space<vmem>> -> memref<1x200x128xf32, #tpu.memory_space<vmem>>
      %get3A_846 = tpu.memref_squeeze %get3A_845 : memref<1x200x128xf32, #tpu.memory_space<vmem>> -> memref<200x128xf32, #tpu.memory_space<vmem>>
      %get3A_847 = arith.index_cast %get3A_842 : i32 to index
      %get3A_848 = arith.constant 16 : index
      %get3A_849 = tpu.vector_load %get3A_846[%get3A_847, %get3A_848] {strides = array<i32>} : memref<200x128xf32, #tpu.memory_space<vmem>>, vector<16xf32>,
      %get3A_850 = arith.constant 196 : i32
      %get3A_851 = arith.constant 0 : i32
      %get3A_852 = arith.constant 0 : i32
      %get3A_853 = tpu.memref_slice %arg6[%select_n3A_79, %get3A_851, %get3A_852] : memref<3x200x128xf32, #tpu.memory_space<vmem>> -> memref<1x200x128xf32, #tpu.memory_space<vmem>>
      %get3A_854 = tpu.memref_squeeze %get3A_853 : memref<1x200x128xf32, #tpu.memory_space<vmem>> -> memref<200x128xf32, #tpu.memory_space<vmem>>
      %get3A_855 = arith.index_cast %get3A_850 : i32 to index
      %get3A_856 = arith.constant 32 : index
      %get3A_857 = tpu.vector_load %get3A_854[%get3A_855, %get3A_856] {strides = array<i32>} : memref<200x128xf32, #tpu.memory_space<vmem>>, vector<16xf32>,
      %get3A_858 = arith.constant 196 : i32
      %get3A_859 = arith.constant 0 : i32
      %get3A_860 = arith.constant 0 : i32
      %get3A_861 = tpu.memref_slice %arg6[%select_n3A_79, %get3A_859, %get3A_860] : memref<3x200x128xf32, #tpu.memory_space<vmem>> -> memref<1x200x128xf32, #tpu.memory_space<vmem>>
      %get3A_862 = tpu.memref_squeeze %get3A_861 : memref<1x200x128xf32, #tpu.memory_space<vmem>> -> memref<200x128xf32, #tpu.memory_space<vmem>>
      %get3A_863 = arith.index_cast %get3A_858 : i32 to index
      %get3A_864 = arith.constant 48 : index
      %get3A_865 = tpu.vector_load %get3A_862[%get3A_863, %get3A_864] {strides = array<i32>} : memref<200x128xf32, #tpu.memory_space<vmem>>, vector<16xf32>,
      %add3A_866 = arith.constant 1 : i32
      %add3A_867 = vector.broadcast %add3A_866 : i32 to vector<16xi32>
      %add3A_868 = arith.addi %add3A_867, %iota3A : vector<16xi32>
      %mul3A_869 = arith.mulf %broadcast_in_dim3A_831, %get3A_841 : vector<16xf32>
      %scatter3A_870 = arith.constant 0 : i32
      %scatter3A_871 = arith.constant 0 : i32
      %scatter3A_872 = tpu.memref_slice %arg6[%select_n3A_79, %scatter3A_870, %scatter3A_871] : memref<3x200x128xf32, #tpu.memory_space<vmem>> -> memref<1x200x128xf32, #tpu.memory_space<vmem>>
      %scatter3A_873 = tpu.memref_squeeze %scatter3A_872 : memref<1x200x128xf32, #tpu.memory_space<vmem>> -> memref<200x128xf32, #tpu.memory_space<vmem>>
      tpu.vector_store_idx %scatter3A_873[%broadcast_in_dim3A_833, %add3A_868], %mul3A_869 : memref<200x128xf32, #tpu.memory_space<vmem>>[vector<16xi32>, vector<16xi32>], vector<16xf32>,
      %add3A_874 = arith.constant 17 : i32
      %add3A_875 = vector.broadcast %add3A_874 : i32 to vector<16xi32>
      %add3A_876 = arith.addi %add3A_875, %iota3A : vector<16xi32>
      %mul3A_877 = arith.mulf %broadcast_in_dim3A_831, %get3A_849 : vector<16xf32>
      %scatter3A_878 = arith.constant 0 : i32
      %scatter3A_879 = arith.constant 0 : i32
      %scatter3A_880 = tpu.memref_slice %arg6[%select_n3A_79, %scatter3A_878, %scatter3A_879] : memref<3x200x128xf32, #tpu.memory_space<vmem>> -> memref<1x200x128xf32, #tpu.memory_space<vmem>>
      %scatter3A_881 = tpu.memref_squeeze %scatter3A_880 : memref<1x200x128xf32, #tpu.memory_space<vmem>> -> memref<200x128xf32, #tpu.memory_space<vmem>>
      tpu.vector_store_idx %scatter3A_881[%broadcast_in_dim3A_833, %add3A_876], %mul3A_877 : memref<200x128xf32, #tpu.memory_space<vmem>>[vector<16xi32>, vector<16xi32>], vector<16xf32>,
      %add3A_882 = arith.constant 33 : i32
      %add3A_883 = vector.broadcast %add3A_882 : i32 to vector<16xi32>
      %add3A_884 = arith.addi %add3A_883, %iota3A : vector<16xi32>
      %mul3A_885 = arith.mulf %broadcast_in_dim3A_831, %get3A_857 : vector<16xf32>
      %scatter3A_886 = arith.constant 0 : i32
      %scatter3A_887 = arith.constant 0 : i32
      %scatter3A_888 = tpu.memref_slice %arg6[%select_n3A_79, %scatter3A_886, %scatter3A_887] : memref<3x200x128xf32, #tpu.memory_space<vmem>> -> memref<1x200x128xf32, #tpu.memory_space<vmem>>
      %scatter3A_889 = tpu.memref_squeeze %scatter3A_888 : memref<1x200x128xf32, #tpu.memory_space<vmem>> -> memref<200x128xf32, #tpu.memory_space<vmem>>
      tpu.vector_store_idx %scatter3A_889[%broadcast_in_dim3A_833, %add3A_884], %mul3A_885 : memref<200x128xf32, #tpu.memory_space<vmem>>[vector<16xi32>, vector<16xi32>], vector<16xf32>,
      %add3A_890 = arith.constant 49 : i32
      %add3A_891 = vector.broadcast %add3A_890 : i32 to vector<16xi32>
      %add3A_892 = arith.addi %add3A_891, %iota3A : vector<16xi32>
      %mul3A_893 = arith.mulf %broadcast_in_dim3A_831, %get3A_865 : vector<16xf32>
      %scatter3A_894 = arith.constant 0 : i32
      %scatter3A_895 = arith.constant 0 : i32
      %scatter3A_896 = tpu.memref_slice %arg6[%select_n3A_79, %scatter3A_894, %scatter3A_895] : memref<3x200x128xf32, #tpu.memory_space<vmem>> -> memref<1x200x128xf32, #tpu.memory_space<vmem>>
      %scatter3A_897 = tpu.memref_squeeze %scatter3A_896 : memref<1x200x128xf32, #tpu.memory_space<vmem>> -> memref<200x128xf32, #tpu.memory_space<vmem>>
      tpu.vector_store_idx %scatter3A_897[%broadcast_in_dim3A_833, %add3A_892], %mul3A_893 : memref<200x128xf32, #tpu.memory_space<vmem>>[vector<16xi32>, vector<16xi32>], vector<16xf32>,
      %slice3A_898 = vector.extract_strided_slice %mul3A_555 {offsets = [5], sizes = [1], strides = [1]} : vector<16xf32> to vector<1xf32>
      %squeeze3A_899 = vector.extract %slice3A_898[0] : f32 from vector<1xf32>
      %broadcast_in_dim3A_900 = vector.broadcast %squeeze3A_899 : f32 to vector<16xf32>
      %broadcast_in_dim3A_901 = arith.constant 197 : i32
      %broadcast_in_dim3A_902 = vector.broadcast %broadcast_in_dim3A_901 : i32 to vector<16xi32>
      %get3A_903 = arith.constant 197 : i32
      %get3A_904 = arith.constant 0 : i32
      %get3A_905 = arith.constant 0 : i32
      %get3A_906 = tpu.memref_slice %arg6[%select_n3A_79, %get3A_904, %get3A_905] : memref<3x200x128xf32, #tpu.memory_space<vmem>> -> memref<1x200x128xf32, #tpu.memory_space<vmem>>
      %get3A_907 = tpu.memref_squeeze %get3A_906 : memref<1x200x128xf32, #tpu.memory_space<vmem>> -> memref<200x128xf32, #tpu.memory_space<vmem>>
      %get3A_908 = arith.index_cast %get3A_903 : i32 to index
      %get3A_909 = arith.constant 0 : index
      %get3A_910 = tpu.vector_load %get3A_907[%get3A_908, %get3A_909] {strides = array<i32>} : memref<200x128xf32, #tpu.memory_space<vmem>>, vector<16xf32>,
      %get3A_911 = arith.constant 197 : i32
      %get3A_912 = arith.constant 0 : i32
      %get3A_913 = arith.constant 0 : i32
      %get3A_914 = tpu.memref_slice %arg6[%select_n3A_79, %get3A_912, %get3A_913] : memref<3x200x128xf32, #tpu.memory_space<vmem>> -> memref<1x200x128xf32, #tpu.memory_space<vmem>>
      %get3A_915 = tpu.memref_squeeze %get3A_914 : memref<1x200x128xf32, #tpu.memory_space<vmem>> -> memref<200x128xf32, #tpu.memory_space<vmem>>
      %get3A_916 = arith.index_cast %get3A_911 : i32 to index
      %get3A_917 = arith.constant 16 : index
      %get3A_918 = tpu.vector_load %get3A_915[%get3A_916, %get3A_917] {strides = array<i32>} : memref<200x128xf32, #tpu.memory_space<vmem>>, vector<16xf32>,
      %get3A_919 = arith.constant 197 : i32
      %get3A_920 = arith.constant 0 : i32
      %get3A_921 = arith.constant 0 : i32
      %get3A_922 = tpu.memref_slice %arg6[%select_n3A_79, %get3A_920, %get3A_921] : memref<3x200x128xf32, #tpu.memory_space<vmem>> -> memref<1x200x128xf32, #tpu.memory_space<vmem>>
      %get3A_923 = tpu.memref_squeeze %get3A_922 : memref<1x200x128xf32, #tpu.memory_space<vmem>> -> memref<200x128xf32, #tpu.memory_space<vmem>>
      %get3A_924 = arith.index_cast %get3A_919 : i32 to index
      %get3A_925 = arith.constant 32 : index
      %get3A_926 = tpu.vector_load %get3A_923[%get3A_924, %get3A_925] {strides = array<i32>} : memref<200x128xf32, #tpu.memory_space<vmem>>, vector<16xf32>,
      %get3A_927 = arith.constant 197 : i32
      %get3A_928 = arith.constant 0 : i32
      %get3A_929 = arith.constant 0 : i32
      %get3A_930 = tpu.memref_slice %arg6[%select_n3A_79, %get3A_928, %get3A_929] : memref<3x200x128xf32, #tpu.memory_space<vmem>> -> memref<1x200x128xf32, #tpu.memory_space<vmem>>
      %get3A_931 = tpu.memref_squeeze %get3A_930 : memref<1x200x128xf32, #tpu.memory_space<vmem>> -> memref<200x128xf32, #tpu.memory_space<vmem>>
      %get3A_932 = arith.index_cast %get3A_927 : i32 to index
      %get3A_933 = arith.constant 48 : index
      %get3A_934 = tpu.vector_load %get3A_931[%get3A_932, %get3A_933] {strides = array<i32>} : memref<200x128xf32, #tpu.memory_space<vmem>>, vector<16xf32>,
      %add3A_935 = arith.constant 1 : i32
      %add3A_936 = vector.broadcast %add3A_935 : i32 to vector<16xi32>
      %add3A_937 = arith.addi %add3A_936, %iota3A : vector<16xi32>
      %mul3A_938 = arith.mulf %broadcast_in_dim3A_900, %get3A_910 : vector<16xf32>
      %scatter3A_939 = arith.constant 0 : i32
      %scatter3A_940 = arith.constant 0 : i32
      %scatter3A_941 = tpu.memref_slice %arg6[%select_n3A_79, %scatter3A_939, %scatter3A_940] : memref<3x200x128xf32, #tpu.memory_space<vmem>> -> memref<1x200x128xf32, #tpu.memory_space<vmem>>
      %scatter3A_942 = tpu.memref_squeeze %scatter3A_941 : memref<1x200x128xf32, #tpu.memory_space<vmem>> -> memref<200x128xf32, #tpu.memory_space<vmem>>
      tpu.vector_store_idx %scatter3A_942[%broadcast_in_dim3A_902, %add3A_937], %mul3A_938 : memref<200x128xf32, #tpu.memory_space<vmem>>[vector<16xi32>, vector<16xi32>], vector<16xf32>,
      %add3A_943 = arith.constant 17 : i32
      %add3A_944 = vector.broadcast %add3A_943 : i32 to vector<16xi32>
      %add3A_945 = arith.addi %add3A_944, %iota3A : vector<16xi32>
      %mul3A_946 = arith.mulf %broadcast_in_dim3A_900, %get3A_918 : vector<16xf32>
      %scatter3A_947 = arith.constant 0 : i32
      %scatter3A_948 = arith.constant 0 : i32
      %scatter3A_949 = tpu.memref_slice %arg6[%select_n3A_79, %scatter3A_947, %scatter3A_948] : memref<3x200x128xf32, #tpu.memory_space<vmem>> -> memref<1x200x128xf32, #tpu.memory_space<vmem>>
      %scatter3A_950 = tpu.memref_squeeze %scatter3A_949 : memref<1x200x128xf32, #tpu.memory_space<vmem>> -> memref<200x128xf32, #tpu.memory_space<vmem>>
      tpu.vector_store_idx %scatter3A_950[%broadcast_in_dim3A_902, %add3A_945], %mul3A_946 : memref<200x128xf32, #tpu.memory_space<vmem>>[vector<16xi32>, vector<16xi32>], vector<16xf32>,
      %add3A_951 = arith.constant 33 : i32
      %add3A_952 = vector.broadcast %add3A_951 : i32 to vector<16xi32>
      %add3A_953 = arith.addi %add3A_952, %iota3A : vector<16xi32>
      %mul3A_954 = arith.mulf %broadcast_in_dim3A_900, %get3A_926 : vector<16xf32>
      %scatter3A_955 = arith.constant 0 : i32
      %scatter3A_956 = arith.constant 0 : i32
      %scatter3A_957 = tpu.memref_slice %arg6[%select_n3A_79, %scatter3A_955, %scatter3A_956] : memref<3x200x128xf32, #tpu.memory_space<vmem>> -> memref<1x200x128xf32, #tpu.memory_space<vmem>>
      %scatter3A_958 = tpu.memref_squeeze %scatter3A_957 : memref<1x200x128xf32, #tpu.memory_space<vmem>> -> memref<200x128xf32, #tpu.memory_space<vmem>>
      tpu.vector_store_idx %scatter3A_958[%broadcast_in_dim3A_902, %add3A_953], %mul3A_954 : memref<200x128xf32, #tpu.memory_space<vmem>>[vector<16xi32>, vector<16xi32>], vector<16xf32>,
      %add3A_959 = arith.constant 49 : i32
      %add3A_960 = vector.broadcast %add3A_959 : i32 to vector<16xi32>
      %add3A_961 = arith.addi %add3A_960, %iota3A : vector<16xi32>
      %mul3A_962 = arith.mulf %broadcast_in_dim3A_900, %get3A_934 : vector<16xf32>
      %scatter3A_963 = arith.constant 0 : i32
      %scatter3A_964 = arith.constant 0 : i32
      %scatter3A_965 = tpu.memref_slice %arg6[%select_n3A_79, %scatter3A_963, %scatter3A_964] : memref<3x200x128xf32, #tpu.memory_space<vmem>> -> memref<1x200x128xf32, #tpu.memory_space<vmem>>
      %scatter3A_966 = tpu.memref_squeeze %scatter3A_965 : memref<1x200x128xf32, #tpu.memory_space<vmem>> -> memref<200x128xf32, #tpu.memory_space<vmem>>
      tpu.vector_store_idx %scatter3A_966[%broadcast_in_dim3A_902, %add3A_961], %mul3A_962 : memref<200x128xf32, #tpu.memory_space<vmem>>[vector<16xi32>, vector<16xi32>], vector<16xf32>,
      %slice3A_967 = vector.extract_strided_slice %mul3A_555 {offsets = [6], sizes = [1], strides = [1]} : vector<16xf32> to vector<1xf32>
      %squeeze3A_968 = vector.extract %slice3A_967[0] : f32 from vector<1xf32>
      %broadcast_in_dim3A_969 = vector.broadcast %squeeze3A_968 : f32 to vector<16xf32>
      %broadcast_in_dim3A_970 = arith.constant 198 : i32
      %broadcast_in_dim3A_971 = vector.broadcast %broadcast_in_dim3A_970 : i32 to vector<16xi32>
      %get3A_972 = arith.constant 198 : i32
      %get3A_973 = arith.constant 0 : i32
      %get3A_974 = arith.constant 0 : i32
      %get3A_975 = tpu.memref_slice %arg6[%select_n3A_79, %get3A_973, %get3A_974] : memref<3x200x128xf32, #tpu.memory_space<vmem>> -> memref<1x200x128xf32, #tpu.memory_space<vmem>>
      %get3A_976 = tpu.memref_squeeze %get3A_975 : memref<1x200x128xf32, #tpu.memory_space<vmem>> -> memref<200x128xf32, #tpu.memory_space<vmem>>
      %get3A_977 = arith.index_cast %get3A_972 : i32 to index
      %get3A_978 = arith.constant 0 : index
      %get3A_979 = tpu.vector_load %get3A_976[%get3A_977, %get3A_978] {strides = array<i32>} : memref<200x128xf32, #tpu.memory_space<vmem>>, vector<16xf32>,
      %get3A_980 = arith.constant 198 : i32
      %get3A_981 = arith.constant 0 : i32
      %get3A_982 = arith.constant 0 : i32
      %get3A_983 = tpu.memref_slice %arg6[%select_n3A_79, %get3A_981, %get3A_982] : memref<3x200x128xf32, #tpu.memory_space<vmem>> -> memref<1x200x128xf32, #tpu.memory_space<vmem>>
      %get3A_984 = tpu.memref_squeeze %get3A_983 : memref<1x200x128xf32, #tpu.memory_space<vmem>> -> memref<200x128xf32, #tpu.memory_space<vmem>>
      %get3A_985 = arith.index_cast %get3A_980 : i32 to index
      %get3A_986 = arith.constant 16 : index
      %get3A_987 = tpu.vector_load %get3A_984[%get3A_985, %get3A_986] {strides = array<i32>} : memref<200x128xf32, #tpu.memory_space<vmem>>, vector<16xf32>,
      %get3A_988 = arith.constant 198 : i32
      %get3A_989 = arith.constant 0 : i32
      %get3A_990 = arith.constant 0 : i32
      %get3A_991 = tpu.memref_slice %arg6[%select_n3A_79, %get3A_989, %get3A_990] : memref<3x200x128xf32, #tpu.memory_space<vmem>> -> memref<1x200x128xf32, #tpu.memory_space<vmem>>
      %get3A_992 = tpu.memref_squeeze %get3A_991 : memref<1x200x128xf32, #tpu.memory_space<vmem>> -> memref<200x128xf32, #tpu.memory_space<vmem>>
      %get3A_993 = arith.index_cast %get3A_988 : i32 to index
      %get3A_994 = arith.constant 32 : index
      %get3A_995 = tpu.vector_load %get3A_992[%get3A_993, %get3A_994] {strides = array<i32>} : memref<200x128xf32, #tpu.memory_space<vmem>>, vector<16xf32>,
      %get3A_996 = arith.constant 198 : i32
      %get3A_997 = arith.constant 0 : i32
      %get3A_998 = arith.constant 0 : i32
      %get3A_999 = tpu.memref_slice %arg6[%select_n3A_79, %get3A_997, %get3A_998] : memref<3x200x128xf32, #tpu.memory_space<vmem>> -> memref<1x200x128xf32, #tpu.memory_space<vmem>>
      %get3A_1000 = tpu.memref_squeeze %get3A_999 : memref<1x200x128xf32, #tpu.memory_space<vmem>> -> memref<200x128xf32, #tpu.memory_space<vmem>>
      %get3A_1001 = arith.index_cast %get3A_996 : i32 to index
      %get3A_1002 = arith.constant 48 : index
      %get3A_1003 = tpu.vector_load %get3A_1000[%get3A_1001, %get3A_1002] {strides = array<i32>} : memref<200x128xf32, #tpu.memory_space<vmem>>, vector<16xf32>,
      %add3A_1004 = arith.constant 1 : i32
      %add3A_1005 = vector.broadcast %add3A_1004 : i32 to vector<16xi32>
      %add3A_1006 = arith.addi %add3A_1005, %iota3A : vector<16xi32>
      %mul3A_1007 = arith.mulf %broadcast_in_dim3A_969, %get3A_979 : vector<16xf32>
      %scatter3A_1008 = arith.constant 0 : i32
      %scatter3A_1009 = arith.constant 0 : i32
      %scatter3A_1010 = tpu.memref_slice %arg6[%select_n3A_79, %scatter3A_1008, %scatter3A_1009] : memref<3x200x128xf32, #tpu.memory_space<vmem>> -> memref<1x200x128xf32, #tpu.memory_space<vmem>>
      %scatter3A_1011 = tpu.memref_squeeze %scatter3A_1010 : memref<1x200x128xf32, #tpu.memory_space<vmem>> -> memref<200x128xf32, #tpu.memory_space<vmem>>
      tpu.vector_store_idx %scatter3A_1011[%broadcast_in_dim3A_971, %add3A_1006], %mul3A_1007 : memref<200x128xf32, #tpu.memory_space<vmem>>[vector<16xi32>, vector<16xi32>], vector<16xf32>,
      %add3A_1012 = arith.constant 17 : i32
      %add3A_1013 = vector.broadcast %add3A_1012 : i32 to vector<16xi32>
      %add3A_1014 = arith.addi %add3A_1013, %iota3A : vector<16xi32>
      %mul3A_1015 = arith.mulf %broadcast_in_dim3A_969, %get3A_987 : vector<16xf32>
      %scatter3A_1016 = arith.constant 0 : i32
      %scatter3A_1017 = arith.constant 0 : i32
      %scatter3A_1018 = tpu.memref_slice %arg6[%select_n3A_79, %scatter3A_1016, %scatter3A_1017] : memref<3x200x128xf32, #tpu.memory_space<vmem>> -> memref<1x200x128xf32, #tpu.memory_space<vmem>>
      %scatter3A_1019 = tpu.memref_squeeze %scatter3A_1018 : memref<1x200x128xf32, #tpu.memory_space<vmem>> -> memref<200x128xf32, #tpu.memory_space<vmem>>
      tpu.vector_store_idx %scatter3A_1019[%broadcast_in_dim3A_971, %add3A_1014], %mul3A_1015 : memref<200x128xf32, #tpu.memory_space<vmem>>[vector<16xi32>, vector<16xi32>], vector<16xf32>,
      %add3A_1020 = arith.constant 33 : i32
      %add3A_1021 = vector.broadcast %add3A_1020 : i32 to vector<16xi32>
      %add3A_1022 = arith.addi %add3A_1021, %iota3A : vector<16xi32>
      %mul3A_1023 = arith.mulf %broadcast_in_dim3A_969, %get3A_995 : vector<16xf32>
      %scatter3A_1024 = arith.constant 0 : i32
      %scatter3A_1025 = arith.constant 0 : i32
      %scatter3A_1026 = tpu.memref_slice %arg6[%select_n3A_79, %scatter3A_1024, %scatter3A_1025] : memref<3x200x128xf32, #tpu.memory_space<vmem>> -> memref<1x200x128xf32, #tpu.memory_space<vmem>>
      %scatter3A_1027 = tpu.memref_squeeze %scatter3A_1026 : memref<1x200x128xf32, #tpu.memory_space<vmem>> -> memref<200x128xf32, #tpu.memory_space<vmem>>
      tpu.vector_store_idx %scatter3A_1027[%broadcast_in_dim3A_971, %add3A_1022], %mul3A_1023 : memref<200x128xf32, #tpu.memory_space<vmem>>[vector<16xi32>, vector<16xi32>], vector<16xf32>,
      %add3A_1028 = arith.constant 49 : i32
      %add3A_1029 = vector.broadcast %add3A_1028 : i32 to vector<16xi32>
      %add3A_1030 = arith.addi %add3A_1029, %iota3A : vector<16xi32>
      %mul3A_1031 = arith.mulf %broadcast_in_dim3A_969, %get3A_1003 : vector<16xf32>
      %scatter3A_1032 = arith.constant 0 : i32
      %scatter3A_1033 = arith.constant 0 : i32
      %scatter3A_1034 = tpu.memref_slice %arg6[%select_n3A_79, %scatter3A_1032, %scatter3A_1033] : memref<3x200x128xf32, #tpu.memory_space<vmem>> -> memref<1x200x128xf32, #tpu.memory_space<vmem>>
      %scatter3A_1035 = tpu.memref_squeeze %scatter3A_1034 : memref<1x200x128xf32, #tpu.memory_space<vmem>> -> memref<200x128xf32, #tpu.memory_space<vmem>>
      tpu.vector_store_idx %scatter3A_1035[%broadcast_in_dim3A_971, %add3A_1030], %mul3A_1031 : memref<200x128xf32, #tpu.memory_space<vmem>>[vector<16xi32>, vector<16xi32>], vector<16xf32>,
      %slice3A_1036 = vector.extract_strided_slice %mul3A_555 {offsets = [7], sizes = [1], strides = [1]} : vector<16xf32> to vector<1xf32>
      %squeeze3A_1037 = vector.extract %slice3A_1036[0] : f32 from vector<1xf32>
      %broadcast_in_dim3A_1038 = vector.broadcast %squeeze3A_1037 : f32 to vector<16xf32>
      %broadcast_in_dim3A_1039 = arith.constant 199 : i32
      %broadcast_in_dim3A_1040 = vector.broadcast %broadcast_in_dim3A_1039 : i32 to vector<16xi32>
      %get3A_1041 = arith.constant 199 : i32
      %get3A_1042 = arith.constant 0 : i32
      %get3A_1043 = arith.constant 0 : i32
      %get3A_1044 = tpu.memref_slice %arg6[%select_n3A_79, %get3A_1042, %get3A_1043] : memref<3x200x128xf32, #tpu.memory_space<vmem>> -> memref<1x200x128xf32, #tpu.memory_space<vmem>>
      %get3A_1045 = tpu.memref_squeeze %get3A_1044 : memref<1x200x128xf32, #tpu.memory_space<vmem>> -> memref<200x128xf32, #tpu.memory_space<vmem>>
      %get3A_1046 = arith.index_cast %get3A_1041 : i32 to index
      %get3A_1047 = arith.constant 0 : index
      %get3A_1048 = tpu.vector_load %get3A_1045[%get3A_1046, %get3A_1047] {strides = array<i32>} : memref<200x128xf32, #tpu.memory_space<vmem>>, vector<16xf32>,
      %get3A_1049 = arith.constant 199 : i32
      %get3A_1050 = arith.constant 0 : i32
      %get3A_1051 = arith.constant 0 : i32
      %get3A_1052 = tpu.memref_slice %arg6[%select_n3A_79, %get3A_1050, %get3A_1051] : memref<3x200x128xf32, #tpu.memory_space<vmem>> -> memref<1x200x128xf32, #tpu.memory_space<vmem>>
      %get3A_1053 = tpu.memref_squeeze %get3A_1052 : memref<1x200x128xf32, #tpu.memory_space<vmem>> -> memref<200x128xf32, #tpu.memory_space<vmem>>
      %get3A_1054 = arith.index_cast %get3A_1049 : i32 to index
      %get3A_1055 = arith.constant 16 : index
      %get3A_1056 = tpu.vector_load %get3A_1053[%get3A_1054, %get3A_1055] {strides = array<i32>} : memref<200x128xf32, #tpu.memory_space<vmem>>, vector<16xf32>,
      %get3A_1057 = arith.constant 199 : i32
      %get3A_1058 = arith.constant 0 : i32
      %get3A_1059 = arith.constant 0 : i32
      %get3A_1060 = tpu.memref_slice %arg6[%select_n3A_79, %get3A_1058, %get3A_1059] : memref<3x200x128xf32, #tpu.memory_space<vmem>> -> memref<1x200x128xf32, #tpu.memory_space<vmem>>
      %get3A_1061 = tpu.memref_squeeze %get3A_1060 : memref<1x200x128xf32, #tpu.memory_space<vmem>> -> memref<200x128xf32, #tpu.memory_space<vmem>>
      %get3A_1062 = arith.index_cast %get3A_1057 : i32 to index
      %get3A_1063 = arith.constant 32 : index
      %get3A_1064 = tpu.vector_load %get3A_1061[%get3A_1062, %get3A_1063] {strides = array<i32>} : memref<200x128xf32, #tpu.memory_space<vmem>>, vector<16xf32>,
      %get3A_1065 = arith.constant 199 : i32
      %get3A_1066 = arith.constant 0 : i32
      %get3A_1067 = arith.constant 0 : i32
      %get3A_1068 = tpu.memref_slice %arg6[%select_n3A_79, %get3A_1066, %get3A_1067] : memref<3x200x128xf32, #tpu.memory_space<vmem>> -> memref<1x200x128xf32, #tpu.memory_space<vmem>>
      %get3A_1069 = tpu.memref_squeeze %get3A_1068 : memref<1x200x128xf32, #tpu.memory_space<vmem>> -> memref<200x128xf32, #tpu.memory_space<vmem>>
      %get3A_1070 = arith.index_cast %get3A_1065 : i32 to index
      %get3A_1071 = arith.constant 48 : index
      %get3A_1072 = tpu.vector_load %get3A_1069[%get3A_1070, %get3A_1071] {strides = array<i32>} : memref<200x128xf32, #tpu.memory_space<vmem>>, vector<16xf32>,
      %add3A_1073 = arith.constant 1 : i32
      %add3A_1074 = vector.broadcast %add3A_1073 : i32 to vector<16xi32>
      %add3A_1075 = arith.addi %add3A_1074, %iota3A : vector<16xi32>
      %mul3A_1076 = arith.mulf %broadcast_in_dim3A_1038, %get3A_1048 : vector<16xf32>
      %scatter3A_1077 = arith.constant 0 : i32
      %scatter3A_1078 = arith.constant 0 : i32
      %scatter3A_1079 = tpu.memref_slice %arg6[%select_n3A_79, %scatter3A_1077, %scatter3A_1078] : memref<3x200x128xf32, #tpu.memory_space<vmem>> -> memref<1x200x128xf32, #tpu.memory_space<vmem>>
      %scatter3A_1080 = tpu.memref_squeeze %scatter3A_1079 : memref<1x200x128xf32, #tpu.memory_space<vmem>> -> memref<200x128xf32, #tpu.memory_space<vmem>>
      tpu.vector_store_idx %scatter3A_1080[%broadcast_in_dim3A_1040, %add3A_1075], %mul3A_1076 : memref<200x128xf32, #tpu.memory_space<vmem>>[vector<16xi32>, vector<16xi32>], vector<16xf32>,
      %add3A_1081 = arith.constant 17 : i32
      %add3A_1082 = vector.broadcast %add3A_1081 : i32 to vector<16xi32>
      %add3A_1083 = arith.addi %add3A_1082, %iota3A : vector<16xi32>
      %mul3A_1084 = arith.mulf %broadcast_in_dim3A_1038, %get3A_1056 : vector<16xf32>
      %scatter3A_1085 = arith.constant 0 : i32
      %scatter3A_1086 = arith.constant 0 : i32
      %scatter3A_1087 = tpu.memref_slice %arg6[%select_n3A_79, %scatter3A_1085, %scatter3A_1086] : memref<3x200x128xf32, #tpu.memory_space<vmem>> -> memref<1x200x128xf32, #tpu.memory_space<vmem>>
      %scatter3A_1088 = tpu.memref_squeeze %scatter3A_1087 : memref<1x200x128xf32, #tpu.memory_space<vmem>> -> memref<200x128xf32, #tpu.memory_space<vmem>>
      tpu.vector_store_idx %scatter3A_1088[%broadcast_in_dim3A_1040, %add3A_1083], %mul3A_1084 : memref<200x128xf32, #tpu.memory_space<vmem>>[vector<16xi32>, vector<16xi32>], vector<16xf32>,
      %add3A_1089 = arith.constant 33 : i32
      %add3A_1090 = vector.broadcast %add3A_1089 : i32 to vector<16xi32>
      %add3A_1091 = arith.addi %add3A_1090, %iota3A : vector<16xi32>
      %mul3A_1092 = arith.mulf %broadcast_in_dim3A_1038, %get3A_1064 : vector<16xf32>
      %scatter3A_1093 = arith.constant 0 : i32
      %scatter3A_1094 = arith.constant 0 : i32
      %scatter3A_1095 = tpu.memref_slice %arg6[%select_n3A_79, %scatter3A_1093, %scatter3A_1094] : memref<3x200x128xf32, #tpu.memory_space<vmem>> -> memref<1x200x128xf32, #tpu.memory_space<vmem>>
      %scatter3A_1096 = tpu.memref_squeeze %scatter3A_1095 : memref<1x200x128xf32, #tpu.memory_space<vmem>> -> memref<200x128xf32, #tpu.memory_space<vmem>>
      tpu.vector_store_idx %scatter3A_1096[%broadcast_in_dim3A_1040, %add3A_1091], %mul3A_1092 : memref<200x128xf32, #tpu.memory_space<vmem>>[vector<16xi32>, vector<16xi32>], vector<16xf32>,
      %add3A_1097 = arith.constant 49 : i32
      %add3A_1098 = vector.broadcast %add3A_1097 : i32 to vector<16xi32>
      %add3A_1099 = arith.addi %add3A_1098, %iota3A : vector<16xi32>
      %mul3A_1100 = arith.mulf %broadcast_in_dim3A_1038, %get3A_1072 : vector<16xf32>
      %scatter3A_1101 = arith.constant 0 : i32
      %scatter3A_1102 = arith.constant 0 : i32
      %scatter3A_1103 = tpu.memref_slice %arg6[%select_n3A_79, %scatter3A_1101, %scatter3A_1102] : memref<3x200x128xf32, #tpu.memory_space<vmem>> -> memref<1x200x128xf32, #tpu.memory_space<vmem>>
      %scatter3A_1104 = tpu.memref_squeeze %scatter3A_1103 : memref<1x200x128xf32, #tpu.memory_space<vmem>> -> memref<200x128xf32, #tpu.memory_space<vmem>>
      tpu.vector_store_idx %scatter3A_1104[%broadcast_in_dim3A_1040, %add3A_1099], %mul3A_1100 : memref<200x128xf32, #tpu.memory_space<vmem>>[vector<16xi32>, vector<16xi32>], vector<16xf32>,
      %add3A_1105 = arith.constant 192 : i32
      %add3A_1106 = vector.broadcast %add3A_1105 : i32 to vector<16xi32>
      %add3A_1107 = arith.addi %add3A_1106, %iota3A : vector<16xi32>
      %broadcast_in_dim3A_1108 = arith.constant 0 : i32
      %broadcast_in_dim3A_1109 = vector.broadcast %broadcast_in_dim3A_1108 : i32 to vector<16xi32>
      %lt3A_1110 = arith.constant 8 : i32
      %lt3A_1111 = vector.broadcast %lt3A_1110 : i32 to vector<16xi32>
      %lt3A_1112 = arith.cmpi slt, %iota3A, %lt3A_1111 : vector<16xi32>
      %scatter3A_1113 = arith.constant 0 : i32
      %scatter3A_1114 = arith.constant 0 : i32
      %scatter3A_1115 = tpu.memref_slice %arg6[%select_n3A_79, %scatter3A_1113, %scatter3A_1114] : memref<3x200x128xf32, #tpu.memory_space<vmem>> -> memref<1x200x128xf32, #tpu.memory_space<vmem>>
      %scatter3A_1116 = tpu.memref_squeeze %scatter3A_1115 : memref<1x200x128xf32, #tpu.memory_space<vmem>> -> memref<200x128xf32, #tpu.memory_space<vmem>>
      tpu.vector_store_idx %scatter3A_1116[%add3A_1107, %broadcast_in_dim3A_1109], %mul3A_550 masked %lt3A_1112 : memref<200x128xf32, #tpu.memory_space<vmem>>[vector<16xi32>, vector<16xi32>], vector<16xf32>, vector<16xi1>
      %add3A_1117 = arith.addi %mul3A_2, %scan3A_70 : i32
      %dma_start3A_1118 = arith.constant 0 : i32
      %dma_start3A_1119 = arith.constant 0 : i32
      %dma_start3A_1120 = tpu.memref_slice %arg6[%select_n3A_79, %dma_start3A_1118, %dma_start3A_1119] : memref<3x200x128xf32, #tpu.memory_space<vmem>> -> memref<1x200x128xf32, #tpu.memory_space<vmem>>
      %dma_start3A_1121 = tpu.memref_squeeze %dma_start3A_1120 : memref<1x200x128xf32, #tpu.memory_space<vmem>> -> memref<200x128xf32, #tpu.memory_space<vmem>>
      %dma_start3A_1122 = arith.constant 0 : i32
      %dma_start3A_1123 = arith.constant 0 : i32
      %dma_start3A_1124 = tpu.memref_slice %arg4[%add3A_1117, %dma_start3A_1122, %dma_start3A_1123] : memref<4096x200x128xf32, #tpu.memory_space<hbm>> -> memref<1x200x128xf32, #tpu.memory_space<hbm>>
      %dma_start3A_1125 = tpu.memref_squeeze %dma_start3A_1124 : memref<1x200x128xf32, #tpu.memory_space<hbm>> -> memref<200x128xf32, #tpu.memory_space<hbm>>
      %dma_start3A_1126 = arith.constant 0 : i32
      %dma_start3A_1127 = arith.constant 0 : i32
      %dma_start3A_1128 = tpu.memref_slice %arg4[%add3A_1117, %dma_start3A_1126, %dma_start3A_1127] : memref<4096x200x128xf32, #tpu.memory_space<hbm>> -> memref<1x200x128xf32, #tpu.memory_space<hbm>>
      %dma_start3A_1129 = tpu.memref_squeeze %dma_start3A_1128 : memref<1x200x128xf32, #tpu.memory_space<hbm>> -> memref<200x128xf32, #tpu.memory_space<hbm>>
      %dma_start3A_1130 = arith.constant 0 : i32
      %dma_start3A_1131 = arith.constant 0 : i32
      %dma_start3A_1132 = tpu.memref_slice %arg6[%select_n3A_79, %dma_start3A_1130, %dma_start3A_1131] : memref<3x200x128xf32, #tpu.memory_space<vmem>> -> memref<1x200x128xf32, #tpu.memory_space<vmem>>
      %dma_start3A_1133 = tpu.memref_squeeze %dma_start3A_1132 : memref<1x200x128xf32, #tpu.memory_space<vmem>> -> memref<200x128xf32, #tpu.memory_space<vmem>>
      tpu.enqueue_dma source(%dma_start3A_1133 : memref<200x128xf32, #tpu.memory_space<vmem>>) target(%dma_start3A_1129 : memref<200x128xf32, #tpu.memory_space<hbm>>) target_semaphore(%arg10 : memref<!tpu.dma_semaphore, #tpu.memory_space<semaphore_mem>>)
    }
    %scan3A_32 = arith.constant 128 : i32
    %add3A_33 = arith.constant 126 : i32
    %add3A_34 = arith.addi %mul3A_2, %add3A_33 : i32
    %dma_wait3A = arith.constant 0 : i32
    %dma_wait3A_35 = arith.constant 0 : i32
    %dma_wait3A_36 = arith.constant 0 : i32
    %dma_wait3A_37 = tpu.memref_slice %arg6[%dma_wait3A, %dma_wait3A_35, %dma_wait3A_36] : memref<3x200x128xf32, #tpu.memory_space<vmem>> -> memref<1x200x128xf32, #tpu.memory_space<vmem>>
    %dma_wait3A_38 = tpu.memref_squeeze %dma_wait3A_37 : memref<1x200x128xf32, #tpu.memory_space<vmem>> -> memref<200x128xf32, #tpu.memory_space<vmem>>
    %dma_wait3A_39 = arith.constant 0 : i32
    %dma_wait3A_40 = arith.constant 0 : i32
    %dma_wait3A_41 = tpu.memref_slice %arg4[%add3A_34, %dma_wait3A_39, %dma_wait3A_40] : memref<4096x200x128xf32, #tpu.memory_space<hbm>> -> memref<1x200x128xf32, #tpu.memory_space<hbm>>
    %dma_wait3A_42 = tpu.memref_squeeze %dma_wait3A_41 : memref<1x200x128xf32, #tpu.memory_space<hbm>> -> memref<200x128xf32, #tpu.memory_space<hbm>>
    %dma_wait3A_43 = arith.constant 0 : i32
    %dma_wait3A_44 = arith.constant 0 : i32
    %dma_wait3A_45 = tpu.memref_slice %arg4[%add3A_34, %dma_wait3A_43, %dma_wait3A_44] : memref<4096x200x128xf32, #tpu.memory_space<hbm>> -> memref<1x200x128xf32, #tpu.memory_space<hbm>>
    %dma_wait3A_46 = tpu.memref_squeeze %dma_wait3A_45 : memref<1x200x128xf32, #tpu.memory_space<hbm>> -> memref<200x128xf32, #tpu.memory_space<hbm>>
    %dma_wait3A_47 = arith.constant 0 : i32
    %dma_wait3A_48 = arith.constant 0 : i32
    %dma_wait3A_49 = tpu.memref_slice %arg6[%dma_wait3A, %dma_wait3A_47, %dma_wait3A_48] : memref<3x200x128xf32, #tpu.memory_space<vmem>> -> memref<1x200x128xf32, #tpu.memory_space<vmem>>
    %dma_wait3A_50 = tpu.memref_squeeze %dma_wait3A_49 : memref<1x200x128xf32, #tpu.memory_space<vmem>> -> memref<200x128xf32, #tpu.memory_space<vmem>>
    tpu.wait_dma2 semaphore(%arg10 : memref<!tpu.dma_semaphore, #tpu.memory_space<semaphore_mem>>) src(%dma_wait3A_50 : memref<200x128xf32, #tpu.memory_space<vmem>>) dst(%dma_wait3A_46 : memref<200x128xf32, #tpu.memory_space<hbm>>)
    %add3A_51 = arith.constant 127 : i32
    %add3A_52 = arith.addi %mul3A_2, %add3A_51 : i32
    %dma_wait3A_53 = arith.constant 1 : i32
    %dma_wait3A_54 = arith.constant 0 : i32
    %dma_wait3A_55 = arith.constant 0 : i32
    %dma_wait3A_56 = tpu.memref_slice %arg6[%dma_wait3A_53, %dma_wait3A_54, %dma_wait3A_55] : memref<3x200x128xf32, #tpu.memory_space<vmem>> -> memref<1x200x128xf32, #tpu.memory_space<vmem>>
    %dma_wait3A_57 = tpu.memref_squeeze %dma_wait3A_56 : memref<1x200x128xf32, #tpu.memory_space<vmem>> -> memref<200x128xf32, #tpu.memory_space<vmem>>
    %dma_wait3A_58 = arith.constant 0 : i32
    %dma_wait3A_59 = arith.constant 0 : i32
    %dma_wait3A_60 = tpu.memref_slice %arg4[%add3A_52, %dma_wait3A_58, %dma_wait3A_59] : memref<4096x200x128xf32, #tpu.memory_space<hbm>> -> memref<1x200x128xf32, #tpu.memory_space<hbm>>
    %dma_wait3A_61 = tpu.memref_squeeze %dma_wait3A_60 : memref<1x200x128xf32, #tpu.memory_space<hbm>> -> memref<200x128xf32, #tpu.memory_space<hbm>>
    %dma_wait3A_62 = arith.constant 0 : i32
    %dma_wait3A_63 = arith.constant 0 : i32
    %dma_wait3A_64 = tpu.memref_slice %arg4[%add3A_52, %dma_wait3A_62, %dma_wait3A_63] : memref<4096x200x128xf32, #tpu.memory_space<hbm>> -> memref<1x200x128xf32, #tpu.memory_space<hbm>>
    %dma_wait3A_65 = tpu.memref_squeeze %dma_wait3A_64 : memref<1x200x128xf32, #tpu.memory_space<hbm>> -> memref<200x128xf32, #tpu.memory_space<hbm>>
    %dma_wait3A_66 = arith.constant 0 : i32
    %dma_wait3A_67 = arith.constant 0 : i32
    %dma_wait3A_68 = tpu.memref_slice %arg6[%dma_wait3A_53, %dma_wait3A_66, %dma_wait3A_67] : memref<3x200x128xf32, #tpu.memory_space<vmem>> -> memref<1x200x128xf32, #tpu.memory_space<vmem>>
    %dma_wait3A_69 = tpu.memref_squeeze %dma_wait3A_68 : memref<1x200x128xf32, #tpu.memory_space<vmem>> -> memref<200x128xf32, #tpu.memory_space<vmem>>
    tpu.wait_dma2 semaphore(%arg10 : memref<!tpu.dma_semaphore, #tpu.memory_space<semaphore_mem>>) src(%dma_wait3A_69 : memref<200x128xf32, #tpu.memory_space<vmem>>) dst(%dma_wait3A_65 : memref<200x128xf32, #tpu.memory_space<hbm>>)
    return
  }
}

</mosaic_0001>

<sc_bundles>
// kernel: kernel.3.cloned.1.call-start
scs
__scs_entry_jumppad:
0x0: {  	(pc) =	sbr.rel $0x88, $3  }
0x1: {  	(tag) =	ssettag $0x0;
	lr =	simm.s32 $0x1  }
0x2: {  	[smem:$0x3F9F] =	sst lr;
	_ =	strace $0xD0000000  }
0x3: {  	_ = 	snop  }
0x4: {  	_ = 	snop  }
0x5: {  	_ = 	snop  }
0x6: {  	_ = 	snop  }
0x7: {  	_ = 	snop  }
__scs_overlays_trampoline_lowered:
0x8: {  	[smem:$0x3FAE] =	sst s0  }
0x9: {  	[smem:$0x3FAF] =	sst s1  }
0xa: {  	[smem:$0x3FB0] =	sst s2  }
0xb: {  	[smem:$0x3FB1] =	sst s3  }
0xc: {  	[smem:$0x3FB2] =	sst s4  }
0xd: {  	[smem:$0x3FB3] =	sst s5  }
0xe: {  	[smem:$0x3FB4] =	sst s6  }
0xf: {  	[smem:$0x3FB5] =	sst s7  }
0x10: {  	[smem:$0x3FB6] =	sst s8  }
0x11: {  	[smem:$0x3FB7] =	sst s9;
	s0 =	simm.s32 @!p0 $0x0  }
0x12: {  	s1 =	sld [smem:$0x3F9D];
	s0 =	simm.s32 @p0 $0x1  }
0x13: {  	[smem:$0x3FB8] =	sst s0;
	s0 =	simm.s32 @!p1 $0x0  }
0x14: {  	s2 =	sld [smem:$0x3F9C];
	s0 =	simm.s32 @p1 $0x1  }
0x15: {  	[smem:$0x3FB9] =	sst s0;
	s0 =	simm.s32 @!p2 $0x0  }
0x16: {  	s3 =	sld [smem:$0x3FDB];
	s0 =	simm.s32 @p2 $0x1  }
0x17: {  	s4 =	simm.s32 $0x1BF5;
	[smem:$0x3FBB] =	sst s0  }
0x18: {  	s0 =	sld [smem:$0x3F9E];
	_ =	swait.ge [sflag:s4], $0x0  }
0x19: {  	s7 =	sld [smem:$0x3F9F]  }
0x1a: {  	s8 =	sadd.s32 $0xFFFFE003, lr  }
0x1b: {  	s9 =	sadd.s32 $0xFFFFFEF7, lr;
	s5 =	simm.s32 $0xFFFFFFFF;
	p2 =	slt.u32 s8, $0xFFFFF086  }
0x1c: {  	p1 =	slt.u32 s9, $0xF7A;
	s5 =	simm.s32 @!p2 $0x0  }
0x1d: {  	s5 =	simm.s32 @p1 $0x1;
	p0 =	seq.s32 s7, s2  }
0x1e: {  	s7 =	smul.u32 @!p0 $0xF7A, s2;
	p2 =	seq.s32 @!p0 s5, $0x0  }
0x1f: {  	s9 =	smul.u32 $0xF7A, s1;
	s8 =	simm.s32 @!p0 $0x1BF5;
	p2 =	por !p2, p0  }
0x20: {  	[sflag:s8] =	ssyncset.s32 @!p0 $0xFFFFF086;
	s6 =	sadd.s32 @!p0 s3, s7;
	s7 =	simm.s32 @!p0 $0x108  }
0x21: {  	s3 =	sadd.s32 s3, s9;
	s6 =	sadd.s32 @!p0 $0x88, s6;
	s7 =	simm.s32 @p2 $0x1082  }
0x22: {  	[simem:s7], [sflag:s8] =	dma.local @!p0 [hbm:s6], $0xF7A  }
0x23: {  	s9 =	sor.u32 $0xD0000000, s2;
	s6 =	simm.s32 $0x108;
	_ =	swait.ge @!p0 [sflag:s8], $0x0  }
0x24: {  	s3 =	sadd.s32 $0x88, s3;
	s6 =	simm.s32 @!p1 $0x1082;
	[sflag:s4] =	ssyncset.s32 $0xFFFFF086  }
0x25: {  	[simem:s6], [sflag:s4] =	dma.local [hbm:s3], $0xF7A  }
0x26: {  	[smem:$0x3F9F] =	sst s1;
	(tag) =	ssettag s2;
	_ =	strace s9  }
0x27: {  	s1 =	sld [smem:$0x3FAF]  }
0x28: {  	s2 =	sld [smem:$0x3FB0]  }
0x29: {  	s4 =	sld [smem:$0x3FB2]  }
0x2a: {  	p0 =	seq.s32 s5, $0x0;
	s5 =	sld [smem:$0x3FB3]  }
0x2b: {  	s6 =	sld [smem:$0x3FB4]  }
0x2c: {  	s7 =	sld [smem:$0x3FB5]  }
0x2d: {  	s3 =	simm.s32 $0x108;
	s8 =	sld [smem:$0x3FB6]  }
0x2e: {  	s3 =	simm.s32 @!p0 $0x1082;
	s9 =	sld [smem:$0x3FB7]  }
0x2f: {  	lr =	sadd.s32 s0, s3;
	s0 =	sld [smem:$0x3FAE]  }
0x30: {  	s3 =	sld [smem:$0x3FB1]  }
0x31: {  	[smem:$0x3FBA] =	sst s10  }
0x32: {  	s10 =	sld [smem:$0x3FB8];
	_ =	sdelay $0x3  }
0x33: {  	p0 =	seq.s32 s10, $0x1;
	s10 =	sld [smem:$0x3FBA];
	_ =	sdelay $0x3  }
0x34: {  	[smem:$0x3FBA] =	sst s10  }
0x35: {  	s10 =	sld [smem:$0x3FB9];
	_ =	sdelay $0x3  }
0x36: {  	p1 =	seq.s32 s10, $0x1;
	s10 =	sld [smem:$0x3FBA];
	_ =	sdelay $0x3  }
0x37: {  	[smem:$0x3FBA] =	sst s10  }
0x38: {  	s10 =	sld [smem:$0x3FBB]  }
0x39: {  	_ = 	snop;
	(pc) =	sbr.ind lr, $3  }
0x3a: {  	_ = 	snop  }
0x3b: {  	_ = 	snop  }
0x3c: {  	p2 =	seq.s32 s10, $0x1;
	s10 =	sld [smem:$0x3FBA]  }
0x3d: {  	_ =	shalt  }
0x3e: {  	_ =	shalt  }
0x3f: {  	_ =	shalt  }
0x40: {  	_ =	shalt  }
0x41: {  	_ =	shalt  }
0x42: {  	_ =	shalt  }
0x43: {  	_ =	shalt  }
0x44: {  	_ =	shalt  }
0x45: {  	_ =	shalt  }
0x46: {  	_ =	shalt  }
0x47: {  	_ =	shalt  }
0x48: {  	_ =	shalt  }
0x49: {  	_ =	shalt  }
0x4a: {  	_ =	shalt  }
0x4b: {  	_ =	shalt  }
0x4c: {  	_ =	shalt  }
0x4d: {  	_ =	shalt  }
0x4e: {  	_ =	shalt  }
0x4f: {  	_ =	shalt  }
0x50: {  	_ =	shalt  }
0x51: {  	_ =	shalt  }
0x52: {  	_ =	shalt  }
0x53: {  	_ =	shalt  }
0x54: {  	_ =	shalt  }
0x55: {  	_ =	shalt  }
0x56: {  	_ =	shalt  }
0x57: {  	_ =	shalt  }
0x58: {  	_ =	shalt  }
0x59: {  	_ =	shalt  }
0x5a: {  	_ =	shalt  }
0x5b: {  	_ =	shalt  }
0x5c: {  	_ =	shalt  }
0x5d: {  	_ =	shalt  }
0x5e: {  	_ =	shalt  }
0x5f: {  	_ =	shalt  }
0x60: {  	_ =	shalt  }
0x61: {  	_ =	shalt  }
0x62: {  	_ =	shalt  }
0x63: {  	_ =	shalt  }
0x64: {  	_ =	shalt  }
0x65: {  	_ =	shalt  }
0x66: {  	_ =	shalt  }
0x67: {  	_ =	shalt  }
0x68: {  	_ =	shalt  }
0x69: {  	_ =	shalt  }
0x6a: {  	_ =	shalt  }
0x6b: {  	_ =	shalt  }
0x6c: {  	_ =	shalt  }
0x6d: {  	_ =	shalt  }
0x6e: {  	_ =	shalt  }
0x6f: {  	_ =	shalt  }
0x70: {  	_ =	shalt  }
0x71: {  	_ =	shalt  }
0x72: {  	_ =	shalt  }
0x73: {  	_ =	shalt  }
0x74: {  	_ =	shalt  }
0x75: {  	_ =	shalt  }
0x76: {  	_ =	shalt  }
0x77: {  	_ =	shalt  }
0x78: {  	_ =	shalt  }
0x79: {  	_ =	shalt  }
0x7a: {  	_ =	shalt  }
0x7b: {  	_ =	shalt  }
0x7c: {  	_ =	shalt  }
0x7d: {  	_ =	shalt  }
0x7e: {  	_ =	shalt  }
0x7f: {  	_ =	shalt  }
0x80: {  	_ =	shalt  }
0x81: {  	_ =	shalt  }
0x82: {  	_ =	shalt  }
0x83: {  	_ =	shalt  }
0x84: {  	_ =	shalt  }
0x85: {  	_ =	shalt  }
0x86: {  	_ =	shalt  }
0x87: {  	_ =	shalt  }
.Lfunc_end0:
.L_simem_size_0:
called_computation.1_lowered:
.L_overlay_start_0:
0x88: {  	s2 =	sld [smem:$0x3FD9]  }
0x89: {  	s3 =	sld [smem:$0x3FFE];
	_ =	sdelay $0x1  }
0x8a: {  	s1 =	srdreg.scid  }
0x8b: {  	s0 =	sand.u32 $0x1, s1  }
0x8c: {  	s17 =	sshll.u32 s0, $0xA;
	s2 =	sadd.s32 s3, s2  }
0x8d: {  	s2 =	sadd.s32 s2, s17  }
0x8e: {  	[smem:$0x3FC6] =	sst s2  }
0x8f: {  	_ = 	snop  }
0x90: {  	s2 =	sld [smem:$0x3FD0];
	(tm) =	ssettm $0x1  }
0x91: {  	s18 =	sld [smem:$0x3FFB];
	_ =	sdelay $0x3  }
0x92: {  	_ =	strace s18  }
0x93: {  	s3 =	sld [smem:$0x3FFC];
	_ =	sdelay $0x3  }
0x94: {  	_ =	strace s3  }
0x95: {  	s3 =	sld [smem:$0x3FFD];
	_ =	sdelay $0x3  }
0x96: {  	_ =	strace s3  }
0x97: {  	_ =	strace $0x8FFFFFFF  }
0x98: {  	s19 =	sld [smem:$0x3FDB];
	_ =	sdelay $0x1  }
0x99: {  	s4 =	simm.s32 $_scs_section_size  }
0x9a: {  	s5 =	simm.s32 $_size__tile_overlayer_lowered;
	s6 =	simm.s32 $_tile_overlayer_lowered  }
0x9b: {  	s22 =	simm.s32 $0x1BFF;
	s21 =	sshll.u32 s6, $0x1;
	s3 =	sadd.s32 s4, s19  }
0x9c: {  	s7 =	simm.s32 $0x0;
	s20 =	sshll.u32 s5, $0x1;
	s5 =	sadd.s32 s21, s3  }
0x9d: {  	[timem:s7], [sflag:s22] =	dma.local [hbm:s5], s20  }
0x9e: {  	_ =	swait.ge [sflag:s22], s20  }
0x9f: {  	s4 =	ssub.s32 $0x0, s20;
	[sflag:s22] =	ssyncset.done $0x0  }
0xa0: {  	[sflag:s22] =	ssyncadd.s32 s4;
	_ =	sdelay $0x1  }
0xa1: {  	s23 =	simm.s32 $0x1B8B  }
0xa2: {  	_ =	swait.ge [sflag:s23], $0x1  }
0xa3: {  	[sflag:s23] =	ssyncset.done $0x0  }
0xa4: {  	s25 =	simm.s32 $0x1B8E;
	s24 =	sld [smem:$0x3FFE];
	[sflag:s23] =	ssyncadd.s32 $0xFFFFFFFF  }
0xa5: {  	s26 =	simm.s32 $execute0_lowered;
	[smem:$0x3FD2] =	sst s25  }
0xa6: {  	s5 =	sshll.u32 s26, $0x1;
	_ =	strace $0x80000046;
	[dreg:$0x1] =	wrdreg $0xFFFFFFFF  }
0xa7: {  	s28 =	simm.s32 $_size_execute0_lowered;
	s3 =	sadd.s32 s3, s5;
	[dreg:$0x0] =	wrdreg $0x0  }
0xa8: {  	s5 =	sshll.u32 s28, $0x1;
	[dreg:$0x2] =	wrdreg s3  }
0xa9: {  	[dreg:$0x3] =	wrdreg s5  }
0xaa: {  	[dreg:$0x4] =	wrdreg $0xC0  }
0xab: {  	_ =	task [dreg:s7], $0x5FFFF  }
0xac: {  	[dreg:$0x1] =	wrdreg $0xFFFFFFFF  }
0xad: {  	[dreg:$0x0] =	wrdreg $0x60  }
0xae: {  	[dreg:$0x2] =	wrdreg s2  }
0xaf: {  	[dreg:$0x3] =	wrdreg s24  }
0xb0: {  	[dreg:$0x4] =	wrdreg $0x9  }
0xb1: {  	_ =	task.clear_ibuf [dreg:s7], $0x5FFFF;
	_ =	strace $0x90000046  }
0xb2: {  	s29 =	simm.s32 $0x9;
	_ =	strace $0x80000048  }
0xb3: {  	_ =	swait.ge [sflag:s29], $0x1  }
0xb4: {  	[sflag:s29] =	ssyncadd.s32 $0xFFFFFFFF  }
0xb5: {  	_ =	strace $0x90000048  }
0xb6: {  	_ =	sfence  }
0xb7: {  	s30 =	sld [smem:$0x0];
	_ =	sdelay $0x2  }
0xb8: {  	s31 =	sshll.u32 s1, $0xD;
	s1 =	sshrl.u32 s1, $0x2  }
0xb9: {  	s3 =	sand.u32 $0x4000, s31;
	s1 =	sadd.s32 s1, s30  }
0xba: {  	s0 =	sor.u32 s3, s0;
	s1 =	sshll.u32 s1, $0x11  }
0xbb: {  	s0 =	sor.u32 s1, s0  }
0xbc: {  	s0 =	sadd.s32 $0x8F2B, s0  }
0xbd: {  	[sflag:s0] =	ssyncadd.remote.s32 $0x1  }
0xbe: {  	_ =	sfence.sel $0xFFFF  }
0xbf: {  	[dreg:$0x0] =	wrdreg $0xFFFFFFFF;
	(pc) =	sbr.abs _section_cstart, $3  }
0xc0: {  	[dreg:$0x1] =	wrdreg $0xFFFFFFFF  }
0xc1: {  	_ =	task.clear_ibuf [dreg:s7], $0x2FFFF;
	_ =	strace $0x9FFFFFFF  }
0xc2: {  	(tm) =	ssettm $0x7FFFFFFF  }
0xc3: {  	_ =	shalt  }
tec
execute0_lowered:
.L_overlay_start_1:
0x0: {  	(tag) =	ssettag $0x1  }
0x1: {  	s0 =	rddreg [dreg:$0x0]  }
0x2: {  	s1 =	rddreg [dreg:$0x1];
	s2 =	srdreg.scid  }
0x3: {  	s3 =	stileid.u32;
	s4 =	simm.s32 $0x0;
	vm0 =	vmmov $0x1;
	s2 =	sand.u32 $0x1, s2  }
0x4: {  	vm1 =	vcmask $0x704;
	vm2 =	vcmask $0xB08;
	vm3 =	vcmask $0xF0C;
	s3 =	sshll.u32 s3, $0x1;
	[smem:$0x7FF] =	sst s4;
	s5 =	sadd.s32 $0xF42E00, s1  }
0x5: {  	vm4 =	vcmask $0x1310;
	vm5 =	vcmask $0x1714;
	vm6 =	vcmask $0x1B18;
	s1 =	sadd.s32 $0xA00, s1;
	s3 =	sor.u32 s2, s3;
	_ =	strace $0x80000047  }
0x6: {  	vm7 =	vcmask $0x1F1C;
	vm8 =	vcmask $0x2320;
	vm9 =	vcmask $0x2724;
	s2 =	ssub.s32 $0x2, s2;
	[dreg:$0x3] =	wrdreg s5;
	s28 =	smul.u32 $0xD00, s3  }
0x7: {  	vm10 =	vcmask $0x2B28;
	vm11 =	vcmask $0x2F2C;
	vm12 =	vcmask $0x3330;
	[dreg:$0x4] =	wrdreg s1;
	s29 =	sshrl.u32 s2, $0x1;
	s30 =	sshll.u32 s3, $0x7  }
0x8: {  	vm13 =	vcmask $0x3734;
	vm14 =	vcmask $0x3B38;
	v0 =	vlaneseq.u32;
	s1 =	ssub.s32 s2, s29;
	[dreg:$0x5] =	wrdreg s30;
	s0 =	sadd.s32 s0, s28  }
0x9: {  	vm15 =	vmmov $0x7fff;
	v1 =	vmul.u32 $0x80, v0;
	v2 =	vadd.s32 $0x1, v0;
	s31 =	smax.u32 s1, $0x1;
	[dreg:$0x6] =	wrdreg s0  }
0xa: {  	v3 =	vadd.s32 $0x11, v0;
	v4 =	vadd.s32 $0x21, v0;
	v5 =	vadd.s32 $0x31, v0;
	s2 =	simm.s32 $0x0;
	[dreg:$0x7] =	wrdreg s31  }
.LBB2_1:
0xb: {  	[dreg:$0x8] =	wrdreg s2  }
0xc: {  	s0 =	simm.s32 $0x0;
	s1 =	rddreg [dreg:$0x6];
	s26 =	simm.s32 $0x5  }
0xd: {  	[tilespmem:s0], [sflag:$0x5] =	stream.linear.gather [hbm4b:s1+s0], $0x6800, $0x38;
	[tilespmem:$0x19400] =	vst v63  }
0xe: {  	_ =	swait.ge [sflag:s26], $0x6800  }
0xf: {  	s29 =	simm.s32 $0x64;
	[sflag:s26] =	ssyncset.done $0x0  }
0x10: {  	s3 =	simm.s32 $0x6800;
	s28 =	rddreg [dreg:$0x3];
	[sflag:s26] =	ssyncadd.s32 $0xFFFF9800  }
0x11: {  	[tilespmem:s3], [sflag:$0x1] =	stream.indirect.gather [hbm4b:s28+s29], $0x80, s0, s29, $0xb8;
	[tilespmem:$0x19400] =	vst v63  }
0x12: {  	s30 =	simm.s32 $0x68;
	s31 =	simm.s32 $0x9A00;
	s6 =	simm.s32 $0x0  }
0x13: {  	[tilespmem:s31], [sflag:$0x1] =	stream.indirect.gather [hbm4b:s28+s29], $0x80, s30, s29, $0xb8;
	[tilespmem:$0x19400] =	vst v63  }
.LBB2_2:
0x14: {  	s0 =	smul.u32 $0xAB, s6;
	_ =	sdelay $0x1  }
0x15: {  	s0 =	sshrl.u32 s0, $0x9  }
0x16: {  	s0 =	sand.u32 $0x7F, s0  }
0x17: {  	s0 =	smul.u32 $0x3, s0;
	_ =	sdelay $0x1  }
0x18: {  	s0 =	ssub.s32 s6, s0  }
0x19: {  	s0 =	sand.u32 $0xFF, s0  }
0x1a: {  	p0 =	seq.s32 s0, $0x0  }
0x1b: {  	p1 =	seq.s32 @!p0 s0, $0x2  }
0x1c: {  	p1 =	por !p1, p0  }
0x1d: {  	s1 =	simm.s32 @!p1 $0x3  }
0x1e: {  	s1 =	simm.s32 @p1 $0x2  }
0x1f: {  	s1 =	simm.s32 @p0 $0x1  }
0x20: {  	_ =	swait.ge [sflag:s1], $0x3200  }
0x21: {  	p0 =	slt.u32 s6, $0x2;
	[sflag:s1] =	ssyncset.done $0x0  }
0x22: {  	p1 =	seq.s32 @!p0 s6, $0x7F;
	[sflag:s1] =	ssyncadd.s32 $0xFFFFCE00  }
0x23: {  	p1 =	por p0, !p1;
	_ =	swait.ge [sflag:s1], $0x3200  }
.Ltmp0:
0x24: {  	[sflag:s1] =	ssyncset.done $0x0;
	(pc) =	sbr.rel @!p1 .LBB2_6-.Ltmp0, $4  }
0x25: {  	[sflag:s1] =	ssyncadd.s32 $0xFFFFCE00;
	s1 =	simm.s32 @!p0 $0x4  }
0x26: {  	_ =	swait.ge @!p0 [sflag:s1], $0x6400  }
0x27: {  	[sflag:s1] =	ssyncset.done @!p0 $0x0  }
0x28: {  	s7 =	simm.s32 @!p0 $0x80;
	[sflag:s1] =	ssyncadd.s32 @!p0 $0xFFFF9C00  }
0x29: {  	s7 =	sadd.s32 $0x1, s6  }
0x2a: {  	s1 =	smul.u32 $0xAB, s7;
	_ =	sdelay $0x1  }
0x2b: {  	s1 =	sshrl.u32 s1, $0x9  }
0x2c: {  	s1 =	sand.u32 $0x7F, s1  }
0x2d: {  	s1 =	smul.u32 $0x3, s1;
	_ =	sdelay $0x1  }
0x2e: {  	s1 =	ssub.s32 s7, s1  }
0x2f: {  	s3 =	sand.u32 $0xFF, s1  }
0x30: {  	p0 =	seq.s32 s3, $0x2  }
.Ltmp1:
0x31: {  	_ = 	snop;
	(pc) =	sbr.rel @p0 .LBB2_5-.Ltmp1, $3  }
0x32: {  	s2 =	smul.u32 $0x340, s7;
	_ =	sdelay $0x1  }
0x33: {  	s2 =	sshra.s32 s2, $0x2  }
0x34: {  	s1 =	sadd.s32 $0x68, s2  }
0x35: {  	p0 =	seq.s32 s3, $0x1  }
0x36: {  	s3 =	rddreg [dreg:$0x3];
	s4 =	simm.s32 $0x64;
	s5 =	simm.s32 @p0 $0xCC00  }
0x37: {  	[tilespmem:s5], [sflag:$0x2] =	stream.indirect.gather @p0 [hbm4b:s3+s4], $0x80, s2, s4, $0xb8;
	[tilespmem:$0x19400] =	vst v63  }
0x38: {  	s2 =	simm.s32 @p0 $0xFE00  }
0x39: {  	[tilespmem:s2], [sflag:$0x2] =	stream.indirect.gather @p0 [hbm4b:s3+s4], $0x80, s1, s4, $0xb8;
	[tilespmem:$0x19400] =	vst v63  }
.Ltmp2:
0x3a: {  	_ = 	snop;
	(pc) =	sbr.rel .LBB2_6-.Ltmp2, $4  }
0x3b: {  	s5 =	simm.s32 @!p0 $0x6800  }
0x3c: {  	[tilespmem:s5], [sflag:$0x1] =	stream.indirect.gather @!p0 [hbm4b:s3+s4], $0x80, s2, s4, $0xb8;
	[tilespmem:$0x19400] =	vst v63  }
0x3d: {  	s2 =	simm.s32 @!p0 $0x9A00  }
0x3e: {  	[tilespmem:s2], [sflag:$0x1] =	stream.indirect.gather @!p0 [hbm4b:s3+s4], $0x80, s1, s4, $0xb8;
	[tilespmem:$0x19400] =	vst v63  }
.LBB2_5:
0x3f: {  	s3 =	rddreg [dreg:$0x3];
	s4 =	simm.s32 $0x64;
	s5 =	simm.s32 $0x13000  }
0x40: {  	[tilespmem:s5], [sflag:$0x3] =	stream.indirect.gather [hbm4b:s3+s4], $0x80, s2, s4, $0xb8;
	[tilespmem:$0x19400] =	vst v63  }
0x41: {  	s31 =	simm.s32 $0x16200  }
0x42: {  	[tilespmem:s31], [sflag:$0x3] =	stream.indirect.gather [hbm4b:s3+s4], $0x80, s1, s4, $0xb8;
	[tilespmem:$0x19400] =	vst v63  }
.LBB2_6:
0x43: {  	s0 =	smul.u32 $0x19000, s0;
	_ =	sdelay $0x1  }
0x44: {  	s0 =	sshrl.u32 s0, $0x2  }
0x45: {  	s21 =	sadd.s32 $0x6800, s0  }
0x46: {  	[dreg:$0xa] =	wrdreg s7;
	v6 =	vmov s21  }
0x47: {  	[dreg:$0x9] =	wrdreg s6  }
0x48: {  	[dreg:$0xb] =	wrdreg s0;
	s0 =	simm.s32 $0x0  }
.LBB2_7:
0x49: {  	s2 =	sshll.u32 s0, $0xB  }
0x4a: {  	s13 =	sand.u32 $0x3FFFF800, s2  }
0x4b: {  	v10 =	vld.idx.msk [tilespmem:v6+s13+$0x0 ss:$0x1], $0xffff  }
0x4c: {  	v9 =	vld.idx.msk [tilespmem:v6+s13+$0x10 ss:$0x1], $0xffff  }
0x4d: {  	s3 =	sor.u32 $0x80, s2;
	v8 =	vld.idx.msk [tilespmem:v6+s13+$0x20 ss:$0x1], $0xffff  }
0x4e: {  	v7 =	vld.idx.msk [tilespmem:v6+s13+$0x30 ss:$0x1], $0xffff;
	s9 =	sand.u32 $0x3FFFF880, s3  }
0x4f: {  	v11 =	vld.idx.msk [tilespmem:v6+s9+$0x0 ss:$0x1], $0xffff  }
0x50: {  	v12 =	vld.idx.msk [tilespmem:v6+s9+$0x10 ss:$0x1], $0xffff  }
0x51: {  	s14 =	sor.u32 $0x100, s2;
	v13 =	vld.idx.msk [tilespmem:v6+s9+$0x20 ss:$0x1], $0xffff  }
0x52: {  	s11 =	sand.u32 $0x3FFFF900, s14;
	v14 =	vld.idx.msk [tilespmem:v6+s9+$0x30 ss:$0x1], $0xffff  }
0x53: {  	v15 =	vld.idx.msk [tilespmem:v6+s11+$0x0 ss:$0x1], $0xffff  }
0x54: {  	v16 =	vld.idx.msk [tilespmem:v6+s11+$0x10 ss:$0x1], $0xffff  }
0x55: {  	s15 =	sor.u32 $0x180, s2;
	v17 =	vld.idx.msk [tilespmem:v6+s11+$0x20 ss:$0x1], $0xffff  }
0x56: {  	s17 =	sand.u32 $0x3FFFF980, s15;
	v18 =	vld.idx.msk [tilespmem:v6+s11+$0x30 ss:$0x1], $0xffff  }
0x57: {  	v19 =	vld.idx.msk [tilespmem:v6+s17+$0x0 ss:$0x1], $0xffff  }
0x58: {  	v20 =	vld.idx.msk [tilespmem:v6+s17+$0x10 ss:$0x1], $0xffff  }
0x59: {  	s16 =	sor.u32 $0x200, s2;
	v21 =	vld.idx.msk [tilespmem:v6+s17+$0x20 ss:$0x1], $0xffff  }
0x5a: {  	s29 =	sand.u32 $0x3FFFFA00, s16;
	v22 =	vld.idx.msk [tilespmem:v6+s17+$0x30 ss:$0x1], $0xffff  }
0x5b: {  	v23 =	vld.idx.msk [tilespmem:v6+s29+$0x0 ss:$0x1], $0xffff  }
0x5c: {  	v24 =	vld.idx.msk [tilespmem:v6+s29+$0x10 ss:$0x1], $0xffff  }
0x5d: {  	s18 =	sor.u32 $0x280, s2;
	v25 =	vld.idx.msk [tilespmem:v6+s29+$0x20 ss:$0x1], $0xffff  }
0x5e: {  	s25 =	sand.u32 $0x3FFFFA80, s18;
	v26 =	vld.idx.msk [tilespmem:v6+s29+$0x30 ss:$0x1], $0xffff  }
0x5f: {  	v27 =	vld.idx.msk [tilespmem:v6+s25+$0x0 ss:$0x1], $0xffff  }
0x60: {  	s1 =	smov.u32 s0;
	v28 =	vld.idx.msk [tilespmem:v6+s25+$0x10 ss:$0x1], $0xffff  }
0x61: {  	[dreg:$0xc] =	wrdreg s1;
	s19 =	sor.u32 $0x300, s2;
	v29 =	vld.idx.msk [tilespmem:v6+s25+$0x20 ss:$0x1], $0xffff  }
0x62: {  	[smem:$0x7CD] =	sst s3;
	s22 =	sand.u32 $0x3FFFFB00, s19;
	v30 =	vld.idx.msk [tilespmem:v6+s25+$0x30 ss:$0x1], $0xffff  }
0x63: {  	[smem:$0x7CE] =	sst s14;
	v31 =	vld.idx.msk [tilespmem:v6+s22+$0x0 ss:$0x1], $0xffff  }
0x64: {  	[smem:$0x7CF] =	sst s15;
	v32 =	vld.idx.msk [tilespmem:v6+s22+$0x10 ss:$0x1], $0xffff  }
0x65: {  	s20 =	sor.u32 $0x380, s2;
	[smem:$0x7D0] =	sst s16;
	v33 =	vld.idx.msk [tilespmem:v6+s22+$0x20 ss:$0x1], $0xffff  }
0x66: {  	[smem:$0x7D2] =	sst s19;
	s19 =	sand.u32 $0x3FFFFB80, s20;
	v34 =	vld.idx.msk [tilespmem:v6+s22+$0x30 ss:$0x1], $0xffff  }
0x67: {  	[smem:$0x7D1] =	sst s18;
	v37 =	vld.idx.msk [tilespmem:v6+s19+$0x0 ss:$0x1], $0xffff;
	v35 =	vmul.f32 v10, v10;
	v36 =	vmul.f32 v9, v9  }
0x68: {  	[smem:$0x7D4] =	sst s20;
	v40 =	vld.idx.msk [tilespmem:v6+s19+$0x10 ss:$0x1], $0xffff;
	v38 =	vmul.f32 v8, v8;
	v39 =	vmul.f32 v7, v7  }
0x69: {  	s23 =	sor.u32 $0x400, s2;
	v35 =	vadd.f32 v36, v35;
	v36 =	vld.idx.msk [tilespmem:v6+s19+$0x20 ss:$0x1], $0xffff  }
0x6a: {  	s14 =	sand.u32 $0x3FFFFC00, s23;
	v38 =	vadd.f32 v39, v38;
	v39 =	vld.idx.msk [tilespmem:v6+s19+$0x30 ss:$0x1], $0xffff  }
0x6b: {  	s24 =	sor.u32 $0x480, s2;
	v41 =	vld.idx.msk [tilespmem:v6+s14+$0x0 ss:$0x1], $0xffff  }
0x6c: {  	s16 =	sand.u32 $0x3FFFFC80, s24;
	v62 =	vmul.f32 v16, v16;
	v16 =	vld.idx.msk [tilespmem:v6+s14+$0x20 ss:$0x1], $0xffff  }
0x6d: {  	v42 =	vmul.f32 v19, v19;
	v19 =	vld.idx.msk [tilespmem:v6+s16+$0x10 ss:$0x1], $0xffff  }
0x6e: {  	s26 =	sor.u32 $0x500, s2;
	v44 =	vmul.f32 v21, v21;
	v21 =	vld.idx.msk [tilespmem:v6+s16+$0x20 ss:$0x1], $0xffff  }
0x6f: {  	s20 =	sand.u32 $0x3FFFFD00, s26;
	v46 =	vmul.f32 v23, v23;
	v23 =	vld.idx.msk [tilespmem:v6+s16+$0x30 ss:$0x1], $0xffff  }
0x70: {  	v48 =	vmul.f32 v25, v25;
	v25 =	vld.idx.msk [tilespmem:v6+s20+$0x0 ss:$0x1], $0xffff  }
0x71: {  	v11 =	vmul.f32 v11, v11;
	v61 =	vmul.f32 v15, v15;
	v15 =	vld.idx.msk [tilespmem:v6+s20+$0x10 ss:$0x1], $0xffff  }
0x72: {  	v12 =	vmul.f32 v12, v12;
	v47 =	vmul.f32 v24, v24;
	v24 =	vld.idx.msk [tilespmem:v6+s20+$0x20 ss:$0x1], $0xffff  }
0x73: {  	v13 =	vmul.f32 v13, v13;
	v14 =	vmul.f32 v14, v14;
	v55 =	vld.idx.msk [tilespmem:v6+s20+$0x30 ss:$0x1], $0xffff  }
0x74: {  	s28 =	sor.u32 $0x580, s2;
	v11 =	vadd.f32 v12, v11;
	v12 =	vld.idx.msk [tilespmem:v6+s14+$0x10 ss:$0x1], $0xffff  }
0x75: {  	[smem:$0x7D5] =	sst s23;
	s23 =	sand.u32 $0x3FFFFD80, s28;
	v13 =	vadd.f32 v14, v13;
	v14 =	vld.idx.msk [tilespmem:v6+s16+$0x0 ss:$0x1], $0xffff  }
0x76: {  	v17 =	vmul.f32 v17, v17;
	v53 =	vmul.f32 v29, v29;
	v29 =	vld.idx.msk [tilespmem:v6+s23+$0x0 ss:$0x1], $0xffff  }
0x77: {  	s30 =	sor.u32 $0x600, s2;
	v51 =	vmul.f32 v27, v27;
	v56 =	vmul.f32 v31, v31;
	v31 =	vld.idx.msk [tilespmem:v6+s23+$0x10 ss:$0x1], $0xffff  }
0x78: {  	s31 =	sor.u32 $0x680, s2;
	v52 =	vmul.f32 v28, v28;
	[smem:$0x7D7] =	sst s26;
	s26 =	sand.u32 $0x3FFFFE00, s30;
	v63 =	vadd.f32 v62, v61;
	v62 =	vmul.f32 v37, v37;
	v37 =	vld.idx.msk [tilespmem:v6+s23+$0x30 ss:$0x1], $0xffff  }
0x79: {  	v18 =	vmul.f32 v18, v18;
	v54 =	vmul.f32 v30, v30;
	[smem:$0x7DB] =	sst s30;
	s30 =	sand.u32 $0x3FFFFE80, s31;
	v50 =	vadd.f32 v47, v46;
	v47 =	vld.idx.msk [tilespmem:v6+s26+$0x20 ss:$0x1], $0xffff  }
0x7a: {  	v43 =	vmul.f32 v20, v20;
	v57 =	vmul.f32 v32, v32;
	v20 =	vadd.f32 v52, v51;
	v51 =	vld.idx.msk [tilespmem:v6+s30+$0x10 ss:$0x1], $0xffff  }
0x7b: {  	s3 =	sor.u32 $0x700, s2;
	v58 =	vmul.f32 v33, v33;
	v59 =	vmul.f32 v34, v34;
	v60 =	vadd.f32 v54, v53;
	v53 =	vld.idx.msk [tilespmem:v6+s30+$0x20 ss:$0x1], $0xffff  }
0x7c: {  	v45 =	vmul.f32 v22, v22;
	[smem:$0x7DD] =	sst s31;
	s31 =	sand.u32 $0x3FFFFF00, s3;
	v61 =	vadd.f32 v57, v56;
	v56 =	vld.idx.msk [tilespmem:v6+s30+$0x30 ss:$0x1], $0xffff;
	v35 =	vadd.f32 v38, v35  }
0x7d: {  	v49 =	vmul.f32 v26, v26;
	v22 =	vadd.f32 v59, v58;
	v58 =	vld.idx.msk [tilespmem:v6+s31+$0x0 ss:$0x1], $0xffff;
	v11 =	vadd.f32 v13, v11  }
0x7e: {  	(xrf2) =	vadd.scan.msk.f32 $0xffff, v35;
	v35 =	vadd.f32 v18, v17;
	v17 =	vadd.f32 v43, v42;
	v42 =	vmul.f32 v39, v39  }
0x7f: {  	(xrf2) =	vadd.scan.msk.f32 $0xffff, v11;
	v11 =	vadd.f32 v45, v44;
	v44 =	vmul.f32 v41, v41;
	v16 =	vmul.f32 v16, v16  }
0x80: {  	v38 =	vld.idx.msk [tilespmem:v6+s14+$0x30 ss:$0x1], $0xffff;
	v19 =	vmul.f32 v19, v19;
	v21 =	vmul.f32 v21, v21  }
0x81: {  	v43 =	vld.idx.msk [tilespmem:v6+s26+$0x0 ss:$0x1], $0xffff;
	v23 =	vmul.f32 v23, v23;
	v52 =	vmul.f32 v25, v25  }
0x82: {  	v18 =	vadd.f32 v49, v48;
	v49 =	vld.idx.msk [tilespmem:v6+s26+$0x30 ss:$0x1], $0xffff;
	v15 =	vmul.f32 v15, v15;
	v54 =	vmul.f32 v24, v24  }
0x83: {  	s4 =	sor.u32 $0x780, s2;
	v45 =	vld.idx.msk [tilespmem:v6+s26+$0x10 ss:$0x1], $0xffff;
	v55 =	vmul.f32 v55, v55;
	v13 =	vadd.f32 v35, v63;
	v63 =	vmul.f32 v40, v40  }
0x84: {  	s0 =	sand.u32 $0x3FFFFF80, s4;
	v39 =	vld.idx.msk [tilespmem:v6+s31+$0x30 ss:$0x1], $0xffff;
	v40 =	vmul.f32 v36, v36;
	v12 =	vmul.f32 v12, v12;
	v11 =	vadd.f32 v11, v17  }
0x85: {  	v41 =	vld.idx.msk [tilespmem:v6+s0+$0x0 ss:$0x1], $0xffff;
	v14 =	vmul.f32 v14, v14;
	v17 =	vadd.f32 v22, v61;
	v57 =	vadd.f32 v23, v21  }
0x86: {  	v36 =	vld.idx.msk [tilespmem:v6+s31+$0x20 ss:$0x1], $0xffff;
	v15 =	vadd.f32 v15, v52;
	(xrf2) =	vadd.scan.msk.f32 $0xffff, v13;
	v13 =	vadd.f32 v18, v50  }
0x87: {  	v59 =	vmul.f32 v29, v29;
	v61 =	vld.idx.msk [tilespmem:v6+s31+$0x10 ss:$0x1], $0xffff;
	v26 =	vadd.f32 v63, v62;
	v48 =	vadd.f32 v42, v40  }
0x88: {  	v46 =	vmul.f32 v38, v38;
	v18 =	vld.idx.msk [tilespmem:v6+s23+$0x20 ss:$0x1], $0xffff;
	v12 =	vadd.f32 v12, v44;
	v14 =	vadd.f32 v19, v14  }
0x89: {  	v50 =	vld.idx.msk [tilespmem:v6+s30+$0x0 ss:$0x1], $0xffff;
	v19 =	vadd.f32 v55, v54;
	v63 =	vmul.f32 v37, v37;
	v40 =	vmul.f32 v47, v47  }
0x8a: {  	(xrf2) =	vadd.scan.msk.f32 $0xffff, v11;
	v11 =	vadd.f32 v60, v20;
	v60 =	vmul.f32 v31, v31;
	v37 =	vmul.f32 v43, v43  }
0x8b: {  	v47 =	vld.idx.msk [tilespmem:v6+s0+$0x20 ss:$0x1], $0xffff;
	v16 =	vadd.f32 v46, v16;
	v20 =	vmul.f32 v49, v49;
	v49 =	vmul.f32 v56, v56  }
0x8c: {  	(xrf2) =	vadd.scan.msk.f32 $0xffff, v13;
	v13 =	vadd.f32 v48, v26;
	v15 =	vadd.f32 v19, v15;
	v38 =	vmul.f32 v45, v45  }
0x8d: {  	v43 =	vld.idx.msk [tilespmem:v6+s0+$0x10 ss:$0x1], $0xffff;
	v48 =	vmul.f32 v53, v53;
	v55 =	vmul.f32 v39, v39;
	v12 =	vadd.f32 v16, v12  }
0x8e: {  	(xrf2) =	vadd.scan.msk.f32 $0xffff, v11;
	v11 =	vadd.f32 v57, v14;
	v21 =	vadd.f32 v60, v59;
	v16 =	vmul.f32 v58, v58  }
0x8f: {  	v44 =	vadd.f32 v20, v40;
	v62 =	vmul.f32 v18, v18;
	v45 =	vmul.f32 v50, v50;
	v50 =	vld.idx.msk [tilespmem:v6+s0+$0x30 ss:$0x1], $0xffff  }
0x90: {  	v54 =	vmul.f32 v36, v36;
	(xrf2) =	vadd.scan.msk.f32 $0xffff, v17;
	v42 =	vadd.f32 v38, v37;
	v52 =	vmul.f32 v61, v61  }
0x91: {  	v46 =	vmul.f32 v51, v51;
	v56 =	vadd.f32 v49, v48;
	(xrf2) =	vadd.scan.msk.f32 $0xffff, v13;
	v14 =	vadd.f32 v63, v62  }
0x92: {  	v59 =	vmul.f32 v41, v41;
	v58 =	vadd.f32 v55, v54;
	(xrf2) =	vadd.scan.msk.f32 $0xffff, v12;
	v16 =	vadd.f32 v52, v16  }
0x93: {  	v61 =	vmul.f32 v47, v47;
	v53 =	vadd.f32 v46, v45;
	(xrf2) =	vadd.scan.msk.f32 $0xffff, v11;
	v14 =	vadd.f32 v14, v21  }
0x94: {  	v51 =	vadd.f32 v44, v42;
	v57, _, _ =	vpop (xrf2);
	v18 =	vmul.f32 v43, v43;
	(xrf2) =	vadd.scan.msk.f32 $0xffff, v15;
	v62 =	vmul.f32 v50, v50  }
0x95: {  	v60, _, _ =	vpop (xrf2);
	v22 =	vadd.f32 v58, v16;
	v11 =	vadd.f32 v56, v53;
	(xrf2) =	vadd.scan.msk.f32 $0xffff, v14  }
0x96: {  	v24 =	vadd.f32 v18, v59;
	v63, _, _ =	vpop (xrf2);
	(xrf2) =	vadd.scan.msk.f32 $0xffff, v51;
	v12 =	vadd.f32 v62, v61  }
0x97: {  	v23, _, _ =	vpop (xrf2);
	(xrf2) =	vadd.scan.msk.f32 $0xffff, v11  }
0x98: {  	v25, _, _ =	vpop (xrf2);
	(xrf2) =	vadd.scan.msk.f32 $0xffff, v22;
	v11 =	vadd.f32 v12, v24  }
0x99: {  	v26 =	vbroadcast v57, $0xF;
	v28 =	vbroadcast v60, $0xF;
	v27, _, _ =	vpop (xrf2)  }
0x9a: {  	v30 =	vbroadcast v63, $0xF;
	v33 =	vbroadcast v23, $0xF;
	v29, _, _ =	vpop (xrf2);
	(xrf2) =	vadd.scan.msk.f32 $0xffff, v11  }
0x9b: {  	v13 =	vnsel vm0, $0x0, v26;
	v32 =	vnsel vm1, $0x0, v28;
	v14 =	vbroadcast v25, $0xF;
	v31, _, _ =	vpop (xrf2)  }
0x9c: {  	v18 =	vnsel vm2, $0x0, v30;
	v16 =	vbroadcast v27, $0xF;
	v12 =	vnsel vm3, $0x0, v33;
	v34, _, _ =	vpop (xrf2)  }
0x9d: {  	v17 =	vbroadcast v29, $0xF;
	v14 =	vnsel vm4, $0x0, v14;
	v12 =	vadd.f32 v12, v18;
	v35, _, _ =	vpop (xrf2)  }
0x9e: {  	v19 =	vbroadcast v31, $0xF;
	v16 =	vnsel vm5, $0x0, v16;
	v11 =	vadd.f32 v32, v13;
	v36, _, _ =	vpop (xrf2)  }
0x9f: {  	v17 =	vnsel vm6, $0x0, v17;
	v15 =	vbroadcast v34, $0xF;
	v14 =	vadd.f32 v16, v14;
	v37, _, _ =	vpop (xrf2)  }
0xa0: {  	v19 =	vnsel vm7, $0x0, v19;
	v20 =	vbroadcast v35, $0xF;
	v21 =	vbroadcast v36, $0xF;
	v38, _, _ =	vpop (xrf2)  }
0xa1: {  	v15 =	vnsel vm8, $0x0, v15;
	v43 =	vadd.f32 v19, v17;
	v22 =	vbroadcast v37, $0xF;
	v39, _, _ =	vpop (xrf2)  }
0xa2: {  	v20 =	vnsel vm9, $0x0, v20;
	v21 =	vnsel vm10, $0x0, v21;
	v23 =	vbroadcast v38, $0xF;
	v40, _, _ =	vpop (xrf2)  }
0xa3: {  	v24 =	vbroadcast v39, $0xF;
	v22 =	vnsel vm11, $0x0, v22;
	v25 =	vbroadcast v40, $0xF  }
0xa4: {  	v15 =	vadd.f32 v20, v15;
	v23 =	vnsel vm12, $0x0, v23;
	v45 =	vadd.f32 v22, v21;
	v42, _, _ =	vpop (xrf2)  }
0xa5: {  	v24 =	vnsel vm13, $0x0, v24;
	v41 =	vnsel vm14, $0x0, v25;
	v44 =	vsel vm15, $0x0, v42  }
0xa6: {  	v46 =	vadd.f32 v24, v23;
	v13 =	vadd.f32 v44, v41  }
0xa7: {  	v11 =	vadd.f32 v12, v11;
	v47 =	vadd.f32 v43, v14  }
0xa8: {  	v48 =	vadd.f32 v45, v15;
	v13 =	vadd.f32 v13, v46;
	_ =	sdelay $0x1  }
0xa9: {  	v11 =	vadd.f32 v47, v11;
	v49 =	vadd.f32 v13, v48;
	_ =	sdelay $0x1  }
0xaa: {  	v11 =	vadd.f32 v49, v11;
	_ =	sdelay $0x1  }
0xab: {  	v11 =	vmax.f32 v11, $9.999999930e-09  }
0xac: {  	v50 =	vshra.s32 v11, $0x1;
	v51 =	vmul.f32 $5.000000000e-01, v11  }
0xad: {  	v12 =	vsub.s32 $0x5F3759DF, v50  }
0xae: {  	v52 =	vmul.f32 v12, v51;
	_ =	sdelay $0x1  }
0xaf: {  	v14 =	vmul.f32 v12, v52;
	_ =	sdelay $0x1  }
0xb0: {  	v14 =	vsub.f32 $1.500000000e+00, v14;
	_ =	sdelay $0x1  }
0xb1: {  	v12 =	vmul.f32 v12, v14  }
0xb2: {  	s18 =	sor.u32 $0x900, s2  }
0xb3: {  	s15 =	sshll.u32 s1, $0x4;
	[smem:$0x7E2] =	sst s4;
	s4 =	sand.u32 $0x3FFFF900, s18;
	v14 =	vmul.f32 v12, v51  }
0xb4: {  	s1 =	sor.u32 $0x10, s15;
	[smem:$0x7D6] =	sst s24;
	v54 =	vld.idx.msk [tilespmem:v6+s4+$0x0 ss:$0x1], $0xffff  }
0xb5: {  	s5 =	sshll.u32 s1, $0x7;
	[smem:$0x7E1] =	sst s0;
	s24 =	sor.u32 $0x980, s2;
	v55 =	vld.idx.msk [tilespmem:v6+s4+$0x10 ss:$0x1], $0xffff;
	v14 =	vmul.f32 v14, v12  }
0xb6: {  	s0 =	sand.u32 $0x3FFFF800, s5;
	s5 =	sand.u32 $0x3FFFF980, s24;
	v57 =	vld.idx.msk [tilespmem:v6+s4+$0x30 ss:$0x1], $0xffff  }
0xb7: {  	v58 =	vld.idx.msk [tilespmem:v6+s5+$0x0 ss:$0x1], $0xffff;
	v14 =	vsub.f32 $1.500000000e+00, v14  }
0xb8: {  	s13 =	sor.u32 $0x880, s2;
	v59 =	vld.idx.msk [tilespmem:v6+s5+$0x10 ss:$0x1], $0xffff  }
0xb9: {  	[smem:$0x7DF] =	sst s3;
	s3 =	sand.u32 $0x3FFFF880, s13;
	v60 =	vld.idx.msk [tilespmem:v6+s5+$0x20 ss:$0x1], $0xffff;
	v12 =	vmul.f32 v14, v12  }
0xba: {  	[smem:$0x7D9] =	sst s28;
	s28 =	sor.u32 $0xC80, s2;
	v53 =	vld.idx.msk [tilespmem:v6+s3+$0x30 ss:$0x1], $0xffff  }
0xbb: {  	[smem:$0x7E3] =	sst s28;
	s28 =	sand.u32 $0x3FFFFC80, s28;
	v56 =	vld.idx.msk [tilespmem:v6+s4+$0x20 ss:$0x1], $0xffff;
	v13 =	vmul.f32 v12, v51  }
0xbc: {  	s6 =	sor.u32 $0xA00, s2;
	v26 =	vld.idx.msk [tilespmem:v6+s28+$0x10 ss:$0x1], $0xffff  }
0xbd: {  	[smem:$0x7D8] =	sst s6;
	s6 =	sand.u32 $0x3FFFFA00, s6;
	v28 =	vld.idx.msk [tilespmem:v6+s28+$0x20 ss:$0x1], $0xffff;
	v13 =	vmul.f32 v13, v12  }
0xbe: {  	v63 =	vld.idx.msk [tilespmem:v6+s6+$0x10 ss:$0x1], $0xffff  }
0xbf: {  	v61 =	vld.idx.msk [tilespmem:v6+s5+$0x30 ss:$0x1], $0xffff;
	v13 =	vsub.f32 $1.500000000e+00, v13  }
0xc0: {  	v62 =	vld.idx.msk [tilespmem:v6+s6+$0x0 ss:$0x1], $0xffff  }
0xc1: {  	v30 =	vld.idx.msk [tilespmem:v6+s28+$0x30 ss:$0x1], $0xffff;
	v13 =	vmul.f32 v13, v12  }
0xc2: {  	v33 =	vld.idx.msk [tilespmem:v6+s6+$0x30 ss:$0x1], $0xffff  }
0xc3: {  	[smem:$0x7D3] =	sst s1;
	s1 =	sor.u32 $0xD00, s2;
	v18 =	vld.idx.msk [tilespmem:v6+s0+$0x0 ss:$0x1], $0xffff;
	v11 =	vmul.f32 v13, v11  }
0xc4: {  	[dreg:$0x17] =	wrdreg s1;
	s1 =	sand.u32 $0x3FFFFD00, s1;
	v32 =	vld.idx.msk [tilespmem:v6+s6+$0x20 ss:$0x1], $0xffff  }
0xc5: {  	s7 =	sor.u32 $0xA80, s2;
	v31 =	vld.idx.msk [tilespmem:v6+s1+$0x20 ss:$0x1], $0xffff;
	v11 =	vmul.f32 $1.442695020e+00, v11  }
0xc6: {  	[smem:$0x7DA] =	sst s7;
	s7 =	sand.u32 $0x3FFFFA80, s7;
	v16 =	vld.idx.msk [tilespmem:v6+s0+$0x20 ss:$0x1], $0xffff  }
0xc7: {  	v34 =	vld.idx.msk [tilespmem:v6+s7+$0x0 ss:$0x1], $0xffff;
	(erf) = vpow2.f32 v11  }
0xc8: {  	v17 =	vld.idx.msk [tilespmem:v6+s0+$0x10 ss:$0x1], $0xffff  }
0xc9: {  	v19 =	vld.idx.msk [tilespmem:v6+s3+$0x10 ss:$0x1], $0xffff  }
0xca: {  	v36 =	vld.idx.msk [tilespmem:v6+s7+$0x20 ss:$0x1], $0xffff  }
0xcb: {  	s8 =	sor.u32 $0xB00, s2;
	v20 =	vld.idx.msk [tilespmem:v6+s3+$0x20 ss:$0x1], $0xffff  }
0xcc: {  	[smem:$0x7DC] =	sst s8;
	s8 =	sand.u32 $0x3FFFFB00, s8;
	v37 =	vld.idx.msk [tilespmem:v6+s7+$0x30 ss:$0x1], $0xffff  }
0xcd: {  	v38 =	vld.idx.msk [tilespmem:v6+s8+$0x0 ss:$0x1], $0xffff  }
0xce: {  	v54 =	vmul.f32 v54, v54;
	v39 =	vld.idx.msk [tilespmem:v6+s8+$0x10 ss:$0x1], $0xffff  }
0xcf: {  	v55 =	vmul.f32 v55, v55;
	v58 =	vmul.f32 v58, v58;
	v40 =	vld.idx.msk [tilespmem:v6+s8+$0x20 ss:$0x1], $0xffff  }
0xd0: {  	s10 =	sor.u32 $0xB80, s2;
	v59 =	vmul.f32 v59, v59;
	v60 =	vmul.f32 v60, v60;
	v22 =	vld.idx.msk [tilespmem:v6+s1+$0x10 ss:$0x1], $0xffff;
	v11 =	vpop (erf)  }
0xd1: {  	s12 =	sor.u32 $0xC00, s2;
	[smem:$0x7DE] =	sst s10;
	s10 =	sand.u32 $0x3FFFFB80, s10;
	v26 =	vmul.f32 v26, v26;
	v15 =	vld.idx.msk [tilespmem:v6+s0+$0x30 ss:$0x1], $0xffff;
	(erf) = vrcp.f32 v11  }
0xd2: {  	[smem:$0x7E0] =	sst s12;
	s12 =	sand.u32 $0x3FFFFC00, s12;
	v28 =	vmul.f32 v28, v28;
	v63 =	vmul.f32 v63, v63;
	v45 =	vld.idx.msk [tilespmem:v6+s10+$0x0 ss:$0x1], $0xffff  }
0xd3: {  	v21 =	vmul.f32 v53, v53;
	v20 =	vmul.f32 v20, v20;
	v23 =	vld.idx.msk [tilespmem:v6+s12+$0x20 ss:$0x1], $0xffff  }
0xd4: {  	v43 =	vmul.f32 v18, v18;
	v41 =	vld.idx.msk [tilespmem:v6+s8+$0x30 ss:$0x1], $0xffff;
	v44 =	vmul.f32 v17, v17  }
0xd5: {  	v61 =	vmul.f32 v61, v61;
	v62 =	vmul.f32 v62, v62;
	v20 =	vadd.f32 v21, v20;
	v21 =	vld.idx.msk [tilespmem:v6+s28+$0x0 ss:$0x1], $0xffff  }
0xd6: {  	v30 =	vmul.f32 v30, v30;
	v19 =	vmul.f32 v19, v19;
	v43 =	vadd.f32 v44, v43;
	v44 =	vld.idx.msk [tilespmem:v6+s10+$0x20 ss:$0x1], $0xffff  }
0xd7: {  	v46 =	vmul.f32 v16, v16;
	v47 =	vmul.f32 v15, v15;
	v14 =	vld.idx.msk [tilespmem:v6+s3+$0x0 ss:$0x1], $0xffff  }
0xd8: {  	v24 =	vmul.f32 v56, v56;
	v25 =	vmul.f32 v57, v57;
	v48 =	vld.idx.msk [tilespmem:v6+s10+$0x10 ss:$0x1], $0xffff  }
0xd9: {  	v56 =	vadd.f32 v55, v54;
	v54 =	vmul.f32 v37, v37;
	v46 =	vadd.f32 v47, v46;
	v47 =	vld.idx.msk [tilespmem:v6+s10+$0x30 ss:$0x1], $0xffff  }
0xda: {  	v55 =	vmul.f32 v38, v38;
	v22 =	vmul.f32 v22, v22;
	v49 =	vld.idx.msk [tilespmem:v6+s12+$0x0 ss:$0x1], $0xffff;
	v12 =	vpop (erf)  }
0xdb: {  	v23 =	vmul.f32 v23, v23;
	v53 =	vadd.f32 v46, v43;
	v43 =	vld.idx.msk [tilespmem:v6+s12+$0x30 ss:$0x1], $0xffff;
	v42 =	vsub.f32 v11, v12  }
0xdc: {  	v57 =	vadd.f32 v25, v24;
	v21 =	vmul.f32 v21, v21;
	v52 =	vld.idx.msk [tilespmem:v6+s7+$0x10 ss:$0x1], $0xffff;
	v14 =	vmul.f32 v14, v14  }
0xdd: {  	v24 =	vadd.f32 v59, v58;
	v51 =	vmul.f32 v34, v34;
	v34 =	vld.idx.msk [tilespmem:v6+s1+$0x30 ss:$0x1], $0xffff;
	v42 =	vmul.f32 $5.000000000e-01, v42  }
0xde: {  	s0 =	sor.u32 $0xD80, s2;
	v21 =	vadd.f32 v26, v21;
	v46 =	vmul.f32 v33, v33;
	v14 =	vadd.f32 v19, v14;
	v19 =	vld.idx.msk [tilespmem:v6+s12+$0x10 ss:$0x1], $0xffff  }
0xdf: {  	[dreg:$0x18] =	wrdreg s1;
	(xrf2) =	vadd.scan.msk.f32 $0xffff, v53;
	v13 =	vmul.f32 v42, v13;
	v42 =	vmul.f32 v32, v32;
	v32 =	vld.idx.msk [tilespmem:v6+s1+$0x0 ss:$0x1], $0xffff;
	s1 =	sand.u32 $0x3FFFFD80, s0  }
0xe0: {  	v50 =	vadd.f32 v63, v62;
	v53 =	vmul.f32 v36, v36;
	v14 =	vadd.f32 v20, v14;
	v36 =	vld.idx.msk [tilespmem:v6+s1+$0x0 ss:$0x1], $0xffff  }
0xe1: {  	v58 =	vmul.f32 v41, v41;
	v20 =	vadd.f32 v57, v56;
	v38 =	vld.idx.msk [tilespmem:v6+s1+$0x10 ss:$0x1], $0xffff;
	v25 =	vadd.f32 v46, v42  }
0xe2: {  	[dreg:$0x15] =	wrdreg s0;
	v62 =	vmul.f32 v48, v48;
	v63 =	vmul.f32 v44, v44;
	(xrf2) =	vadd.scan.msk.f32 $0xffff, v14;
	s0 =	sor.u32 $0xE00, s2;
	v37 =	vld.idx.msk [tilespmem:v6+s1+$0x30 ss:$0x1], $0xffff  }
0xe3: {  	v56 =	vmul.f32 v39, v39;
	(xrf2) =	vadd.scan.msk.f32 $0xffff, v20;
	[dreg:$0x16] =	wrdreg s1;
	v20 =	vadd.f32 v25, v50;
	v25 =	vld.idx.msk [tilespmem:v6+s1+$0x20 ss:$0x1], $0xffff;
	s1 =	sand.u32 $0x3FFFFE00, s0  }
0xe4: {  	v59 =	vadd.f32 v54, v53;
	v52 =	vmul.f32 v52, v52;
	v57 =	vmul.f32 v40, v40;
	v46 =	vld.idx.msk [tilespmem:v6+s1+$0x0 ss:$0x1], $0xffff  }
0xe5: {  	v14 =	vadd.f32 v61, v60;
	v60 =	vadd.f32 v56, v55;
	v61 =	vmul.f32 v45, v45;
	v48 =	vld.idx.msk [tilespmem:v6+s1+$0x10 ss:$0x1], $0xffff  }
0xe6: {  	v29 =	vadd.f32 v58, v57;
	v45 =	vmul.f32 v47, v47;
	v47 =	vmul.f32 v49, v49;
	[dreg:$0x13] =	wrdreg s0;
	s0 =	sor.u32 $0xE80, s2;
	v50 =	vld.idx.msk [tilespmem:v6+s1+$0x20 ss:$0x1], $0xffff  }
0xe7: {  	v27 =	vadd.f32 v52, v51;
	v49 =	vmul.f32 v43, v43;
	v56 =	vmul.f32 v31, v31;
	[dreg:$0x14] =	wrdreg s1;
	v52 =	vld.idx.msk [tilespmem:v6+s1+$0x30 ss:$0x1], $0xffff;
	s1 =	sand.u32 $0x3FFFFE80, s0  }
0xe8: {  	v19 =	vmul.f32 v19, v19;
	v14 =	vadd.f32 v14, v24;
	v24 =	vadd.f32 v29, v60;
	v53 =	vld.idx.msk [tilespmem:v6+s1+$0x0 ss:$0x1], $0xffff  }
0xe9: {  	v57 =	vmul.f32 v34, v34;
	v33 =	vadd.f32 v62, v61;
	v51 =	vadd.f32 v45, v63;
	v54 =	vld.idx.msk [tilespmem:v6+s1+$0x10 ss:$0x1], $0xffff  }
0xea: {  	v23 =	vadd.f32 v49, v23;
	v19 =	vadd.f32 v19, v47;
	[dreg:$0x11] =	wrdreg s0;
	v55 =	vmul.f32 v32, v32;
	s0 =	sor.u32 $0xF00, s2;
	v32 =	vld.idx.msk [tilespmem:v6+s1+$0x20 ss:$0x1], $0xffff  }
0xeb: {  	v26 =	vadd.f32 v57, v56;
	(xrf2) =	vadd.scan.msk.f32 $0xffff, v14;
	v14 =	vadd.f32 v59, v27;
	[dreg:$0x12] =	wrdreg s1;
	v58 =	vld.idx.msk [tilespmem:v6+s1+$0x30 ss:$0x1], $0xffff;
	s1 =	sand.u32 $0x3FFFFF00, s0  }
0xec: {  	v59 =	vadd.f32 v30, v28;
	v19 =	vadd.f32 v23, v19;
	(xrf2) =	vadd.scan.msk.f32 $0xffff, v20;
	v23 =	vld.idx.msk [tilespmem:v6+s1+$0x0 ss:$0x1], $0xffff  }
0xed: {  	v20 =	vadd.f32 v51, v33;
	v60 =	vmul.f32 v36, v36;
	v61 =	vmul.f32 v38, v38;
	v62 =	vld.idx.msk [tilespmem:v6+s1+$0x10 ss:$0x1], $0xffff  }
0xee: {  	v34 =	vbroadcast v13, $0x0;
	[dreg:$0xf] =	wrdreg s0;
	v43 =	vmul.f32 v37, v37;
	s0 =	sor.u32 $0xF80, s2;
	(xrf2) =	vadd.scan.msk.f32 $0xffff, v14;
	v22 =	vadd.f32 v22, v55;
	v44 =	vld.idx.msk [tilespmem:v6+s1+$0x20 ss:$0x1], $0xffff  }
0xef: {  	v14 =	vadd.f32 v59, v21;
	[dreg:$0xd] =	wrdreg s0;
	v47 =	vld.idx.msk [tilespmem:v6+s1+$0x30 ss:$0x1], $0xffff;
	s0 =	sand.u32 $0x3FFFFF80, s0;
	v28 =	vadd.f32 v61, v60;
	v63 =	vmul.f32 v25, v25  }
0xf0: {  	v42 =	vmov s15;
	v49 =	vld.idx.msk [tilespmem:v6+s0+$0x0 ss:$0x1], $0xffff;
	(xrf2) =	vadd.scan.msk.f32 $0xffff, v24;
	v45 =	vmul.f32 v46, v46;
	v46 =	vmul.f32 v48, v48  }
0xf1: {  	v51 =	vld.idx.msk [tilespmem:v6+s0+$0x10 ss:$0x1], $0xffff;
	v22 =	vadd.f32 v26, v22;
	v48 =	vmul.f32 v50, v50;
	v27 =	vmul.f32 v52, v52  }
0xf2: {  	v55 =	vld.idx.msk [tilespmem:v6+s0+$0x20 ss:$0x1], $0xffff;
	v21 =	vadd.f32 v43, v63;
	v53 =	vmul.f32 v53, v53;
	v54 =	vmul.f32 v54, v54  }
0xf3: {  	v56 =	vmul.f32 v32, v32;
	v57 =	vmul.f32 v58, v58;
	v58 =	vld.idx.msk [tilespmem:v6+s0+$0x30 ss:$0x1], $0xffff;
	v50 =	vadd.f32 v46, v45  }
0xf4: {  	(xrf2) =	vadd.scan.msk.f32 $0xffff, v20;
	v52 =	vadd.f32 v27, v48;
	v23 =	vmul.f32 v23, v23;
	v60 =	vmul.f32 v62, v62  }
0xf5: {  	v62 =	vmul.f32 v44, v44;
	v63 =	vmul.f32 v47, v47;
	v21 =	vadd.f32 v21, v28  }
0xf6: {  	(xrf2) =	vadd.scan.msk.f32 $0xffff, v19;
	v61 =	vadd.f32 v54, v53;
	v35 =	vadd.f32 v57, v56;
	v38 =	vmul.f32 v49, v49  }
0xf7: {  	v36, _, _ =	vpop (xrf2);
	(xrf2) =	vadd.scan.msk.f32 $0xffff, v14;
	v25 =	vmul.f32 v51, v51;
	v40 =	vmul.f32 v55, v55;
	v59 =	vadd.f32 v52, v50  }
0xf8: {  	v39, _, _ =	vpop (xrf2);
	(xrf2) =	vadd.scan.msk.f32 $0xffff, v22;
	v23 =	vadd.f32 v60, v23;
	v37 =	vadd.f32 v63, v62;
	v41 =	vmul.f32 v58, v58  }
0xf9: {  	v10 =	vmul.f32 v34, v10;
	v43, _, _ =	vpop (xrf2);
	(xrf2) =	vadd.scan.msk.f32 $0xffff, v21;
	v19 =	vadd.f32 v35, v61;
	v46 =	vadd.f32 v25, v38  }
0xfa: {  	v9 =	vmul.f32 v34, v9;
	v45, _, _ =	vpop (xrf2);
	(xrf2) =	vadd.scan.msk.f32 $0xffff, v59;
	v44 =	vadd.f32 v37, v23;
	v21 =	vadd.f32 v41, v40  }
0xfb: {  	v8 =	vmul.f32 v34, v8;
	v7 =	vmul.f32 v34, v7;
	v14 =	vshll.u32 v42, $0x7;
	v49, _, _ =	vpop (xrf2);
	(xrf2) =	vadd.scan.msk.f32 $0xffff, v19  }
0xfc: {  	v47 =	vor.u32 v2, v14;
	v48 =	vor.u32 v3, v14;
	v51, _, _ =	vpop (xrf2);
	(xrf2) =	vadd.scan.msk.f32 $0xffff, v44;
	v19 =	vadd.f32 v21, v46  }
0xfd: {  	v27 =	vbroadcast v39, $0xF;
	v30 =	vbroadcast v43, $0xF;
	v54 =	vor.u32 v5, v14;
	v53, _, _ =	vpop (xrf2)  }
0xfe: {  	v50 =	vbroadcast v36, $0xF;
	v52 =	vor.u32 v4, v14;
	v22 =	vbroadcast v45, $0xF;
	v55, _, _ =	vpop (xrf2);
	(xrf2) =	vadd.scan.msk.f32 $0xffff, v19  }
0xff: {  	v56 =	vnsel vm1, $0x0, v27;
	v30 =	vnsel vm2, $0x0, v30;
	v26 =	vbroadcast v49, $0xF  }
0x100: {  	v22 =	vnsel vm3, $0x0, v22;
	v24 =	vbroadcast v51, $0xF;
	v28 =	vbroadcast v53, $0xF;
	v57, _, _ =	vpop (xrf2)  }
0x101: {  	v20 =	vnsel vm0, $0x0, v50;
	v30 =	vadd.f32 v22, v30;
	v31 =	vbroadcast v55, $0xF;
	v58, _, _ =	vpop (xrf2)  }
0x102: {  	v26 =	vnsel vm4, $0x0, v26;
	v24 =	vnsel vm5, $0x0, v24;
	v28 =	vnsel vm6, $0x0, v28;
	v59, _, _ =	vpop (xrf2)  }
0x103: {  	v27 =	vbroadcast v57, $0xF;
	v39 =	vadd.f32 v24, v26;
	v31 =	vnsel vm7, $0x0, v31;
	v60, _, _ =	vpop (xrf2)  }
0x104: {  	v32 =	vbroadcast v58, $0xF;
	v19 =	vadd.f32 v56, v20;
	v33 =	vbroadcast v59, $0xF;
	v61, _, _ =	vpop (xrf2)  }
0x105: {  	v27 =	vnsel vm8, $0x0, v27;
	v40 =	vadd.f32 v31, v28;
	v34 =	vbroadcast v60, $0xF;
	v62, _, _ =	vpop (xrf2)  }
0x106: {  	v32 =	vnsel vm9, $0x0, v32;
	v33 =	vnsel vm10, $0x0, v33;
	v35 =	vbroadcast v61, $0xF;
	v63, _, _ =	vpop (xrf2)  }
0x107: {  	v36 =	vbroadcast v62, $0xF;
	v34 =	vnsel vm11, $0x0, v34;
	v37 =	vbroadcast v63, $0xF  }
0x108: {  	[tilespmem:v47+s21+$0x0] =	vst.idx.msk $0xffff, v10;
	v42 =	vadd.f32 v32, v27;
	v35 =	vnsel vm12, $0x0, v35;
	v43 =	vadd.f32 v34, v33;
	v38, _, _ =	vpop (xrf2)  }
0x109: {  	[tilespmem:v48+s21+$0x0] =	vst.idx.msk $0xffff, v9;
	v36 =	vnsel vm13, $0x0, v36;
	v37 =	vnsel vm14, $0x0, v37;
	v41 =	vsel vm15, $0x0, v38  }
0x10a: {  	[dreg:$0x10] =	wrdreg s1;
	[tilespmem:v52+s21+$0x0] =	vst.idx.msk $0xffff, v8;
	v8 =	vadd.f32 v36, v35;
	v9 =	vadd.f32 v41, v37  }
0x10b: {  	s1 =	sld [smem:$0x7CD];
	[tilespmem:v54+s21+$0x0] =	vst.idx.msk $0xffff, v7;
	v7 =	vadd.f32 v30, v19;
	v44 =	vadd.f32 v40, v39  }
0x10c: {  	v45 =	vld.idx.msk [tilespmem:v6+s9+$0x0 ss:$0x1], $0xffff;
	v46 =	vadd.f32 v43, v42;
	v8 =	vadd.f32 v9, v8  }
0x10d: {  	v47 =	vld.idx.msk [tilespmem:v6+s9+$0x10 ss:$0x1], $0xffff  }
0x10e: {  	v48 =	vor.u32 s1, v2;
	v21 =	vld.idx.msk [tilespmem:v6+s9+$0x20 ss:$0x1], $0xffff;
	v7 =	vadd.f32 v44, v7;
	v8 =	vadd.f32 v8, v46  }
0x10f: {  	v50 =	vbroadcast v13, $0x1;
	v51 =	vor.u32 s1, v3;
	v49 =	vld.idx.msk [tilespmem:v6+s9+$0x30 ss:$0x1], $0xffff  }
0x110: {  	v52 =	vor.u32 s1, v4;
	v7 =	vadd.f32 v8, v7  }
0x111: {  	v19 =	vmul.f32 v50, v45;
	v8 =	vor.u32 s1, v5  }
0x112: {  	v9 =	vmul.f32 v50, v47;
	v7 =	vmax.f32 v7, $9.999999930e-09  }
0x113: {  	v53 =	vmul.f32 v50, v21;
	[tilespmem:v48+s21+$0x0] =	vst.idx.msk $0xffff, v19;
	v54 =	vshra.s32 v7, $0x1;
	v55 =	vmul.f32 $5.000000000e-01, v7  }
0x114: {  	v56 =	vmul.f32 v50, v49;
	[tilespmem:v51+s21+$0x0] =	vst.idx.msk $0xffff, v9;
	v57 =	vsub.s32 $0x5F3759DF, v54  }
0x115: {  	[tilespmem:v52+s21+$0x0] =	vst.idx.msk $0xffff, v53;
	v58 =	vmul.f32 v57, v55  }
0x116: {  	s9 =	sld [smem:$0x7CE];
	[tilespmem:v8+s21+$0x0] =	vst.idx.msk $0xffff, v56  }
0x117: {  	v8 =	vld.idx.msk [tilespmem:v6+s11+$0x0 ss:$0x1], $0xffff;
	v59 =	vmul.f32 v57, v58  }
0x118: {  	v60 =	vld.idx.msk [tilespmem:v6+s11+$0x10 ss:$0x1], $0xffff  }
0x119: {  	v62 =	vor.u32 s9, v2;
	v61 =	vld.idx.msk [tilespmem:v6+s11+$0x20 ss:$0x1], $0xffff;
	v9 =	vsub.f32 $1.500000000e+00, v59  }
0x11a: {  	v30 =	vor.u32 s9, v3;
	v63 =	vbroadcast v13, $0x2;
	v23 =	vld.idx.msk [tilespmem:v6+s11+$0x30 ss:$0x1], $0xffff  }
0x11b: {  	v31 =	vor.u32 s9, v4;
	v9 =	vmul.f32 v57, v9  }
0x11c: {  	v32 =	vor.u32 s9, v5;
	v8 =	vmul.f32 v63, v8  }
0x11d: {  	v19 =	vmul.f32 v63, v60;
	v33 =	vmul.f32 v9, v55  }
0x11e: {  	[tilespmem:v62+s21+$0x0] =	vst.idx.msk $0xffff, v8;
	v8 =	vmul.f32 v63, v61  }
0x11f: {  	v34 =	vmul.f32 v63, v23;
	[tilespmem:v30+s21+$0x0] =	vst.idx.msk $0xffff, v19;
	v35 =	vmul.f32 v33, v9  }
0x120: {  	[tilespmem:v31+s21+$0x0] =	vst.idx.msk $0xffff, v8  }
0x121: {  	s11 =	sld [smem:$0x7CF];
	[tilespmem:v32+s21+$0x0] =	vst.idx.msk $0xffff, v34;
	v8 =	vsub.f32 $1.500000000e+00, v35  }
0x122: {  	v10 =	vld.idx.msk [tilespmem:v6+s17+$0x0 ss:$0x1], $0xffff  }
0x123: {  	v19 =	vld.idx.msk [tilespmem:v6+s17+$0x10 ss:$0x1], $0xffff;
	v8 =	vmul.f32 v8, v9  }
0x124: {  	v37 =	vor.u32 s11, v2;
	v36 =	vld.idx.msk [tilespmem:v6+s17+$0x20 ss:$0x1], $0xffff  }
0x125: {  	v38 =	vbroadcast v13, $0x3;
	v39 =	vor.u32 s11, v3;
	v21 =	vld.idx.msk [tilespmem:v6+s17+$0x30 ss:$0x1], $0xffff;
	v22 =	vmul.f32 v8, v55  }
0x126: {  	v40 =	vor.u32 s11, v4  }
0x127: {  	v41 =	vor.u32 s11, v5;
	v10 =	vmul.f32 v38, v10;
	v22 =	vmul.f32 v22, v8  }
0x128: {  	v19 =	vmul.f32 v38, v19  }
0x129: {  	v9 =	vmul.f32 v38, v36;
	[tilespmem:v37+s21+$0x0] =	vst.idx.msk $0xffff, v10;
	v42 =	vsub.f32 $1.500000000e+00, v22  }
0x12a: {  	v43 =	vmul.f32 v38, v21;
	[tilespmem:v39+s21+$0x0] =	vst.idx.msk $0xffff, v19  }
0x12b: {  	[tilespmem:v40+s21+$0x0] =	vst.idx.msk $0xffff, v9;
	v44 =	vmul.f32 v42, v8  }
0x12c: {  	s17 =	sld [smem:$0x7D0];
	[tilespmem:v41+s21+$0x0] =	vst.idx.msk $0xffff, v43  }
0x12d: {  	v8 =	vld.idx.msk [tilespmem:v6+s29+$0x0 ss:$0x1], $0xffff;
	v7 =	vmul.f32 v44, v7  }
0x12e: {  	v45 =	vld.idx.msk [tilespmem:v6+s29+$0x10 ss:$0x1], $0xffff  }
0x12f: {  	v46 =	vor.u32 s17, v2;
	v19 =	vld.idx.msk [tilespmem:v6+s29+$0x20 ss:$0x1], $0xffff;
	v7 =	vmul.f32 $1.442695020e+00, v7  }
0x130: {  	v48 =	vbroadcast v13, $0x4;
	v49 =	vor.u32 s17, v3;
	v47 =	vld.idx.msk [tilespmem:v6+s29+$0x30 ss:$0x1], $0xffff  }
0x131: {  	v50 =	vor.u32 s17, v4;
	(erf) = vpow2.f32 v7  }
0x132: {  	v7 =	vor.u32 s17, v5;
	v8 =	vmul.f32 v48, v8  }
0x133: {  	v10 =	vmul.f32 v48, v45  }
0x134: {  	[tilespmem:v46+s21+$0x0] =	vst.idx.msk $0xffff, v8;
	v8 =	vmul.f32 v48, v19  }
0x135: {  	v51 =	vmul.f32 v48, v47;
	[tilespmem:v49+s21+$0x0] =	vst.idx.msk $0xffff, v10  }
0x136: {  	[tilespmem:v50+s21+$0x0] =	vst.idx.msk $0xffff, v8  }
0x137: {  	s29 =	sld [smem:$0x7D1];
	[tilespmem:v7+s21+$0x0] =	vst.idx.msk $0xffff, v51  }
0x138: {  	v8 =	vld.idx.msk [tilespmem:v6+s25+$0x0 ss:$0x1], $0xffff  }
0x139: {  	v10 =	vld.idx.msk [tilespmem:v6+s25+$0x10 ss:$0x1], $0xffff  }
0x13a: {  	v53 =	vor.u32 s29, v2;
	v52 =	vld.idx.msk [tilespmem:v6+s25+$0x20 ss:$0x1], $0xffff;
	v7 =	vpop (erf)  }
0x13b: {  	v55 =	vbroadcast v13, $0x5;
	v56 =	vor.u32 s29, v3;
	v54 =	vld.idx.msk [tilespmem:v6+s25+$0x30 ss:$0x1], $0xffff;
	(erf) = vrcp.f32 v7  }
0x13c: {  	v57 =	vor.u32 s29, v4  }
0x13d: {  	v58 =	vor.u32 s29, v5;
	v8 =	vmul.f32 v8, v55  }
0x13e: {  	v10 =	vmul.f32 v10, v55  }
0x13f: {  	[tilespmem:v53+s21+$0x0] =	vst.idx.msk $0xffff, v8;
	v8 =	vmul.f32 v52, v55  }
0x140: {  	v59 =	vmul.f32 v54, v55;
	[tilespmem:v56+s21+$0x0] =	vst.idx.msk $0xffff, v10  }
0x141: {  	[tilespmem:v57+s21+$0x0] =	vst.idx.msk $0xffff, v8  }
0x142: {  	s1 =	sld [smem:$0x7D2];
	[tilespmem:v58+s21+$0x0] =	vst.idx.msk $0xffff, v59  }
0x143: {  	v10 =	vld.idx.msk [tilespmem:v6+s22+$0x0 ss:$0x1], $0xffff  }
0x144: {  	v60 =	vld.idx.msk [tilespmem:v6+s22+$0x10 ss:$0x1], $0xffff;
	v8 =	vpop (erf)  }
0x145: {  	s9 =	sld [smem:$0x7D3];
	v61 =	vor.u32 s1, v2;
	v20 =	vld.idx.msk [tilespmem:v6+s22+$0x20 ss:$0x1], $0xffff;
	v62 =	vsub.f32 v7, v8  }
0x146: {  	v63 =	vbroadcast v13, $0x6;
	v32 =	vor.u32 s1, v3;
	v23 =	vld.idx.msk [tilespmem:v6+s22+$0x30 ss:$0x1], $0xffff  }
0x147: {  	v33 =	vor.u32 s1, v4;
	v22 =	vmul.f32 $5.000000000e-01, v62  }
0x148: {  	v34 =	vor.u32 s1, v5;
	v35 =	vmov s9;
	v36 =	vmul.f32 v10, v63  }
0x149: {  	v9 =	vshll.u32 v35, $0x7;
	v19 =	vmul.f32 v60, v63;
	v10 =	vmul.f32 v22, v44  }
0x14a: {  	v37 =	vor.u32 v2, v9;
	v20 =	vmul.f32 v20, v63;
	[tilespmem:v61+s21+$0x0] =	vst.idx.msk $0xffff, v36  }
0x14b: {  	v39 =	vor.u32 v3, v9;
	v38 =	vmul.f32 v23, v63;
	[tilespmem:v32+s21+$0x0] =	vst.idx.msk $0xffff, v19;
	v22 =	vbroadcast v10, $0x0  }
0x14c: {  	v40 =	vor.u32 v4, v9;
	[tilespmem:v33+s21+$0x0] =	vst.idx.msk $0xffff, v20  }
0x14d: {  	s11 =	sld [smem:$0x7D4];
	v41 =	vor.u32 v5, v9;
	[tilespmem:v34+s21+$0x0] =	vst.idx.msk $0xffff, v38;
	v18 =	vmul.f32 v22, v18  }
0x14e: {  	v42 =	vld.idx.msk [tilespmem:v6+s19+$0x0 ss:$0x1], $0xffff;
	v17 =	vmul.f32 v22, v17  }
0x14f: {  	v25 =	vld.idx.msk [tilespmem:v6+s19+$0x10 ss:$0x1], $0xffff;
	v16 =	vmul.f32 v22, v16;
	[tilespmem:v37+s21+$0x0] =	vst.idx.msk $0xffff, v18  }
0x150: {  	v44 =	vor.u32 s11, v2;
	v43 =	vld.idx.msk [tilespmem:v6+s19+$0x20 ss:$0x1], $0xffff;
	v15 =	vmul.f32 v22, v15;
	[tilespmem:v39+s21+$0x0] =	vst.idx.msk $0xffff, v17  }
0x151: {  	v47 =	vor.u32 s11, v3;
	v46 =	vbroadcast v13, $0x7;
	v45 =	vld.idx.msk [tilespmem:v6+s19+$0x30 ss:$0x1], $0xffff;
	[tilespmem:v40+s21+$0x0] =	vst.idx.msk $0xffff, v16  }
0x152: {  	v48 =	vor.u32 s11, v4;
	[tilespmem:v41+s21+$0x0] =	vst.idx.msk $0xffff, v15  }
0x153: {  	v49 =	vor.u32 s11, v5;
	v50 =	vmul.f32 v42, v46;
	v20 =	vld.idx.msk [tilespmem:v6+s3+$0x0 ss:$0x1], $0xffff  }
0x154: {  	v51 =	vmul.f32 v25, v46;
	v52 =	vld.idx.msk [tilespmem:v6+s3+$0x10 ss:$0x1], $0xffff  }
0x155: {  	v54 =	vor.u32 s13, v2;
	v18 =	vmul.f32 v43, v46;
	v53 =	vld.idx.msk [tilespmem:v6+s3+$0x20 ss:$0x1], $0xffff;
	[tilespmem:v44+s21+$0x0] =	vst.idx.msk $0xffff, v50  }
0x156: {  	v57 =	vor.u32 s13, v3;
	v56 =	vbroadcast v10, $0x1;
	v17 =	vmul.f32 v45, v46;
	v55 =	vld.idx.msk [tilespmem:v6+s3+$0x30 ss:$0x1], $0xffff;
	[tilespmem:v47+s21+$0x0] =	vst.idx.msk $0xffff, v51  }
0x157: {  	v58 =	vor.u32 s13, v4;
	[tilespmem:v48+s21+$0x0] =	vst.idx.msk $0xffff, v18  }
0x158: {  	v59 =	vor.u32 s13, v5;
	s13 =	sld [smem:$0x7D5];
	[tilespmem:v49+s21+$0x0] =	vst.idx.msk $0xffff, v17;
	v60 =	vmul.f32 v56, v20  }
0x159: {  	v17 =	vld.idx.msk [tilespmem:v6+s14+$0x0 ss:$0x1], $0xffff;
	v61 =	vmul.f32 v56, v52  }
0x15a: {  	v24 =	vld.idx.msk [tilespmem:v6+s14+$0x10 ss:$0x1], $0xffff;
	v62 =	vmul.f32 v56, v53;
	[tilespmem:v54+s21+$0x0] =	vst.idx.msk $0xffff, v60  }
0x15b: {  	v28 =	vor.u32 s13, v2;
	v63 =	vld.idx.msk [tilespmem:v6+s14+$0x20 ss:$0x1], $0xffff;
	v29 =	vmul.f32 v56, v55;
	[tilespmem:v57+s21+$0x0] =	vst.idx.msk $0xffff, v61  }
0x15c: {  	v31 =	vbroadcast v13, $0x8;
	v32 =	vor.u32 s13, v3;
	v30 =	vld.idx.msk [tilespmem:v6+s14+$0x30 ss:$0x1], $0xffff;
	[tilespmem:v58+s21+$0x0] =	vst.idx.msk $0xffff, v62  }
0x15d: {  	v33 =	vor.u32 s13, v4;
	[tilespmem:v59+s21+$0x0] =	vst.idx.msk $0xffff, v29  }
0x15e: {  	v34 =	vor.u32 s13, v5;
	v17 =	vmul.f32 v17, v31;
	v18 =	vld.idx.msk [tilespmem:v6+s4+$0x0 ss:$0x1], $0xffff  }
0x15f: {  	v35 =	vmul.f32 v24, v31;
	v36 =	vld.idx.msk [tilespmem:v6+s4+$0x10 ss:$0x1], $0xffff  }
0x160: {  	v39 =	vor.u32 s18, v2;
	v37 =	vmul.f32 v63, v31;
	v38 =	vld.idx.msk [tilespmem:v6+s4+$0x20 ss:$0x1], $0xffff;
	[tilespmem:v28+s21+$0x0] =	vst.idx.msk $0xffff, v17  }
0x161: {  	v42 =	vbroadcast v10, $0x2;
	v43 =	vor.u32 s18, v3;
	v41 =	vmul.f32 v30, v31;
	v40 =	vld.idx.msk [tilespmem:v6+s4+$0x30 ss:$0x1], $0xffff;
	[tilespmem:v32+s21+$0x0] =	vst.idx.msk $0xffff, v35  }
0x162: {  	v44 =	vor.u32 s18, v4;
	[tilespmem:v33+s21+$0x0] =	vst.idx.msk $0xffff, v37  }
0x163: {  	v45 =	vor.u32 s18, v5;
	s14 =	sld [smem:$0x7D6];
	[tilespmem:v34+s21+$0x0] =	vst.idx.msk $0xffff, v41;
	v46 =	vmul.f32 v42, v18  }
0x164: {  	v47 =	vld.idx.msk [tilespmem:v6+s16+$0x0 ss:$0x1], $0xffff;
	v48 =	vmul.f32 v42, v36  }
0x165: {  	v49 =	vld.idx.msk [tilespmem:v6+s16+$0x10 ss:$0x1], $0xffff;
	v50 =	vmul.f32 v42, v38;
	[tilespmem:v39+s21+$0x0] =	vst.idx.msk $0xffff, v46  }
0x166: {  	v52 =	vor.u32 s14, v2;
	v51 =	vld.idx.msk [tilespmem:v6+s16+$0x20 ss:$0x1], $0xffff;
	v53 =	vmul.f32 v42, v40;
	[tilespmem:v43+s21+$0x0] =	vst.idx.msk $0xffff, v48  }
0x167: {  	v55 =	vbroadcast v13, $0x9;
	v56 =	vor.u32 s14, v3;
	v54 =	vld.idx.msk [tilespmem:v6+s16+$0x30 ss:$0x1], $0xffff;
	[tilespmem:v44+s21+$0x0] =	vst.idx.msk $0xffff, v50  }
0x168: {  	v57 =	vor.u32 s14, v4;
	[tilespmem:v45+s21+$0x0] =	vst.idx.msk $0xffff, v53  }
0x169: {  	v58 =	vor.u32 s14, v5;
	v59 =	vmul.f32 v47, v55;
	v60 =	vld.idx.msk [tilespmem:v6+s5+$0x0 ss:$0x1], $0xffff  }
0x16a: {  	v61 =	vmul.f32 v49, v55;
	v62 =	vld.idx.msk [tilespmem:v6+s5+$0x10 ss:$0x1], $0xffff  }
0x16b: {  	v29 =	vor.u32 s24, v2;
	v63 =	vmul.f32 v51, v55;
	v28 =	vld.idx.msk [tilespmem:v6+s5+$0x20 ss:$0x1], $0xffff;
	[tilespmem:v52+s21+$0x0] =	vst.idx.msk $0xffff, v59  }
0x16c: {  	v32 =	vbroadcast v10, $0x3;
	v33 =	vor.u32 s24, v3;
	v31 =	vmul.f32 v54, v55;
	v30 =	vld.idx.msk [tilespmem:v6+s5+$0x30 ss:$0x1], $0xffff;
	[tilespmem:v56+s21+$0x0] =	vst.idx.msk $0xffff, v61  }
0x16d: {  	v34 =	vor.u32 s24, v4;
	[tilespmem:v57+s21+$0x0] =	vst.idx.msk $0xffff, v63  }
0x16e: {  	s17 =	sld [smem:$0x7D7];
	v35 =	vor.u32 s24, v5;
	[tilespmem:v58+s21+$0x0] =	vst.idx.msk $0xffff, v31;
	v36 =	vmul.f32 v32, v60  }
0x16f: {  	v37 =	vld.idx.msk [tilespmem:v6+s20+$0x0 ss:$0x1], $0xffff;
	v38 =	vmul.f32 v32, v62  }
0x170: {  	v39 =	vld.idx.msk [tilespmem:v6+s20+$0x10 ss:$0x1], $0xffff;
	v40 =	vmul.f32 v32, v28;
	[tilespmem:v29+s21+$0x0] =	vst.idx.msk $0xffff, v36  }
0x171: {  	v42 =	vor.u32 s17, v2;
	v41 =	vld.idx.msk [tilespmem:v6+s20+$0x20 ss:$0x1], $0xffff;
	v43 =	vmul.f32 v32, v30;
	[tilespmem:v33+s21+$0x0] =	vst.idx.msk $0xffff, v38  }
0x172: {  	v46 =	vor.u32 s17, v3;
	v45 =	vbroadcast v13, $0xA;
	v44 =	vld.idx.msk [tilespmem:v6+s20+$0x30 ss:$0x1], $0xffff;
	[tilespmem:v34+s21+$0x0] =	vst.idx.msk $0xffff, v40  }
0x173: {  	s18 =	sld [smem:$0x7D8];
	v47 =	vor.u32 s17, v4;
	[tilespmem:v35+s21+$0x0] =	vst.idx.msk $0xffff, v43  }
0x174: {  	v48 =	vor.u32 s17, v5;
	v49 =	vmul.f32 v37, v45;
	v50 =	vld.idx.msk [tilespmem:v6+s6+$0x0 ss:$0x1], $0xffff  }
0x175: {  	v51 =	vmul.f32 v39, v45;
	v52 =	vld.idx.msk [tilespmem:v6+s6+$0x10 ss:$0x1], $0xffff  }
0x176: {  	v55 =	vor.u32 s18, v2;
	v53 =	vmul.f32 v41, v45;
	v54 =	vld.idx.msk [tilespmem:v6+s6+$0x20 ss:$0x1], $0xffff;
	[tilespmem:v42+s21+$0x0] =	vst.idx.msk $0xffff, v49  }
0x177: {  	v59 =	vor.u32 s18, v3;
	v58 =	vbroadcast v10, $0x4;
	v57 =	vmul.f32 v44, v45;
	v56 =	vld.idx.msk [tilespmem:v6+s6+$0x30 ss:$0x1], $0xffff;
	[tilespmem:v46+s21+$0x0] =	vst.idx.msk $0xffff, v51  }
0x178: {  	v60 =	vor.u32 s18, v4;
	[tilespmem:v47+s21+$0x0] =	vst.idx.msk $0xffff, v53  }
0x179: {  	s19 =	sld [smem:$0x7D9];
	v61 =	vor.u32 s18, v5;
	[tilespmem:v48+s21+$0x0] =	vst.idx.msk $0xffff, v57;
	v62 =	vmul.f32 v58, v50  }
0x17a: {  	v63 =	vld.idx.msk [tilespmem:v6+s23+$0x0 ss:$0x1], $0xffff;
	v28 =	vmul.f32 v58, v52  }
0x17b: {  	v29 =	vld.idx.msk [tilespmem:v6+s23+$0x10 ss:$0x1], $0xffff;
	v30 =	vmul.f32 v58, v54;
	[tilespmem:v55+s21+$0x0] =	vst.idx.msk $0xffff, v62  }
0x17c: {  	v32 =	vor.u32 s19, v2;
	v31 =	vld.idx.msk [tilespmem:v6+s23+$0x20 ss:$0x1], $0xffff;
	v33 =	vmul.f32 v58, v56;
	[tilespmem:v59+s21+$0x0] =	vst.idx.msk $0xffff, v28  }
0x17d: {  	v36 =	vor.u32 s19, v3;
	v35 =	vbroadcast v13, $0xB;
	v34 =	vld.idx.msk [tilespmem:v6+s23+$0x30 ss:$0x1], $0xffff;
	[tilespmem:v60+s21+$0x0] =	vst.idx.msk $0xffff, v30  }
0x17e: {  	s20 =	sld [smem:$0x7DA];
	v37 =	vor.u32 s19, v4;
	[tilespmem:v61+s21+$0x0] =	vst.idx.msk $0xffff, v33  }
0x17f: {  	v38 =	vor.u32 s19, v5;
	v39 =	vmul.f32 v63, v35;
	v40 =	vld.idx.msk [tilespmem:v6+s7+$0x0 ss:$0x1], $0xffff  }
0x180: {  	v41 =	vmul.f32 v29, v35;
	v42 =	vld.idx.msk [tilespmem:v6+s7+$0x10 ss:$0x1], $0xffff  }
0x181: {  	v45 =	vor.u32 s20, v2;
	v43 =	vmul.f32 v31, v35;
	v44 =	vld.idx.msk [tilespmem:v6+s7+$0x20 ss:$0x1], $0xffff;
	[tilespmem:v32+s21+$0x0] =	vst.idx.msk $0xffff, v39  }
0x182: {  	v49 =	vor.u32 s20, v3;
	v48 =	vbroadcast v10, $0x5;
	v47 =	vmul.f32 v34, v35;
	v46 =	vld.idx.msk [tilespmem:v6+s7+$0x30 ss:$0x1], $0xffff;
	[tilespmem:v36+s21+$0x0] =	vst.idx.msk $0xffff, v41  }
0x183: {  	v50 =	vor.u32 s20, v4;
	[tilespmem:v37+s21+$0x0] =	vst.idx.msk $0xffff, v43  }
0x184: {  	s22 =	sld [smem:$0x7DB];
	v51 =	vor.u32 s20, v5;
	[tilespmem:v38+s21+$0x0] =	vst.idx.msk $0xffff, v47;
	v52 =	vmul.f32 v40, v48  }
0x185: {  	v53 =	vld.idx.msk [tilespmem:v6+s26+$0x0 ss:$0x1], $0xffff;
	v54 =	vmul.f32 v42, v48  }
0x186: {  	v55 =	vld.idx.msk [tilespmem:v6+s26+$0x10 ss:$0x1], $0xffff;
	v56 =	vmul.f32 v44, v48;
	[tilespmem:v45+s21+$0x0] =	vst.idx.msk $0xffff, v52  }
0x187: {  	v58 =	vor.u32 s22, v2;
	v57 =	vld.idx.msk [tilespmem:v6+s26+$0x20 ss:$0x1], $0xffff;
	v59 =	vmul.f32 v46, v48;
	[tilespmem:v49+s21+$0x0] =	vst.idx.msk $0xffff, v54  }
0x188: {  	v62 =	vor.u32 s22, v3;
	v61 =	vbroadcast v13, $0xC;
	v60 =	vld.idx.msk [tilespmem:v6+s26+$0x30 ss:$0x1], $0xffff;
	[tilespmem:v50+s21+$0x0] =	vst.idx.msk $0xffff, v56  }
0x189: {  	s23 =	sld [smem:$0x7DC];
	v63 =	vor.u32 s22, v4;
	[tilespmem:v51+s21+$0x0] =	vst.idx.msk $0xffff, v59  }
0x18a: {  	v28 =	vor.u32 s22, v5;
	v29 =	vmul.f32 v53, v61;
	v30 =	vld.idx.msk [tilespmem:v6+s8+$0x0 ss:$0x1], $0xffff  }
0x18b: {  	v31 =	vmul.f32 v55, v61;
	v32 =	vld.idx.msk [tilespmem:v6+s8+$0x10 ss:$0x1], $0xffff  }
0x18c: {  	v35 =	vor.u32 s23, v2;
	v33 =	vmul.f32 v57, v61;
	v34 =	vld.idx.msk [tilespmem:v6+s8+$0x20 ss:$0x1], $0xffff;
	[tilespmem:v58+s21+$0x0] =	vst.idx.msk $0xffff, v29  }
0x18d: {  	v39 =	vor.u32 s23, v3;
	v38 =	vbroadcast v10, $0x6;
	v37 =	vmul.f32 v60, v61;
	v36 =	vld.idx.msk [tilespmem:v6+s8+$0x30 ss:$0x1], $0xffff;
	[tilespmem:v62+s21+$0x0] =	vst.idx.msk $0xffff, v31  }
0x18e: {  	v40 =	vor.u32 s23, v4;
	[tilespmem:v63+s21+$0x0] =	vst.idx.msk $0xffff, v33  }
0x18f: {  	s24 =	sld [smem:$0x7DD];
	v41 =	vor.u32 s23, v5;
	[tilespmem:v28+s21+$0x0] =	vst.idx.msk $0xffff, v37;
	v42 =	vmul.f32 v30, v38  }
0x190: {  	v43 =	vld.idx.msk [tilespmem:v6+s30+$0x0 ss:$0x1], $0xffff;
	v44 =	vmul.f32 v32, v38  }
0x191: {  	s5 =	sor.u32 $0x20, s15;
	v45 =	vld.idx.msk [tilespmem:v6+s30+$0x10 ss:$0x1], $0xffff;
	v46 =	vmul.f32 v34, v38;
	[tilespmem:v35+s21+$0x0] =	vst.idx.msk $0xffff, v42  }
0x192: {  	[dreg:$0xe] =	wrdreg s0;
	s0 =	sshll.u32 s5, $0x7;
	v48 =	vor.u32 s24, v2;
	v47 =	vld.idx.msk [tilespmem:v6+s30+$0x20 ss:$0x1], $0xffff;
	v49 =	vmul.f32 v36, v38;
	[tilespmem:v39+s21+$0x0] =	vst.idx.msk $0xffff, v44  }
0x193: {  	s0 =	sand.u32 $0x3FFFF800, s0;
	v52 =	vor.u32 s24, v3;
	v51 =	vbroadcast v13, $0xD;
	v50 =	vld.idx.msk [tilespmem:v6+s30+$0x30 ss:$0x1], $0xffff;
	[tilespmem:v40+s21+$0x0] =	vst.idx.msk $0xffff, v46  }
0x194: {  	s25 =	sld [smem:$0x7DE];
	v19 =	vld.idx.msk [tilespmem:v6+s0+$0x0 ss:$0x1], $0xffff;
	v53 =	vor.u32 s24, v4;
	[tilespmem:v41+s21+$0x0] =	vst.idx.msk $0xffff, v49  }
0x195: {  	v55 =	vor.u32 s24, v5;
	v54 =	vmul.f32 v43, v51;
	v56 =	vld.idx.msk [tilespmem:v6+s10+$0x0 ss:$0x1], $0xffff  }
0x196: {  	v57 =	vmul.f32 v45, v51;
	v58 =	vld.idx.msk [tilespmem:v6+s10+$0x10 ss:$0x1], $0xffff  }
0x197: {  	v61 =	vor.u32 s25, v2;
	v59 =	vmul.f32 v47, v51;
	v60 =	vld.idx.msk [tilespmem:v6+s10+$0x20 ss:$0x1], $0xffff;
	[tilespmem:v48+s21+$0x0] =	vst.idx.msk $0xffff, v54  }
0x198: {  	v29 =	vor.u32 s25, v3;
	v63 =	vbroadcast v10, $0x7;
	v62 =	vmul.f32 v50, v51;
	v28 =	vld.idx.msk [tilespmem:v6+s10+$0x30 ss:$0x1], $0xffff;
	[tilespmem:v52+s21+$0x0] =	vst.idx.msk $0xffff, v57  }
0x199: {  	v17 =	vld.idx.msk [tilespmem:v6+s0+$0x20 ss:$0x1], $0xffff;
	v30 =	vor.u32 s25, v4;
	[tilespmem:v53+s21+$0x0] =	vst.idx.msk $0xffff, v59  }
0x19a: {  	v16 =	vld.idx.msk [tilespmem:v6+s0+$0x30 ss:$0x1], $0xffff;
	s26 =	sld [smem:$0x7DF];
	v32 =	vor.u32 s25, v5;
	[tilespmem:v55+s21+$0x0] =	vst.idx.msk $0xffff, v62;
	v31 =	vmul.f32 v56, v63  }
0x19b: {  	v33 =	vld.idx.msk [tilespmem:v6+s31+$0x0 ss:$0x1], $0xffff;
	v34 =	vmul.f32 v58, v63  }
0x19c: {  	v35 =	vld.idx.msk [tilespmem:v6+s31+$0x10 ss:$0x1], $0xffff;
	v36 =	vmul.f32 v60, v63;
	[tilespmem:v61+s21+$0x0] =	vst.idx.msk $0xffff, v31  }
0x19d: {  	s7 =	sor.u32 $0x1100, s2;
	v38 =	vor.u32 s26, v2;
	v37 =	vld.idx.msk [tilespmem:v6+s31+$0x20 ss:$0x1], $0xffff;
	v39 =	vmul.f32 v28, v63;
	[tilespmem:v29+s21+$0x0] =	vst.idx.msk $0xffff, v34  }
0x19e: {  	s13 =	sand.u32 $0x3FFFF900, s7;
	v42 =	vor.u32 s26, v3;
	v40 =	vbroadcast v13, $0xE;
	v41 =	vld.idx.msk [tilespmem:v6+s31+$0x30 ss:$0x1], $0xffff;
	[tilespmem:v30+s21+$0x0] =	vst.idx.msk $0xffff, v36  }
0x19f: {  	v18 =	vld.idx.msk [tilespmem:v6+s13+$0x0 ss:$0x1], $0xffff;
	v43 =	vor.u32 s26, v4;
	[tilespmem:v32+s21+$0x0] =	vst.idx.msk $0xffff, v39  }
0x1a0: {  	v45 =	vor.u32 s26, v5;
	v44 =	vmul.f32 v33, v40;
	v46 =	vld.idx.msk [tilespmem:v6+s12+$0x0 ss:$0x1], $0xffff  }
0x1a1: {  	v47 =	vmul.f32 v35, v40;
	v48 =	vld.idx.msk [tilespmem:v6+s12+$0x10 ss:$0x1], $0xffff  }
0x1a2: {  	s6 =	sor.u32 $0x1080, s2;
	v49 =	vmul.f32 v37, v40;
	v50 =	vld.idx.msk [tilespmem:v6+s12+$0x20 ss:$0x1], $0xffff;
	[tilespmem:v38+s21+$0x0] =	vst.idx.msk $0xffff, v44  }
0x1a3: {  	s11 =	sand.u32 $0x3FFFF880, s6;
	s8 =	sor.u32 $0x1180, s2;
	s30 =	sld [smem:$0x7E1];
	v52 =	vmul.f32 v41, v40;
	v54 =	vld.idx.msk [tilespmem:v6+s12+$0x30 ss:$0x1], $0xffff;
	[tilespmem:v42+s21+$0x0] =	vst.idx.msk $0xffff, v47  }
0x1a4: {  	s4 =	smov.u32 s15;
	s15 =	sand.u32 $0x3FFFF980, s8;
	[tilespmem:v43+s21+$0x0] =	vst.idx.msk $0xffff, v49;
	v49 =	vld.idx.msk [tilespmem:v6+s11+$0x10 ss:$0x1], $0xffff  }
0x1a5: {  	[tilespmem:v45+s21+$0x0] =	vst.idx.msk $0xffff, v52;
	v52 =	vld.idx.msk [tilespmem:v6+s15+$0x30 ss:$0x1], $0xffff  }
0x1a6: {  	s29 =	sld [smem:$0x7E0];
	v59 =	vld.idx.msk [tilespmem:v6+s30+$0x0 ss:$0x1], $0xffff  }
0x1a7: {  	v61 =	vld.idx.msk [tilespmem:v6+s30+$0x10 ss:$0x1], $0xffff  }
0x1a8: {  	v53 =	vbroadcast v10, $0x8;
	v63 =	vld.idx.msk [tilespmem:v6+s30+$0x20 ss:$0x1], $0xffff  }
0x1a9: {  	v51 =	vor.u32 s29, v2;
	v28 =	vld.idx.msk [tilespmem:v6+s30+$0x30 ss:$0x1], $0xffff  }
0x1aa: {  	s9 =	sor.u32 $0x1200, s2;
	v55 =	vor.u32 s29, v3;
	v60 =	vmul.f32 v48, v53;
	v48 =	vld.idx.msk [tilespmem:v6+s11+$0x0 ss:$0x1], $0xffff  }
0x1ab: {  	s19 =	sand.u32 $0x3FFFFA00, s9;
	v62 =	vmul.f32 v50, v53;
	v50 =	vld.idx.msk [tilespmem:v6+s11+$0x20 ss:$0x1], $0xffff  }
0x1ac: {  	v56 =	vor.u32 s29, v4;
	v57 =	vmul.f32 v46, v53;
	v27 =	vmul.f32 v54, v53;
	v53 =	vld.idx.msk [tilespmem:v6+s19+$0x0 ss:$0x1], $0xffff  }
0x1ad: {  	v54 =	vld.idx.msk [tilespmem:v6+s19+$0x10 ss:$0x1], $0xffff  }
0x1ae: {  	[tilespmem:v51+s21+$0x0] =	vst.idx.msk $0xffff, v57;
	v51 =	vld.idx.msk [tilespmem:v6+s11+$0x30 ss:$0x1], $0xffff  }
0x1af: {  	[tilespmem:v55+s21+$0x0] =	vst.idx.msk $0xffff, v60;
	v60 =	vld.idx.msk [tilespmem:v6+s13+$0x10 ss:$0x1], $0xffff  }
0x1b0: {  	v13 =	vbroadcast v13, $0xF;
	v58 =	vor.u32 s29, v5;
	v55 =	vld.idx.msk [tilespmem:v6+s19+$0x20 ss:$0x1], $0xffff  }
0x1b1: {  	[tilespmem:v56+s21+$0x0] =	vst.idx.msk $0xffff, v62;
	v62 =	vld.idx.msk [tilespmem:v6+s13+$0x30 ss:$0x1], $0xffff  }
0x1b2: {  	s31 =	sld [smem:$0x7E2];
	v34 =	vmul.f32 v61, v13;
	v61 =	vld.idx.msk [tilespmem:v6+s13+$0x20 ss:$0x1], $0xffff  }
0x1b3: {  	s17 =	sor.u32 $0x1400, s2;
	v35 =	vmul.f32 v63, v13;
	v63 =	vld.idx.msk [tilespmem:v6+s15+$0x0 ss:$0x1], $0xffff  }
0x1b4: {  	s30 =	sand.u32 $0x3FFFFC00, s17;
	v38 =	vmul.f32 v28, v13;
	v28 =	vld.idx.msk [tilespmem:v6+s15+$0x10 ss:$0x1], $0xffff  }
0x1b5: {  	v26 =	vor.u32 s31, v2;
	[tilespmem:v58+s21+$0x0] =	vst.idx.msk $0xffff, v27;
	v27 =	vld.idx.msk [tilespmem:v6+s30+$0x30 ss:$0x1], $0xffff  }
0x1b6: {  	v33 =	vld.idx.msk [tilespmem:v6+s28+$0x0 ss:$0x1], $0xffff  }
0x1b7: {  	v29 =	vor.u32 s31, v3;
	v20 =	vld.idx.msk [tilespmem:v6+s28+$0x10 ss:$0x1], $0xffff  }
0x1b8: {  	v31 =	vmul.f32 v59, v13;
	v36 =	vld.idx.msk [tilespmem:v6+s28+$0x20 ss:$0x1], $0xffff  }
0x1b9: {  	s22 =	sor.u32 $0x1500, s2;
	v30 =	vor.u32 s31, v4;
	v40 =	vld.idx.msk [tilespmem:v6+s28+$0x30 ss:$0x1], $0xffff  }
0x1ba: {  	s24 =	sand.u32 $0x3FFFFD00, s22;
	[tilespmem:v26+s21+$0x0] =	vst.idx.msk $0xffff, v31;
	v26 =	vld.idx.msk [tilespmem:v6+s30+$0x10 ss:$0x1], $0xffff  }
0x1bb: {  	v31 =	vld.idx.msk [tilespmem:v6+s24+$0x10 ss:$0x1], $0xffff  }
0x1bc: {  	v32 =	vor.u32 s31, v5;
	s12 =	sor.u32 $0x1280, s2;
	[tilespmem:v29+s21+$0x0] =	vst.idx.msk $0xffff, v34;
	v29 =	vld.idx.msk [tilespmem:v6+s15+$0x20 ss:$0x1], $0xffff  }
0x1bd: {  	v14 =	vor.u32 v1, v14;
	s18 =	sor.u32 $0x1480, s2;
	s23 =	sand.u32 $0x3FFFFA80, s12;
	v34 =	vld.idx.msk [tilespmem:v6+s19+$0x30 ss:$0x1], $0xffff  }
0x1be: {  	s20 =	sand.u32 $0x3FFFFC80, s18;
	v13 =	vmul.f32 v50, v50;
	v15 =	vmul.f32 v51, v51;
	[tilespmem:v30+s21+$0x0] =	vst.idx.msk $0xffff, v35;
	v35 =	vld.idx.msk [tilespmem:v6+s23+$0x0 ss:$0x1], $0xffff  }
0x1bf: {  	v11 =	vadd.f32 v12, v11;
	v30 =	vld.idx.msk [tilespmem:v6+s20+$0x20 ss:$0x1], $0xffff  }
0x1c0: {  	v13 =	vadd.f32 v15, v13;
	v15 =	vld.idx.msk [tilespmem:v6+s24+$0x0 ss:$0x1], $0xffff  }
0x1c1: {  	v11 =	vmul.f32 $5.000000000e-01, v11;
	[tilespmem:v32+s21+$0x0] =	vst.idx.msk $0xffff, v38;
	v38 =	vld.idx.msk [tilespmem:v6+s23+$0x30 ss:$0x1], $0xffff  }
0x1c2: {  	v39 =	vbroadcast v10, $0x9;
	v32 =	vld.idx.msk [tilespmem:v6+s20+$0x30 ss:$0x1], $0xffff  }
0x1c3: {  	s14 =	sor.u32 $0x1300, s2;
	[tilespmem:v14+s21+$0x0] =	vst.idx.msk $0xffff, v11;
	v14 =	vld.idx.msk [tilespmem:v6+s0+$0x10 ss:$0x1], $0xffff  }
0x1c4: {  	s3 =	sld [smem:$0x7E3];
	s25 =	sand.u32 $0x3FFFFB00, s14;
	v43 =	vmul.f32 v33, v39;
	v46 =	vmul.f32 v36, v39;
	v36 =	vld.idx.msk [tilespmem:v6+s23+$0x10 ss:$0x1], $0xffff  }
0x1c5: {  	s16 =	sor.u32 $0x1380, s2;
	s10 =	sor.u32 $0x30, s4;
	v45 =	vmul.f32 v20, v39;
	v47 =	vmul.f32 v40, v39;
	v39 =	vld.idx.msk [tilespmem:v6+s25+$0x0 ss:$0x1], $0xffff  }
0x1c6: {  	s28 =	sand.u32 $0x3FFFFB80, s16;
	s0 =	sshll.u32 s10, $0x7;
	v40 =	vld.idx.msk [tilespmem:v6+s25+$0x10 ss:$0x1], $0xffff  }
0x1c7: {  	v37 =	vor.u32 s3, v2;
	v11 =	vmul.f32 v48, v48;
	v48 =	vld.idx.msk [tilespmem:v6+s28+$0x30 ss:$0x1], $0xffff;
	s0 =	sand.u32 $0x3FFFF800, s0  }
0x1c8: {  	v24 =	vld.idx.msk [tilespmem:v6+s0+$0x0 ss:$0x1], $0xffff  }
0x1c9: {  	v23 =	vld.idx.msk [tilespmem:v6+s0+$0x10 ss:$0x1], $0xffff  }
0x1ca: {  	v18 =	vmul.f32 v18, v18;
	v22 =	vld.idx.msk [tilespmem:v6+s0+$0x20 ss:$0x1], $0xffff  }
0x1cb: {  	v41 =	vor.u32 s3, v3;
	v12 =	vmul.f32 v49, v49;
	v56 =	vmul.f32 v19, v19;
	v21 =	vld.idx.msk [tilespmem:v6+s0+$0x30 ss:$0x1], $0xffff  }
0x1cc: {  	v58 =	vmul.f32 v17, v17;
	v20 =	vmul.f32 v60, v60;
	[tilespmem:v37+s21+$0x0] =	vst.idx.msk $0xffff, v43;
	v37 =	vld.idx.msk [tilespmem:v6+s23+$0x20 ss:$0x1], $0xffff  }
0x1cd: {  	[smem:$0x7E9] =	sst s9;
	v42 =	vor.u32 s3, v4;
	v59 =	vmul.f32 v16, v16;
	v53 =	vmul.f32 v53, v53;
	v43 =	vld.idx.msk [tilespmem:v6+s28+$0x10 ss:$0x1], $0xffff  }
0x1ce: {  	[smem:$0x7EB] =	sst s14;
	v60 =	vmul.f32 v61, v61;
	v61 =	vmul.f32 v62, v62;
	v62 =	vadd.f32 v20, v18;
	v18 =	vld.idx.msk [tilespmem:v6+s30+$0x20 ss:$0x1], $0xffff  }
0x1cf: {  	[smem:$0x7EC] =	sst s16;
	v54 =	vmul.f32 v54, v54;
	v50 =	vmul.f32 v29, v29;
	v29 =	vld.idx.msk [tilespmem:v6+s20+$0x0 ss:$0x1], $0xffff  }
0x1d0: {  	[smem:$0x7EE] =	sst s17;
	s31 =	sor.u32 $0x1600, s2;
	v44 =	vor.u32 s3, v5;
	v51 =	vmul.f32 v52, v52;
	v63 =	vmul.f32 v63, v63;
	v20 =	vld.idx.msk [tilespmem:v6+s20+$0x10 ss:$0x1], $0xffff  }
0x1d1: {  	[smem:$0x7E4] =	sst s5;
	v11 =	vadd.f32 v12, v11;
	s0 =	sand.u32 $0x3FFFFE00, s31;
	[tilespmem:v41+s21+$0x0] =	vst.idx.msk $0xffff, v45;
	v41 =	vld.idx.msk [tilespmem:v6+s25+$0x20 ss:$0x1], $0xffff;
	v57 =	vmul.f32 v14, v14  }
0x1d2: {  	[smem:$0x7F1] =	sst s18;
	s26 =	sor.u32 $0x1580, s2;
	v12 =	vadd.f32 v61, v60;
	v45 =	vadd.f32 v59, v58;
	v59 =	vmul.f32 v35, v35;
	v35 =	vld.idx.msk [tilespmem:v6+s0+$0x10 ss:$0x1], $0xffff  }
0x1d3: {  	[smem:$0x7E6] =	sst s6;
	s29 =	sand.u32 $0x3FFFFD80, s26;
	v49 =	vmul.f32 v28, v28;
	[tilespmem:v42+s21+$0x0] =	vst.idx.msk $0xffff, v46;
	v46 =	vld.idx.msk [tilespmem:v6+s28+$0x20 ss:$0x1], $0xffff;
	v42 =	vadd.f32 v57, v56  }
0x1d4: {  	[smem:$0x7F0] =	sst s20;
	v55 =	vmul.f32 v55, v55;
	v12 =	vadd.f32 v12, v62;
	v62 =	vmul.f32 v38, v38;
	v38 =	vld.idx.msk [tilespmem:v6+s29+$0x0 ss:$0x1], $0xffff  }
0x1d5: {  	[smem:$0x7F4] =	sst s22;
	v52 =	vadd.f32 v49, v63;
	[tilespmem:v44+s21+$0x0] =	vst.idx.msk $0xffff, v47;
	v44 =	vld.idx.msk [tilespmem:v6+s25+$0x30 ss:$0x1], $0xffff;
	v42 =	vadd.f32 v45, v42  }
0x1d6: {  	[smem:$0x7E7] =	sst s7;
	v58 =	vadd.f32 v54, v53;
	v11 =	vadd.f32 v13, v11;
	v47 =	vld.idx.msk [tilespmem:v6+s28+$0x0 ss:$0x1], $0xffff;
	v56 =	vmul.f32 v34, v34  }
0x1d7: {  	[smem:$0x7F3] =	sst s24;
	v13 =	vadd.f32 v51, v50;
	v60 =	vmul.f32 v36, v36;
	v36 =	vld.idx.msk [tilespmem:v6+s24+$0x30 ss:$0x1], $0xffff;
	(xrf2) =	vadd.scan.msk.f32 $0xffff, v42  }
0x1d8: {  	[smem:$0x7E8] =	sst s8;
	v61 =	vmul.f32 v37, v37;
	v45 =	vld.idx.msk [tilespmem:v6+s30+$0x0 ss:$0x1], $0xffff;
	(xrf2) =	vadd.scan.msk.f32 $0xffff, v11;
	v11 =	vadd.f32 v56, v55  }
0x1d9: {  	[smem:$0x7F7] =	sst s26;
	v57 =	vadd.f32 v13, v52;
	v34 =	vld.idx.msk [tilespmem:v6+s24+$0x20 ss:$0x1], $0xffff;
	v25 =	vadd.f32 v60, v59  }
0x1da: {  	[smem:$0x7E5] =	sst s10;
	v13 =	vld.idx.msk [tilespmem:v6+s29+$0x10 ss:$0x1], $0xffff;
	v51 =	vadd.f32 v62, v61;
	(xrf2) =	vadd.scan.msk.f32 $0xffff, v12;
	v11 =	vadd.f32 v11, v58  }
0x1db: {  	[smem:$0x7F6] =	sst s29;
	v63 =	vmul.f32 v39, v39;
	v37 =	vld.idx.msk [tilespmem:v6+s29+$0x20 ss:$0x1], $0xffff;
	v49 =	vmul.f32 v41, v41;
	(xrf2) =	vadd.scan.msk.f32 $0xffff, v57  }
0x1dc: {  	[dreg:$0x1e] =	wrdreg s31;
	v50 =	vmul.f32 v44, v44;
	v42 =	vmul.f32 v40, v40;
	(xrf2) =	vadd.scan.msk.f32 $0xffff, v11;
	v11 =	vadd.f32 v51, v25  }
0x1dd: {  	[smem:$0x7EA] =	sst s12;
	v26 =	vmul.f32 v26, v26;
	v59 =	vld.idx.msk [tilespmem:v6+s0+$0x0 ss:$0x1], $0xffff;
	v58 =	vmul.f32 v45, v45  }
0x1de: {  	[smem:$0x7F9] =	sst s0;
	v28 =	vadd.f32 v50, v49;
	v52 =	vadd.f32 v42, v63;
	v57 =	vld.idx.msk [tilespmem:v6+s29+$0x30 ss:$0x1], $0xffff;
	(xrf2) =	vadd.scan.msk.f32 $0xffff, v11  }
0x1df: {  	s3 =	sor.u32 $0x1680, s2;
	v61 =	vadd.f32 v26, v58;
	v26 =	vld.idx.msk [tilespmem:v6+s0+$0x20 ss:$0x1], $0xffff  }
0x1e0: {  	s4 =	sand.u32 $0x3FFFFE80, s3;
	v12 =	vadd.f32 v28, v52;
	v28 =	vld.idx.msk [tilespmem:v6+s0+$0x30 ss:$0x1], $0xffff  }
0x1e1: {  	v42 =	vld.idx.msk [tilespmem:v6+s4+$0x0 ss:$0x1], $0xffff  }
0x1e2: {  	v27 =	vmul.f32 v27, v27;
	v54 =	vmul.f32 v43, v43;
	v45 =	vld.idx.msk [tilespmem:v6+s4+$0x10 ss:$0x1], $0xffff  }
0x1e3: {  	s5 =	sor.u32 $0x1700, s2;
	v53 =	vmul.f32 v47, v47;
	v56 =	vmul.f32 v48, v48;
	v48 =	vld.idx.msk [tilespmem:v6+s4+$0x20 ss:$0x1], $0xffff  }
0x1e4: {  	s6 =	sand.u32 $0x3FFFFF00, s5;
	v18 =	vmul.f32 v18, v18;
	v55 =	vmul.f32 v46, v46;
	v51 =	vld.idx.msk [tilespmem:v6+s4+$0x30 ss:$0x1], $0xffff  }
0x1e5: {  	v33 =	vadd.f32 v54, v53;
	v53 =	vld.idx.msk [tilespmem:v6+s6+$0x0 ss:$0x1], $0xffff  }
0x1e6: {  	v18 =	vadd.f32 v27, v18;
	v60 =	vadd.f32 v56, v55;
	v55 =	vld.idx.msk [tilespmem:v6+s6+$0x10 ss:$0x1], $0xffff  }
0x1e7: {  	s17 =	sor.u32 $0x1880, s2;
	v15 =	vmul.f32 v15, v15;
	v39 =	vmul.f32 v32, v32;
	v58 =	vld.idx.msk [tilespmem:v6+s6+$0x20 ss:$0x1], $0xffff  }
0x1e8: {  	s1 =	sand.u32 $0x3FFFF880, s17;
	v20 =	vmul.f32 v20, v20;
	v62 =	vmul.f32 v29, v29;
	v43 =	vadd.f32 v18, v61;
	v61 =	vld.idx.msk [tilespmem:v6+s6+$0x30 ss:$0x1], $0xffff  }
0x1e9: {  	v47 =	vmul.f32 v31, v31;
	v49 =	vmul.f32 v34, v34;
	v27 =	vld.idx.msk [tilespmem:v6+s1+$0x0 ss:$0x1], $0xffff  }
0x1ea: {  	s7 =	sor.u32 $0x1780, s2;
	v50 =	vmul.f32 v36, v36;
	v54 =	vmul.f32 v38, v38;
	v11 =	vadd.f32 v60, v33;
	v33 =	vld.idx.msk [tilespmem:v6+s1+$0x10 ss:$0x1], $0xffff  }
0x1eb: {  	v44 =	vadd.f32 v20, v62;
	v13 =	vmul.f32 v13, v13;
	v63 =	vmul.f32 v30, v30;
	s0 =	sand.u32 $0x3FFFFF80, s7;
	v29 =	vld.idx.msk [tilespmem:v6+s1+$0x30 ss:$0x1], $0xffff  }
0x1ec: {  	v15 =	vadd.f32 v47, v15;
	v59 =	vmul.f32 v59, v59;
	v56 =	vmul.f32 v37, v37;
	v36 =	vld.idx.msk [tilespmem:v6+s0+$0x0 ss:$0x1], $0xffff  }
0x1ed: {  	v13 =	vadd.f32 v13, v54;
	v46 =	vadd.f32 v39, v63;
	(xrf2) =	vadd.scan.msk.f32 $0xffff, v12;
	v39 =	vld.idx.msk [tilespmem:v6+s0+$0x10 ss:$0x1], $0xffff  }
0x1ee: {  	v60 =	vmul.f32 v35, v35;
	(xrf2) =	vadd.scan.msk.f32 $0xffff, v11;
	v11 =	vadd.f32 v50, v49;
	v41 =	vld.idx.msk [tilespmem:v6+s0+$0x20 ss:$0x1], $0xffff  }
0x1ef: {  	v52 =	vadd.f32 v46, v44;
	v57 =	vmul.f32 v57, v57;
	v44 =	vld.idx.msk [tilespmem:v6+s0+$0x30 ss:$0x1], $0xffff;
	v62 =	vmul.f32 v26, v26  }
0x1f0: {  	s20 =	sor.u32 $0x1900, s2;
	(xrf2) =	vadd.scan.msk.f32 $0xffff, v43;
	v11 =	vadd.f32 v11, v15;
	v63 =	vmul.f32 v28, v28;
	v40 =	vmul.f32 v42, v42  }
0x1f1: {  	[dreg:$0x1c] =	wrdreg s3;
	s3 =	sand.u32 $0x3FFFF900, s20;
	v37 =	vadd.f32 v57, v56;
	(xrf2) =	vadd.scan.msk.f32 $0xffff, v52;
	v20 =	vmul.f32 v45, v45;
	v42 =	vmul.f32 v48, v48  }
0x1f2: {  	s24 =	sor.u32 $0x1980, s2;
	v31 =	vld.idx.msk [tilespmem:v6+s3+$0x0 ss:$0x1], $0xffff;
	(xrf2) =	vadd.scan.msk.f32 $0xffff, v11;
	v43 =	vmul.f32 v51, v51;
	v18 =	vmul.f32 v53, v53  }
0x1f3: {  	[dreg:$0x1f] =	wrdreg s4;
	s4 =	sand.u32 $0x3FFFF980, s24;
	v11 =	vadd.f32 v37, v13;
	v45 =	vmul.f32 v55, v55;
	v46 =	vmul.f32 v58, v58;
	v13 =	vld.idx.msk [tilespmem:v6+s3+$0x10 ss:$0x1], $0xffff  }
0x1f4: {  	s26 =	sor.u32 $0x1A00, s2;
	v47 =	vmul.f32 v61, v61;
	v28 =	vmul.f32 v36, v36;
	v36 =	vld.idx.msk [tilespmem:v6+s4+$0x10 ss:$0x1], $0xffff  }
0x1f5: {  	[dreg:$0x1b] =	wrdreg s5;
	s5 =	sand.u32 $0x3FFFFA00, s26;
	v27 =	vmul.f32 v27, v27;
	v15 =	vmul.f32 v39, v39;
	v39 =	vld.idx.msk [tilespmem:v6+s4+$0x30 ss:$0x1], $0xffff  }
0x1f6: {  	v38 =	vadd.f32 v60, v59;
	v33 =	vmul.f32 v33, v33;
	v52 =	vmul.f32 v41, v41;
	v41 =	vld.idx.msk [tilespmem:v6+s5+$0x0 ss:$0x1], $0xffff  }
0x1f7: {  	v50, _, _ =	vpop (xrf2);
	v29 =	vmul.f32 v29, v29;
	v25 =	vadd.f32 v63, v62;
	v49 =	vadd.f32 v45, v18;
	v18 =	vld.idx.msk [tilespmem:v6+s1+$0x20 ss:$0x1], $0xffff  }
0x1f8: {  	v51, _, _ =	vpop (xrf2);
	v53 =	vmul.f32 v44, v44;
	v20 =	vadd.f32 v20, v40;
	v48 =	vadd.f32 v43, v42;
	v43 =	vld.idx.msk [tilespmem:v6+s5+$0x10 ss:$0x1], $0xffff  }
0x1f9: {  	s9 =	sor.u32 $0x1C00, s2;
	v54, _, _ =	vpop (xrf2);
	v32 =	vbroadcast v51, $0xF;
	v26 =	vadd.f32 v47, v46;
	v45 =	vld.idx.msk [tilespmem:v6+s5+$0x20 ss:$0x1], $0xffff;
	v27 =	vadd.f32 v33, v27  }
0x1fa: {  	[smem:$0x7EF] =	sst s9;
	s9 =	sand.u32 $0x3FFFFC00, s9;
	v56, _, _ =	vpop (xrf2);
	v34 =	vbroadcast v54, $0xF;
	v47 =	vld.idx.msk [tilespmem:v6+s5+$0x30 ss:$0x1], $0xffff;
	v57 =	vadd.f32 v15, v28;
	v58 =	vadd.f32 v53, v52  }
0x1fb: {  	(xrf2) =	vadd.scan.msk.f32 $0xffff, v11;
	v33 =	vld.idx.msk [tilespmem:v6+s9+$0x10 ss:$0x1], $0xffff;
	v59, _, _ =	vpop (xrf2);
	v63 =	vnsel vm1, $0x0, v32;
	v12 =	vadd.f32 v25, v38;
	v11 =	vadd.f32 v48, v20  }
0x1fc: {  	v15 =	vld.idx.msk [tilespmem:v6+s4+$0x0 ss:$0x1], $0xffff;
	v55 =	vadd.f32 v26, v49;
	v25 =	vbroadcast v50, $0xF;
	v60, _, _ =	vpop (xrf2);
	v26 =	vbroadcast v56, $0xF  }
0x1fd: {  	v20 =	vld.idx.msk [tilespmem:v6+s3+$0x20 ss:$0x1], $0xffff;
	v28 =	vbroadcast v59, $0xF;
	v34 =	vnsel vm2, $0x0, v34;
	v61, _, _ =	vpop (xrf2);
	v30 =	vbroadcast v60, $0xF  }
0x1fe: {  	s29 =	sor.u32 $0x1A80, s2;
	v38 =	vld.idx.msk [tilespmem:v6+s4+$0x20 ss:$0x1], $0xffff;
	(xrf2) =	vadd.scan.msk.f32 $0xffff, v12;
	v25 =	vnsel vm0, $0x0, v25;
	v62, _, _ =	vpop (xrf2);
	v35 =	vbroadcast v61, $0xF;
	v26 =	vnsel vm3, $0x0, v26  }
0x1ff: {  	[dreg:$0x1d] =	wrdreg s6;
	s6 =	sand.u32 $0x3FFFFA80, s29;
	v12 =	vld.idx.msk [tilespmem:v6+s3+$0x30 ss:$0x1], $0xffff;
	v28 =	vnsel vm4, $0x0, v28;
	(xrf2) =	vadd.scan.msk.f32 $0xffff, v11;
	v11 =	vadd.f32 v58, v57;
	v48, _, _ =	vpop (xrf2);
	v37 =	vbroadcast v62, $0xF  }
0x200: {  	s31 =	sor.u32 $0x1B00, s2;
	v30 =	vnsel vm5, $0x0, v30;
	v54 =	vadd.f32 v26, v34;
	v26 =	vld.idx.msk [tilespmem:v6+s6+$0x30 ss:$0x1], $0xffff;
	v18 =	vmul.f32 v18, v18;
	v49, _, _ =	vpop (xrf2)  }
0x201: {  	[dreg:$0x19] =	wrdreg s7;
	s7 =	sand.u32 $0x3FFFFB00, s31;
	v35 =	vnsel vm6, $0x0, v35;
	v37 =	vnsel vm7, $0x0, v37;
	v40 =	vbroadcast v49, $0xF;
	v49 =	vld.idx.msk [tilespmem:v6+s6+$0x0 ss:$0x1], $0xffff  }
0x202: {  	s10 =	sor.u32 $0x1C80, s2;
	v45 =	vmul.f32 v45, v45;
	v18 =	vadd.f32 v29, v18;
	v57 =	vadd.f32 v37, v35;
	v35 =	vld.idx.msk [tilespmem:v6+s7+$0x0 ss:$0x1], $0xffff  }
0x203: {  	[smem:$0x7F2] =	sst s10;
	s10 =	sand.u32 $0x3FFFFC80, s10;
	v47 =	vmul.f32 v47, v47;
	(xrf2) =	vadd.scan.msk.f32 $0xffff, v55;
	v32 =	vbroadcast v48, $0xF;
	v28 =	vadd.f32 v30, v28;
	v37 =	vld.idx.msk [tilespmem:v6+s7+$0x20 ss:$0x1], $0xffff  }
0x204: {  	s12 =	sor.u32 $0x1D00, s2;
	(xrf2) =	vadd.scan.msk.f32 $0xffff, v11;
	v11 =	vadd.f32 v63, v25;
	v18 =	vadd.f32 v18, v27;
	v27 =	vld.idx.msk [tilespmem:v6+s10+$0x10 ss:$0x1], $0xffff  }
0x205: {  	[smem:$0x7F5] =	sst s12;
	s12 =	sand.u32 $0x3FFFFD00, s12;
	v50, _, _ =	vpop (xrf2);
	v32 =	vnsel vm8, $0x0, v32;
	v40 =	vnsel vm9, $0x0, v40;
	v61 =	vadd.f32 v57, v28;
	v28 =	vld.idx.msk [tilespmem:v6+s7+$0x30 ss:$0x1], $0xffff  }
0x206: {  	s16 =	sor.u32 $0x1E00, s2;
	v20 =	vmul.f32 v20, v20;
	v12 =	vmul.f32 v12, v12;
	v51, _, _ =	vpop (xrf2);
	v32 =	vadd.f32 v40, v32;
	v40 =	vld.idx.msk [tilespmem:v6+s12+$0x20 ss:$0x1], $0xffff  }
0x207: {  	s22 =	sor.u32 $0x1F00, s2;
	[smem:$0x7FA] =	sst s16;
	s16 =	sand.u32 $0x3FFFFE00, s16;
	v42 =	vbroadcast v50, $0xF;
	v11 =	vadd.f32 v54, v11;
	v44 =	vbroadcast v51, $0xF;
	v51 =	vld.idx.msk [tilespmem:v6+s6+$0x10 ss:$0x1], $0xffff  }
0x208: {  	[smem:$0x7FC] =	sst s22;
	s22 =	sand.u32 $0x3FFFFF00, s22;
	v12 =	vadd.f32 v12, v20;
	v20 =	vadd.f32 v47, v45;
	v47 =	vld.idx.msk [tilespmem:v6+s16+$0x10 ss:$0x1], $0xffff  }
0x209: {  	v42 =	vnsel vm10, $0x0, v42;
	v45 =	vld.idx.msk [tilespmem:v6+s22+$0x30 ss:$0x1], $0xffff  }
0x20a: {  	s8 =	sor.u32 $0x1B80, s2;
	v11 =	vadd.f32 v61, v11;
	v61 =	vmul.f32 v39, v39;
	v39 =	vld.idx.msk [tilespmem:v6+s10+$0x30 ss:$0x1], $0xffff;
	v44 =	vnsel vm11, $0x0, v44  }
0x20b: {  	[smem:$0x7ED] =	sst s8;
	s8 =	sand.u32 $0x3FFFFB80, s8;
	v15 =	vmul.f32 v15, v15;
	v59 =	vadd.f32 v44, v42;
	v42 =	vld.idx.msk [tilespmem:v6+s7+$0x10 ss:$0x1], $0xffff  }
0x20c: {  	v63 =	vmul.f32 v24, v24;
	v37 =	vmul.f32 v37, v37;
	v52, _, _ =	vpop (xrf2);
	v44 =	vld.idx.msk [tilespmem:v6+s8+$0x30 ss:$0x1], $0xffff  }
0x20d: {  	v46 =	vbroadcast v52, $0xF;
	v53, _, _ =	vpop (xrf2);
	v52 =	vld.idx.msk [tilespmem:v6+s6+$0x20 ss:$0x1], $0xffff;
	v28 =	vmul.f32 v28, v28  }
0x20e: {  	v48 =	vbroadcast v53, $0xF;
	v50, _, _ =	vpop (xrf2);
	v62 =	vadd.f32 v59, v32;
	v53 =	vmul.f32 v23, v23;
	v32 =	vld.idx.msk [tilespmem:v6+s8+$0x20 ss:$0x1], $0xffff  }
0x20f: {  	s14 =	sor.u32 $0x1D80, s2;
	v59 =	vmul.f32 v36, v36;
	v36 =	vld.idx.msk [tilespmem:v6+s10+$0x20 ss:$0x1], $0xffff;
	v46 =	vnsel vm12, $0x0, v46;
	v50 =	vbroadcast v50, $0xF;
	v56, _, _ =	vpop (xrf2)  }
0x210: {  	[smem:$0x7F8] =	sst s14;
	s14 =	sand.u32 $0x3FFFFD80, s14;
	v58 =	vsel vm15, $0x0, v56;
	v56 =	vadd.f32 v53, v63;
	v63 =	vmul.f32 v43, v43;
	v43 =	vld.idx.msk [tilespmem:v6+s12+$0x30 ss:$0x1], $0xffff  }
0x211: {  	v48 =	vnsel vm13, $0x0, v48;
	v15 =	vadd.f32 v59, v15;
	v59 =	vadd.f32 v28, v37;
	v37 =	vld.idx.msk [tilespmem:v6+s14+$0x30 ss:$0x1], $0xffff  }
0x212: {  	v55 =	vnsel vm14, $0x0, v50;
	v60 =	vadd.f32 v48, v46;
	v46 =	vld.idx.msk [tilespmem:v6+s8+$0x0 ss:$0x1], $0xffff  }
0x213: {  	s18 =	sor.u32 $0x1E80, s2;
	v49 =	vmul.f32 v49, v49;
	v53 =	vmul.f32 v51, v51;
	v50 =	vld.idx.msk [tilespmem:v6+s8+$0x10 ss:$0x1], $0xffff;
	v34 =	vadd.f32 v58, v55  }
0x214: {  	[smem:$0x7FB] =	sst s18;
	s18 =	sand.u32 $0x3FFFFE80, s18;
	v54 =	vmul.f32 v22, v22;
	v58 =	vmul.f32 v31, v31;
	v31 =	vld.idx.msk [tilespmem:v6+s9+$0x20 ss:$0x1], $0xffff  }
0x215: {  	v55 =	vmul.f32 v21, v21;
	v29 =	vadd.f32 v53, v49;
	v53 =	vld.idx.msk [tilespmem:v6+s18+$0x10 ss:$0x1], $0xffff;
	v34 =	vadd.f32 v34, v60  }
0x216: {  	v60 =	vmul.f32 v38, v38;
	v38 =	vld.idx.msk [tilespmem:v6+s14+$0x10 ss:$0x1], $0xffff  }
0x217: {  	v57 =	vadd.f32 v55, v54;
	v30 =	vadd.f32 v34, v62;
	v34 =	vld.idx.msk [tilespmem:v6+s9+$0x0 ss:$0x1], $0xffff  }
0x218: {  	v13 =	vmul.f32 v13, v13;
	v62 =	vmul.f32 v41, v41;
	v41 =	vld.idx.msk [tilespmem:v6+s12+$0x0 ss:$0x1], $0xffff  }
0x219: {  	v25 =	vadd.f32 v57, v56;
	v56 =	vmul.f32 v42, v42;
	v42 =	vld.idx.msk [tilespmem:v6+s14+$0x0 ss:$0x1], $0xffff  }
0x21a: {  	v13 =	vadd.f32 v13, v58;
	v48 =	vadd.f32 v61, v60;
	v61 =	vmul.f32 v50, v50;
	v50 =	vld.idx.msk [tilespmem:v6+s16+$0x30 ss:$0x1], $0xffff  }
0x21b: {  	v33 =	vmul.f32 v33, v33;
	v26 =	vmul.f32 v26, v26;
	v11 =	vadd.f32 v30, v11;
	v30 =	vld.idx.msk [tilespmem:v6+s9+$0x30 ss:$0x1], $0xffff  }
0x21c: {  	v55 =	vmul.f32 v35, v35;
	v12 =	vadd.f32 v12, v13;
	(xrf2) =	vadd.scan.msk.f32 $0xffff, v25;
	v25 =	vld.idx.msk [tilespmem:v6+s10+$0x0 ss:$0x1], $0xffff  }
0x21d: {  	v60 =	vmul.f32 v46, v46;
	v13 =	vadd.f32 v63, v62;
	v63 =	vmul.f32 v44, v44;
	v44 =	vld.idx.msk [tilespmem:v6+s16+$0x0 ss:$0x1], $0xffff  }
0x21e: {  	v27 =	vmul.f32 v27, v27;
	v51 =	vmul.f32 v36, v36;
	v58 =	vadd.f32 v56, v55;
	v55 =	vld.idx.msk [tilespmem:v6+s18+$0x20 ss:$0x1], $0xffff  }
0x21f: {  	v54 =	vmul.f32 v52, v52;
	v52 =	vmul.f32 v39, v39;
	v28 =	vadd.f32 v61, v60;
	v60 =	vld.idx.msk [tilespmem:v6+s22+$0x0 ss:$0x1], $0xffff  }
0x220: {  	v31 =	vmul.f32 v31, v31;
	v53 =	vmul.f32 v53, v53;
	(xrf2) =	vadd.scan.msk.f32 $0xffff, v18;
	v18 =	vld.idx.msk [tilespmem:v6+s12+$0x10 ss:$0x1], $0xffff  }
0x221: {  	v62 =	vmul.f32 v32, v32;
	v56 =	vmul.f32 v40, v40;
	v13 =	vadd.f32 v20, v13;
	v20 =	vld.idx.msk [tilespmem:v6+s14+$0x20 ss:$0x1], $0xffff  }
0x222: {  	(xrf2) =	vadd.scan.msk.f32 $0xffff, v12;
	v12 =	vadd.f32 v48, v15;
	v15 =	vadd.f32 v59, v58;
	v48 =	vld.idx.msk [tilespmem:v6+s16+$0x20 ss:$0x1], $0xffff  }
0x223: {  	s2 =	sor.u32 $0x1F80, s2;
	v49 =	vadd.f32 v63, v62;
	v58 =	vld.idx.msk [tilespmem:v6+s18+$0x30 ss:$0x1], $0xffff;
	v62 =	vmul.f32 v38, v38;
	v46 =	vmul.f32 v34, v34  }
0x224: {  	[smem:$0x7FD] =	sst s2;
	s2 =	sand.u32 $0x3FFFFF80, s2;
	v57 =	vadd.f32 v26, v54;
	v63 =	vld.idx.msk [tilespmem:v6+s22+$0x10 ss:$0x1], $0xffff;
	v54 =	vmul.f32 v41, v41;
	v61 =	vmul.f32 v42, v42  }
0x225: {  	v59 =	vadd.f32 v52, v51;
	v42 =	vmul.f32 v37, v37;
	v34 =	vmul.f32 v47, v47;
	v47 =	vld.idx.msk [tilespmem:v6+s2+$0x0 ss:$0x1], $0xffff  }
0x226: {  	(xrf2) =	vadd.scan.msk.f32 $0xffff, v12;
	v12 =	vadd.f32 v57, v29;
	v57 =	vmul.f32 v43, v43;
	v29 =	vmul.f32 v50, v50  }
0x227: {  	v43 =	vld.idx.msk [tilespmem:v6+s22+$0x20 ss:$0x1], $0xffff;
	v30 =	vmul.f32 v30, v30;
	v26 =	vadd.f32 v33, v46;
	v25 =	vmul.f32 v25, v25  }
0x228: {  	(xrf2) =	vadd.scan.msk.f32 $0xffff, v13;
	v13 =	vadd.f32 v49, v28;
	v44 =	vmul.f32 v44, v44;
	v55 =	vmul.f32 v55, v55  }
0x229: {  	v50 =	vld.idx.msk [tilespmem:v6+s2+$0x10 ss:$0x1], $0xffff;
	v18 =	vmul.f32 v18, v18;
	v30 =	vadd.f32 v30, v31;
	v25 =	vadd.f32 v27, v25  }
0x22a: {  	v31 =	vld.idx.msk [tilespmem:v6+s18+$0x0 ss:$0x1], $0xffff;
	v27 =	vadd.f32 v57, v56;
	v20 =	vmul.f32 v20, v20;
	v46 =	vmul.f32 v48, v48  }
0x22b: {  	(xrf2) =	vadd.scan.msk.f32 $0xffff, v12;
	v49 =	vadd.f32 v34, v44;
	v56 =	vmul.f32 v58, v58;
	v18 =	vadd.f32 v18, v54  }
0x22c: {  	v57 =	vld.idx.msk [tilespmem:v6+s2+$0x30 ss:$0x1], $0xffff;
	v39 =	vmul.f32 v47, v47;
	v26 =	vadd.f32 v30, v26;
	v12 =	vadd.f32 v59, v25  }
0x22d: {  	v54 =	vld.idx.msk [tilespmem:v6+s2+$0x20 ss:$0x1], $0xffff;
	v30 =	vadd.f32 v62, v61;
	v48 =	vadd.f32 v42, v20;
	v59 =	vmul.f32 v60, v60  }
0x22e: {  	(xrf2) =	vadd.scan.msk.f32 $0xffff, v15;
	v51 =	vadd.f32 v29, v46;
	v60 =	vmul.f32 v63, v63;
	v62 =	vmul.f32 v43, v43  }
0x22f: {  	(xrf2) =	vadd.scan.msk.f32 $0xffff, v13;
	v36 =	vadd.f32 v56, v55;
	v18 =	vadd.f32 v27, v18;
	v52 =	vmul.f32 v31, v31  }
0x230: {  	v63 =	vmul.f32 v45, v45;
	v15 =	vadd.f32 v48, v30;
	v58 =	vadd.f32 v51, v49;
	(xrf2) =	vadd.scan.msk.f32 $0xffff, v26  }
0x231: {  	v25 =	vmul.f32 v50, v50;
	v20 =	vadd.f32 v60, v59;
	(xrf2) =	vadd.scan.msk.f32 $0xffff, v12;
	v61 =	vadd.f32 v53, v52  }
0x232: {  	v37, _, _ =	vpop (xrf2);
	v38 =	vadd.f32 v63, v62;
	v42 =	vmul.f32 v57, v57;
	(xrf2) =	vadd.scan.msk.f32 $0xffff, v18;
	v41 =	vmul.f32 v54, v54  }
0x233: {  	v40, _, _ =	vpop (xrf2);
	v48 =	vadd.f32 v25, v39;
	(xrf2) =	vadd.scan.msk.f32 $0xffff, v15;
	v12 =	vadd.f32 v36, v61  }
0x234: {  	v11 =	vmax.f32 v11, $9.999999930e-09;
	v44, _, _ =	vpop (xrf2);
	v45 =	vadd.f32 v38, v20;
	(xrf2) =	vadd.scan.msk.f32 $0xffff, v58;
	v15 =	vadd.f32 v42, v41  }
0x235: {  	v43 =	vshra.s32 v11, $0x1;
	v47, _, _ =	vpop (xrf2);
	(xrf2) =	vadd.scan.msk.f32 $0xffff, v12  }
0x236: {  	v46 =	vmul.f32 $5.000000000e-01, v11;
	v27 =	vbroadcast v37, $0xF;
	v50, _, _ =	vpop (xrf2);
	v12 =	vadd.f32 v15, v48;
	(xrf2) =	vadd.scan.msk.f32 $0xffff, v45  }
0x237: {  	v49 =	vsub.s32 $0x5F3759DF, v43;
	v29 =	vbroadcast v40, $0xF;
	v51, _, _ =	vpop (xrf2)  }
0x238: {  	v54 =	vbroadcast v44, $0xF;
	v27 =	vnsel vm0, $0x0, v27;
	v52 =	vmul.f32 v49, v46;
	v53, _, _ =	vpop (xrf2);
	(xrf2) =	vadd.scan.msk.f32 $0xffff, v12  }
0x239: {  	v29 =	vnsel vm1, $0x0, v29;
	v20 =	vbroadcast v47, $0xF;
	v26 =	vbroadcast v50, $0xF;
	v55, _, _ =	vpop (xrf2)  }
0x23a: {  	v30 =	vnsel vm2, $0x0, v54;
	v27 =	vadd.f32 v29, v27;
	v13 =	vbroadcast v51, $0xF;
	v56, _, _ =	vpop (xrf2)  }
0x23b: {  	v20 =	vnsel vm3, $0x0, v20;
	v15 =	vbroadcast v53, $0xF;
	v26 =	vnsel vm4, $0x0, v26;
	v57, _, _ =	vpop (xrf2)  }
0x23c: {  	v20 =	vadd.f32 v20, v30;
	v31 =	vbroadcast v55, $0xF;
	v13 =	vnsel vm5, $0x0, v13;
	v58, _, _ =	vpop (xrf2)  }
0x23d: {  	v15 =	vnsel vm6, $0x0, v15;
	v13 =	vadd.f32 v13, v26;
	v12 =	vbroadcast v56, $0xF;
	v59, _, _ =	vpop (xrf2)  }
0x23e: {  	v31 =	vnsel vm7, $0x0, v31;
	v32 =	vbroadcast v57, $0xF;
	v33 =	vbroadcast v58, $0xF;
	v60, _, _ =	vpop (xrf2)  }
0x23f: {  	v15 =	vadd.f32 v31, v15;
	v12 =	vnsel vm8, $0x0, v12;
	v34 =	vbroadcast v59, $0xF;
	v61, _, _ =	vpop (xrf2)  }
0x240: {  	v32 =	vnsel vm9, $0x0, v32;
	v35 =	vbroadcast v60, $0xF;
	v33 =	vnsel vm10, $0x0, v33;
	v62, _, _ =	vpop (xrf2)  }
0x241: {  	v34 =	vnsel vm11, $0x0, v34;
	v29 =	vbroadcast v61, $0xF;
	v30 =	vbroadcast v62, $0xF  }
0x242: {  	v12 =	vadd.f32 v32, v12;
	v35 =	vnsel vm12, $0x0, v35;
	v34 =	vadd.f32 v34, v33;
	v63, _, _ =	vpop (xrf2)  }
0x243: {  	v29 =	vnsel vm13, $0x0, v29;
	v26 =	vsel vm15, $0x0, v63;
	v30 =	vnsel vm14, $0x0, v30  }
0x244: {  	v29 =	vadd.f32 v29, v35;
	v26 =	vadd.f32 v26, v30  }
0x245: {  	v28 =	vmul.f32 v49, v52;
	v20 =	vadd.f32 v20, v27;
	v13 =	vadd.f32 v15, v13  }
0x246: {  	v12 =	vadd.f32 v34, v12;
	v36 =	vadd.f32 v26, v29  }
0x247: {  	v37 =	vsub.f32 $1.500000000e+00, v28  }
0x248: {  	v13 =	vadd.f32 v13, v20;
	v12 =	vadd.f32 v36, v12;
	_ =	sdelay $0x1  }
0x249: {  	v38 =	vmul.f32 v49, v37;
	v12 =	vadd.f32 v12, v13;
	_ =	sdelay $0x1  }
0x24a: {  	v39 =	vmul.f32 v38, v46;
	v12 =	vmax.f32 v12, $9.999999930e-09  }
0x24b: {  	v40 =	vshra.s32 v12, $0x1;
	v41 =	vmul.f32 $5.000000000e-01, v12  }
0x24c: {  	v13 =	vmul.f32 v39, v38;
	v20 =	vsub.s32 $0x5F3759DF, v40  }
0x24d: {  	v42 =	vmul.f32 v20, v41  }
0x24e: {  	v13 =	vsub.f32 $1.500000000e+00, v13  }
0x24f: {  	v26 =	vmul.f32 v20, v42  }
0x250: {  	v13 =	vmul.f32 v13, v38  }
0x251: {  	v43 =	vsub.f32 $1.500000000e+00, v26  }
0x252: {  	v18 =	vmul.f32 v13, v46  }
0x253: {  	v15 =	vmul.f32 v20, v43  }
0x254: {  	v18 =	vmul.f32 v18, v13  }
0x255: {  	v20 =	vmul.f32 v15, v41  }
0x256: {  	v18 =	vsub.f32 $1.500000000e+00, v18  }
0x257: {  	v20 =	vmul.f32 v20, v15  }
0x258: {  	v18 =	vmul.f32 v18, v13  }
0x259: {  	v44 =	vsub.f32 $1.500000000e+00, v20  }
0x25a: {  	v11 =	vmul.f32 v18, v11  }
0x25b: {  	v13 =	vmul.f32 v44, v15  }
0x25c: {  	v11 =	vmul.f32 $1.442695020e+00, v11  }
0x25d: {  	v15 =	vmul.f32 v13, v41  }
0x25e: {  	(erf) = vpow2.f32 v11  }
0x25f: {  	v45 =	vmul.f32 v15, v13;
	_ =	sdelay $0x1  }
0x260: {  	v11 =	vsub.f32 $1.500000000e+00, v45;
	_ =	sdelay $0x1  }
0x261: {  	v46 =	vmul.f32 v11, v13;
	_ =	sdelay $0x1  }
0x262: {  	v11 =	vmul.f32 v46, v12;
	_ =	sdelay $0x1  }
0x263: {  	v13 =	vpop (erf);
	v11 =	vmul.f32 $1.442695020e+00, v11  }
0x264: {  	(erf) = vrcp.f32 v13  }
0x265: {  	(erf) = vpow2.f32 v11;
	_ =	sdelay $0x7  }
0x266: {  	v15 =	vpop (erf)  }
0x267: {  	v11 =	vpop (erf)  }
0x268: {  	(erf) = vrcp.f32 v11;
	_ =	sdelay $0x1  }
0x269: {  	[dreg:$0x1a] =	wrdreg s0  }
0x26a: {  	s0 =	sld [smem:$0x7E4];
	v47 =	vsub.f32 v13, v15;
	_ =	sdelay $0x1  }
0x26b: {  	v12 =	vmul.f32 $5.000000000e-01, v47  }
0x26c: {  	v48 =	vmov s0  }
0x26d: {  	v20 =	vmul.f32 v12, v18;
	v18 =	vshll.u32 v48, $0x7  }
0x26e: {  	v26 =	vor.u32 v2, v18  }
0x26f: {  	v51 =	vor.u32 v3, v18;
	v50 =	vbroadcast v20, $0x0;
	v12 =	vpop (erf)  }
0x270: {  	s0 =	sld [smem:$0x7E5];
	v52 =	vor.u32 v4, v18;
	v49 =	vsub.f32 v11, v12  }
0x271: {  	v55 =	vor.u32 v5, v18;
	v54 =	vmul.f32 v50, v19  }
0x272: {  	v56 =	vmul.f32 v50, v14;
	v27 =	vmul.f32 $5.000000000e-01, v49  }
0x273: {  	v53 =	vmov s0;
	v17 =	vmul.f32 v50, v17;
	[tilespmem:v26+s21+$0x0] =	vst.idx.msk $0xffff, v54  }
0x274: {  	v14 =	vshll.u32 v53, $0x7;
	v16 =	vmul.f32 v50, v16;
	[tilespmem:v51+s21+$0x0] =	vst.idx.msk $0xffff, v56;
	v19 =	vmul.f32 v27, v46  }
0x275: {  	v57 =	vor.u32 v2, v14;
	[tilespmem:v52+s21+$0x0] =	vst.idx.msk $0xffff, v17  }
0x276: {  	s0 =	sld [smem:$0x7E6];
	v59 =	vor.u32 v3, v14;
	[tilespmem:v55+s21+$0x0] =	vst.idx.msk $0xffff, v16;
	v58 =	vbroadcast v19, $0x0  }
0x277: {  	v60 =	vor.u32 v4, v14;
	v63 =	vld.idx.msk [tilespmem:v6+s11+$0x0 ss:$0x1], $0xffff  }
0x278: {  	v62 =	vor.u32 v5, v14;
	v29 =	vld.idx.msk [tilespmem:v6+s11+$0x10 ss:$0x1], $0xffff;
	v61 =	vmul.f32 v58, v24  }
0x279: {  	v33 =	vor.u32 s0, v2;
	v32 =	vld.idx.msk [tilespmem:v6+s11+$0x20 ss:$0x1], $0xffff;
	v23 =	vmul.f32 v58, v23  }
0x27a: {  	v36 =	vor.u32 s0, v3;
	v35 =	vbroadcast v20, $0x1;
	v34 =	vld.idx.msk [tilespmem:v6+s11+$0x30 ss:$0x1], $0xffff;
	v31 =	vmul.f32 v58, v22;
	[tilespmem:v57+s21+$0x0] =	vst.idx.msk $0xffff, v61  }
0x27b: {  	v37 =	vor.u32 s0, v4;
	v21 =	vmul.f32 v58, v21;
	[tilespmem:v59+s21+$0x0] =	vst.idx.msk $0xffff, v23  }
0x27c: {  	v38 =	vor.u32 s0, v5;
	v39 =	vmul.f32 v35, v63;
	[tilespmem:v60+s21+$0x0] =	vst.idx.msk $0xffff, v31  }
0x27d: {  	v40 =	vmul.f32 v35, v29;
	[tilespmem:v62+s21+$0x0] =	vst.idx.msk $0xffff, v21  }
0x27e: {  	v42 =	vmul.f32 v35, v32;
	[tilespmem:v33+s21+$0x0] =	vst.idx.msk $0xffff, v39;
	v24 =	vld.idx.msk [tilespmem:v6+s1+$0x0 ss:$0x1], $0xffff  }
0x27f: {  	[tilespmem:v36+s21+$0x0] =	vst.idx.msk $0xffff, v40;
	v23 =	vmul.f32 v35, v34;
	v41 =	vld.idx.msk [tilespmem:v6+s1+$0x10 ss:$0x1], $0xffff  }
0x280: {  	v44 =	vor.u32 s17, v2;
	s11 =	sld [smem:$0x7E7];
	[tilespmem:v37+s21+$0x0] =	vst.idx.msk $0xffff, v42;
	v43 =	vld.idx.msk [tilespmem:v6+s1+$0x20 ss:$0x1], $0xffff  }
0x281: {  	v47 =	vor.u32 s17, v3;
	v46 =	vbroadcast v19, $0x1;
	[tilespmem:v38+s21+$0x0] =	vst.idx.msk $0xffff, v23;
	v45 =	vld.idx.msk [tilespmem:v6+s1+$0x30 ss:$0x1], $0xffff  }
0x282: {  	v48 =	vor.u32 s17, v4;
	v23 =	vld.idx.msk [tilespmem:v6+s13+$0x0 ss:$0x1], $0xffff  }
0x283: {  	v49 =	vor.u32 s17, v5;
	v54 =	vor.u32 s11, v2;
	v28 =	vld.idx.msk [tilespmem:v6+s13+$0x10 ss:$0x1], $0xffff;
	v50 =	vmul.f32 v46, v24  }
0x284: {  	v36 =	vor.u32 s20, v2;
	v40 =	vor.u32 s20, v3;
	v53 =	vld.idx.msk [tilespmem:v6+s13+$0x20 ss:$0x1], $0xffff;
	v51 =	vmul.f32 v46, v41  }
0x285: {  	v58 =	vor.u32 s11, v3;
	v57 =	vbroadcast v20, $0x2;
	v56 =	vld.idx.msk [tilespmem:v6+s13+$0x30 ss:$0x1], $0xffff;
	v52 =	vmul.f32 v46, v43;
	[tilespmem:v44+s21+$0x0] =	vst.idx.msk $0xffff, v50  }
0x286: {  	v42 =	vor.u32 s20, v5;
	v59 =	vor.u32 s11, v4;
	v55 =	vmul.f32 v46, v45;
	[tilespmem:v47+s21+$0x0] =	vst.idx.msk $0xffff, v51  }
0x287: {  	v60 =	vor.u32 s11, v5;
	v61 =	vmul.f32 v57, v23;
	v41 =	vor.u32 s20, v4;
	s20 =	rddreg [dreg:$0x18];
	[tilespmem:v48+s21+$0x0] =	vst.idx.msk $0xffff, v52  }
0x288: {  	v63 =	vmul.f32 v57, v28;
	v52 =	vld.idx.msk [tilespmem:v6+s20+$0x0 ss:$0x1], $0xffff;
	[tilespmem:v49+s21+$0x0] =	vst.idx.msk $0xffff, v55  }
0x289: {  	v34 =	vmul.f32 v57, v53;
	[tilespmem:v54+s21+$0x0] =	vst.idx.msk $0xffff, v61;
	v62 =	vld.idx.msk [tilespmem:v6+s3+$0x0 ss:$0x1], $0xffff  }
0x28a: {  	v38 =	vmul.f32 v57, v56;
	[tilespmem:v58+s21+$0x0] =	vst.idx.msk $0xffff, v63;
	v33 =	vld.idx.msk [tilespmem:v6+s3+$0x10 ss:$0x1], $0xffff  }
0x28b: {  	[tilespmem:v59+s21+$0x0] =	vst.idx.msk $0xffff, v34;
	v35 =	vld.idx.msk [tilespmem:v6+s3+$0x20 ss:$0x1], $0xffff  }
0x28c: {  	s17 =	sld [smem:$0x7E8];
	v39 =	vbroadcast v19, $0x2;
	[tilespmem:v60+s21+$0x0] =	vst.idx.msk $0xffff, v38;
	v37 =	vld.idx.msk [tilespmem:v6+s3+$0x30 ss:$0x1], $0xffff  }
0x28d: {  	v44 =	vld.idx.msk [tilespmem:v6+s15+$0x0 ss:$0x1], $0xffff  }
0x28e: {  	v46 =	vld.idx.msk [tilespmem:v6+s15+$0x10 ss:$0x1], $0xffff;
	v43 =	vmul.f32 v39, v62  }
0x28f: {  	v51 =	vor.u32 s17, v2;
	v48 =	vld.idx.msk [tilespmem:v6+s15+$0x20 ss:$0x1], $0xffff;
	v45 =	vmul.f32 v39, v33  }
0x290: {  	v53 =	vbroadcast v20, $0x3;
	v54 =	vor.u32 s17, v3;
	v50 =	vld.idx.msk [tilespmem:v6+s15+$0x30 ss:$0x1], $0xffff;
	v47 =	vmul.f32 v39, v35;
	[tilespmem:v36+s21+$0x0] =	vst.idx.msk $0xffff, v43  }
0x291: {  	v55 =	vor.u32 s17, v4;
	v49 =	vmul.f32 v39, v37;
	v62 =	vld.idx.msk [tilespmem:v6+s20+$0x10 ss:$0x1], $0xffff;
	[tilespmem:v40+s21+$0x0] =	vst.idx.msk $0xffff, v45  }
0x292: {  	v56 =	vor.u32 s17, v5;
	v23 =	vmul.f32 v53, v44;
	v37 =	vld.idx.msk [tilespmem:v6+s20+$0x20 ss:$0x1], $0xffff;
	[tilespmem:v41+s21+$0x0] =	vst.idx.msk $0xffff, v47  }
0x293: {  	v28 =	vmul.f32 v53, v46;
	v39 =	vld.idx.msk [tilespmem:v6+s20+$0x30 ss:$0x1], $0xffff;
	[tilespmem:v42+s21+$0x0] =	vst.idx.msk $0xffff, v49  }
0x294: {  	s3 =	rddreg [dreg:$0x17];
	v22 =	vmul.f32 v53, v48;
	[tilespmem:v51+s21+$0x0] =	vst.idx.msk $0xffff, v23;
	v24 =	vld.idx.msk [tilespmem:v6+s4+$0x0 ss:$0x1], $0xffff  }
0x295: {  	v58 =	vor.u32 s3, v2;
	v17 =	vmul.f32 v53, v50;
	[tilespmem:v54+s21+$0x0] =	vst.idx.msk $0xffff, v28;
	v57 =	vld.idx.msk [tilespmem:v6+s4+$0x10 ss:$0x1], $0xffff  }
0x296: {  	v61 =	vor.u32 s24, v2;
	v34 =	vbroadcast v10, $0xA;
	[tilespmem:v55+s21+$0x0] =	vst.idx.msk $0xffff, v22;
	v59 =	vld.idx.msk [tilespmem:v6+s4+$0x20 ss:$0x1], $0xffff  }
0x297: {  	v63 =	vbroadcast v19, $0x3;
	v36 =	vor.u32 s24, v3;
	[tilespmem:v56+s21+$0x0] =	vst.idx.msk $0xffff, v17;
	v60 =	vld.idx.msk [tilespmem:v6+s4+$0x30 ss:$0x1], $0xffff;
	s4 =	sld [smem:$0x7E9]  }
0x298: {  	v38 =	vor.u32 s24, v4;
	v16 =	vmul.f32 v52, v34;
	v43 =	vld.idx.msk [tilespmem:v6+s19+$0x0 ss:$0x1], $0xffff  }
0x299: {  	v40 =	vor.u32 s24, v5;
	v46 =	vld.idx.msk [tilespmem:v6+s19+$0x10 ss:$0x1], $0xffff;
	v41 =	vmul.f32 v63, v24  }
0x29a: {  	[tilespmem:v58+s21+$0x0] =	vst.idx.msk $0xffff, v16;
	v48 =	vld.idx.msk [tilespmem:v6+s19+$0x20 ss:$0x1], $0xffff;
	v49 =	vor.u32 s4, v2;
	v44 =	vmul.f32 v63, v57  }
0x29b: {  	v51 =	vbroadcast v20, $0x4;
	v50 =	vld.idx.msk [tilespmem:v6+s19+$0x30 ss:$0x1], $0xffff;
	v52 =	vor.u32 s4, v3;
	v47 =	vmul.f32 v63, v59;
	[tilespmem:v61+s21+$0x0] =	vst.idx.msk $0xffff, v41  }
0x29c: {  	v54 =	vor.u32 s4, v4;
	v25 =	vmul.f32 v63, v60;
	[tilespmem:v36+s21+$0x0] =	vst.idx.msk $0xffff, v44  }
0x29d: {  	v55 =	vor.u32 s4, v5;
	v56 =	vmul.f32 v51, v43;
	[tilespmem:v38+s21+$0x0] =	vst.idx.msk $0xffff, v47  }
0x29e: {  	v42 =	vor.u32 s3, v3;
	v59 =	vmul.f32 v51, v46;
	[tilespmem:v40+s21+$0x0] =	vst.idx.msk $0xffff, v25  }
0x29f: {  	v61 =	vmul.f32 v51, v48;
	[tilespmem:v49+s21+$0x0] =	vst.idx.msk $0xffff, v56;
	v57 =	vld.idx.msk [tilespmem:v6+s5+$0x0 ss:$0x1], $0xffff  }
0x2a0: {  	v36 =	vmul.f32 v51, v50;
	[tilespmem:v52+s21+$0x0] =	vst.idx.msk $0xffff, v59;
	v60 =	vld.idx.msk [tilespmem:v6+s5+$0x10 ss:$0x1], $0xffff  }
0x2a1: {  	v45 =	vor.u32 s3, v4;
	v26 =	vmul.f32 v62, v34;
	[tilespmem:v54+s21+$0x0] =	vst.idx.msk $0xffff, v61;
	v62 =	vld.idx.msk [tilespmem:v6+s5+$0x20 ss:$0x1], $0xffff  }
0x2a2: {  	v58 =	vor.u32 s3, v5;
	v35 =	vld.idx.msk [tilespmem:v6+s5+$0x30 ss:$0x1], $0xffff;
	[tilespmem:v55+s21+$0x0] =	vst.idx.msk $0xffff, v36;
	s5 =	sld [smem:$0x7EA]  }
0x2a3: {  	[tilespmem:v42+s21+$0x0] =	vst.idx.msk $0xffff, v26;
	v63 =	vor.u32 s26, v2;
	v42 =	vld.idx.msk [tilespmem:v6+s23+$0x0 ss:$0x1], $0xffff  }
0x2a4: {  	v53 =	vmul.f32 v37, v34;
	v37 =	vbroadcast v19, $0x4;
	v38 =	vor.u32 s26, v3  }
0x2a5: {  	v22 =	vmul.f32 v39, v34;
	v25 =	vld.idx.msk [tilespmem:v6+s23+$0x10 ss:$0x1], $0xffff;
	v48 =	vor.u32 s5, v2  }
0x2a6: {  	v39 =	vor.u32 s26, v4;
	[tilespmem:v45+s21+$0x0] =	vst.idx.msk $0xffff, v53;
	v50 =	vbroadcast v20, $0x5;
	v41 =	vmul.f32 v37, v57  }
0x2a7: {  	[tilespmem:v58+s21+$0x0] =	vst.idx.msk $0xffff, v22;
	v45 =	vld.idx.msk [tilespmem:v6+s23+$0x20 ss:$0x1], $0xffff;
	v51 =	vor.u32 s5, v3;
	v43 =	vmul.f32 v37, v60  }
0x2a8: {  	v40 =	vor.u32 s26, v5;
	v47 =	vld.idx.msk [tilespmem:v6+s23+$0x30 ss:$0x1], $0xffff;
	v22 =	vmul.f32 v42, v50;
	[tilespmem:v63+s21+$0x0] =	vst.idx.msk $0xffff, v41  }
0x2a9: {  	s11 =	rddreg [dreg:$0x16];
	v52 =	vor.u32 s5, v4;
	v44 =	vmul.f32 v37, v62;
	[tilespmem:v38+s21+$0x0] =	vst.idx.msk $0xffff, v43  }
0x2aa: {  	v49 =	vld.idx.msk [tilespmem:v6+s11+$0x0 ss:$0x1], $0xffff;
	v53 =	vor.u32 s5, v5;
	v25 =	vmul.f32 v25, v50;
	[tilespmem:v48+s21+$0x0] =	vst.idx.msk $0xffff, v22  }
0x2ab: {  	v59 =	vld.idx.msk [tilespmem:v6+s11+$0x10 ss:$0x1], $0xffff;
	v46 =	vmul.f32 v37, v35;
	[tilespmem:v39+s21+$0x0] =	vst.idx.msk $0xffff, v44  }
0x2ac: {  	v62 =	vld.idx.msk [tilespmem:v6+s11+$0x20 ss:$0x1], $0xffff;
	v57 =	vmul.f32 v45, v50;
	[tilespmem:v51+s21+$0x0] =	vst.idx.msk $0xffff, v25  }
0x2ad: {  	v17 =	vmul.f32 v47, v50;
	v22 =	vld.idx.msk [tilespmem:v6+s11+$0x30 ss:$0x1], $0xffff;
	[tilespmem:v40+s21+$0x0] =	vst.idx.msk $0xffff, v46  }
0x2ae: {  	s13 =	rddreg [dreg:$0x15];
	[tilespmem:v52+s21+$0x0] =	vst.idx.msk $0xffff, v57;
	v24 =	vld.idx.msk [tilespmem:v6+s6+$0x0 ss:$0x1], $0xffff  }
0x2af: {  	s15 =	sld [smem:$0x7EB];
	v54 =	vor.u32 s13, v2;
	v30 =	vld.idx.msk [tilespmem:v6+s6+$0x10 ss:$0x1], $0xffff;
	[tilespmem:v53+s21+$0x0] =	vst.idx.msk $0xffff, v17  }
0x2b0: {  	v34 =	vbroadcast v10, $0xB;
	v58 =	vor.u32 s29, v2;
	v39 =	vld.idx.msk [tilespmem:v6+s25+$0x0 ss:$0x1], $0xffff  }
0x2b1: {  	v61 =	vor.u32 s29, v3;
	v60 =	vbroadcast v19, $0x5;
	v55 =	vld.idx.msk [tilespmem:v6+s6+$0x20 ss:$0x1], $0xffff  }
0x2b2: {  	v16 =	vmul.f32 v49, v34;
	v45 =	vor.u32 s15, v2;
	v42 =	vld.idx.msk [tilespmem:v6+s25+$0x10 ss:$0x1], $0xffff  }
0x2b3: {  	v47 =	vbroadcast v20, $0x6;
	v63 =	vor.u32 s29, v4;
	v56 =	vld.idx.msk [tilespmem:v6+s6+$0x30 ss:$0x1], $0xffff;
	v37 =	vmul.f32 v24, v60  }
0x2b4: {  	[tilespmem:v54+s21+$0x0] =	vst.idx.msk $0xffff, v16;
	v48 =	vor.u32 s15, v3;
	v44 =	vld.idx.msk [tilespmem:v6+s25+$0x20 ss:$0x1], $0xffff;
	v40 =	vmul.f32 v30, v60  }
0x2b5: {  	v36 =	vor.u32 s29, v5;
	v46 =	vld.idx.msk [tilespmem:v6+s25+$0x30 ss:$0x1], $0xffff;
	v52 =	vmul.f32 v39, v47;
	[tilespmem:v58+s21+$0x0] =	vst.idx.msk $0xffff, v37  }
0x2b6: {  	v50 =	vor.u32 s15, v4;
	v43 =	vmul.f32 v55, v60;
	[tilespmem:v61+s21+$0x0] =	vst.idx.msk $0xffff, v40  }
0x2b7: {  	v51 =	vor.u32 s15, v5;
	v55 =	vmul.f32 v42, v47;
	[tilespmem:v45+s21+$0x0] =	vst.idx.msk $0xffff, v52  }
0x2b8: {  	v25 =	vmul.f32 v56, v60;
	[tilespmem:v63+s21+$0x0] =	vst.idx.msk $0xffff, v43  }
0x2b9: {  	v38 =	vor.u32 s13, v3;
	v57 =	vmul.f32 v44, v47;
	[tilespmem:v48+s21+$0x0] =	vst.idx.msk $0xffff, v55  }
0x2ba: {  	v41 =	vor.u32 s13, v4;
	v61 =	vmul.f32 v46, v47;
	[tilespmem:v36+s21+$0x0] =	vst.idx.msk $0xffff, v25  }
0x2bb: {  	[tilespmem:v50+s21+$0x0] =	vst.idx.msk $0xffff, v57;
	v53 =	vld.idx.msk [tilespmem:v6+s7+$0x0 ss:$0x1], $0xffff  }
0x2bc: {  	s17 =	sld [smem:$0x7EC];
	v27 =	vmul.f32 v59, v34;
	v54 =	vor.u32 s13, v5;
	v56 =	vld.idx.msk [tilespmem:v6+s7+$0x10 ss:$0x1], $0xffff;
	[tilespmem:v51+s21+$0x0] =	vst.idx.msk $0xffff, v61  }
0x2bd: {  	v59 =	vor.u32 s31, v2;
	v49 =	vmul.f32 v62, v34;
	v35 =	vld.idx.msk [tilespmem:v6+s28+$0x0 ss:$0x1], $0xffff  }
0x2be: {  	v62 =	vbroadcast v19, $0x6;
	[tilespmem:v38+s21+$0x0] =	vst.idx.msk $0xffff, v27;
	v63 =	vor.u32 s31, v3;
	v58 =	vld.idx.msk [tilespmem:v6+s7+$0x20 ss:$0x1], $0xffff  }
0x2bf: {  	v22 =	vmul.f32 v22, v34;
	[tilespmem:v41+s21+$0x0] =	vst.idx.msk $0xffff, v49;
	v41 =	vor.u32 s17, v2;
	v25 =	vld.idx.msk [tilespmem:v6+s28+$0x10 ss:$0x1], $0xffff  }
0x2c0: {  	v32 =	vor.u32 s31, v4;
	v43 =	vbroadcast v20, $0x7;
	v60 =	vld.idx.msk [tilespmem:v6+s7+$0x30 ss:$0x1], $0xffff;
	v34 =	vmul.f32 v53, v62  }
0x2c1: {  	[tilespmem:v54+s21+$0x0] =	vst.idx.msk $0xffff, v22;
	v44 =	vor.u32 s17, v3;
	v38 =	vld.idx.msk [tilespmem:v6+s28+$0x20 ss:$0x1], $0xffff;
	v36 =	vmul.f32 v56, v62  }
0x2c2: {  	v33 =	vor.u32 s31, v5;
	v40 =	vld.idx.msk [tilespmem:v6+s28+$0x30 ss:$0x1], $0xffff;
	v22 =	vmul.f32 v35, v43;
	[tilespmem:v59+s21+$0x0] =	vst.idx.msk $0xffff, v34  }
0x2c3: {  	s19 =	rddreg [dreg:$0x14];
	v45 =	vor.u32 s17, v4;
	v37 =	vmul.f32 v58, v62;
	[tilespmem:v63+s21+$0x0] =	vst.idx.msk $0xffff, v36  }
0x2c4: {  	v42 =	vld.idx.msk [tilespmem:v6+s19+$0x0 ss:$0x1], $0xffff;
	v46 =	vor.u32 s17, v5;
	v25 =	vmul.f32 v25, v43;
	[tilespmem:v41+s21+$0x0] =	vst.idx.msk $0xffff, v22  }
0x2c5: {  	v52 =	vld.idx.msk [tilespmem:v6+s19+$0x10 ss:$0x1], $0xffff;
	v39 =	vmul.f32 v60, v62;
	[tilespmem:v32+s21+$0x0] =	vst.idx.msk $0xffff, v37  }
0x2c6: {  	v55 =	vld.idx.msk [tilespmem:v6+s19+$0x20 ss:$0x1], $0xffff;
	v50 =	vmul.f32 v38, v43;
	[tilespmem:v44+s21+$0x0] =	vst.idx.msk $0xffff, v25  }
0x2c7: {  	s23 =	sld [smem:$0x7ED];
	v17 =	vmul.f32 v40, v43;
	v22 =	vld.idx.msk [tilespmem:v6+s19+$0x30 ss:$0x1], $0xffff;
	[tilespmem:v33+s21+$0x0] =	vst.idx.msk $0xffff, v39  }
0x2c8: {  	s20 =	rddreg [dreg:$0x13];
	[tilespmem:v45+s21+$0x0] =	vst.idx.msk $0xffff, v50;
	v24 =	vld.idx.msk [tilespmem:v6+s8+$0x0 ss:$0x1], $0xffff  }
0x2c9: {  	s24 =	sld [smem:$0x7EE];
	v47 =	vor.u32 s20, v2;
	v30 =	vld.idx.msk [tilespmem:v6+s8+$0x10 ss:$0x1], $0xffff;
	[tilespmem:v46+s21+$0x0] =	vst.idx.msk $0xffff, v17  }
0x2ca: {  	v51 =	vor.u32 s23, v2;
	v34 =	vbroadcast v10, $0xC;
	v60 =	vld.idx.msk [tilespmem:v6+s30+$0x0 ss:$0x1], $0xffff  }
0x2cb: {  	v54 =	vor.u32 s23, v3;
	v53 =	vbroadcast v19, $0x7;
	v48 =	vld.idx.msk [tilespmem:v6+s8+$0x20 ss:$0x1], $0xffff  }
0x2cc: {  	v38 =	vor.u32 s24, v2;
	v16 =	vmul.f32 v42, v34;
	v63 =	vld.idx.msk [tilespmem:v6+s30+$0x10 ss:$0x1], $0xffff  }
0x2cd: {  	v56 =	vor.u32 s23, v4;
	v40 =	vbroadcast v20, $0x8;
	v49 =	vld.idx.msk [tilespmem:v6+s8+$0x30 ss:$0x1], $0xffff;
	v58 =	vmul.f32 v24, v53  }
0x2ce: {  	v41 =	vor.u32 s24, v3;
	[tilespmem:v47+s21+$0x0] =	vst.idx.msk $0xffff, v16;
	v37 =	vld.idx.msk [tilespmem:v6+s30+$0x20 ss:$0x1], $0xffff;
	v61 =	vmul.f32 v30, v53  }
0x2cf: {  	v57 =	vor.u32 s23, v5;
	v39 =	vld.idx.msk [tilespmem:v6+s30+$0x30 ss:$0x1], $0xffff;
	v45 =	vmul.f32 v60, v40;
	[tilespmem:v51+s21+$0x0] =	vst.idx.msk $0xffff, v58  }
0x2d0: {  	v43 =	vor.u32 s24, v4;
	v36 =	vmul.f32 v48, v53;
	[tilespmem:v54+s21+$0x0] =	vst.idx.msk $0xffff, v61  }
0x2d1: {  	v44 =	vor.u32 s24, v5;
	v48 =	vmul.f32 v63, v40;
	[tilespmem:v38+s21+$0x0] =	vst.idx.msk $0xffff, v45  }
0x2d2: {  	v59 =	vor.u32 s20, v3;
	v25 =	vmul.f32 v49, v53;
	[tilespmem:v56+s21+$0x0] =	vst.idx.msk $0xffff, v36  }
0x2d3: {  	s26 =	sld [smem:$0x7F0];
	v62 =	vor.u32 s20, v4;
	v50 =	vmul.f32 v37, v40;
	[tilespmem:v41+s21+$0x0] =	vst.idx.msk $0xffff, v48  }
0x2d4: {  	s25 =	sld [smem:$0x7EF];
	v47 =	vor.u32 s20, v5;
	v54 =	vmul.f32 v39, v40;
	[tilespmem:v57+s21+$0x0] =	vst.idx.msk $0xffff, v25  }
0x2d5: {  	v27 =	vmul.f32 v52, v34;
	[tilespmem:v43+s21+$0x0] =	vst.idx.msk $0xffff, v50;
	v46 =	vld.idx.msk [tilespmem:v6+s9+$0x0 ss:$0x1], $0xffff  }
0x2d6: {  	s28 =	sld [smem:$0x7F1];
	v42 =	vmul.f32 v55, v34;
	v49 =	vld.idx.msk [tilespmem:v6+s9+$0x10 ss:$0x1], $0xffff;
	[tilespmem:v44+s21+$0x0] =	vst.idx.msk $0xffff, v54  }
0x2d7: {  	v52 =	vor.u32 s25, v2;
	[tilespmem:v59+s21+$0x0] =	vst.idx.msk $0xffff, v27;
	v22 =	vmul.f32 v22, v34;
	v60 =	vld.idx.msk [tilespmem:v6+s26+$0x0 ss:$0x1], $0xffff  }
0x2d8: {  	v55 =	vbroadcast v19, $0x8;
	[tilespmem:v62+s21+$0x0] =	vst.idx.msk $0xffff, v42;
	v56 =	vor.u32 s25, v3;
	v51 =	vld.idx.msk [tilespmem:v6+s9+$0x20 ss:$0x1], $0xffff  }
0x2d9: {  	s29 =	rddreg [dreg:$0x12];
	[tilespmem:v47+s21+$0x0] =	vst.idx.msk $0xffff, v22;
	v37 =	vor.u32 s28, v2;
	v53 =	vld.idx.msk [tilespmem:v6+s9+$0x30 ss:$0x1], $0xffff  }
0x2da: {  	v38 =	vld.idx.msk [tilespmem:v6+s29+$0x0 ss:$0x1], $0xffff;
	v39 =	vbroadcast v20, $0x9;
	v57 =	vor.u32 s25, v4;
	v59 =	vmul.f32 v46, v55  }
0x2db: {  	v58 =	vor.u32 s25, v5;
	v48 =	vld.idx.msk [tilespmem:v6+s29+$0x10 ss:$0x1], $0xffff;
	v61 =	vmul.f32 v49, v55  }
0x2dc: {  	s30 =	rddreg [dreg:$0x11];
	v25 =	vld.idx.msk [tilespmem:v6+s26+$0x10 ss:$0x1], $0xffff;
	v22 =	vmul.f32 v60, v39;
	[tilespmem:v52+s21+$0x0] =	vst.idx.msk $0xffff, v59  }
0x2dd: {  	v43 =	vor.u32 s30, v2;
	v63 =	vld.idx.msk [tilespmem:v6+s26+$0x20 ss:$0x1], $0xffff;
	v62 =	vmul.f32 v51, v55;
	[tilespmem:v56+s21+$0x0] =	vst.idx.msk $0xffff, v61  }
0x2de: {  	v34 =	vbroadcast v10, $0xD;
	v40 =	vor.u32 s28, v3;
	v36 =	vld.idx.msk [tilespmem:v6+s26+$0x30 ss:$0x1], $0xffff;
	v35 =	vmul.f32 v53, v55;
	[tilespmem:v37+s21+$0x0] =	vst.idx.msk $0xffff, v22  }
0x2df: {  	v41 =	vor.u32 s28, v4;
	v51 =	vld.idx.msk [tilespmem:v6+s29+$0x20 ss:$0x1], $0xffff;
	[tilespmem:v57+s21+$0x0] =	vst.idx.msk $0xffff, v62  }
0x2e0: {  	s31 =	sld [smem:$0x7F2];
	v42 =	vor.u32 s28, v5;
	v16 =	vmul.f32 v38, v34;
	v22 =	vld.idx.msk [tilespmem:v6+s29+$0x30 ss:$0x1], $0xffff;
	[tilespmem:v58+s21+$0x0] =	vst.idx.msk $0xffff, v35  }
0x2e1: {  	v55 =	vor.u32 s30, v3;
	v25 =	vmul.f32 v25, v39;
	v24 =	vld.idx.msk [tilespmem:v6+s10+$0x0 ss:$0x1], $0xffff  }
0x2e2: {  	v46 =	vmul.f32 v63, v39;
	[tilespmem:v43+s21+$0x0] =	vst.idx.msk $0xffff, v16;
	v58 =	vor.u32 s30, v4;
	v30 =	vld.idx.msk [tilespmem:v6+s10+$0x10 ss:$0x1], $0xffff  }
0x2e3: {  	s1 =	sld [smem:$0x7F3];
	v47 =	vor.u32 s31, v2;
	v17 =	vmul.f32 v36, v39;
	[tilespmem:v40+s21+$0x0] =	vst.idx.msk $0xffff, v25;
	v44 =	vld.idx.msk [tilespmem:v6+s10+$0x20 ss:$0x1], $0xffff  }
0x2e4: {  	v50 =	vor.u32 s31, v3;
	v27 =	vmul.f32 v48, v34;
	v49 =	vbroadcast v19, $0x9;
	[tilespmem:v41+s21+$0x0] =	vst.idx.msk $0xffff, v46;
	v45 =	vld.idx.msk [tilespmem:v6+s10+$0x30 ss:$0x1], $0xffff  }
0x2e5: {  	s4 =	sld [smem:$0x7F4];
	v52 =	vor.u32 s31, v4;
	v38 =	vmul.f32 v51, v34;
	[tilespmem:v42+s21+$0x0] =	vst.idx.msk $0xffff, v17  }
0x2e6: {  	v53 =	vor.u32 s31, v5;
	[tilespmem:v55+s21+$0x0] =	vst.idx.msk $0xffff, v27;
	v56 =	vld.idx.msk [tilespmem:v6+s1+$0x0 ss:$0x1], $0xffff;
	v54 =	vmul.f32 v24, v49  }
0x2e7: {  	v43 =	vor.u32 s30, v5;
	v59 =	vld.idx.msk [tilespmem:v6+s1+$0x10 ss:$0x1], $0xffff;
	[tilespmem:v58+s21+$0x0] =	vst.idx.msk $0xffff, v38;
	v57 =	vmul.f32 v30, v49  }
0x2e8: {  	v62 =	vor.u32 s4, v2;
	v61 =	vld.idx.msk [tilespmem:v6+s1+$0x20 ss:$0x1], $0xffff;
	v60 =	vmul.f32 v44, v49;
	[tilespmem:v47+s21+$0x0] =	vst.idx.msk $0xffff, v54  }
0x2e9: {  	v36 =	vbroadcast v20, $0xA;
	v37 =	vor.u32 s4, v3;
	v63 =	vld.idx.msk [tilespmem:v6+s1+$0x30 ss:$0x1], $0xffff;
	v25 =	vmul.f32 v45, v49;
	[tilespmem:v50+s21+$0x0] =	vst.idx.msk $0xffff, v57  }
0x2ea: {  	v39 =	vor.u32 s4, v4;
	v22 =	vmul.f32 v22, v34;
	[tilespmem:v52+s21+$0x0] =	vst.idx.msk $0xffff, v60  }
0x2eb: {  	s5 =	sld [smem:$0x7F5];
	v40 =	vor.u32 s4, v5;
	v41 =	vmul.f32 v56, v36;
	[tilespmem:v53+s21+$0x0] =	vst.idx.msk $0xffff, v25  }
0x2ec: {  	[tilespmem:v43+s21+$0x0] =	vst.idx.msk $0xffff, v22;
	v44 =	vmul.f32 v59, v36;
	v42 =	vld.idx.msk [tilespmem:v6+s12+$0x0 ss:$0x1], $0xffff  }
0x2ed: {  	v46 =	vmul.f32 v61, v36;
	[tilespmem:v62+s21+$0x0] =	vst.idx.msk $0xffff, v41;
	v45 =	vld.idx.msk [tilespmem:v6+s12+$0x10 ss:$0x1], $0xffff  }
0x2ee: {  	s6 =	sld [smem:$0x7F6];
	v48 =	vor.u32 s5, v2;
	v50 =	vmul.f32 v63, v36;
	[tilespmem:v37+s21+$0x0] =	vst.idx.msk $0xffff, v44;
	v47 =	vld.idx.msk [tilespmem:v6+s12+$0x20 ss:$0x1], $0xffff  }
0x2ef: {  	s8 =	rddreg [dreg:$0x10];
	v51 =	vbroadcast v19, $0xA;
	v52 =	vor.u32 s5, v3;
	[tilespmem:v39+s21+$0x0] =	vst.idx.msk $0xffff, v46;
	v49 =	vld.idx.msk [tilespmem:v6+s12+$0x30 ss:$0x1], $0xffff  }
0x2f0: {  	s7 =	sld [smem:$0x7F7];
	v63 =	vld.idx.msk [tilespmem:v6+s8+$0x0 ss:$0x1], $0xffff;
	v53 =	vor.u32 s5, v4;
	[tilespmem:v40+s21+$0x0] =	vst.idx.msk $0xffff, v50  }
0x2f1: {  	v54 =	vor.u32 s5, v5;
	v56 =	vld.idx.msk [tilespmem:v6+s6+$0x0 ss:$0x1], $0xffff;
	v55 =	vmul.f32 v42, v51  }
0x2f2: {  	v25 =	vld.idx.msk [tilespmem:v6+s6+$0x10 ss:$0x1], $0xffff;
	v57 =	vmul.f32 v45, v51  }
0x2f3: {  	v62 =	vor.u32 s7, v2;
	v59 =	vld.idx.msk [tilespmem:v6+s6+$0x20 ss:$0x1], $0xffff;
	v58 =	vmul.f32 v47, v51;
	[tilespmem:v48+s21+$0x0] =	vst.idx.msk $0xffff, v55  }
0x2f4: {  	v36 =	vbroadcast v20, $0xB;
	v37 =	vor.u32 s7, v3;
	v61 =	vld.idx.msk [tilespmem:v6+s6+$0x30 ss:$0x1], $0xffff;
	v60 =	vmul.f32 v49, v51;
	[tilespmem:v52+s21+$0x0] =	vst.idx.msk $0xffff, v57  }
0x2f5: {  	v38 =	vor.u32 s7, v4;
	v50 =	vld.idx.msk [tilespmem:v6+s8+$0x30 ss:$0x1], $0xffff;
	[tilespmem:v53+s21+$0x0] =	vst.idx.msk $0xffff, v58  }
0x2f6: {  	s10 =	sld [smem:$0x7F8];
	v39 =	vor.u32 s7, v5;
	v45 =	vld.idx.msk [tilespmem:v6+s8+$0x10 ss:$0x1], $0xffff;
	v22 =	vmul.f32 v56, v36;
	[tilespmem:v54+s21+$0x0] =	vst.idx.msk $0xffff, v60  }
0x2f7: {  	s9 =	rddreg [dreg:$0xf];
	v25 =	vmul.f32 v25, v36;
	v24 =	vld.idx.msk [tilespmem:v6+s14+$0x0 ss:$0x1], $0xffff  }
0x2f8: {  	v40 =	vor.u32 s9, v2;
	v43 =	vmul.f32 v59, v36;
	[tilespmem:v62+s21+$0x0] =	vst.idx.msk $0xffff, v22;
	v30 =	vld.idx.msk [tilespmem:v6+s14+$0x10 ss:$0x1], $0xffff  }
0x2f9: {  	s11 =	sld [smem:$0x7F9];
	v34 =	vbroadcast v10, $0xE;
	v44 =	vor.u32 s10, v2;
	v17 =	vmul.f32 v61, v36;
	[tilespmem:v37+s21+$0x0] =	vst.idx.msk $0xffff, v25;
	v41 =	vld.idx.msk [tilespmem:v6+s14+$0x20 ss:$0x1], $0xffff  }
0x2fa: {  	v46 =	vbroadcast v19, $0xB;
	v47 =	vor.u32 s10, v3;
	[tilespmem:v38+s21+$0x0] =	vst.idx.msk $0xffff, v43;
	v42 =	vld.idx.msk [tilespmem:v6+s14+$0x30 ss:$0x1], $0xffff  }
0x2fb: {  	v16 =	vmul.f32 v63, v34;
	v49 =	vor.u32 s10, v4;
	v48 =	vld.idx.msk [tilespmem:v6+s8+$0x20 ss:$0x1], $0xffff;
	[tilespmem:v39+s21+$0x0] =	vst.idx.msk $0xffff, v17  }
0x2fc: {  	v51 =	vor.u32 s10, v5;
	v54 =	vld.idx.msk [tilespmem:v6+s11+$0x0 ss:$0x1], $0xffff;
	v52 =	vmul.f32 v24, v46  }
0x2fd: {  	s12 =	rddreg [dreg:$0x1e];
	[tilespmem:v40+s21+$0x0] =	vst.idx.msk $0xffff, v16;
	v53 =	vor.u32 s9, v3;
	v57 =	vld.idx.msk [tilespmem:v6+s11+$0x10 ss:$0x1], $0xffff;
	v55 =	vmul.f32 v30, v46  }
0x2fe: {  	v60 =	vor.u32 s12, v2;
	v59 =	vld.idx.msk [tilespmem:v6+s11+$0x20 ss:$0x1], $0xffff;
	v58 =	vmul.f32 v41, v46;
	[tilespmem:v44+s21+$0x0] =	vst.idx.msk $0xffff, v52  }
0x2ff: {  	v63 =	vor.u32 s12, v3;
	v62 =	vbroadcast v20, $0xC;
	v61 =	vld.idx.msk [tilespmem:v6+s11+$0x30 ss:$0x1], $0xffff;
	v25 =	vmul.f32 v42, v46;
	[tilespmem:v47+s21+$0x0] =	vst.idx.msk $0xffff, v55  }
0x300: {  	v36 =	vor.u32 s12, v4;
	v27 =	vmul.f32 v45, v34;
	[tilespmem:v49+s21+$0x0] =	vst.idx.msk $0xffff, v58  }
0x301: {  	s13 =	sld [smem:$0x7FA];
	v37 =	vor.u32 s12, v5;
	v38 =	vmul.f32 v54, v62;
	[tilespmem:v51+s21+$0x0] =	vst.idx.msk $0xffff, v25  }
0x302: {  	v56 =	vor.u32 s9, v4;
	[tilespmem:v53+s21+$0x0] =	vst.idx.msk $0xffff, v27;
	v17 =	vmul.f32 v57, v62;
	v39 =	vld.idx.msk [tilespmem:v6+s16+$0x0 ss:$0x1], $0xffff  }
0x303: {  	v40 =	vor.u32 s9, v5;
	v42 =	vmul.f32 v59, v62;
	[tilespmem:v60+s21+$0x0] =	vst.idx.msk $0xffff, v38;
	v41 =	vld.idx.msk [tilespmem:v6+s16+$0x10 ss:$0x1], $0xffff  }
0x304: {  	v46 =	vmul.f32 v61, v62;
	v44 =	vor.u32 s13, v2;
	[tilespmem:v63+s21+$0x0] =	vst.idx.msk $0xffff, v17;
	v43 =	vld.idx.msk [tilespmem:v6+s16+$0x20 ss:$0x1], $0xffff  }
0x305: {  	v33 =	vmul.f32 v48, v34;
	v48 =	vor.u32 s13, v3;
	v47 =	vbroadcast v19, $0xC;
	[tilespmem:v36+s21+$0x0] =	vst.idx.msk $0xffff, v42;
	v45 =	vld.idx.msk [tilespmem:v6+s16+$0x30 ss:$0x1], $0xffff  }
0x306: {  	v22 =	vmul.f32 v50, v34;
	s14 =	rddreg [dreg:$0x1f];
	v49 =	vor.u32 s13, v4;
	[tilespmem:v37+s21+$0x0] =	vst.idx.msk $0xffff, v46  }
0x307: {  	v50 =	vor.u32 s13, v5;
	[tilespmem:v56+s21+$0x0] =	vst.idx.msk $0xffff, v33;
	v52 =	vld.idx.msk [tilespmem:v6+s14+$0x0 ss:$0x1], $0xffff;
	v51 =	vmul.f32 v39, v47  }
0x308: {  	[tilespmem:v40+s21+$0x0] =	vst.idx.msk $0xffff, v22;
	v53 =	vld.idx.msk [tilespmem:v6+s14+$0x10 ss:$0x1], $0xffff;
	v23 =	vmul.f32 v41, v47  }
0x309: {  	s15 =	rddreg [dreg:$0x1c];
	v25 =	vld.idx.msk [tilespmem:v6+s14+$0x20 ss:$0x1], $0xffff;
	v54 =	vmul.f32 v43, v47;
	[tilespmem:v44+s21+$0x0] =	vst.idx.msk $0xffff, v51  }
0x30a: {  	v56 =	vor.u32 s15, v2;
	s16 =	rddreg [dreg:$0xe];
	v55 =	vld.idx.msk [tilespmem:v6+s14+$0x30 ss:$0x1], $0xffff;
	v21 =	vmul.f32 v45, v47;
	[tilespmem:v48+s21+$0x0] =	vst.idx.msk $0xffff, v23  }
0x30b: {  	v59 =	vor.u32 s15, v3;
	v58 =	vbroadcast v20, $0xD;
	v57 =	vld.idx.msk [tilespmem:v6+s16+$0x0 ss:$0x1], $0xffff;
	[tilespmem:v49+s21+$0x0] =	vst.idx.msk $0xffff, v54  }
0x30c: {  	s19 =	sld [smem:$0x7FB];
	v60 =	vor.u32 s15, v4;
	v42 =	vld.idx.msk [tilespmem:v6+s16+$0x20 ss:$0x1], $0xffff;
	[tilespmem:v50+s21+$0x0] =	vst.idx.msk $0xffff, v21  }
0x30d: {  	s17 =	rddreg [dreg:$0xd];
	v61 =	vor.u32 s15, v5;
	v22 =	vmul.f32 v52, v58;
	v28 =	vld.idx.msk [tilespmem:v6+s18+$0x0 ss:$0x1], $0xffff  }
0x30e: {  	v62 =	vor.u32 s17, v2;
	v24 =	vmul.f32 v53, v58;
	v30 =	vld.idx.msk [tilespmem:v6+s18+$0x10 ss:$0x1], $0xffff  }
0x30f: {  	v10 =	vbroadcast v10, $0xF;
	v38 =	vor.u32 s19, v2;
	v37 =	vmul.f32 v25, v58;
	[tilespmem:v56+s21+$0x0] =	vst.idx.msk $0xffff, v22;
	v63 =	vld.idx.msk [tilespmem:v6+s18+$0x20 ss:$0x1], $0xffff  }
0x310: {  	v40 =	vbroadcast v19, $0xD;
	v41 =	vor.u32 s19, v3;
	v17 =	vmul.f32 v55, v58;
	[tilespmem:v59+s21+$0x0] =	vst.idx.msk $0xffff, v24;
	v36 =	vld.idx.msk [tilespmem:v6+s18+$0x30 ss:$0x1], $0xffff  }
0x311: {  	v39 =	vld.idx.msk [tilespmem:v6+s16+$0x10 ss:$0x1], $0xffff;
	v43 =	vor.u32 s19, v4;
	v16 =	vmul.f32 v57, v10;
	[tilespmem:v60+s21+$0x0] =	vst.idx.msk $0xffff, v37  }
0x312: {  	s20 =	rddreg [dreg:$0x1d];
	v45 =	vor.u32 s19, v5;
	v44 =	vld.idx.msk [tilespmem:v6+s16+$0x30 ss:$0x1], $0xffff;
	[tilespmem:v61+s21+$0x0] =	vst.idx.msk $0xffff, v17;
	v46 =	vmul.f32 v28, v40  }
0x313: {  	v47 =	vor.u32 s17, v3;
	[tilespmem:v62+s21+$0x0] =	vst.idx.msk $0xffff, v16;
	v48 =	vld.idx.msk [tilespmem:v6+s20+$0x0 ss:$0x1], $0xffff;
	v49 =	vmul.f32 v30, v40  }
0x314: {  	s24 =	rddreg [dreg:$0x1b];
	v50 =	vor.u32 s17, v4;
	v51 =	vld.idx.msk [tilespmem:v6+s20+$0x10 ss:$0x1], $0xffff;
	v52 =	vmul.f32 v63, v40;
	[tilespmem:v38+s21+$0x0] =	vst.idx.msk $0xffff, v46  }
0x315: {  	s23 =	smov.u32 s20;
	v54 =	vor.u32 s24, v2;
	v53 =	vld.idx.msk [tilespmem:v6+s20+$0x20 ss:$0x1], $0xffff;
	v23 =	vmul.f32 v36, v40;
	[tilespmem:v41+s21+$0x0] =	vst.idx.msk $0xffff, v49  }
0x316: {  	v57 =	vor.u32 s24, v3;
	v56 =	vbroadcast v20, $0xE;
	v26 =	vmul.f32 v39, v10;
	v55 =	vld.idx.msk [tilespmem:v6+s23+$0x30 ss:$0x1], $0xffff;
	[tilespmem:v43+s21+$0x0] =	vst.idx.msk $0xffff, v52  }
0x317: {  	s25 =	sld [smem:$0x7FC];
	v27 =	vmul.f32 v42, v10;
	v58 =	vor.u32 s24, v4;
	[tilespmem:v45+s21+$0x0] =	vst.idx.msk $0xffff, v23  }
0x318: {  	v59 =	vor.u32 s24, v5;
	[tilespmem:v47+s21+$0x0] =	vst.idx.msk $0xffff, v26;
	v60 =	vmul.f32 v48, v56;
	v61 =	vld.idx.msk [tilespmem:v6+s22+$0x0 ss:$0x1], $0xffff  }
0x319: {  	v62 =	vor.u32 s17, v5;
	[tilespmem:v50+s21+$0x0] =	vst.idx.msk $0xffff, v27;
	v63 =	vmul.f32 v51, v56;
	v33 =	vld.idx.msk [tilespmem:v6+s22+$0x10 ss:$0x1], $0xffff  }
0x31a: {  	v36 =	vor.u32 s25, v2;
	v34 =	vmul.f32 v53, v56;
	[tilespmem:v54+s21+$0x0] =	vst.idx.msk $0xffff, v60;
	v35 =	vld.idx.msk [tilespmem:v6+s22+$0x20 ss:$0x1], $0xffff  }
0x31b: {  	v39 =	vbroadcast v19, $0xE;
	v40 =	vor.u32 s25, v3;
	v38 =	vmul.f32 v55, v56;
	[tilespmem:v57+s21+$0x0] =	vst.idx.msk $0xffff, v63;
	v37 =	vld.idx.msk [tilespmem:v6+s22+$0x30 ss:$0x1], $0xffff  }
0x31c: {  	v10 =	vmul.f32 v44, v10;
	v41 =	vor.u32 s25, v4;
	[tilespmem:v58+s21+$0x0] =	vst.idx.msk $0xffff, v34  }
0x31d: {  	s26 =	rddreg [dreg:$0x1a];
	v42 =	vor.u32 s25, v5;
	[tilespmem:v59+s21+$0x0] =	vst.idx.msk $0xffff, v38;
	v43 =	vmul.f32 v61, v39  }
0x31e: {  	v9 =	vor.u32 v1, v9;
	[tilespmem:v62+s21+$0x0] =	vst.idx.msk $0xffff, v10;
	v44 =	vld.idx.msk [tilespmem:v6+s26+$0x0 ss:$0x1], $0xffff;
	v45 =	vmul.f32 v33, v39  }
0x31f: {  	v7 =	vadd.f32 v8, v7;
	s29 =	rddreg [dreg:$0x19];
	v8 =	vld.idx.msk [tilespmem:v6+s26+$0x10 ss:$0x1], $0xffff;
	v46 =	vmul.f32 v35, v39;
	[tilespmem:v36+s21+$0x0] =	vst.idx.msk $0xffff, v43  }
0x320: {  	s28 =	smov.u32 s26;
	v48 =	vor.u32 s29, v2;
	v47 =	vld.idx.msk [tilespmem:v6+s26+$0x20 ss:$0x1], $0xffff;
	v21 =	vmul.f32 v37, v39;
	[tilespmem:v40+s21+$0x0] =	vst.idx.msk $0xffff, v45  }
0x321: {  	v7 =	vmul.f32 $5.000000000e-01, v7;
	v20 =	vbroadcast v20, $0xF;
	v50 =	vor.u32 s29, v3;
	v49 =	vld.idx.msk [tilespmem:v6+s28+$0x30 ss:$0x1], $0xffff;
	[tilespmem:v41+s21+$0x0] =	vst.idx.msk $0xffff, v46  }
0x322: {  	s30 =	sld [smem:$0x7FD];
	v51 =	vor.u32 s29, v4;
	[tilespmem:v42+s21+$0x0] =	vst.idx.msk $0xffff, v21  }
0x323: {  	[tilespmem:v9+s21+$0x0] =	vst.idx.msk $0xffff, v7;
	v52 =	vor.u32 s29, v5;
	v7 =	vmul.f32 v44, v20;
	v53 =	vld.idx.msk [tilespmem:v6+s2+$0x0 ss:$0x1], $0xffff  }
0x324: {  	v55 =	vor.u32 v1, v18;
	v54 =	vadd.f32 v15, v13;
	v8 =	vmul.f32 v8, v20;
	v56 =	vld.idx.msk [tilespmem:v6+s2+$0x10 ss:$0x1], $0xffff  }
0x325: {  	v58 =	vor.u32 s30, v2;
	[tilespmem:v48+s21+$0x0] =	vst.idx.msk $0xffff, v7;
	v7 =	vmul.f32 v47, v20;
	v57 =	vld.idx.msk [tilespmem:v6+s2+$0x20 ss:$0x1], $0xffff  }
0x326: {  	v19 =	vbroadcast v19, $0xF;
	v59 =	vor.u32 s30, v3;
	[tilespmem:v50+s21+$0x0] =	vst.idx.msk $0xffff, v8;
	v8 =	vmul.f32 v49, v20;
	v22 =	vld.idx.msk [tilespmem:v6+s2+$0x30 ss:$0x1], $0xffff  }
0x327: {  	v10 =	vmul.f32 $5.000000000e-01, v54;
	[tilespmem:v51+s21+$0x0] =	vst.idx.msk $0xffff, v7;
	v7 =	vor.u32 s30, v4  }
0x328: {  	s31 =	rddreg [dreg:$0xc];
	v60 =	vor.u32 s30, v5;
	[tilespmem:v52+s21+$0x0] =	vst.idx.msk $0xffff, v8;
	v8 =	vmul.f32 v53, v19  }
0x329: {  	p0 =	slt.u32 s31, $0x8;
	v62 =	vor.u32 v1, v14;
	[tilespmem:v55+s21+$0x0] =	vst.idx.msk $0xffff, v10;
	v61 =	vmul.f32 v56, v19  }
.Ltmp3:
0x32a: {  	v11 =	vadd.f32 v12, v11;
	[tilespmem:v58+s21+$0x0] =	vst.idx.msk $0xffff, v8;
	v8 =	vmul.f32 v57, v19;
	(pc) =	sbr.rel @p0 .LBB2_7-.Ltmp3, $4  }
0x32b: {  	v63 =	vmul.f32 v22, v19;
	[tilespmem:v59+s21+$0x0] =	vst.idx.msk $0xffff, v61  }
0x32c: {  	v11 =	vmul.f32 $5.000000000e-01, v11;
	[tilespmem:v7+s21+$0x0] =	vst.idx.msk $0xffff, v8  }
0x32d: {  	[tilespmem:v60+s21+$0x0] =	vst.idx.msk $0xffff, v63  }
0x32e: {  	s0 =	sadd.s32 $0x4, s31;
	[tilespmem:v62+s21+$0x0] =	vst.idx.msk $0xffff, v11  }
0x32f: {  	s0 =	rddreg [dreg:$0xb]  }
0x330: {  	v9 =	vld [tilespmem:s0+$0xC800]  }
0x331: {  	v8 =	vld [tilespmem:s0+$0xC810]  }
0x332: {  	v7 =	vld [tilespmem:s0+$0xC820]  }
0x333: {  	v6 =	vld [tilespmem:s0+$0xC830]  }
0x334: {  	v10 =	vld [tilespmem:s0+$0xC880]  }
0x335: {  	v11 =	vld [tilespmem:s0+$0xC890]  }
0x336: {  	v12 =	vld [tilespmem:s0+$0xC8A0]  }
0x337: {  	v13 =	vld [tilespmem:s0+$0xC8B0]  }
0x338: {  	v14 =	vld [tilespmem:s0+$0xC900]  }
0x339: {  	v15 =	vld [tilespmem:s0+$0xC910]  }
0x33a: {  	v16 =	vld [tilespmem:s0+$0xC920]  }
0x33b: {  	v17 =	vld [tilespmem:s0+$0xC930]  }
0x33c: {  	v18 =	vld [tilespmem:s0+$0xC980]  }
0x33d: {  	v19 =	vld [tilespmem:s0+$0xC990]  }
0x33e: {  	v20 =	vld [tilespmem:s0+$0xC9A0]  }
0x33f: {  	v21 =	vld [tilespmem:s0+$0xC9B0]  }
0x340: {  	v22 =	vld [tilespmem:s0+$0xCA00];
	v25 =	vmul.f32 v9, v9  }
0x341: {  	v23 =	vld [tilespmem:s0+$0xCA10];
	v26 =	vmul.f32 v8, v8;
	v28 =	vmul.f32 v7, v7  }
0x342: {  	v24 =	vld [tilespmem:s0+$0xCA20];
	v29 =	vmul.f32 v6, v6;
	v10 =	vmul.f32 v10, v10  }
0x343: {  	v27 =	vld [tilespmem:s0+$0xCA30];
	v11 =	vmul.f32 v11, v11;
	v12 =	vmul.f32 v12, v12  }
0x344: {  	v30 =	vld [tilespmem:s0+$0xCA80];
	v13 =	vmul.f32 v13, v13;
	v41 =	vmul.f32 v14, v14  }
0x345: {  	v39 =	vld [tilespmem:s0+$0xCA90];
	v42 =	vmul.f32 v15, v15;
	v44 =	vmul.f32 v16, v16  }
0x346: {  	v40 =	vld [tilespmem:s0+$0xCAA0];
	v45 =	vmul.f32 v17, v17;
	v18 =	vmul.f32 v18, v18  }
0x347: {  	v43 =	vld [tilespmem:s0+$0xCAB0];
	v19 =	vmul.f32 v19, v19;
	v48 =	vmul.f32 v20, v20  }
0x348: {  	v46 =	vld [tilespmem:s0+$0xCB00];
	v49 =	vmul.f32 v21, v21;
	v54 =	vmul.f32 v22, v22  }
0x349: {  	v50 =	vld [tilespmem:s0+$0xCB20];
	v55 =	vmul.f32 v23, v23;
	v57 =	vmul.f32 v24, v24  }
0x34a: {  	v51 =	vld [tilespmem:s0+$0xCB30];
	v58 =	vmul.f32 v27, v27;
	v60 =	vmul.f32 v30, v30  }
0x34b: {  	v53 =	vld [tilespmem:s0+$0xCB80];
	v61 =	vmul.f32 v39, v39;
	v63 =	vmul.f32 v40, v40  }
0x34c: {  	v56 =	vld [tilespmem:s0+$0xCB90];
	v15 =	vmul.f32 v43, v43;
	v25 =	vadd.f32 v26, v25;
	v28 =	vadd.f32 v29, v28  }
0x34d: {  	v59 =	vld [tilespmem:s0+$0xCBA0];
	v17 =	vmul.f32 v46, v46;
	v10 =	vadd.f32 v11, v10;
	v12 =	vadd.f32 v13, v12  }
0x34e: {  	v47 =	vld [tilespmem:s0+$0xCB10];
	v21 =	vmul.f32 v50, v50;
	v11 =	vadd.f32 v42, v41;
	v13 =	vadd.f32 v45, v44  }
0x34f: {  	v62 =	vld [tilespmem:s0+$0xCBB0];
	v14 =	vmul.f32 v51, v51;
	v52 =	vadd.f32 v19, v18;
	v16 =	vadd.f32 v58, v57  }
0x350: {  	v30 =	vmul.f32 v53, v53;
	v19 =	vadd.f32 v61, v60;
	v15 =	vadd.f32 v15, v63  }
0x351: {  	v31 =	vmul.f32 v56, v56;
	v14 =	vadd.f32 v14, v21;
	v25 =	vadd.f32 v28, v25  }
0x352: {  	v33 =	vmul.f32 v59, v59;
	v10 =	vadd.f32 v12, v10;
	v12 =	vadd.f32 v49, v48  }
0x353: {  	v29 =	vmul.f32 v47, v47;
	v11 =	vadd.f32 v13, v11;
	v13 =	vadd.f32 v55, v54;
	(xrf2) =	vadd.scan.msk.f32 $0xffff, v25  }
0x354: {  	v34 =	vmul.f32 v62, v62;
	v36 =	vadd.f32 v31, v30;
	v12 =	vadd.f32 v12, v52;
	(xrf2) =	vadd.scan.msk.f32 $0xffff, v10  }
0x355: {  	v35 =	vadd.f32 v29, v17;
	v13 =	vadd.f32 v16, v13;
	(xrf2) =	vadd.scan.msk.f32 $0xffff, v11  }
0x356: {  	v32 =	vadd.f32 v15, v19;
	v15 =	vadd.f32 v34, v33;
	(xrf2) =	vadd.scan.msk.f32 $0xffff, v12  }
0x357: {  	v11 =	vadd.f32 v14, v35;
	(xrf2) =	vadd.scan.msk.f32 $0xffff, v13  }
0x358: {  	v37 =	vadd.f32 v15, v36;
	(xrf2) =	vadd.scan.msk.f32 $0xffff, v32  }
0x359: {  	(xrf2) =	vadd.scan.msk.f32 $0xffff, v11  }
0x35a: {  	(xrf2) =	vadd.scan.msk.f32 $0xffff, v37;
	_ =	sdelay $0x2  }
0x35b: {  	v38, _, _ =	vpop (xrf2)  }
0x35c: {  	v39, _, _ =	vpop (xrf2)  }
0x35d: {  	v40, _, _ =	vpop (xrf2)  }
0x35e: {  	v41, _, _ =	vpop (xrf2)  }
0x35f: {  	v10 =	vbroadcast v38, $0xF;
	v11 =	vbroadcast v39, $0xF;
	v42, _, _ =	vpop (xrf2)  }
0x360: {  	v12 =	vbroadcast v40, $0xF;
	v43, _, _ =	vpop (xrf2)  }
0x361: {  	v10 =	vnsel vm0, $0x0, v10;
	v13 =	vbroadcast v41, $0xF;
	v11 =	vnsel vm1, $0x0, v11;
	v44, _, _ =	vpop (xrf2)  }
0x362: {  	v14 =	vbroadcast v42, $0xF;
	v12 =	vnsel vm2, $0x0, v12;
	v15 =	vbroadcast v43, $0xF;
	v45, _, _ =	vpop (xrf2)  }
0x363: {  	v13 =	vnsel vm3, $0x0, v13;
	v16 =	vbroadcast v44, $0xF;
	v17 =	vbroadcast v45, $0xF  }
0x364: {  	v10 =	vadd.f32 v11, v10;
	v14 =	vnsel vm4, $0x0, v14;
	v46 =	vadd.f32 v13, v12  }
0x365: {  	v15 =	vnsel vm5, $0x0, v15;
	v16 =	vnsel vm6, $0x0, v16;
	v17 =	vnsel vm7, $0x0, v17  }
0x366: {  	v47 =	vadd.f32 v15, v14;
	v48 =	vadd.f32 v17, v16;
	_ =	sdelay $0x1  }
0x367: {  	v10 =	vadd.f32 v46, v10;
	v49 =	vadd.f32 v48, v47;
	_ =	sdelay $0x1  }
0x368: {  	v10 =	vadd.f32 v49, v10;
	_ =	sdelay $0x1  }
0x369: {  	v10 =	vmax.f32 v10, $9.999999930e-09  }
0x36a: {  	v50 =	vshra.s32 v10, $0x1;
	v51 =	vmul.f32 $5.000000000e-01, v10  }
0x36b: {  	v11 =	vsub.s32 $0x5F3759DF, v50  }
0x36c: {  	v52 =	vmul.f32 v11, v51;
	_ =	sdelay $0x1  }
0x36d: {  	v13 =	vmul.f32 v11, v52;
	_ =	sdelay $0x1  }
0x36e: {  	v13 =	vsub.f32 $1.500000000e+00, v13;
	_ =	sdelay $0x1  }
0x36f: {  	v11 =	vmul.f32 v11, v13;
	_ =	sdelay $0x1  }
0x370: {  	v13 =	vmul.f32 v11, v51;
	_ =	sdelay $0x1  }
0x371: {  	v13 =	vmul.f32 v13, v11;
	_ =	sdelay $0x1  }
0x372: {  	v13 =	vsub.f32 $1.500000000e+00, v13;
	_ =	sdelay $0x1  }
0x373: {  	v11 =	vmul.f32 v13, v11;
	_ =	sdelay $0x1  }
0x374: {  	v12 =	vmul.f32 v11, v51;
	_ =	sdelay $0x1  }
0x375: {  	v12 =	vmul.f32 v12, v11;
	_ =	sdelay $0x1  }
0x376: {  	v12 =	vsub.f32 $1.500000000e+00, v12;
	_ =	sdelay $0x1  }
0x377: {  	v12 =	vmul.f32 v12, v11;
	_ =	sdelay $0x1  }
0x378: {  	v10 =	vmul.f32 v12, v10;
	_ =	sdelay $0x1  }
0x379: {  	v10 =	vmul.f32 $1.442695020e+00, v10;
	_ =	sdelay $0x1  }
0x37a: {  	(erf) = vpow2.f32 v10;
	_ =	sdelay $0x8  }
0x37b: {  	v10 =	vpop (erf)  }
0x37c: {  	(erf) = vrcp.f32 v10;
	_ =	sdelay $0x8  }
0x37d: {  	v11 =	vpop (erf)  }
0x37e: {  	v53 =	vsub.f32 v10, v11;
	_ =	sdelay $0x1  }
0x37f: {  	v13 =	vmul.f32 $5.000000000e-01, v53;
	_ =	sdelay $0x1  }
0x380: {  	v12 =	vmul.f32 v13, v12  }
0x381: {  	v54 =	vadd.s32 $0x6001, v0  }
0x382: {  	v56 =	vadd.s32 $0x6011, v0;
	v55 =	vbroadcast v12, $0x0  }
0x383: {  	v57 =	vadd.s32 $0x6021, v0  }
0x384: {  	v58 =	vadd.s32 $0x6031, v0;
	v9 =	vmul.f32 v55, v9  }
0x385: {  	v8 =	vmul.f32 v55, v8  }
0x386: {  	v7 =	vmul.f32 v55, v7;
	[tilespmem:v54+s21+$0x0] =	vst.idx.msk $0xffff, v9  }
0x387: {  	v6 =	vmul.f32 v55, v6;
	[tilespmem:v56+s21+$0x0] =	vst.idx.msk $0xffff, v8  }
0x388: {  	[tilespmem:v57+s21+$0x0] =	vst.idx.msk $0xffff, v7  }
0x389: {  	[tilespmem:v58+s21+$0x0] =	vst.idx.msk $0xffff, v6  }
0x38a: {  	v6 =	vld [tilespmem:s0+$0xC880]  }
0x38b: {  	v7 =	vld [tilespmem:s0+$0xC890]  }
0x38c: {  	v59 =	vadd.s32 $0x6081, v0;
	v8 =	vld [tilespmem:s0+$0xC8A0]  }
0x38d: {  	v62 =	vadd.s32 $0x6091, v0;
	v60 =	vbroadcast v12, $0x1;
	v61 =	vld [tilespmem:s0+$0xC8B0]  }
0x38e: {  	v63 =	vadd.s32 $0x60A1, v0  }
0x38f: {  	v20 =	vadd.s32 $0x60B1, v0;
	v6 =	vmul.f32 v60, v6  }
0x390: {  	v7 =	vmul.f32 v60, v7  }
0x391: {  	[tilespmem:v59+s21+$0x0] =	vst.idx.msk $0xffff, v6;
	v6 =	vmul.f32 v60, v8  }
0x392: {  	[tilespmem:v62+s21+$0x0] =	vst.idx.msk $0xffff, v7;
	v7 =	vmul.f32 v60, v61  }
0x393: {  	[tilespmem:v63+s21+$0x0] =	vst.idx.msk $0xffff, v6  }
0x394: {  	[tilespmem:v20+s21+$0x0] =	vst.idx.msk $0xffff, v7  }
0x395: {  	v6 =	vld [tilespmem:s0+$0xC900]  }
0x396: {  	v7 =	vld [tilespmem:s0+$0xC910]  }
0x397: {  	v22 =	vadd.s32 $0x6101, v0;
	v21 =	vld [tilespmem:s0+$0xC920]  }
0x398: {  	v25 =	vadd.s32 $0x6111, v0;
	v23 =	vbroadcast v12, $0x2;
	v24 =	vld [tilespmem:s0+$0xC930]  }
0x399: {  	v26 =	vadd.s32 $0x6121, v0  }
0x39a: {  	v27 =	vadd.s32 $0x6131, v0;
	v6 =	vmul.f32 v23, v6  }
0x39b: {  	v7 =	vmul.f32 v23, v7  }
0x39c: {  	[tilespmem:v22+s21+$0x0] =	vst.idx.msk $0xffff, v6;
	v6 =	vmul.f32 v23, v21  }
0x39d: {  	[tilespmem:v25+s21+$0x0] =	vst.idx.msk $0xffff, v7;
	v7 =	vmul.f32 v23, v24  }
0x39e: {  	[tilespmem:v26+s21+$0x0] =	vst.idx.msk $0xffff, v6  }
0x39f: {  	[tilespmem:v27+s21+$0x0] =	vst.idx.msk $0xffff, v7  }
0x3a0: {  	v6 =	vld [tilespmem:s0+$0xC980]  }
0x3a1: {  	v7 =	vld [tilespmem:s0+$0xC990]  }
0x3a2: {  	v29 =	vadd.s32 $0x6181, v0;
	v28 =	vld [tilespmem:s0+$0xC9A0]  }
0x3a3: {  	v32 =	vadd.s32 $0x6191, v0;
	v30 =	vbroadcast v12, $0x3;
	v31 =	vld [tilespmem:s0+$0xC9B0]  }
0x3a4: {  	v33 =	vadd.s32 $0x61A1, v0  }
0x3a5: {  	v34 =	vadd.s32 $0x61B1, v0;
	v6 =	vmul.f32 v30, v6  }
0x3a6: {  	v7 =	vmul.f32 v30, v7  }
0x3a7: {  	[tilespmem:v29+s21+$0x0] =	vst.idx.msk $0xffff, v6;
	v6 =	vmul.f32 v30, v28  }
0x3a8: {  	[tilespmem:v32+s21+$0x0] =	vst.idx.msk $0xffff, v7;
	v7 =	vmul.f32 v30, v31  }
0x3a9: {  	[tilespmem:v33+s21+$0x0] =	vst.idx.msk $0xffff, v6  }
0x3aa: {  	[tilespmem:v34+s21+$0x0] =	vst.idx.msk $0xffff, v7  }
0x3ab: {  	v6 =	vld [tilespmem:s0+$0xCA00]  }
0x3ac: {  	v7 =	vld [tilespmem:s0+$0xCA10]  }
0x3ad: {  	v36 =	vadd.s32 $0x6201, v0;
	v35 =	vld [tilespmem:s0+$0xCA20]  }
0x3ae: {  	v39 =	vadd.s32 $0x6211, v0;
	v37 =	vbroadcast v12, $0x4;
	v38 =	vld [tilespmem:s0+$0xCA30]  }
0x3af: {  	v40 =	vadd.s32 $0x6221, v0  }
0x3b0: {  	v41 =	vadd.s32 $0x6231, v0;
	v6 =	vmul.f32 v37, v6  }
0x3b1: {  	v7 =	vmul.f32 v37, v7  }
0x3b2: {  	[tilespmem:v36+s21+$0x0] =	vst.idx.msk $0xffff, v6;
	v6 =	vmul.f32 v37, v35  }
0x3b3: {  	[tilespmem:v39+s21+$0x0] =	vst.idx.msk $0xffff, v7;
	v7 =	vmul.f32 v37, v38  }
0x3b4: {  	[tilespmem:v40+s21+$0x0] =	vst.idx.msk $0xffff, v6  }
0x3b5: {  	[tilespmem:v41+s21+$0x0] =	vst.idx.msk $0xffff, v7  }
0x3b6: {  	v6 =	vld [tilespmem:s0+$0xCA80]  }
0x3b7: {  	v7 =	vld [tilespmem:s0+$0xCA90]  }
0x3b8: {  	v43 =	vadd.s32 $0x6281, v0;
	v42 =	vld [tilespmem:s0+$0xCAA0]  }
0x3b9: {  	v46 =	vadd.s32 $0x6291, v0;
	v44 =	vbroadcast v12, $0x5;
	v45 =	vld [tilespmem:s0+$0xCAB0]  }
0x3ba: {  	v47 =	vadd.s32 $0x62A1, v0  }
0x3bb: {  	v48 =	vadd.s32 $0x62B1, v0;
	v6 =	vmul.f32 v6, v44  }
0x3bc: {  	v7 =	vmul.f32 v7, v44  }
0x3bd: {  	[tilespmem:v43+s21+$0x0] =	vst.idx.msk $0xffff, v6;
	v6 =	vmul.f32 v42, v44  }
0x3be: {  	[tilespmem:v46+s21+$0x0] =	vst.idx.msk $0xffff, v7;
	v7 =	vmul.f32 v45, v44  }
0x3bf: {  	[tilespmem:v47+s21+$0x0] =	vst.idx.msk $0xffff, v6  }
0x3c0: {  	[tilespmem:v48+s21+$0x0] =	vst.idx.msk $0xffff, v7  }
0x3c1: {  	v6 =	vld [tilespmem:s0+$0xCB00]  }
0x3c2: {  	v7 =	vld [tilespmem:s0+$0xCB10]  }
0x3c3: {  	v50 =	vadd.s32 $0x6301, v0;
	v49 =	vld [tilespmem:s0+$0xCB20]  }
0x3c4: {  	v53 =	vadd.s32 $0x6311, v0;
	v51 =	vbroadcast v12, $0x6;
	v52 =	vld [tilespmem:s0+$0xCB30]  }
0x3c5: {  	v54 =	vadd.s32 $0x6321, v0  }
0x3c6: {  	v55 =	vadd.s32 $0x6331, v0;
	v6 =	vmul.f32 v6, v51  }
0x3c7: {  	v7 =	vmul.f32 v7, v51  }
0x3c8: {  	[tilespmem:v50+s21+$0x0] =	vst.idx.msk $0xffff, v6;
	v6 =	vmul.f32 v49, v51  }
0x3c9: {  	[tilespmem:v53+s21+$0x0] =	vst.idx.msk $0xffff, v7;
	v7 =	vmul.f32 v52, v51  }
0x3ca: {  	[tilespmem:v54+s21+$0x0] =	vst.idx.msk $0xffff, v6  }
0x3cb: {  	[tilespmem:v55+s21+$0x0] =	vst.idx.msk $0xffff, v7  }
0x3cc: {  	v6 =	vld [tilespmem:s0+$0xCB80]  }
0x3cd: {  	v7 =	vld [tilespmem:s0+$0xCB90]  }
0x3ce: {  	v57 =	vadd.s32 $0x6381, v0;
	v56 =	vld [tilespmem:s0+$0xCBA0]  }
0x3cf: {  	v12 =	vbroadcast v12, $0x7;
	v59 =	vadd.s32 $0x6391, v0;
	v58 =	vld [tilespmem:s0+$0xCBB0]  }
0x3d0: {  	v60 =	vadd.s32 $0x63A1, v0  }
0x3d1: {  	s29 =	rddreg [dreg:$0x5];
	v61 =	vadd.s32 $0x63B1, v0;
	v6 =	vmul.f32 v6, v12  }
0x3d2: {  	s6 =	rddreg [dreg:$0xa];
	v62 =	vor.u32 $0x6000, v1;
	v7 =	vmul.f32 v7, v12  }
0x3d3: {  	s1 =	rddreg [dreg:$0x9];
	p0 =	slt.u32 s6, $0x80;
	v10 =	vadd.f32 v11, v10;
	[tilespmem:v57+s21+$0x0] =	vst.idx.msk $0xffff, v6;
	v6 =	vmul.f32 v56, v12  }
.Ltmp4:
0x3d4: {  	s0 =	sor.u32 s29, s1;
	[tilespmem:v59+s21+$0x0] =	vst.idx.msk $0xffff, v7;
	v7 =	vmul.f32 v58, v12;
	(pc) =	sbr.rel @p0 .LBB2_2-.Ltmp4, $4  }
0x3d5: {  	v63 =	vmul.f32 $5.000000000e-01, v10;
	s0 =	smul.u32 $0xC80, s0;
	[tilespmem:v60+s21+$0x0] =	vst.idx.msk $0xffff, v6  }
0x3d6: {  	s30 =	rddreg [dreg:$0x4];
	[tilespmem:v61+s21+$0x0] =	vst.idx.msk $0xffff, v7  }
0x3d7: {  	s31 =	simm.s32 $0x0;
	s0 =	sadd.s32 s30, s0;
	[tilespmem:v62+s21+$0x0] =	vst.idx.msk $0xff, v63  }
0x3d8: {  	[hbm4b:s0+s31] =	stream.linear.scatter [tilespmem:s21], [sflag:$0x4], $0x6400, $0x38;
	[tilespmem:$0x19400] =	vst v63  }
0x3d9: {  	s1 =	simm.s32 $0x4  }
0x3da: {  	_ =	swait.ge [sflag:s1], $0x6400  }
0x3db: {  	[sflag:s1] =	ssyncset.done $0x0  }
0x3dc: {  	[sflag:s1] =	ssyncadd.s32 $0xFFFF9C00  }
0x3dd: {  	_ =	swait.ge [sflag:s1], $0x6400  }
0x3de: {  	s2 =	rddreg [dreg:$0x8]  }
0x3df: {  	s0 =	rddreg [dreg:$0x7];
	s2 =	sadd.s32 $0x1, s2  }
0x3e0: {  	p0 =	sne.s32 s2, s0  }
.Ltmp5:
0x3e1: {  	_ = 	snop;
	(pc) =	sbr.rel @p0 .LBB2_1-.Ltmp5, $3  }
0x3e2: {  	_ =	sdelay $0x1  }
0x3e3: {  	[sflag:s1] =	ssyncset.done $0x0  }
0x3e4: {  	[sflag:s1] =	ssyncadd.s32 $0xFFFF9C00  }
0x3e5: {  	_ =	sfence.sel $0x180000  }
0x3e6: {  	[bflag:$0x0] =	sbarrier.arrive $0xFFFF  }
0x3e7: {  	_ =	strace $0x90000047  }
0x3e8: {  	s0 =	stileid.u32;
	[bflag:$0x2] =	sbarrier.arrive $0xFFFF  }
0x3e9: {  	p0 =	sne.s32 s0, $0x0;
	s0 =	rddreg [dreg:$0x2]  }
0x3ea: {  	s0 =	sadd.s32 @!p0 $0x100000, s0  }
0x3eb: {  	[sflag:s0] =	ssyncadd.tile.s32 @!p0 $0x1;
	_ =	shalt  }
.Lfunc_end2:
_tile_overlayer_lowered:
.L_overlay_start_2:
0x3ec: {  	(tag) =	ssettag $0x2  }
0x3ed: {  	s0 =	rddreg [dreg:$0x0];
	s2 =	stileid.u32  }
0x3ee: {  	s1 =	rddreg [dreg:$0x1];
	p0 =	sne.s32 s2, $0x0  }
0x3ef: {  	s3 =	rddreg [dreg:$0x2];
	[bflag:$0x3] =	sbarrier.arrive $0xFFFF;
	s2 =	simm.s32 @!p0 $0x1C05  }
0x3f0: {  	[timem:s3], [sflag:s2] =	dma.local @!p0 [hbm:s0], s1  }
0x3f1: {  	s0 =	simm.s32 @!p0 $0x5  }
0x3f2: {  	_ =	swait.ge @!p0 [sflag:s0], s1  }
0x3f3: {  	s1 =	ssub.s32 @!p0 $0x0, s1;
	[sflag:s0] =	ssyncset.done @!p0 $0x0  }
0x3f4: {  	[sflag:s0] =	ssyncadd.s32 @!p0 s1  }
0x3f5: {  	[bflag:$0x3] =	sbarrier.arrive $0xFFFF  }
0x3f6: {  	_ =	shalt  }

// kernel: sparse-core-data-format-call.cloned.1.call-start
scs
called_computation_lowered:
.L_overlay_start_0:
0x0: {  	s2 =	sld [smem:$0x3FD9]  }
0x1: {  	s3 =	sld [smem:$0x3FFE];
	_ =	sdelay $0x1  }
0x2: {  	s1 =	srdreg.scid  }
0x3: {  	s0 =	sand.u32 $0x1, s1  }
0x4: {  	s18 =	sshll.u32 s0, $0xA;
	s2 =	sadd.s32 s3, s2  }
0x5: {  	s2 =	sadd.s32 s2, s18  }
0x6: {  	[smem:$0x3FC6] =	sst s2  }
0x7: {  	_ = 	snop  }
0x8: {  	s2 =	sld [smem:$0x3FD0];
	(tm) =	ssettm $0x1  }
0x9: {  	s19 =	sld [smem:$0x3FFB];
	_ =	sdelay $0x3  }
0xa: {  	_ =	strace s19  }
0xb: {  	s3 =	sld [smem:$0x3FFC];
	_ =	sdelay $0x3  }
0xc: {  	_ =	strace s3  }
0xd: {  	s3 =	sld [smem:$0x3FFD];
	_ =	sdelay $0x3  }
0xe: {  	_ =	strace s3  }
0xf: {  	_ =	strace $0x8FFFFFFF  }
0x10: {  	s20 =	sld [smem:$0x3FDB];
	_ =	sdelay $0x1  }
0x11: {  	s4 =	simm.s32 $_scs_section_size  }
0x12: {  	s5 =	simm.s32 $_size__tile_overlayer_lowered;
	s6 =	simm.s32 $_tile_overlayer_lowered  }
0x13: {  	s23 =	simm.s32 $0x1BFF;
	s22 =	sshll.u32 s6, $0x1;
	s3 =	sadd.s32 s4, s20  }
0x14: {  	s7 =	simm.s32 $0x0;
	s21 =	sshll.u32 s5, $0x1;
	s5 =	sadd.s32 s22, s3  }
0x15: {  	[timem:s7], [sflag:s23] =	dma.local [hbm:s5], s21  }
0x16: {  	_ =	swait.ge [sflag:s23], s21  }
0x17: {  	s4 =	ssub.s32 $0x0, s21;
	[sflag:s23] =	ssyncset.done $0x0  }
0x18: {  	[sflag:s23] =	ssyncadd.s32 s4;
	_ =	sdelay $0x1  }
0x19: {  	s24 =	simm.s32 $0x1B8B  }
0x1a: {  	_ =	swait.ge [sflag:s24], $0x1  }
0x1b: {  	[sflag:s24] =	ssyncset.done $0x0  }
0x1c: {  	s26 =	simm.s32 $0x1B8E;
	s25 =	sld [smem:$0x3FFE];
	[sflag:s24] =	ssyncadd.s32 $0xFFFFFFFF  }
0x1d: {  	s27 =	simm.s32 $execute0_lowered;
	[smem:$0x3FD2] =	sst s26  }
0x1e: {  	s5 =	sshll.u32 s27, $0x1;
	_ =	strace $0x80000049;
	[dreg:$0x1] =	wrdreg $0xFFFFFFFF  }
0x1f: {  	s28 =	simm.s32 $_size_execute0_lowered;
	s3 =	sadd.s32 s3, s5;
	[dreg:$0x0] =	wrdreg $0x0  }
0x20: {  	s5 =	sshll.u32 s28, $0x1;
	[dreg:$0x2] =	wrdreg s3  }
0x21: {  	[dreg:$0x3] =	wrdreg s5  }
0x22: {  	[dreg:$0x4] =	wrdreg $0xC0  }
0x23: {  	_ =	task [dreg:s7], $0x5FFFF  }
0x24: {  	[dreg:$0x1] =	wrdreg $0xFFFFFFFF  }
0x25: {  	[dreg:$0x0] =	wrdreg $0x60  }
0x26: {  	[dreg:$0x2] =	wrdreg s25  }
0x27: {  	[dreg:$0x3] =	wrdreg s2  }
0x28: {  	[dreg:$0x4] =	wrdreg $0x9  }
0x29: {  	_ =	task.clear_ibuf [dreg:s7], $0x5FFFF;
	_ =	strace $0x90000049  }
0x2a: {  	s29 =	simm.s32 $0x9;
	_ =	strace $0x8000004B  }
0x2b: {  	_ =	swait.ge [sflag:s29], $0x1  }
0x2c: {  	[sflag:s29] =	ssyncadd.s32 $0xFFFFFFFF  }
0x2d: {  	_ =	strace $0x9000004B  }
0x2e: {  	_ =	sfence  }
0x2f: {  	s30 =	sld [smem:$0x0];
	_ =	sdelay $0x2  }
0x30: {  	s31 =	sshll.u32 s1, $0xD;
	s1 =	sshrl.u32 s1, $0x2  }
0x31: {  	s3 =	sand.u32 $0x4000, s31;
	s1 =	sadd.s32 s1, s30  }
0x32: {  	s0 =	sor.u32 s3, s0;
	s1 =	sshll.u32 s1, $0x11  }
0x33: {  	s0 =	sor.u32 s1, s0  }
0x34: {  	s0 =	sadd.s32 $0x8F2B, s0  }
0x35: {  	[sflag:s0] =	ssyncadd.remote.s32 $0x1  }
0x36: {  	_ =	sfence.sel $0xFFFF  }
0x37: {  	[dreg:$0x0] =	wrdreg $0xFFFFFFFF;
	(pc) =	sbr.abs _section_cstart, $3  }
0x38: {  	[dreg:$0x1] =	wrdreg $0xFFFFFFFF  }
0x39: {  	_ =	task.clear_ibuf [dreg:s7], $0x2FFFF;
	_ =	strace $0x9FFFFFFF  }
0x3a: {  	(tm) =	ssettm $0x7FFFFFFF  }
0x3b: {  	_ =	shalt  }
tec
execute0_lowered:
.L_overlay_start_1:
0x0: {  	(tag) =	ssettag $0x1  }
0x1: {  	s0 =	srdreg.scid  }
0x2: {  	s1 =	sshll.u32 s0, $0x4  }
0x3: {  	s6 =	rddreg [dreg:$0x0];
	s0 =	stileid.u32;
	s1 =	sand.u32 $0x10, s1  }
0x4: {  	s3 =	rddreg [dreg:$0x1];
	s1 =	sor.u32 s0, s1  }
0x5: {  	s5 =	simm.s32 $0x1;
	s31 =	simm.s32 $0x2;
	s2 =	sshll.u32 s1, $0x7  }
0x6: {  	s15 =	simm.s32 $0x0;
	s8 =	simm.s32 $0xC8000;
	s4 =	ssub.s32 $0x1000, s2  }
0x7: {  	s14 =	simm.s32 $0x0;
	s9 =	simm.s32 $0x0;
	s30 =	sand.u32 $0xF80, s4  }
0x8: {  	s10 =	simm.s32 $0x0;
	s11 =	simm.s32 $0x0;
	p0 =	sne.s32 s30, $0x0  }
.Ltmp0:
0x9: {  	s7 =	sshrl.u32 s4, $0xC;
	s5 =	simm.s32 @!p0 $0x0;
	(pc) =	sbr.rel .LBB1_1-.Ltmp0, $4  }
0xa: {  	s13 =	simm.s32 $0x0;
	s1 =	rddreg [dreg:$0x2];
	s5 =	sadd.s32 s5, s7  }
0xb: {  	_ =	strace $0x8000004A;
	s4 =	simm.s32 $0x1;
	s5 =	smul.u32 $0xC8, s5  }
0xc: {  	s6 =	sadd.s32 $0xA00, s6;
	s12 =	smov.u32 s2;
	[sflag:s4] =	ssyncpa.u1 $0x0  }
0xd: {  	[sflag:s31] =	ssyncpa.u1 $0x0;
	p0 =	por $0x0, $0x0;
	s7 =	sor.u32 $0x1, s5  }
.LBB1_4:
0xe: {  	s20 =	sshra.s32 s20, $0x2;
	s27 =	sshll.u32 s9, $0xC  }
0xf: {  	s21 =	sand.u32 $0x78, s10;
	s22 =	sshll.u32 s10, $0x3;
	s24 =	sshll.u32 s9, $0x7  }
0x10: {  	p1 =	sgt.s32 s9, $0xC7;
	s30 =	sshra.s32 s9, $0x1F;
	s25 =	sshra.s32 s10, $0x1F  }
0x11: {  	s19 =	sadd.s32 s20, s19;
	s20 =	sand.u32 $0xFFFF8000, s27;
	s23 =	sand.u32 $0xFFFFFC00, s22  }
0x12: {  	v5 =	vld [tilespmem:s17+$0xFFFFFFD0];
	[tilespmem:s18+$0x2040 ss:$0x81] =	vst.msk $0xffff, v4;
	s22 =	sand.u32 $0xC00, s22;
	s28 =	sand.u32 $0x380, s24;
	s31 =	sand.u32 s30, s9  }
0x13: {  	v58 =	vld [tilespmem:s17+$0xFFFFFFE0];
	[tilespmem:s18+$0x2850 ss:$0x81] =	vst.msk $0xffff, v3;
	s24 =	smov.u32 s10;
	s25 =	sand.u32 s25, s10;
	s20 =	sadd.s32 s23, s20  }
0x14: {  	v59 =	vld [tilespmem:s17+$0xFFFFFFF0];
	[tilespmem:s18+$0x3060 ss:$0x81] =	vst.msk $0xffff, v2;
	s21 =	sor.u32 s21, s22;
	s22 =	smov.u32 s9;
	s20 =	sshrl.u32 s20, $0xC  }
0x15: {  	v60 =	vld [tilespmem:s17+$0x0];
	[tilespmem:s18+$0x0 ss:$0x81] =	vst.msk $0xffff, v1;
	s22 =	simm.s32 @!p1 $0xC7;
	p1 =	sgt.s32 s10, $0xF80;
	s29 =	smulhi.u32 $0x147AE15, s20  }
0x16: {  	v61 =	vld [tilespmem:s17+$0x10];
	[tilespmem:s19+$0x3870 ss:$0x81] =	vst.msk $0xffff, v0;
	s21 =	sor.u32 s28, s21;
	s18 =	ssub.s32 s22, s31;
	s24 =	simm.s32 @!p1 $0xF80  }
0x17: {  	v62 =	vld [tilespmem:s17+$0x20];
	[tilespmem:s19+$0x810 ss:$0x81] =	vst.msk $0xffff, v5;
	s22 =	ssub.s32 s24, s25;
	s26 =	ssub.s32 $0xC8, s18;
	s23 =	smul.u32 $0xC8, s29  }
0x18: {  	v63 =	vld [tilespmem:s17+$0xFFFFFFC0];
	[tilespmem:s19+$0x1020 ss:$0x81] =	vst.msk $0xffff, v58;
	s27 =	sadd.s32 $0xFFFFFF39, s18;
	s18 =	smul.u32 $0x41, s26;
	s28 =	sadd.s32 $0xFFFFF080, s22  }
0x19: {  	[tilespmem:s19+$0x1830 ss:$0x81] =	vst.msk $0xffff, v59;
	p1 =	sgt.s32 s27, $0x0;
	s17 =	ssub.s32 $0x1000, s22;
	p2 =	sgt.s32 s28, $0x7F  }
0x1a: {  	s30 =	sand.u32 $0x7, s10;
	[tilespmem:s19+$0x2040 ss:$0x81] =	vst.msk $0xffff, v60;
	s18 =	simm.s32 @p1 $0x0;
	s17 =	simm.s32 @p2 $0x0  }
0x1b: {  	[tilespmem:s19+$0x2850 ss:$0x81] =	vst.msk $0xffff, v61;
	s29 =	sshrl.u32 s21, $0x3;
	s20 =	ssub.s32 s20, s23;
	s17 =	smul.u32 s17, s18  }
0x1c: {  	[tilespmem:s19+$0x3060 ss:$0x81] =	vst.msk $0xffff, v62;
	s21 =	sshll.u32 s30, $0x12;
	s20 =	sshll.u32 s20, $0x9;
	s18 =	sadd.s32 s3, s29  }
0x1d: {  	[tilespmem:s19+$0x0 ss:$0x81] =	vst.msk $0xffff, v63;
	s31 =	sor.u32 $0x80, s21;
	s18 =	sadd.s32 s20, s18;
	s17 =	sand.u32 $0x3FFFFFFF, s17  }
0x1e: {  	[hbm4b:s18+s31] =	stream.strided.scatter [tilespmem:s16], [sflag:$0x2], s17, s8, s31, $0x20;
	[tilespmem:$0x10100] =	vst v63  }
.LBB1_5:
0x1f: {  	p1 =	slt.u32 s13, $0x2  }
0x20: {  	s17 =	smov.u32 s15;
	p2 =	sgt.s32 @!p1 s15, $0xC7;
	s16 =	sshra.s32 @!p1 s15, $0x1F  }
0x21: {  	p3 =	sgt.s32 @!p1 s14, $0xF80;
	s18 =	sshra.s32 @!p1 s14, $0x1F;
	p2 =	por !p2, p1  }
0x22: {  	s15 =	sand.u32 @!p1 s16, s15;
	p3 =	por !p3, p1;
	s16 =	smov.u32 s14  }
0x23: {  	s14 =	sand.u32 @!p1 s18, s14;
	s17 =	simm.s32 @p2 $0xC7;
	s16 =	simm.s32 @p3 $0xF80  }
0x24: {  	s18 =	smov.u32 s12;
	s15 =	ssub.s32 @!p1 s17, s15;
	s14 =	ssub.s32 @!p1 s16, s14  }
0x25: {  	s16 =	sadd.s32 @!p1 $0xFFFFFF39, s15;
	s15 =	ssub.s32 @!p1 $0xC8, s15;
	s17 =	sadd.s32 @!p1 $0xFFFFF080, s14  }
0x26: {  	p2 =	sgt.s32 @!p1 s16, $0x0;
	s15 =	smul.u32 @!p1 $0x41, s15;
	p3 =	sgt.s32 @!p1 s17, $0x7F  }
0x27: {  	s14 =	ssub.s32 @!p1 $0x1000, s14;
	p2 =	por !p2, p1;
	p3 =	por !p3, p1  }
0x28: {  	s16 =	sadd.s32 $0x1, s11;
	s15 =	simm.s32 @!p2 $0x0;
	s14 =	simm.s32 @!p3 $0x0  }
0x29: {  	p2 =	sgt.s32 s16, $0xC7;
	s14 =	smul.u32 @!p1 s14, s15;
	s15 =	sadd.s32 $0x1000, s12  }
0x2a: {  	s18 =	smov.u32 @p2 s15  }
0x2b: {  	s16 =	simm.s32 @p2 $0x0;
	p2 =	sgt.s32 s18, $0xFFF  }
0x2c: {  	s18 =	smov.u32 @p2 s2;
	p2 =	sne.s32 s13, s7  }
.Ltmp1:
0x2d: {  	p0 =	por !p0, !p0;
	s17 =	simm.s32 @!p1 $0x2;
	(pc) =	sbr.rel @!p2 .LBB1_6-.Ltmp1, $4  }
0x2e: {  	s15 =	smov.u32 s9;
	s9 =	smov.u32 s11;
	s14 =	sand.u32 @!p1 $0x3FFFFFFF, s14  }
0x2f: {  	s11 =	smov.u32 s16;
	_ =	swait.ge @!p1 [sflag:s17], s14;
	s19 =	ssub.s32 @!p1 $0x0, s14  }
0x30: {  	s14 =	smov.u32 s10;
	s13 =	sadd.s32 $0x1, s13;
	[sflag:s17] =	ssyncset.done @!p1 $0x0  }
0x31: {  	s10 =	smov.u32 s12;
	s12 =	smov.u32 s18;
	[sflag:s17] =	ssyncadd.s32 @!p1 s19  }
.LBB1_1:
0x32: {  	p1 =	sge.u32 s13, s5  }
0x33: {  	s16 =	sand.u32 @!p1 $0x1FFFFFF, s11  }
0x34: {  	s17 =	smulhi.u32 @!p1 $0x147AE15, s16;
	_ =	sdelay $0x1  }
0x35: {  	s17 =	smul.u32 @!p1 $0xC8, s17  }
0x36: {  	s18 =	sxor.u32 @!p1 $0xFFFFFFFF, s13;
	s19 =	smul.u32 @!p1 $0xC80, s12  }
0x37: {  	s31 =	sadd.s32 $0xFFFFFFFF, s13;
	s18 =	sshll.u32 @!p1 s18, $0xE;
	s16 =	ssub.s32 @!p1 s16, s17  }
0x38: {  	s17 =	sand.u32 @!p1 $0x4000, s18;
	s18 =	sadd.s32 @!p1 s6, s19;
	s16 =	sshll.u32 @!p1 s16, $0x4  }
0x39: {  	s19 =	simm.s32 @!p1 $0x6400;
	s16 =	sadd.s32 @!p1 s16, s18;
	s18 =	simm.s32 @!p1 $0x80  }
0x3a: {  	[tilespmem:s17], [sflag:$0x1] =	stream.strided.gather @!p1 [hbm4b:s16+s18], $0x4000, s19, s18, $0x38;
	[tilespmem:$0x10100] =	vst v63  }
0x3b: {  	p1 =	sge.u32 s31, s5  }
.Ltmp2:
0x3c: {  	_ = 	snop;
	(pc) =	sbr.rel @p1 .LBB1_5-.Ltmp2, $1  }
0x3d: {  	_ =	sdelay $0x3  }
0x3e: {  	s16 =	simm.s32 $0x1  }
0x3f: {  	_ =	swait.ge [sflag:s4], $0x4000;
	s16 =	simm.s32 @!p0 $0x0  }
0x40: {  	[sflag:s4] =	ssyncset.done $0x0;
	s17 =	sshll.u32 s16, $0xE  }
0x41: {  	[sflag:s4] =	ssyncadd.s32 $0xFFFFC000;
	s17 =	sor.u32 $0x40, s17  }
0x42: {  	s16 =	smul.u32 $0x10200, s16;
	v0 =	vld [tilespmem:s17+$0x30]  }
0x43: {  	v1 =	vld [tilespmem:s17+$0xFFFFFFD0]  }
0x44: {  	s16 =	sshrl.u32 s16, $0x2;
	v5 =	vld [tilespmem:s17+$0xFFFFFFE0]  }
0x45: {  	v6 =	vld [tilespmem:s17+$0xFFFFFFF0];
	s19 =	sor.u32 $0x8000, s16  }
0x46: {  	s31 =	sand.u32 $0x1, s13;
	v4 =	vld [tilespmem:s17+$0x0];
	s18 =	sadd.s32 $0x0, s19  }
0x47: {  	v3 =	vld [tilespmem:s17+$0x10];
	s16 =	smul.u32 $0x10200, s31;
	[tilespmem:s18+$0x3870 ss:$0x81] =	vst.msk $0xffff, v0  }
0x48: {  	v2 =	vld [tilespmem:s17+$0x20];
	[tilespmem:s18+$0x810 ss:$0x81] =	vst.msk $0xffff, v1  }
0x49: {  	s16 =	sshrl.u32 s16, $0x2;
	v1 =	vld [tilespmem:s17+$0xFFFFFFC0];
	[tilespmem:s18+$0x1020 ss:$0x81] =	vst.msk $0xffff, v5;
	s17 =	sadd.s32 $0x80, s17  }
0x4a: {  	s20 =	simm.s32 $0x4;
	s21 =	simm.s32 $0x8;
	s16 =	sor.u32 $0x8000, s16;
	[tilespmem:s18+$0x1830 ss:$0x81] =	vst.msk $0xffff, v6;
	v0 =	vld [tilespmem:s17+$0x30]  }
.LBB1_3:
0x4b: {  	p1 =	sne.s32 s21, $0x1FC;
	v5 =	vld [tilespmem:s17+$0xFFFFFFD0];
	[tilespmem:s18+$0x2040 ss:$0x81] =	vst.msk $0xffff, v4  }
0x4c: {  	v6 =	vld [tilespmem:s17+$0xFFFFFFE0];
	[tilespmem:s18+$0x2850 ss:$0x81] =	vst.msk $0xffff, v3  }
0x4d: {  	s22 =	sshra.s32 s20, $0x2;
	s20 =	smov.u32 s21;
	v7 =	vld [tilespmem:s17+$0xFFFFFFF0];
	[tilespmem:s18+$0x3060 ss:$0x81] =	vst.msk $0xffff, v2  }
.Ltmp3:
0x4e: {  	v4 =	vld [tilespmem:s17+$0x0];
	[tilespmem:s18+$0x0 ss:$0x81] =	vst.msk $0xffff, v1;
	s18 =	sadd.s32 s22, s19;
	(pc) =	sbr.rel @p1 .LBB1_3-.Ltmp3, $4  }
0x4f: {  	v3 =	vld [tilespmem:s17+$0x10];
	[tilespmem:s18+$0x3870 ss:$0x81] =	vst.msk $0xffff, v0  }
0x50: {  	[tilespmem:s18+$0x810 ss:$0x81] =	vst.msk $0xffff, v5;
	v2 =	vld [tilespmem:s17+$0x20]  }
0x51: {  	v1 =	vld [tilespmem:s17+$0xFFFFFFC0];
	[tilespmem:s18+$0x1020 ss:$0x81] =	vst.msk $0xffff, v6;
	s17 =	sadd.s32 $0x80, s17  }
0x52: {  	s21 =	sadd.s32 $0x4, s21;
	v0 =	vld [tilespmem:s17+$0x30];
	[tilespmem:s18+$0x1830 ss:$0x81] =	vst.msk $0xffff, v7  }
.Ltmp4:
0x53: {  	_ = 	snop;
	(pc) =	sbr.rel .LBB1_4-.Ltmp4, $1  }
0x54: {  	_ =	sdelay $0x3  }
.LBB1_6:
0x55: {  	_ =	sfence.sel $0x180000  }
0x56: {  	s2 =	simm.s32 $0x1;
	[bflag:$0x0] =	sbarrier.arrive $0xFFFF  }
0x57: {  	s31 =	simm.s32 $0x2;
	[sflag:s2] =	ssyncpa.u1 $0x1  }
0x58: {  	[sflag:s31] =	ssyncpa.u1 $0x1  }
0x59: {  	p0 =	sne.s32 s0, $0x0;
	_ =	strace $0x9000004A  }
0x5a: {  	s0 =	sadd.s32 @!p0 $0x100000, s1;
	[bflag:$0x2] =	sbarrier.arrive $0xFFFF  }
0x5b: {  	[sflag:s0] =	ssyncadd.tile.s32 @!p0 $0x1;
	_ =	shalt  }
.Lfunc_end1:
_tile_overlayer_lowered:
.L_overlay_start_2:
0x5c: {  	(tag) =	ssettag $0x2  }
0x5d: {  	s0 =	rddreg [dreg:$0x0];
	s2 =	stileid.u32  }
0x5e: {  	s1 =	rddreg [dreg:$0x1];
	p0 =	sne.s32 s2, $0x0  }
0x5f: {  	s3 =	rddreg [dreg:$0x2];
	[bflag:$0x3] =	sbarrier.arrive $0xFFFF;
	s2 =	simm.s32 @!p0 $0x1C01  }
0x60: {  	[timem:s3], [sflag:s2] =	dma.local @!p0 [hbm:s0], s1  }
0x61: {  	s0 =	simm.s32 @!p0 $0x1  }
0x62: {  	_ =	swait.ge @!p0 [sflag:s0], s1  }
0x63: {  	s1 =	ssub.s32 @!p0 $0x0, s1;
	[sflag:s0] =	ssyncset.done @!p0 $0x0  }
0x64: {  	[sflag:s0] =	ssyncadd.s32 @!p0 s1  }
0x65: {  	[bflag:$0x3] =	sbarrier.arrive $0xFFFF  }
0x66: {  	_ =	shalt  }

</sc_bundles>
